<compile_context>
chip_gen: v7x
topology: tpu7x:2x2x1
jax: 0.10.2.dev20260603
libtpu: 0.0.44.dev20260713+nightly
codegen_flags: <defaults>
</compile_context>

<pallas_src>
import dataclasses
import functools

import jax
import jax.numpy as jnp
from jax import lax
from jax.experimental import pallas as pl
from jax.experimental.pallas import tpu as pltpu
from jax.experimental.pallas import tpu_sc as plsc

_N = 10000
_D = 128
_E = 320000

_NC = 2
_NS = 16
_NW = _NC * _NS

_CHUNK = 80
_NCHUNKS = _E // _CHUNK
_AN = 10240
_RPT = _AN // _NS

_mesh = plsc.VectorSubcoreMesh(core_axis_name="c", subcore_axis_name="s")


def _segsum_body(x_hbm, src_hbm, dst_hbm, out_hbm, acc, srcv, dstv,
                 rows0, rows1, sg0, sg1, ss0, ss1, si0, si1, si2):
    core = lax.axis_index("c")
    sid = lax.axis_index("s")
    wid = core * _NS + sid

    rows_bufs = (rows0, rows1)
    gsems = (sg0, sg1)
    ssems = (ss0, ss1)
    isems = (si0, si1, si2)

    @pl.loop(0, _CHUNK)
    def _(i):
        @pl.loop(0, _D // 16)
        def _(j):
            rows0[i, pl.ds(j * 16, 16)] = jnp.zeros((16,), jnp.float32)

    row0 = sid * _RPT

    @pl.loop(0, _RPT // _CHUNK)
    def _(i):
        pltpu.sync_copy(rows0.at[pl.ds(0, _CHUNK)],
                        acc.at[pl.ds(row0 + i * _CHUNK, _CHUNK)])

    plsc.subcore_barrier()

    def start_idx(c, k):
        base = c * _CHUNK
        pltpu.async_copy(src_hbm.at[pl.ds(base, _CHUNK)], srcv.at[k], isems[k])
        pltpu.async_copy(dst_hbm.at[pl.ds(base, _CHUNK)], dstv.at[k], isems[k])

    def wait_idx(c, k):
        base = c * _CHUNK
        pltpu.make_async_copy(src_hbm.at[pl.ds(base, _CHUNK)], srcv.at[k],
                              isems[k]).wait()
        pltpu.make_async_copy(dst_hbm.at[pl.ds(base, _CHUNK)], dstv.at[k],
                              isems[k]).wait()

    def start_gather(b, k):
        pltpu.async_copy(x_hbm.at[srcv.at[k]], rows_bufs[b], gsems[b])

    def wait_gather(b, k):
        pltpu.make_async_copy(x_hbm.at[srcv.at[k]], rows_bufs[b],
                              gsems[b]).wait()

    def start_scatter(b, k):
        pltpu.async_copy(rows_bufs[b], acc.at[dstv.at[k]], ssems[b],
                         add=True)

    def wait_scatter(b, k):
        pltpu.make_async_copy(rows_bufs[b], acc.at[dstv.at[k]],
                              ssems[b]).wait()

    start_idx(wid, 0)
    start_idx(wid + _NW, 1)
    wait_idx(wid, 0)
    start_gather(0, 0)

    @pl.loop(0, _NCHUNKS // _NW + 1, step=6)
    def _(i):
        for t in range(6):
            b = t & 1
            k = t % 3
            k1 = (k + 1) % 3
            k2 = (k + 2) % 3
            c0 = wid + (i + t) * _NW

            @pl.when(c0 < _NCHUNKS)
            def _():
                wait_gather(b, k)
                c1 = c0 + _NW
                c2 = c0 + 2 * _NW

                @pl.when(c1 < _NCHUNKS)
                def _():
                    wait_idx(c1, k1)

                    @pl.when(c0 >= _NW)
                    def _():
                        wait_scatter(1 - b, k2)

                    start_gather(1 - b, k1)

                start_scatter(b, k)

                @pl.when(c2 < _NCHUNKS)
                def _():
                    start_idx(c2, k2)

    wait_scatter(1, 0)
    wait_scatter(0, 1)

    plsc.subcore_barrier()

    pltpu.sync_copy(acc.at[pl.ds(row0, _RPT)],
                    out_hbm.at[core, pl.ds(row0, _RPT)])


_segsum = pl.kernel(
    _segsum_body,
    mesh=_mesh,
    out_type=[jax.ShapeDtypeStruct((_NC, _AN, _D), jnp.float32)],
    scratch_types=[
        pltpu.VMEM_SHARED((_AN, _D), jnp.float32),
        pltpu.VMEM((3, _CHUNK), jnp.int32),
        pltpu.VMEM((3, _CHUNK), jnp.int32),
        pltpu.VMEM((_CHUNK, _D), jnp.float32),
        pltpu.VMEM((_CHUNK, _D), jnp.float32),
        pltpu.SemaphoreType.DMA,
        pltpu.SemaphoreType.DMA,
        pltpu.SemaphoreType.DMA,
        pltpu.SemaphoreType.DMA,
        pltpu.SemaphoreType.DMA,
        pltpu.SemaphoreType.DMA,
        pltpu.SemaphoreType.DMA,
    ],
)


def _counts_body(dst_hbm, cnt_hbm, cnt8, dstv, si0, si1, si2, si3, si4, si5):
    core = lax.axis_index("c")
    sid = lax.axis_index("s")
    wid = core * _NS + sid

    @pl.loop(0, 8 * _AN // 16)
    def _(i):
        cnt8[pl.ds(i * 16, 16)] = jnp.zeros((16,), jnp.float32)

    lanes = lax.iota(jnp.int32, 16)
    sub_off = (lanes & 7) * _AN
    m_lo = lanes < 8
    m_hi = lanes >= 8
    ones16 = jnp.full((16,), 1.0, jnp.float32)
    isems = (si0, si1, si2, si3, si4, si5)

    def start_idx(c, b):
        pltpu.async_copy(dst_hbm.at[pl.ds(c * _CHUNK, _CHUNK)], dstv.at[b],
                         isems[b])

    def wait_idx(c, b):
        pltpu.make_async_copy(dst_hbm.at[pl.ds(c * _CHUNK, _CHUNK)],
                              dstv.at[b], isems[b]).wait()

    for p in range(5):
        start_idx(wid + p * _NW, p)

    @pl.loop(0, _NCHUNKS // _NW + 1, step=6)
    def _(i):
        for t in range(6):
            b = t % 6
            c0 = wid + (i + t) * _NW

            @pl.when(c0 < _NCHUNKS)
            def _():
                wait_idx(c0, b)
                c5 = c0 + 5 * _NW

                @pl.loop(0, _CHUNK // 16)
                def _(g):
                    d = dstv[b, pl.ds(g * 16, 16)]
                    idx = sub_off + d
                    plsc.addupdate_scatter(cnt8, [idx], ones16, mask=m_lo)
                    plsc.addupdate_scatter(cnt8, [idx], ones16, mask=m_hi)

                @pl.when(c5 < _NCHUNKS)
                def _():
                    start_idx(c5, (t + 5) % 6)

    @pl.loop(0, _AN // 16)
    def _(j):
        t = cnt8[pl.ds(j * 16, 16)]
        for s in range(1, 8):
            t = t + cnt8[pl.ds(s * _AN + j * 16, 16)]
        cnt8[pl.ds(j * 16, 16)] = t

    pltpu.sync_copy(cnt8.at[pl.ds(0, _AN)], cnt_hbm.at[wid])


_cp = pltpu.CompilerParams()
if "needs_layout_passes" in pltpu.CompilerParams.__dataclass_fields__:
    _cp = dataclasses.replace(_cp, needs_layout_passes=False)

_counts = pl.kernel(
    _counts_body,
    mesh=_mesh,
    compiler_params=_cp,
    out_type=[jax.ShapeDtypeStruct((_NW, _AN), jnp.float32)],
    scratch_types=[
        pltpu.VMEM((8 * _AN,), jnp.float32),
        pltpu.VMEM((6, _CHUNK), jnp.int32),
        pltpu.SemaphoreType.DMA,
        pltpu.SemaphoreType.DMA,
        pltpu.SemaphoreType.DMA,
        pltpu.SemaphoreType.DMA,
        pltpu.SemaphoreType.DMA,
        pltpu.SemaphoreType.DMA,
    ],
)


_BN = 512


def _tc_layer_body(relu, p_ref, c_ref, x_ref, wl_ref, b_ref, wr_ref, o_ref):
    s = p_ref[0] + p_ref[1]
    pid = pl.program_id(0)
    cnt = jnp.sum(c_ref[:, pl.ds(pid * _BN, _BN)], axis=0)[:, None]
    del pid
    mean = s / jnp.maximum(cnt, 1.0)
    acc = lax.dot_general(mean, wl_ref[...], (((1,), (1,)), ((), ())),
                          preferred_element_type=jnp.float32)
    acc = acc + lax.dot_general(x_ref[...], wr_ref[...], (((1,), (1,)), ((), ())),
                                preferred_element_type=jnp.float32)
    acc = acc + b_ref[...]
    o_ref[...] = jnp.maximum(acc, 0.0) if relu else acc


def _tc_layer(partials, cnts, x, Wl, b, Wr, relu):
    return pl.pallas_call(
        functools.partial(_tc_layer_body, relu),
        grid=(_AN // _BN,),
        in_specs=[
            pl.BlockSpec((_NC, _BN, _D), lambda i: (0, i, 0)),
            pl.BlockSpec((_NW, _AN), lambda i: (0, 0)),
            pl.BlockSpec((_BN, _D), lambda i: (i, 0)),
            pl.BlockSpec((_D, _D), lambda i: (0, 0)),
            pl.BlockSpec((1, _D), lambda i: (0, 0)),
            pl.BlockSpec((_D, _D), lambda i: (0, 0)),
        ],
        out_specs=pl.BlockSpec((_BN, _D), lambda i: (i, 0)),
        out_shape=jax.ShapeDtypeStruct((_AN, _D), jnp.float32),
    )(partials, cnts, x, Wl, b.reshape(1, _D), Wr)


def kernel(x, edge_index, W1l, b1, W1r, W2l, b2, W2r):
    src = edge_index[0]
    dst = edge_index[1]
    x_p = jnp.concatenate([x, jnp.zeros((_AN - _N, _D), jnp.float32)])
    c1, = _counts(dst)
    p1, = _segsum(x_p, src, dst)
    h = _tc_layer(p1, c1, x_p, W1l, b1, W1r, relu=True)
    p2, = _segsum(h, src, dst)
    out = _tc_layer(p2, c1, h, W2l, b2, W2r, relu=False)
    return out[:_N]

# --- scband reference (transcript-rebuilt; emitter-appended) ---
"""Pipeline reference for scband-gnn-49280454754828 (READ-ONLY COPY).

The authoritative reference and input builder live on the scoring server;
editing this copy changes nothing except your own understanding.
"""

import jax, jax.numpy as jnp
import numpy as np

N = 10000
E = 320000
D = 128


def setup_inputs(seed: int = 0) -> dict:
    key = jax.random.key(seed)
    ks = jax.random.split(key, 9)
    x = jax.random.normal(ks[0], (N, D), dtype=jnp.float32)
    edge_index = jax.random.randint(ks[1], (2, E), 0, N, dtype=jnp.int32)
    scale = 1.0 / np.sqrt(D)
    W1l = jax.random.normal(ks[2], (D, D), dtype=jnp.float32) * scale
    b1 = jnp.zeros((D,), dtype=jnp.float32)
    W1r = jax.random.normal(ks[3], (D, D), dtype=jnp.float32) * scale
    W2l = jax.random.normal(ks[4], (D, D), dtype=jnp.float32) * scale
    b2 = jnp.zeros((D,), dtype=jnp.float32)
    W2r = jax.random.normal(ks[5], (D, D), dtype=jnp.float32) * scale
    return {"x": x, "edge_index": edge_index, "W1l": W1l, "b1": b1, "W1r": W1r, "W2l": W2l, "b2": b2, "W2r": W2r}


def _sage_conv(x, edge_index, Wl, bl, Wr):
    # PyG SAGEConv with mean aggregation:
    # out = lin_l(mean_{j in N(i)} x_j) + lin_r(x_i); lin_r has no bias.
    src = edge_index[0]
    dst = edge_index[1]
    msgs = x[src]  # gather source node features per edge
    summed = jax.ops.segment_sum(msgs, dst, num_segments=N)
    counts = jax.ops.segment_sum(jnp.ones((edge_index.shape[1],), dtype=x.dtype), dst, num_segments=N)
    mean = summed / jnp.clip(counts, 1.0)[:, None]
    return mean @ Wl.T + bl + x @ Wr.T


def reference(x, edge_index, W1l, b1, W1r, W2l, b2, W2r):
    h = _sage_conv(x, edge_index, W1l, b1, W1r)
    h = jax.nn.relu(h)
    out = _sage_conv(h, edge_index, W2l, b2, W2r)
    return out

if __name__ == "__main__":
    import jax
    _d = setup_inputs()
    print(jax.jit(kernel)(*tuple(_d.values())))

</pallas_src>

<mosaic_0001>
#map = affine_map<(d0, d1) -> (0, 0)>
#map1 = affine_map<(d0, d1) -> (0)>
#map2 = affine_map<(d0, d1) -> (0, 0, 0)>
module attributes {stable_mosaic.version = 14 : i64} {
  func.func @_segsum_body(%arg0: i32, %arg1: i32, %arg2: memref<10240x128xf32, #tpu.memory_space<hbm>>, %arg3: memref<320000xi32, #tpu.memory_space<hbm>>, %arg4: memref<320000xi32, #tpu.memory_space<hbm>>, %arg5: memref<2x10240x128xf32, #tpu.memory_space<hbm>>, %arg6: memref<10240x128xf32, #tpu.memory_space<vmem_shared>>, %arg7: memref<3x80xi32, #tpu.memory_space<vmem>>, %arg8: memref<3x80xi32, #tpu.memory_space<vmem>>, %arg9: memref<80x128xf32, #tpu.memory_space<vmem>>, %arg10: memref<80x128xf32, #tpu.memory_space<vmem>>, %arg11: memref<!tpu.dma_semaphore, #tpu.memory_space<semaphore_mem>>, %arg12: memref<!tpu.dma_semaphore, #tpu.memory_space<semaphore_mem>>, %arg13: memref<!tpu.dma_semaphore, #tpu.memory_space<semaphore_mem>>, %arg14: memref<!tpu.dma_semaphore, #tpu.memory_space<semaphore_mem>>, %arg15: memref<!tpu.dma_semaphore, #tpu.memory_space<semaphore_mem>>, %arg16: memref<!tpu.dma_semaphore, #tpu.memory_space<semaphore_mem>>, %arg17: memref<!tpu.dma_semaphore, #tpu.memory_space<semaphore_mem>>) attributes {dimension_semantics = [#tpu.dimension_semantics<core_parallel>, #tpu.dimension_semantics<subcore_parallel>], iteration_bounds = array<i64: 2, 16>, scalar_prefetch = 0 : i64, scratch_operands = 12 : i64, tpu.core_type = #tpu.core_type<sc_vector_subcore>, window_params = [{transform_indices = #map}, {transform_indices = #map1}, {transform_indices = #map1}, {transform_indices = #map2}]} {
    %mul3A = arith.constant 16 : i32
    %mul3A_0 = arith.muli %arg0, %mul3A : i32
    %add3A = arith.addi %mul3A_0, %arg1 : i32
    %scan3A = arith.constant 0 : i32
    %scan3A_1 = arith.constant 80 : i32
    %scan3A_2 = arith.addi %scan3A, %scan3A_1 : i32
    %scan3A_3 = arith.constant 1 : i32
    scf.for %scan3A_99 = %scan3A to %scan3A_2 step %scan3A_3  : i32 {
      %mul3A_100 = arith.constant 1 : i32
      %mul3A_101 = arith.muli %scan3A_99, %mul3A_100 : i32
      %add3A_102 = arith.constant 0 : i32
      %add3A_103 = arith.addi %add3A_102, %mul3A_101 : i32
      %scan3A_104 = arith.constant 0 : i32
      %scan3A_105 = arith.constant 8 : i32
      %scan3A_106 = arith.addi %scan3A_104, %scan3A_105 : i32
      %scan3A_107 = arith.constant 1 : i32
      scf.for %scan3A_109 = %scan3A_104 to %scan3A_106 step %scan3A_107  : i32 {
        %mul3A_110 = arith.constant 1 : i32
        %mul3A_111 = arith.muli %scan3A_109, %mul3A_110 : i32
        %add3A_112 = arith.constant 0 : i32
        %add3A_113 = arith.addi %add3A_112, %mul3A_111 : i32
        %broadcast_in_dim3A = arith.constant 0.000000e+00 : f32
        %broadcast_in_dim3A_114 = vector.broadcast %broadcast_in_dim3A : f32 to vector<16xf32>
        %mul3A_115 = arith.constant 16 : i32
        %mul3A_116 = arith.muli %add3A_113, %mul3A_115 : i32
        %swap3A = arith.index_cast %add3A_103 : i32 to index
        %swap3A_117 = arith.index_cast %mul3A_116 : i32 to index
        %swap3A_118 = tpu.vector_load %arg9[%swap3A, %swap3A_117] {strides = array<i32>} : memref<80x128xf32, #tpu.memory_space<vmem>>, vector<1x16xf32>,
        %swap3A_119 = vector.shape_cast %swap3A_118 : vector<1x16xf32> to vector<16xf32>
        %swap3A_120 = vector.shape_cast %broadcast_in_dim3A_114 : vector<16xf32> to vector<1x16xf32>
        tpu.vector_store %arg9[%swap3A, %swap3A_117], %swap3A_120 {strides = array<i32>} : memref<80x128xf32, #tpu.memory_space<vmem>>, vector<1x16xf32>,
      }
      %scan3A_108 = arith.constant 8 : i32
    }
    %scan3A_4 = arith.constant 80 : i32
    %mul3A_5 = arith.constant 640 : i32
    %mul3A_6 = arith.muli %arg1, %mul3A_5 : i32
    %scan3A_7 = arith.constant 0 : i32
    %scan3A_8 = arith.constant 8 : i32
    %scan3A_9 = arith.addi %scan3A_7, %scan3A_8 : i32
    %scan3A_10 = arith.constant 1 : i32
    scf.for %scan3A_99 = %scan3A_7 to %scan3A_9 step %scan3A_10  : i32 {
      %mul3A_100 = arith.constant 1 : i32
      %mul3A_101 = arith.muli %scan3A_99, %mul3A_100 : i32
      %add3A_102 = arith.constant 0 : i32
      %add3A_103 = arith.addi %add3A_102, %mul3A_101 : i32
      %mul3A_104 = arith.constant 80 : i32
      %mul3A_105 = arith.muli %add3A_103, %mul3A_104 : i32
      %add3A_106 = arith.addi %mul3A_6, %mul3A_105 : i32
      "tpu.region"() ({
        %run_scoped3A = tpu.sem_alloc : memref<!tpu.dma_semaphore, #tpu.memory_space<semaphore_mem>>
        %dma_start3A_107 = arith.constant 0 : i32
        %dma_start3A_108 = arith.constant 0 : i32
        %dma_start3A_109 = tpu.memref_slice %arg9[%dma_start3A_107, %dma_start3A_108] : memref<80x128xf32, #tpu.memory_space<vmem>> -> memref<80x128xf32, #tpu.memory_space<vmem>>
        %dma_start3A_110 = arith.constant 0 : i32
        %dma_start3A_111 = tpu.memref_slice %arg6[%add3A_106, %dma_start3A_110] : memref<10240x128xf32, #tpu.memory_space<vmem_shared>> -> memref<80x128xf32, #tpu.memory_space<vmem_shared>>
        %dma_start3A_112 = arith.constant 0 : i32
        %dma_start3A_113 = tpu.memref_slice %arg6[%add3A_106, %dma_start3A_112] : memref<10240x128xf32, #tpu.memory_space<vmem_shared>> -> memref<80x128xf32, #tpu.memory_space<vmem_shared>>
        %dma_start3A_114 = arith.constant 0 : i32
        %dma_start3A_115 = arith.constant 0 : i32
        %dma_start3A_116 = tpu.memref_slice %arg9[%dma_start3A_114, %dma_start3A_115] : memref<80x128xf32, #tpu.memory_space<vmem>> -> memref<80x128xf32, #tpu.memory_space<vmem>>
        tpu.enqueue_dma source(%dma_start3A_116 : memref<80x128xf32, #tpu.memory_space<vmem>>) target(%dma_start3A_113 : memref<80x128xf32, #tpu.memory_space<vmem_shared>>) target_semaphore(%run_scoped3A : memref<!tpu.dma_semaphore, #tpu.memory_space<semaphore_mem>>)
        %dma_wait3A_117 = arith.constant 0 : i32
        %dma_wait3A_118 = arith.constant 0 : i32
        %dma_wait3A_119 = tpu.memref_slice %arg9[%dma_wait3A_117, %dma_wait3A_118] : memref<80x128xf32, #tpu.memory_space<vmem>> -> memref<80x128xf32, #tpu.memory_space<vmem>>
        %dma_wait3A_120 = arith.constant 0 : i32
        %dma_wait3A_121 = tpu.memref_slice %arg6[%add3A_106, %dma_wait3A_120] : memref<10240x128xf32, #tpu.memory_space<vmem_shared>> -> memref<80x128xf32, #tpu.memory_space<vmem_shared>>
        %dma_wait3A_122 = arith.constant 0 : i32
        %dma_wait3A_123 = tpu.memref_slice %arg6[%add3A_106, %dma_wait3A_122] : memref<10240x128xf32, #tpu.memory_space<vmem_shared>> -> memref<80x128xf32, #tpu.memory_space<vmem_shared>>
        %dma_wait3A_124 = arith.constant 0 : i32
        %dma_wait3A_125 = arith.constant 0 : i32
        %dma_wait3A_126 = tpu.memref_slice %arg9[%dma_wait3A_124, %dma_wait3A_125] : memref<80x128xf32, #tpu.memory_space<vmem>> -> memref<80x128xf32, #tpu.memory_space<vmem>>
        tpu.wait_dma2 semaphore(%run_scoped3A : memref<!tpu.dma_semaphore, #tpu.memory_space<semaphore_mem>>) src(%dma_wait3A_126 : memref<80x128xf32, #tpu.memory_space<vmem>>) dst(%dma_wait3A_123 : memref<80x128xf32, #tpu.memory_space<vmem_shared>>)
        tpu.yield
      }) : () -> ()
    }
    %scan3A_11 = arith.constant 8 : i32
    %barrier3A = arith.constant 0 : index
    tpu.barrier barrier_id(%barrier3A)
    %mul3A_12 = arith.constant 80 : i32
    %mul3A_13 = arith.muli %add3A, %mul3A_12 : i32
    %dma_start3A = arith.constant 0 : i32
    %dma_start3A_14 = arith.constant 0 : i32
    %dma_start3A_15 = tpu.memref_slice %arg7[%dma_start3A, %dma_start3A_14] : memref<3x80xi32, #tpu.memory_space<vmem>> -> memref<1x80xi32, #tpu.memory_space<vmem>>
    %dma_start3A_16 = tpu.memref_squeeze %dma_start3A_15 : memref<1x80xi32, #tpu.memory_space<vmem>> -> memref<80xi32, #tpu.memory_space<vmem>>
    %dma_start3A_17 = tpu.memref_slice %arg3[%mul3A_13] : memref<320000xi32, #tpu.memory_space<hbm>> -> memref<80xi32, #tpu.memory_space<hbm>>
    %dma_start3A_18 = arith.constant 0 : i32
    %dma_start3A_19 = tpu.memref_slice %arg7[%dma_start3A, %dma_start3A_18] : memref<3x80xi32, #tpu.memory_space<vmem>> -> memref<1x80xi32, #tpu.memory_space<vmem>>
    %dma_start3A_20 = tpu.memref_squeeze %dma_start3A_19 : memref<1x80xi32, #tpu.memory_space<vmem>> -> memref<80xi32, #tpu.memory_space<vmem>>
    %dma_start3A_21 = tpu.memref_slice %arg3[%mul3A_13] : memref<320000xi32, #tpu.memory_space<hbm>> -> memref<80xi32, #tpu.memory_space<hbm>>
    tpu.enqueue_dma source(%dma_start3A_21 : memref<80xi32, #tpu.memory_space<hbm>>) target(%dma_start3A_20 : memref<80xi32, #tpu.memory_space<vmem>>) target_semaphore(%arg15 : memref<!tpu.dma_semaphore, #tpu.memory_space<semaphore_mem>>)
    %dma_start3A_22 = arith.constant 0 : i32
    %dma_start3A_23 = arith.constant 0 : i32
    %dma_start3A_24 = tpu.memref_slice %arg8[%dma_start3A_22, %dma_start3A_23] : memref<3x80xi32, #tpu.memory_space<vmem>> -> memref<1x80xi32, #tpu.memory_space<vmem>>
    %dma_start3A_25 = tpu.memref_squeeze %dma_start3A_24 : memref<1x80xi32, #tpu.memory_space<vmem>> -> memref<80xi32, #tpu.memory_space<vmem>>
    %dma_start3A_26 = tpu.memref_slice %arg4[%mul3A_13] : memref<320000xi32, #tpu.memory_space<hbm>> -> memref<80xi32, #tpu.memory_space<hbm>>
    %dma_start3A_27 = arith.constant 0 : i32
    %dma_start3A_28 = tpu.memref_slice %arg8[%dma_start3A_22, %dma_start3A_27] : memref<3x80xi32, #tpu.memory_space<vmem>> -> memref<1x80xi32, #tpu.memory_space<vmem>>
    %dma_start3A_29 = tpu.memref_squeeze %dma_start3A_28 : memref<1x80xi32, #tpu.memory_space<vmem>> -> memref<80xi32, #tpu.memory_space<vmem>>
    %dma_start3A_30 = tpu.memref_slice %arg4[%mul3A_13] : memref<320000xi32, #tpu.memory_space<hbm>> -> memref<80xi32, #tpu.memory_space<hbm>>
    tpu.enqueue_dma source(%dma_start3A_30 : memref<80xi32, #tpu.memory_space<hbm>>) target(%dma_start3A_29 : memref<80xi32, #tpu.memory_space<vmem>>) target_semaphore(%arg15 : memref<!tpu.dma_semaphore, #tpu.memory_space<semaphore_mem>>)
    %add3A_31 = arith.constant 32 : i32
    %add3A_32 = arith.addi %add3A, %add3A_31 : i32
    %mul3A_33 = arith.constant 80 : i32
    %mul3A_34 = arith.muli %add3A_32, %mul3A_33 : i32
    %dma_start3A_35 = arith.constant 1 : i32
    %dma_start3A_36 = arith.constant 0 : i32
    %dma_start3A_37 = tpu.memref_slice %arg7[%dma_start3A_35, %dma_start3A_36] : memref<3x80xi32, #tpu.memory_space<vmem>> -> memref<1x80xi32, #tpu.memory_space<vmem>>
    %dma_start3A_38 = tpu.memref_squeeze %dma_start3A_37 : memref<1x80xi32, #tpu.memory_space<vmem>> -> memref<80xi32, #tpu.memory_space<vmem>>
    %dma_start3A_39 = tpu.memref_slice %arg3[%mul3A_34] : memref<320000xi32, #tpu.memory_space<hbm>> -> memref<80xi32, #tpu.memory_space<hbm>>
    %dma_start3A_40 = arith.constant 0 : i32
    %dma_start3A_41 = tpu.memref_slice %arg7[%dma_start3A_35, %dma_start3A_40] : memref<3x80xi32, #tpu.memory_space<vmem>> -> memref<1x80xi32, #tpu.memory_space<vmem>>
    %dma_start3A_42 = tpu.memref_squeeze %dma_start3A_41 : memref<1x80xi32, #tpu.memory_space<vmem>> -> memref<80xi32, #tpu.memory_space<vmem>>
    %dma_start3A_43 = tpu.memref_slice %arg3[%mul3A_34] : memref<320000xi32, #tpu.memory_space<hbm>> -> memref<80xi32, #tpu.memory_space<hbm>>
    tpu.enqueue_dma source(%dma_start3A_43 : memref<80xi32, #tpu.memory_space<hbm>>) target(%dma_start3A_42 : memref<80xi32, #tpu.memory_space<vmem>>) target_semaphore(%arg16 : memref<!tpu.dma_semaphore, #tpu.memory_space<semaphore_mem>>)
    %dma_start3A_44 = arith.constant 1 : i32
    %dma_start3A_45 = arith.constant 0 : i32
    %dma_start3A_46 = tpu.memref_slice %arg8[%dma_start3A_44, %dma_start3A_45] : memref<3x80xi32, #tpu.memory_space<vmem>> -> memref<1x80xi32, #tpu.memory_space<vmem>>
    %dma_start3A_47 = tpu.memref_squeeze %dma_start3A_46 : memref<1x80xi32, #tpu.memory_space<vmem>> -> memref<80xi32, #tpu.memory_space<vmem>>
    %dma_start3A_48 = tpu.memref_slice %arg4[%mul3A_34] : memref<320000xi32, #tpu.memory_space<hbm>> -> memref<80xi32, #tpu.memory_space<hbm>>
    %dma_start3A_49 = arith.constant 0 : i32
    %dma_start3A_50 = tpu.memref_slice %arg8[%dma_start3A_44, %dma_start3A_49] : memref<3x80xi32, #tpu.memory_space<vmem>> -> memref<1x80xi32, #tpu.memory_space<vmem>>
    %dma_start3A_51 = tpu.memref_squeeze %dma_start3A_50 : memref<1x80xi32, #tpu.memory_space<vmem>> -> memref<80xi32, #tpu.memory_space<vmem>>
    %dma_start3A_52 = tpu.memref_slice %arg4[%mul3A_34] : memref<320000xi32, #tpu.memory_space<hbm>> -> memref<80xi32, #tpu.memory_space<hbm>>
    tpu.enqueue_dma source(%dma_start3A_52 : memref<80xi32, #tpu.memory_space<hbm>>) target(%dma_start3A_51 : memref<80xi32, #tpu.memory_space<vmem>>) target_semaphore(%arg16 : memref<!tpu.dma_semaphore, #tpu.memory_space<semaphore_mem>>)
    %mul3A_53 = arith.constant 80 : i32
    %mul3A_54 = arith.muli %add3A, %mul3A_53 : i32
    %dma_wait3A = arith.constant 0 : i32
    %dma_wait3A_55 = arith.constant 0 : i32
    %dma_wait3A_56 = tpu.memref_slice %arg7[%dma_wait3A, %dma_wait3A_55] : memref<3x80xi32, #tpu.memory_space<vmem>> -> memref<1x80xi32, #tpu.memory_space<vmem>>
    %dma_wait3A_57 = tpu.memref_squeeze %dma_wait3A_56 : memref<1x80xi32, #tpu.memory_space<vmem>> -> memref<80xi32, #tpu.memory_space<vmem>>
    %dma_wait3A_58 = tpu.memref_slice %arg3[%mul3A_54] : memref<320000xi32, #tpu.memory_space<hbm>> -> memref<80xi32, #tpu.memory_space<hbm>>
    %dma_wait3A_59 = arith.constant 0 : i32
    %dma_wait3A_60 = tpu.memref_slice %arg7[%dma_wait3A, %dma_wait3A_59] : memref<3x80xi32, #tpu.memory_space<vmem>> -> memref<1x80xi32, #tpu.memory_space<vmem>>
    %dma_wait3A_61 = tpu.memref_squeeze %dma_wait3A_60 : memref<1x80xi32, #tpu.memory_space<vmem>> -> memref<80xi32, #tpu.memory_space<vmem>>
    %dma_wait3A_62 = tpu.memref_slice %arg3[%mul3A_54] : memref<320000xi32, #tpu.memory_space<hbm>> -> memref<80xi32, #tpu.memory_space<hbm>>
    tpu.wait_dma2 semaphore(%arg15 : memref<!tpu.dma_semaphore, #tpu.memory_space<semaphore_mem>>) src(%dma_wait3A_62 : memref<80xi32, #tpu.memory_space<hbm>>) dst(%dma_wait3A_61 : memref<80xi32, #tpu.memory_space<vmem>>)
    %dma_wait3A_63 = arith.constant 0 : i32
    %dma_wait3A_64 = arith.constant 0 : i32
    %dma_wait3A_65 = tpu.memref_slice %arg8[%dma_wait3A_63, %dma_wait3A_64] : memref<3x80xi32, #tpu.memory_space<vmem>> -> memref<1x80xi32, #tpu.memory_space<vmem>>
    %dma_wait3A_66 = tpu.memref_squeeze %dma_wait3A_65 : memref<1x80xi32, #tpu.memory_space<vmem>> -> memref<80xi32, #tpu.memory_space<vmem>>
    %dma_wait3A_67 = tpu.memref_slice %arg4[%mul3A_54] : memref<320000xi32, #tpu.memory_space<hbm>> -> memref<80xi32, #tpu.memory_space<hbm>>
    %dma_wait3A_68 = arith.constant 0 : i32
    %dma_wait3A_69 = tpu.memref_slice %arg8[%dma_wait3A_63, %dma_wait3A_68] : memref<3x80xi32, #tpu.memory_space<vmem>> -> memref<1x80xi32, #tpu.memory_space<vmem>>
    %dma_wait3A_70 = tpu.memref_squeeze %dma_wait3A_69 : memref<1x80xi32, #tpu.memory_space<vmem>> -> memref<80xi32, #tpu.memory_space<vmem>>
    %dma_wait3A_71 = tpu.memref_slice %arg4[%mul3A_54] : memref<320000xi32, #tpu.memory_space<hbm>> -> memref<80xi32, #tpu.memory_space<hbm>>
    tpu.wait_dma2 semaphore(%arg15 : memref<!tpu.dma_semaphore, #tpu.memory_space<semaphore_mem>>) src(%dma_wait3A_71 : memref<80xi32, #tpu.memory_space<hbm>>) dst(%dma_wait3A_70 : memref<80xi32, #tpu.memory_space<vmem>>)
    %dma_start3A_72 = arith.constant 0 : i32
    %dma_start3A_73 = arith.constant 0 : i32
    %dma_start3A_74 = tpu.memref_slice %arg7[%dma_start3A_72, %dma_start3A_73] : memref<3x80xi32, #tpu.memory_space<vmem>> -> memref<1x80xi32, #tpu.memory_space<vmem>>
    %dma_start3A_75 = tpu.memref_squeeze %dma_start3A_74 : memref<1x80xi32, #tpu.memory_space<vmem>> -> memref<80xi32, #tpu.memory_space<vmem>>
    %dma_start3A_76 = arith.constant 0 : i32
    %dma_start3A_77 = arith.constant 0 : i32
    %dma_start3A_78 = tpu.memref_slice %arg2[%dma_start3A_76, %dma_start3A_77] : memref<10240x128xf32, #tpu.memory_space<hbm>> -> memref<10240x128xf32, #tpu.memory_space<hbm>>
    tpu.enqueue_indirect_dma source(%dma_start3A_78 : memref<10240x128xf32, #tpu.memory_space<hbm>>) target(%arg9 : memref<80x128xf32, #tpu.memory_space<vmem>>) offsets(%dma_start3A_75 : memref<80xi32, #tpu.memory_space<vmem>>) semaphore(%arg11 : memref<!tpu.dma_semaphore, #tpu.memory_space<semaphore_mem>>)
    %scan3A_79 = arith.constant 0 : i32
    %scan3A_80 = arith.constant 21 : i32
    %scan3A_81 = arith.addi %scan3A_79, %scan3A_80 : i32
    %scan3A_82 = arith.constant 1 : i32
    scf.for %scan3A_99 = %scan3A_79 to %scan3A_81 step %scan3A_82  : i32 {
      %mul3A_100 = arith.constant 6 : i32
      %mul3A_101 = arith.muli %scan3A_99, %mul3A_100 : i32
      %add3A_102 = arith.constant 0 : i32
      %add3A_103 = arith.addi %add3A_102, %mul3A_101 : i32
      %add3A_104 = arith.constant 0 : i32
      %add3A_105 = arith.addi %add3A_103, %add3A_104 : i32
      %mul3A_106 = arith.constant 32 : i32
      %mul3A_107 = arith.muli %add3A_105, %mul3A_106 : i32
      %add3A_108 = arith.addi %add3A, %mul3A_107 : i32
      %lt3A = arith.constant 4000 : i32
      %lt3A_109 = arith.cmpi slt, %add3A_108, %lt3A : i32
      %convert_element_type3A = arith.extui %lt3A_109 : i1 to i32
      %cond3A = arith.constant 0 : i32
      %cond3A_110 = arith.cmpi ne, %convert_element_type3A, %cond3A : i32
      scf.if %cond3A_110 {
        %dma_wait3A_161 = arith.constant 0 : i32
        %dma_wait3A_162 = arith.constant 0 : i32
        %dma_wait3A_163 = tpu.memref_slice %arg7[%dma_wait3A_161, %dma_wait3A_162] : memref<3x80xi32, #tpu.memory_space<vmem>> -> memref<1x80xi32, #tpu.memory_space<vmem>>
        %dma_wait3A_164 = tpu.memref_squeeze %dma_wait3A_163 : memref<1x80xi32, #tpu.memory_space<vmem>> -> memref<80xi32, #tpu.memory_space<vmem>>
        %dma_wait3A_165 = arith.constant 0 : i32
        %dma_wait3A_166 = arith.constant 0 : i32
        %dma_wait3A_167 = tpu.memref_slice %arg2[%dma_wait3A_165, %dma_wait3A_166] : memref<10240x128xf32, #tpu.memory_space<hbm>> -> memref<10240x128xf32, #tpu.memory_space<hbm>>
        tpu.wait_indirect_dma semaphore(%arg11 : memref<!tpu.dma_semaphore, #tpu.memory_space<semaphore_mem>>) src(%dma_wait3A_167 : memref<10240x128xf32, #tpu.memory_space<hbm>>) dst(%arg9 : memref<80x128xf32, #tpu.memory_space<vmem>>)
        %add3A_168 = arith.constant 32 : i32
        %add3A_169 = arith.addi %add3A_108, %add3A_168 : i32
        %add3A_170 = arith.constant 64 : i32
        %add3A_171 = arith.addi %add3A_108, %add3A_170 : i32
        %lt3A_172 = arith.constant 4000 : i32
        %lt3A_173 = arith.cmpi slt, %add3A_169, %lt3A_172 : i32
        %convert_element_type3A_174 = arith.extui %lt3A_173 : i1 to i32
        %cond3A_175 = arith.constant 0 : i32
        %cond3A_176 = arith.cmpi ne, %convert_element_type3A_174, %cond3A_175 : i32
        scf.if %cond3A_176 {
          %mul3A_189 = arith.constant 80 : i32
          %mul3A_190 = arith.muli %add3A_169, %mul3A_189 : i32
          %dma_wait3A_191 = arith.constant 1 : i32
          %dma_wait3A_192 = arith.constant 0 : i32
          %dma_wait3A_193 = tpu.memref_slice %arg7[%dma_wait3A_191, %dma_wait3A_192] : memref<3x80xi32, #tpu.memory_space<vmem>> -> memref<1x80xi32, #tpu.memory_space<vmem>>
          %dma_wait3A_194 = tpu.memref_squeeze %dma_wait3A_193 : memref<1x80xi32, #tpu.memory_space<vmem>> -> memref<80xi32, #tpu.memory_space<vmem>>
          %dma_wait3A_195 = tpu.memref_slice %arg3[%mul3A_190] : memref<320000xi32, #tpu.memory_space<hbm>> -> memref<80xi32, #tpu.memory_space<hbm>>
          %dma_wait3A_196 = arith.constant 0 : i32
          %dma_wait3A_197 = tpu.memref_slice %arg7[%dma_wait3A_191, %dma_wait3A_196] : memref<3x80xi32, #tpu.memory_space<vmem>> -> memref<1x80xi32, #tpu.memory_space<vmem>>
          %dma_wait3A_198 = tpu.memref_squeeze %dma_wait3A_197 : memref<1x80xi32, #tpu.memory_space<vmem>> -> memref<80xi32, #tpu.memory_space<vmem>>
          %dma_wait3A_199 = tpu.memref_slice %arg3[%mul3A_190] : memref<320000xi32, #tpu.memory_space<hbm>> -> memref<80xi32, #tpu.memory_space<hbm>>
          tpu.wait_dma2 semaphore(%arg16 : memref<!tpu.dma_semaphore, #tpu.memory_space<semaphore_mem>>) src(%dma_wait3A_199 : memref<80xi32, #tpu.memory_space<hbm>>) dst(%dma_wait3A_198 : memref<80xi32, #tpu.memory_space<vmem>>)
          %dma_wait3A_200 = arith.constant 1 : i32
          %dma_wait3A_201 = arith.constant 0 : i32
          %dma_wait3A_202 = tpu.memref_slice %arg8[%dma_wait3A_200, %dma_wait3A_201] : memref<3x80xi32, #tpu.memory_space<vmem>> -> memref<1x80xi32, #tpu.memory_space<vmem>>
          %dma_wait3A_203 = tpu.memref_squeeze %dma_wait3A_202 : memref<1x80xi32, #tpu.memory_space<vmem>> -> memref<80xi32, #tpu.memory_space<vmem>>
          %dma_wait3A_204 = tpu.memref_slice %arg4[%mul3A_190] : memref<320000xi32, #tpu.memory_space<hbm>> -> memref<80xi32, #tpu.memory_space<hbm>>
          %dma_wait3A_205 = arith.constant 0 : i32
          %dma_wait3A_206 = tpu.memref_slice %arg8[%dma_wait3A_200, %dma_wait3A_205] : memref<3x80xi32, #tpu.memory_space<vmem>> -> memref<1x80xi32, #tpu.memory_space<vmem>>
          %dma_wait3A_207 = tpu.memref_squeeze %dma_wait3A_206 : memref<1x80xi32, #tpu.memory_space<vmem>> -> memref<80xi32, #tpu.memory_space<vmem>>
          %dma_wait3A_208 = tpu.memref_slice %arg4[%mul3A_190] : memref<320000xi32, #tpu.memory_space<hbm>> -> memref<80xi32, #tpu.memory_space<hbm>>
          tpu.wait_dma2 semaphore(%arg16 : memref<!tpu.dma_semaphore, #tpu.memory_space<semaphore_mem>>) src(%dma_wait3A_208 : memref<80xi32, #tpu.memory_space<hbm>>) dst(%dma_wait3A_207 : memref<80xi32, #tpu.memory_space<vmem>>)
          %ge3A = arith.constant 32 : i32
          %ge3A_209 = arith.cmpi sge, %add3A_108, %ge3A : i32
          %convert_element_type3A_210 = arith.extui %ge3A_209 : i1 to i32
          %cond3A_211 = arith.constant 0 : i32
          %cond3A_212 = arith.cmpi ne, %convert_element_type3A_210, %cond3A_211 : i32
          scf.if %cond3A_212 {
            %dma_wait3A_220 = arith.constant 2 : i32
            %dma_wait3A_221 = arith.constant 0 : i32
            %dma_wait3A_222 = tpu.memref_slice %arg8[%dma_wait3A_220, %dma_wait3A_221] : memref<3x80xi32, #tpu.memory_space<vmem>> -> memref<1x80xi32, #tpu.memory_space<vmem>>
            %dma_wait3A_223 = tpu.memref_squeeze %dma_wait3A_222 : memref<1x80xi32, #tpu.memory_space<vmem>> -> memref<80xi32, #tpu.memory_space<vmem>>
            %dma_wait3A_224 = arith.constant 0 : i32
            %dma_wait3A_225 = arith.constant 0 : i32
            %dma_wait3A_226 = tpu.memref_slice %arg6[%dma_wait3A_224, %dma_wait3A_225] : memref<10240x128xf32, #tpu.memory_space<vmem_shared>> -> memref<10240x128xf32, #tpu.memory_space<vmem_shared>>
            tpu.wait_indirect_dma semaphore(%arg14 : memref<!tpu.dma_semaphore, #tpu.memory_space<semaphore_mem>>) src(%arg10 : memref<80x128xf32, #tpu.memory_space<vmem>>) dst(%dma_wait3A_226 : memref<10240x128xf32, #tpu.memory_space<vmem_shared>>)
          } else {
          }
          %dma_start3A_213 = arith.constant 1 : i32
          %dma_start3A_214 = arith.constant 0 : i32
          %dma_start3A_215 = tpu.memref_slice %arg7[%dma_start3A_213, %dma_start3A_214] : memref<3x80xi32, #tpu.memory_space<vmem>> -> memref<1x80xi32, #tpu.memory_space<vmem>>
          %dma_start3A_216 = tpu.memref_squeeze %dma_start3A_215 : memref<1x80xi32, #tpu.memory_space<vmem>> -> memref<80xi32, #tpu.memory_space<vmem>>
          %dma_start3A_217 = arith.constant 0 : i32
          %dma_start3A_218 = arith.constant 0 : i32
          %dma_start3A_219 = tpu.memref_slice %arg2[%dma_start3A_217, %dma_start3A_218] : memref<10240x128xf32, #tpu.memory_space<hbm>> -> memref<10240x128xf32, #tpu.memory_space<hbm>>
          tpu.enqueue_indirect_dma source(%dma_start3A_219 : memref<10240x128xf32, #tpu.memory_space<hbm>>) target(%arg10 : memref<80x128xf32, #tpu.memory_space<vmem>>) offsets(%dma_start3A_216 : memref<80xi32, #tpu.memory_space<vmem>>) semaphore(%arg12 : memref<!tpu.dma_semaphore, #tpu.memory_space<semaphore_mem>>)
        } else {
        }
        %dma_start3A_177 = arith.constant 0 : i32
        %dma_start3A_178 = arith.constant 0 : i32
        %dma_start3A_179 = tpu.memref_slice %arg8[%dma_start3A_177, %dma_start3A_178] : memref<3x80xi32, #tpu.memory_space<vmem>> -> memref<1x80xi32, #tpu.memory_space<vmem>>
        %dma_start3A_180 = tpu.memref_squeeze %dma_start3A_179 : memref<1x80xi32, #tpu.memory_space<vmem>> -> memref<80xi32, #tpu.memory_space<vmem>>
        %dma_start3A_181 = arith.constant 0 : i32
        %dma_start3A_182 = arith.constant 0 : i32
        %dma_start3A_183 = tpu.memref_slice %arg6[%dma_start3A_181, %dma_start3A_182] : memref<10240x128xf32, #tpu.memory_space<vmem_shared>> -> memref<10240x128xf32, #tpu.memory_space<vmem_shared>>
        tpu.enqueue_indirect_dma source(%arg9 : memref<80x128xf32, #tpu.memory_space<vmem>>) target(%dma_start3A_183 : memref<10240x128xf32, #tpu.memory_space<vmem_shared>>) offsets(%dma_start3A_180 : memref<80xi32, #tpu.memory_space<vmem>>) semaphore(%arg13 : memref<!tpu.dma_semaphore, #tpu.memory_space<semaphore_mem>>) {add = true}
        %lt3A_184 = arith.constant 4000 : i32
        %lt3A_185 = arith.cmpi slt, %add3A_171, %lt3A_184 : i32
        %convert_element_type3A_186 = arith.extui %lt3A_185 : i1 to i32
        %cond3A_187 = arith.constant 0 : i32
        %cond3A_188 = arith.cmpi ne, %convert_element_type3A_186, %cond3A_187 : i32
        scf.if %cond3A_188 {
          %mul3A_189 = arith.constant 80 : i32
          %mul3A_190 = arith.muli %add3A_171, %mul3A_189 : i32
          %dma_start3A_191 = arith.constant 2 : i32
          %dma_start3A_192 = arith.constant 0 : i32
          %dma_start3A_193 = tpu.memref_slice %arg7[%dma_start3A_191, %dma_start3A_192] : memref<3x80xi32, #tpu.memory_space<vmem>> -> memref<1x80xi32, #tpu.memory_space<vmem>>
          %dma_start3A_194 = tpu.memref_squeeze %dma_start3A_193 : memref<1x80xi32, #tpu.memory_space<vmem>> -> memref<80xi32, #tpu.memory_space<vmem>>
          %dma_start3A_195 = tpu.memref_slice %arg3[%mul3A_190] : memref<320000xi32, #tpu.memory_space<hbm>> -> memref<80xi32, #tpu.memory_space<hbm>>
          %dma_start3A_196 = arith.constant 0 : i32
          %dma_start3A_197 = tpu.memref_slice %arg7[%dma_start3A_191, %dma_start3A_196] : memref<3x80xi32, #tpu.memory_space<vmem>> -> memref<1x80xi32, #tpu.memory_space<vmem>>
          %dma_start3A_198 = tpu.memref_squeeze %dma_start3A_197 : memref<1x80xi32, #tpu.memory_space<vmem>> -> memref<80xi32, #tpu.memory_space<vmem>>
          %dma_start3A_199 = tpu.memref_slice %arg3[%mul3A_190] : memref<320000xi32, #tpu.memory_space<hbm>> -> memref<80xi32, #tpu.memory_space<hbm>>
          tpu.enqueue_dma source(%dma_start3A_199 : memref<80xi32, #tpu.memory_space<hbm>>) target(%dma_start3A_198 : memref<80xi32, #tpu.memory_space<vmem>>) target_semaphore(%arg17 : memref<!tpu.dma_semaphore, #tpu.memory_space<semaphore_mem>>)
          %dma_start3A_200 = arith.constant 2 : i32
          %dma_start3A_201 = arith.constant 0 : i32
          %dma_start3A_202 = tpu.memref_slice %arg8[%dma_start3A_200, %dma_start3A_201] : memref<3x80xi32, #tpu.memory_space<vmem>> -> memref<1x80xi32, #tpu.memory_space<vmem>>
          %dma_start3A_203 = tpu.memref_squeeze %dma_start3A_202 : memref<1x80xi32, #tpu.memory_space<vmem>> -> memref<80xi32, #tpu.memory_space<vmem>>
          %dma_start3A_204 = tpu.memref_slice %arg4[%mul3A_190] : memref<320000xi32, #tpu.memory_space<hbm>> -> memref<80xi32, #tpu.memory_space<hbm>>
          %dma_start3A_205 = arith.constant 0 : i32
          %dma_start3A_206 = tpu.memref_slice %arg8[%dma_start3A_200, %dma_start3A_205] : memref<3x80xi32, #tpu.memory_space<vmem>> -> memref<1x80xi32, #tpu.memory_space<vmem>>
          %dma_start3A_207 = tpu.memref_squeeze %dma_start3A_206 : memref<1x80xi32, #tpu.memory_space<vmem>> -> memref<80xi32, #tpu.memory_space<vmem>>
          %dma_start3A_208 = tpu.memref_slice %arg4[%mul3A_190] : memref<320000xi32, #tpu.memory_space<hbm>> -> memref<80xi32, #tpu.memory_space<hbm>>
          tpu.enqueue_dma source(%dma_start3A_208 : memref<80xi32, #tpu.memory_space<hbm>>) target(%dma_start3A_207 : memref<80xi32, #tpu.memory_space<vmem>>) target_semaphore(%arg17 : memref<!tpu.dma_semaphore, #tpu.memory_space<semaphore_mem>>)
        } else {
        }
      } else {
      }
      %add3A_111 = arith.constant 1 : i32
      %add3A_112 = arith.addi %add3A_103, %add3A_111 : i32
      %mul3A_113 = arith.constant 32 : i32
      %mul3A_114 = arith.muli %add3A_112, %mul3A_113 : i32
      %add3A_115 = arith.addi %add3A, %mul3A_114 : i32
      %lt3A_116 = arith.constant 4000 : i32
      %lt3A_117 = arith.cmpi slt, %add3A_115, %lt3A_116 : i32
      %convert_element_type3A_118 = arith.extui %lt3A_117 : i1 to i32
      %cond3A_119 = arith.constant 0 : i32
      %cond3A_120 = arith.cmpi ne, %convert_element_type3A_118, %cond3A_119 : i32
      scf.if %cond3A_120 {
        %dma_wait3A_161 = arith.constant 1 : i32
        %dma_wait3A_162 = arith.constant 0 : i32
        %dma_wait3A_163 = tpu.memref_slice %arg7[%dma_wait3A_161, %dma_wait3A_162] : memref<3x80xi32, #tpu.memory_space<vmem>> -> memref<1x80xi32, #tpu.memory_space<vmem>>
        %dma_wait3A_164 = tpu.memref_squeeze %dma_wait3A_163 : memref<1x80xi32, #tpu.memory_space<vmem>> -> memref<80xi32, #tpu.memory_space<vmem>>
        %dma_wait3A_165 = arith.constant 0 : i32
        %dma_wait3A_166 = arith.constant 0 : i32
        %dma_wait3A_167 = tpu.memref_slice %arg2[%dma_wait3A_165, %dma_wait3A_166] : memref<10240x128xf32, #tpu.memory_space<hbm>> -> memref<10240x128xf32, #tpu.memory_space<hbm>>
        tpu.wait_indirect_dma semaphore(%arg12 : memref<!tpu.dma_semaphore, #tpu.memory_space<semaphore_mem>>) src(%dma_wait3A_167 : memref<10240x128xf32, #tpu.memory_space<hbm>>) dst(%arg10 : memref<80x128xf32, #tpu.memory_space<vmem>>)
        %add3A_168 = arith.constant 32 : i32
        %add3A_169 = arith.addi %add3A_115, %add3A_168 : i32
        %add3A_170 = arith.constant 64 : i32
        %add3A_171 = arith.addi %add3A_115, %add3A_170 : i32
        %lt3A_172 = arith.constant 4000 : i32
        %lt3A_173 = arith.cmpi slt, %add3A_169, %lt3A_172 : i32
        %convert_element_type3A_174 = arith.extui %lt3A_173 : i1 to i32
        %cond3A_175 = arith.constant 0 : i32
        %cond3A_176 = arith.cmpi ne, %convert_element_type3A_174, %cond3A_175 : i32
        scf.if %cond3A_176 {
          %mul3A_189 = arith.constant 80 : i32
          %mul3A_190 = arith.muli %add3A_169, %mul3A_189 : i32
          %dma_wait3A_191 = arith.constant 2 : i32
          %dma_wait3A_192 = arith.constant 0 : i32
          %dma_wait3A_193 = tpu.memref_slice %arg7[%dma_wait3A_191, %dma_wait3A_192] : memref<3x80xi32, #tpu.memory_space<vmem>> -> memref<1x80xi32, #tpu.memory_space<vmem>>
          %dma_wait3A_194 = tpu.memref_squeeze %dma_wait3A_193 : memref<1x80xi32, #tpu.memory_space<vmem>> -> memref<80xi32, #tpu.memory_space<vmem>>
          %dma_wait3A_195 = tpu.memref_slice %arg3[%mul3A_190] : memref<320000xi32, #tpu.memory_space<hbm>> -> memref<80xi32, #tpu.memory_space<hbm>>
          %dma_wait3A_196 = arith.constant 0 : i32
          %dma_wait3A_197 = tpu.memref_slice %arg7[%dma_wait3A_191, %dma_wait3A_196] : memref<3x80xi32, #tpu.memory_space<vmem>> -> memref<1x80xi32, #tpu.memory_space<vmem>>
          %dma_wait3A_198 = tpu.memref_squeeze %dma_wait3A_197 : memref<1x80xi32, #tpu.memory_space<vmem>> -> memref<80xi32, #tpu.memory_space<vmem>>
          %dma_wait3A_199 = tpu.memref_slice %arg3[%mul3A_190] : memref<320000xi32, #tpu.memory_space<hbm>> -> memref<80xi32, #tpu.memory_space<hbm>>
          tpu.wait_dma2 semaphore(%arg17 : memref<!tpu.dma_semaphore, #tpu.memory_space<semaphore_mem>>) src(%dma_wait3A_199 : memref<80xi32, #tpu.memory_space<hbm>>) dst(%dma_wait3A_198 : memref<80xi32, #tpu.memory_space<vmem>>)
          %dma_wait3A_200 = arith.constant 2 : i32
          %dma_wait3A_201 = arith.constant 0 : i32
          %dma_wait3A_202 = tpu.memref_slice %arg8[%dma_wait3A_200, %dma_wait3A_201] : memref<3x80xi32, #tpu.memory_space<vmem>> -> memref<1x80xi32, #tpu.memory_space<vmem>>
          %dma_wait3A_203 = tpu.memref_squeeze %dma_wait3A_202 : memref<1x80xi32, #tpu.memory_space<vmem>> -> memref<80xi32, #tpu.memory_space<vmem>>
          %dma_wait3A_204 = tpu.memref_slice %arg4[%mul3A_190] : memref<320000xi32, #tpu.memory_space<hbm>> -> memref<80xi32, #tpu.memory_space<hbm>>
          %dma_wait3A_205 = arith.constant 0 : i32
          %dma_wait3A_206 = tpu.memref_slice %arg8[%dma_wait3A_200, %dma_wait3A_205] : memref<3x80xi32, #tpu.memory_space<vmem>> -> memref<1x80xi32, #tpu.memory_space<vmem>>
          %dma_wait3A_207 = tpu.memref_squeeze %dma_wait3A_206 : memref<1x80xi32, #tpu.memory_space<vmem>> -> memref<80xi32, #tpu.memory_space<vmem>>
          %dma_wait3A_208 = tpu.memref_slice %arg4[%mul3A_190] : memref<320000xi32, #tpu.memory_space<hbm>> -> memref<80xi32, #tpu.memory_space<hbm>>
          tpu.wait_dma2 semaphore(%arg17 : memref<!tpu.dma_semaphore, #tpu.memory_space<semaphore_mem>>) src(%dma_wait3A_208 : memref<80xi32, #tpu.memory_space<hbm>>) dst(%dma_wait3A_207 : memref<80xi32, #tpu.memory_space<vmem>>)
          %ge3A = arith.constant 32 : i32
          %ge3A_209 = arith.cmpi sge, %add3A_115, %ge3A : i32
          %convert_element_type3A_210 = arith.extui %ge3A_209 : i1 to i32
          %cond3A_211 = arith.constant 0 : i32
          %cond3A_212 = arith.cmpi ne, %convert_element_type3A_210, %cond3A_211 : i32
          scf.if %cond3A_212 {
            %dma_wait3A_220 = arith.constant 0 : i32
            %dma_wait3A_221 = arith.constant 0 : i32
            %dma_wait3A_222 = tpu.memref_slice %arg8[%dma_wait3A_220, %dma_wait3A_221] : memref<3x80xi32, #tpu.memory_space<vmem>> -> memref<1x80xi32, #tpu.memory_space<vmem>>
            %dma_wait3A_223 = tpu.memref_squeeze %dma_wait3A_222 : memref<1x80xi32, #tpu.memory_space<vmem>> -> memref<80xi32, #tpu.memory_space<vmem>>
            %dma_wait3A_224 = arith.constant 0 : i32
            %dma_wait3A_225 = arith.constant 0 : i32
            %dma_wait3A_226 = tpu.memref_slice %arg6[%dma_wait3A_224, %dma_wait3A_225] : memref<10240x128xf32, #tpu.memory_space<vmem_shared>> -> memref<10240x128xf32, #tpu.memory_space<vmem_shared>>
            tpu.wait_indirect_dma semaphore(%arg13 : memref<!tpu.dma_semaphore, #tpu.memory_space<semaphore_mem>>) src(%arg9 : memref<80x128xf32, #tpu.memory_space<vmem>>) dst(%dma_wait3A_226 : memref<10240x128xf32, #tpu.memory_space<vmem_shared>>)
          } else {
          }
          %dma_start3A_213 = arith.constant 2 : i32
          %dma_start3A_214 = arith.constant 0 : i32
          %dma_start3A_215 = tpu.memref_slice %arg7[%dma_start3A_213, %dma_start3A_214] : memref<3x80xi32, #tpu.memory_space<vmem>> -> memref<1x80xi32, #tpu.memory_space<vmem>>
          %dma_start3A_216 = tpu.memref_squeeze %dma_start3A_215 : memref<1x80xi32, #tpu.memory_space<vmem>> -> memref<80xi32, #tpu.memory_space<vmem>>
          %dma_start3A_217 = arith.constant 0 : i32
          %dma_start3A_218 = arith.constant 0 : i32
          %dma_start3A_219 = tpu.memref_slice %arg2[%dma_start3A_217, %dma_start3A_218] : memref<10240x128xf32, #tpu.memory_space<hbm>> -> memref<10240x128xf32, #tpu.memory_space<hbm>>
          tpu.enqueue_indirect_dma source(%dma_start3A_219 : memref<10240x128xf32, #tpu.memory_space<hbm>>) target(%arg9 : memref<80x128xf32, #tpu.memory_space<vmem>>) offsets(%dma_start3A_216 : memref<80xi32, #tpu.memory_space<vmem>>) semaphore(%arg11 : memref<!tpu.dma_semaphore, #tpu.memory_space<semaphore_mem>>)
        } else {
        }
        %dma_start3A_177 = arith.constant 1 : i32
        %dma_start3A_178 = arith.constant 0 : i32
        %dma_start3A_179 = tpu.memref_slice %arg8[%dma_start3A_177, %dma_start3A_178] : memref<3x80xi32, #tpu.memory_space<vmem>> -> memref<1x80xi32, #tpu.memory_space<vmem>>
        %dma_start3A_180 = tpu.memref_squeeze %dma_start3A_179 : memref<1x80xi32, #tpu.memory_space<vmem>> -> memref<80xi32, #tpu.memory_space<vmem>>
        %dma_start3A_181 = arith.constant 0 : i32
        %dma_start3A_182 = arith.constant 0 : i32
        %dma_start3A_183 = tpu.memref_slice %arg6[%dma_start3A_181, %dma_start3A_182] : memref<10240x128xf32, #tpu.memory_space<vmem_shared>> -> memref<10240x128xf32, #tpu.memory_space<vmem_shared>>
        tpu.enqueue_indirect_dma source(%arg10 : memref<80x128xf32, #tpu.memory_space<vmem>>) target(%dma_start3A_183 : memref<10240x128xf32, #tpu.memory_space<vmem_shared>>) offsets(%dma_start3A_180 : memref<80xi32, #tpu.memory_space<vmem>>) semaphore(%arg14 : memref<!tpu.dma_semaphore, #tpu.memory_space<semaphore_mem>>) {add = true}
        %lt3A_184 = arith.constant 4000 : i32
        %lt3A_185 = arith.cmpi slt, %add3A_171, %lt3A_184 : i32
        %convert_element_type3A_186 = arith.extui %lt3A_185 : i1 to i32
        %cond3A_187 = arith.constant 0 : i32
        %cond3A_188 = arith.cmpi ne, %convert_element_type3A_186, %cond3A_187 : i32
        scf.if %cond3A_188 {
          %mul3A_189 = arith.constant 80 : i32
          %mul3A_190 = arith.muli %add3A_171, %mul3A_189 : i32
          %dma_start3A_191 = arith.constant 0 : i32
          %dma_start3A_192 = arith.constant 0 : i32
          %dma_start3A_193 = tpu.memref_slice %arg7[%dma_start3A_191, %dma_start3A_192] : memref<3x80xi32, #tpu.memory_space<vmem>> -> memref<1x80xi32, #tpu.memory_space<vmem>>
          %dma_start3A_194 = tpu.memref_squeeze %dma_start3A_193 : memref<1x80xi32, #tpu.memory_space<vmem>> -> memref<80xi32, #tpu.memory_space<vmem>>
          %dma_start3A_195 = tpu.memref_slice %arg3[%mul3A_190] : memref<320000xi32, #tpu.memory_space<hbm>> -> memref<80xi32, #tpu.memory_space<hbm>>
          %dma_start3A_196 = arith.constant 0 : i32
          %dma_start3A_197 = tpu.memref_slice %arg7[%dma_start3A_191, %dma_start3A_196] : memref<3x80xi32, #tpu.memory_space<vmem>> -> memref<1x80xi32, #tpu.memory_space<vmem>>
          %dma_start3A_198 = tpu.memref_squeeze %dma_start3A_197 : memref<1x80xi32, #tpu.memory_space<vmem>> -> memref<80xi32, #tpu.memory_space<vmem>>
          %dma_start3A_199 = tpu.memref_slice %arg3[%mul3A_190] : memref<320000xi32, #tpu.memory_space<hbm>> -> memref<80xi32, #tpu.memory_space<hbm>>
          tpu.enqueue_dma source(%dma_start3A_199 : memref<80xi32, #tpu.memory_space<hbm>>) target(%dma_start3A_198 : memref<80xi32, #tpu.memory_space<vmem>>) target_semaphore(%arg15 : memref<!tpu.dma_semaphore, #tpu.memory_space<semaphore_mem>>)
          %dma_start3A_200 = arith.constant 0 : i32
          %dma_start3A_201 = arith.constant 0 : i32
          %dma_start3A_202 = tpu.memref_slice %arg8[%dma_start3A_200, %dma_start3A_201] : memref<3x80xi32, #tpu.memory_space<vmem>> -> memref<1x80xi32, #tpu.memory_space<vmem>>
          %dma_start3A_203 = tpu.memref_squeeze %dma_start3A_202 : memref<1x80xi32, #tpu.memory_space<vmem>> -> memref<80xi32, #tpu.memory_space<vmem>>
          %dma_start3A_204 = tpu.memref_slice %arg4[%mul3A_190] : memref<320000xi32, #tpu.memory_space<hbm>> -> memref<80xi32, #tpu.memory_space<hbm>>
          %dma_start3A_205 = arith.constant 0 : i32
          %dma_start3A_206 = tpu.memref_slice %arg8[%dma_start3A_200, %dma_start3A_205] : memref<3x80xi32, #tpu.memory_space<vmem>> -> memref<1x80xi32, #tpu.memory_space<vmem>>
          %dma_start3A_207 = tpu.memref_squeeze %dma_start3A_206 : memref<1x80xi32, #tpu.memory_space<vmem>> -> memref<80xi32, #tpu.memory_space<vmem>>
          %dma_start3A_208 = tpu.memref_slice %arg4[%mul3A_190] : memref<320000xi32, #tpu.memory_space<hbm>> -> memref<80xi32, #tpu.memory_space<hbm>>
          tpu.enqueue_dma source(%dma_start3A_208 : memref<80xi32, #tpu.memory_space<hbm>>) target(%dma_start3A_207 : memref<80xi32, #tpu.memory_space<vmem>>) target_semaphore(%arg15 : memref<!tpu.dma_semaphore, #tpu.memory_space<semaphore_mem>>)
        } else {
        }
      } else {
      }
      %add3A_121 = arith.constant 2 : i32
      %add3A_122 = arith.addi %add3A_103, %add3A_121 : i32
      %mul3A_123 = arith.constant 32 : i32
      %mul3A_124 = arith.muli %add3A_122, %mul3A_123 : i32
      %add3A_125 = arith.addi %add3A, %mul3A_124 : i32
      %lt3A_126 = arith.constant 4000 : i32
      %lt3A_127 = arith.cmpi slt, %add3A_125, %lt3A_126 : i32
      %convert_element_type3A_128 = arith.extui %lt3A_127 : i1 to i32
      %cond3A_129 = arith.constant 0 : i32
      %cond3A_130 = arith.cmpi ne, %convert_element_type3A_128, %cond3A_129 : i32
      scf.if %cond3A_130 {
        %dma_wait3A_161 = arith.constant 2 : i32
        %dma_wait3A_162 = arith.constant 0 : i32
        %dma_wait3A_163 = tpu.memref_slice %arg7[%dma_wait3A_161, %dma_wait3A_162] : memref<3x80xi32, #tpu.memory_space<vmem>> -> memref<1x80xi32, #tpu.memory_space<vmem>>
        %dma_wait3A_164 = tpu.memref_squeeze %dma_wait3A_163 : memref<1x80xi32, #tpu.memory_space<vmem>> -> memref<80xi32, #tpu.memory_space<vmem>>
        %dma_wait3A_165 = arith.constant 0 : i32
        %dma_wait3A_166 = arith.constant 0 : i32
        %dma_wait3A_167 = tpu.memref_slice %arg2[%dma_wait3A_165, %dma_wait3A_166] : memref<10240x128xf32, #tpu.memory_space<hbm>> -> memref<10240x128xf32, #tpu.memory_space<hbm>>
        tpu.wait_indirect_dma semaphore(%arg11 : memref<!tpu.dma_semaphore, #tpu.memory_space<semaphore_mem>>) src(%dma_wait3A_167 : memref<10240x128xf32, #tpu.memory_space<hbm>>) dst(%arg9 : memref<80x128xf32, #tpu.memory_space<vmem>>)
        %add3A_168 = arith.constant 32 : i32
        %add3A_169 = arith.addi %add3A_125, %add3A_168 : i32
        %add3A_170 = arith.constant 64 : i32
        %add3A_171 = arith.addi %add3A_125, %add3A_170 : i32
        %lt3A_172 = arith.constant 4000 : i32
        %lt3A_173 = arith.cmpi slt, %add3A_169, %lt3A_172 : i32
        %convert_element_type3A_174 = arith.extui %lt3A_173 : i1 to i32
        %cond3A_175 = arith.constant 0 : i32
        %cond3A_176 = arith.cmpi ne, %convert_element_type3A_174, %cond3A_175 : i32
        scf.if %cond3A_176 {
          %mul3A_189 = arith.constant 80 : i32
          %mul3A_190 = arith.muli %add3A_169, %mul3A_189 : i32
          %dma_wait3A_191 = arith.constant 0 : i32
          %dma_wait3A_192 = arith.constant 0 : i32
          %dma_wait3A_193 = tpu.memref_slice %arg7[%dma_wait3A_191, %dma_wait3A_192] : memref<3x80xi32, #tpu.memory_space<vmem>> -> memref<1x80xi32, #tpu.memory_space<vmem>>
          %dma_wait3A_194 = tpu.memref_squeeze %dma_wait3A_193 : memref<1x80xi32, #tpu.memory_space<vmem>> -> memref<80xi32, #tpu.memory_space<vmem>>
          %dma_wait3A_195 = tpu.memref_slice %arg3[%mul3A_190] : memref<320000xi32, #tpu.memory_space<hbm>> -> memref<80xi32, #tpu.memory_space<hbm>>
          %dma_wait3A_196 = arith.constant 0 : i32
          %dma_wait3A_197 = tpu.memref_slice %arg7[%dma_wait3A_191, %dma_wait3A_196] : memref<3x80xi32, #tpu.memory_space<vmem>> -> memref<1x80xi32, #tpu.memory_space<vmem>>
          %dma_wait3A_198 = tpu.memref_squeeze %dma_wait3A_197 : memref<1x80xi32, #tpu.memory_space<vmem>> -> memref<80xi32, #tpu.memory_space<vmem>>
          %dma_wait3A_199 = tpu.memref_slice %arg3[%mul3A_190] : memref<320000xi32, #tpu.memory_space<hbm>> -> memref<80xi32, #tpu.memory_space<hbm>>
          tpu.wait_dma2 semaphore(%arg15 : memref<!tpu.dma_semaphore, #tpu.memory_space<semaphore_mem>>) src(%dma_wait3A_199 : memref<80xi32, #tpu.memory_space<hbm>>) dst(%dma_wait3A_198 : memref<80xi32, #tpu.memory_space<vmem>>)
          %dma_wait3A_200 = arith.constant 0 : i32
          %dma_wait3A_201 = arith.constant 0 : i32
          %dma_wait3A_202 = tpu.memref_slice %arg8[%dma_wait3A_200, %dma_wait3A_201] : memref<3x80xi32, #tpu.memory_space<vmem>> -> memref<1x80xi32, #tpu.memory_space<vmem>>
          %dma_wait3A_203 = tpu.memref_squeeze %dma_wait3A_202 : memref<1x80xi32, #tpu.memory_space<vmem>> -> memref<80xi32, #tpu.memory_space<vmem>>
          %dma_wait3A_204 = tpu.memref_slice %arg4[%mul3A_190] : memref<320000xi32, #tpu.memory_space<hbm>> -> memref<80xi32, #tpu.memory_space<hbm>>
          %dma_wait3A_205 = arith.constant 0 : i32
          %dma_wait3A_206 = tpu.memref_slice %arg8[%dma_wait3A_200, %dma_wait3A_205] : memref<3x80xi32, #tpu.memory_space<vmem>> -> memref<1x80xi32, #tpu.memory_space<vmem>>
          %dma_wait3A_207 = tpu.memref_squeeze %dma_wait3A_206 : memref<1x80xi32, #tpu.memory_space<vmem>> -> memref<80xi32, #tpu.memory_space<vmem>>
          %dma_wait3A_208 = tpu.memref_slice %arg4[%mul3A_190] : memref<320000xi32, #tpu.memory_space<hbm>> -> memref<80xi32, #tpu.memory_space<hbm>>
          tpu.wait_dma2 semaphore(%arg15 : memref<!tpu.dma_semaphore, #tpu.memory_space<semaphore_mem>>) src(%dma_wait3A_208 : memref<80xi32, #tpu.memory_space<hbm>>) dst(%dma_wait3A_207 : memref<80xi32, #tpu.memory_space<vmem>>)
          %ge3A = arith.constant 32 : i32
          %ge3A_209 = arith.cmpi sge, %add3A_125, %ge3A : i32
          %convert_element_type3A_210 = arith.extui %ge3A_209 : i1 to i32
          %cond3A_211 = arith.constant 0 : i32
          %cond3A_212 = arith.cmpi ne, %convert_element_type3A_210, %cond3A_211 : i32
          scf.if %cond3A_212 {
            %dma_wait3A_220 = arith.constant 1 : i32
            %dma_wait3A_221 = arith.constant 0 : i32
            %dma_wait3A_222 = tpu.memref_slice %arg8[%dma_wait3A_220, %dma_wait3A_221] : memref<3x80xi32, #tpu.memory_space<vmem>> -> memref<1x80xi32, #tpu.memory_space<vmem>>
            %dma_wait3A_223 = tpu.memref_squeeze %dma_wait3A_222 : memref<1x80xi32, #tpu.memory_space<vmem>> -> memref<80xi32, #tpu.memory_space<vmem>>
            %dma_wait3A_224 = arith.constant 0 : i32
            %dma_wait3A_225 = arith.constant 0 : i32
            %dma_wait3A_226 = tpu.memref_slice %arg6[%dma_wait3A_224, %dma_wait3A_225] : memref<10240x128xf32, #tpu.memory_space<vmem_shared>> -> memref<10240x128xf32, #tpu.memory_space<vmem_shared>>
            tpu.wait_indirect_dma semaphore(%arg14 : memref<!tpu.dma_semaphore, #tpu.memory_space<semaphore_mem>>) src(%arg10 : memref<80x128xf32, #tpu.memory_space<vmem>>) dst(%dma_wait3A_226 : memref<10240x128xf32, #tpu.memory_space<vmem_shared>>)
          } else {
          }
          %dma_start3A_213 = arith.constant 0 : i32
          %dma_start3A_214 = arith.constant 0 : i32
          %dma_start3A_215 = tpu.memref_slice %arg7[%dma_start3A_213, %dma_start3A_214] : memref<3x80xi32, #tpu.memory_space<vmem>> -> memref<1x80xi32, #tpu.memory_space<vmem>>
          %dma_start3A_216 = tpu.memref_squeeze %dma_start3A_215 : memref<1x80xi32, #tpu.memory_space<vmem>> -> memref<80xi32, #tpu.memory_space<vmem>>
          %dma_start3A_217 = arith.constant 0 : i32
          %dma_start3A_218 = arith.constant 0 : i32
          %dma_start3A_219 = tpu.memref_slice %arg2[%dma_start3A_217, %dma_start3A_218] : memref<10240x128xf32, #tpu.memory_space<hbm>> -> memref<10240x128xf32, #tpu.memory_space<hbm>>
          tpu.enqueue_indirect_dma source(%dma_start3A_219 : memref<10240x128xf32, #tpu.memory_space<hbm>>) target(%arg10 : memref<80x128xf32, #tpu.memory_space<vmem>>) offsets(%dma_start3A_216 : memref<80xi32, #tpu.memory_space<vmem>>) semaphore(%arg12 : memref<!tpu.dma_semaphore, #tpu.memory_space<semaphore_mem>>)
        } else {
        }
        %dma_start3A_177 = arith.constant 2 : i32
        %dma_start3A_178 = arith.constant 0 : i32
        %dma_start3A_179 = tpu.memref_slice %arg8[%dma_start3A_177, %dma_start3A_178] : memref<3x80xi32, #tpu.memory_space<vmem>> -> memref<1x80xi32, #tpu.memory_space<vmem>>
        %dma_start3A_180 = tpu.memref_squeeze %dma_start3A_179 : memref<1x80xi32, #tpu.memory_space<vmem>> -> memref<80xi32, #tpu.memory_space<vmem>>
        %dma_start3A_181 = arith.constant 0 : i32
        %dma_start3A_182 = arith.constant 0 : i32
        %dma_start3A_183 = tpu.memref_slice %arg6[%dma_start3A_181, %dma_start3A_182] : memref<10240x128xf32, #tpu.memory_space<vmem_shared>> -> memref<10240x128xf32, #tpu.memory_space<vmem_shared>>
        tpu.enqueue_indirect_dma source(%arg9 : memref<80x128xf32, #tpu.memory_space<vmem>>) target(%dma_start3A_183 : memref<10240x128xf32, #tpu.memory_space<vmem_shared>>) offsets(%dma_start3A_180 : memref<80xi32, #tpu.memory_space<vmem>>) semaphore(%arg13 : memref<!tpu.dma_semaphore, #tpu.memory_space<semaphore_mem>>) {add = true}
        %lt3A_184 = arith.constant 4000 : i32
        %lt3A_185 = arith.cmpi slt, %add3A_171, %lt3A_184 : i32
        %convert_element_type3A_186 = arith.extui %lt3A_185 : i1 to i32
        %cond3A_187 = arith.constant 0 : i32
        %cond3A_188 = arith.cmpi ne, %convert_element_type3A_186, %cond3A_187 : i32
        scf.if %cond3A_188 {
          %mul3A_189 = arith.constant 80 : i32
          %mul3A_190 = arith.muli %add3A_171, %mul3A_189 : i32
          %dma_start3A_191 = arith.constant 1 : i32
          %dma_start3A_192 = arith.constant 0 : i32
          %dma_start3A_193 = tpu.memref_slice %arg7[%dma_start3A_191, %dma_start3A_192] : memref<3x80xi32, #tpu.memory_space<vmem>> -> memref<1x80xi32, #tpu.memory_space<vmem>>
          %dma_start3A_194 = tpu.memref_squeeze %dma_start3A_193 : memref<1x80xi32, #tpu.memory_space<vmem>> -> memref<80xi32, #tpu.memory_space<vmem>>
          %dma_start3A_195 = tpu.memref_slice %arg3[%mul3A_190] : memref<320000xi32, #tpu.memory_space<hbm>> -> memref<80xi32, #tpu.memory_space<hbm>>
          %dma_start3A_196 = arith.constant 0 : i32
          %dma_start3A_197 = tpu.memref_slice %arg7[%dma_start3A_191, %dma_start3A_196] : memref<3x80xi32, #tpu.memory_space<vmem>> -> memref<1x80xi32, #tpu.memory_space<vmem>>
          %dma_start3A_198 = tpu.memref_squeeze %dma_start3A_197 : memref<1x80xi32, #tpu.memory_space<vmem>> -> memref<80xi32, #tpu.memory_space<vmem>>
          %dma_start3A_199 = tpu.memref_slice %arg3[%mul3A_190] : memref<320000xi32, #tpu.memory_space<hbm>> -> memref<80xi32, #tpu.memory_space<hbm>>
          tpu.enqueue_dma source(%dma_start3A_199 : memref<80xi32, #tpu.memory_space<hbm>>) target(%dma_start3A_198 : memref<80xi32, #tpu.memory_space<vmem>>) target_semaphore(%arg16 : memref<!tpu.dma_semaphore, #tpu.memory_space<semaphore_mem>>)
          %dma_start3A_200 = arith.constant 1 : i32
          %dma_start3A_201 = arith.constant 0 : i32
          %dma_start3A_202 = tpu.memref_slice %arg8[%dma_start3A_200, %dma_start3A_201] : memref<3x80xi32, #tpu.memory_space<vmem>> -> memref<1x80xi32, #tpu.memory_space<vmem>>
          %dma_start3A_203 = tpu.memref_squeeze %dma_start3A_202 : memref<1x80xi32, #tpu.memory_space<vmem>> -> memref<80xi32, #tpu.memory_space<vmem>>
          %dma_start3A_204 = tpu.memref_slice %arg4[%mul3A_190] : memref<320000xi32, #tpu.memory_space<hbm>> -> memref<80xi32, #tpu.memory_space<hbm>>
          %dma_start3A_205 = arith.constant 0 : i32
          %dma_start3A_206 = tpu.memref_slice %arg8[%dma_start3A_200, %dma_start3A_205] : memref<3x80xi32, #tpu.memory_space<vmem>> -> memref<1x80xi32, #tpu.memory_space<vmem>>
          %dma_start3A_207 = tpu.memref_squeeze %dma_start3A_206 : memref<1x80xi32, #tpu.memory_space<vmem>> -> memref<80xi32, #tpu.memory_space<vmem>>
          %dma_start3A_208 = tpu.memref_slice %arg4[%mul3A_190] : memref<320000xi32, #tpu.memory_space<hbm>> -> memref<80xi32, #tpu.memory_space<hbm>>
          tpu.enqueue_dma source(%dma_start3A_208 : memref<80xi32, #tpu.memory_space<hbm>>) target(%dma_start3A_207 : memref<80xi32, #tpu.memory_space<vmem>>) target_semaphore(%arg16 : memref<!tpu.dma_semaphore, #tpu.memory_space<semaphore_mem>>)
        } else {
        }
      } else {
      }
      %add3A_131 = arith.constant 3 : i32
      %add3A_132 = arith.addi %add3A_103, %add3A_131 : i32
      %mul3A_133 = arith.constant 32 : i32
      %mul3A_134 = arith.muli %add3A_132, %mul3A_133 : i32
      %add3A_135 = arith.addi %add3A, %mul3A_134 : i32
      %lt3A_136 = arith.constant 4000 : i32
      %lt3A_137 = arith.cmpi slt, %add3A_135, %lt3A_136 : i32
      %convert_element_type3A_138 = arith.extui %lt3A_137 : i1 to i32
      %cond3A_139 = arith.constant 0 : i32
      %cond3A_140 = arith.cmpi ne, %convert_element_type3A_138, %cond3A_139 : i32
      scf.if %cond3A_140 {
        %dma_wait3A_161 = arith.constant 0 : i32
        %dma_wait3A_162 = arith.constant 0 : i32
        %dma_wait3A_163 = tpu.memref_slice %arg7[%dma_wait3A_161, %dma_wait3A_162] : memref<3x80xi32, #tpu.memory_space<vmem>> -> memref<1x80xi32, #tpu.memory_space<vmem>>
        %dma_wait3A_164 = tpu.memref_squeeze %dma_wait3A_163 : memref<1x80xi32, #tpu.memory_space<vmem>> -> memref<80xi32, #tpu.memory_space<vmem>>
        %dma_wait3A_165 = arith.constant 0 : i32
        %dma_wait3A_166 = arith.constant 0 : i32
        %dma_wait3A_167 = tpu.memref_slice %arg2[%dma_wait3A_165, %dma_wait3A_166] : memref<10240x128xf32, #tpu.memory_space<hbm>> -> memref<10240x128xf32, #tpu.memory_space<hbm>>
        tpu.wait_indirect_dma semaphore(%arg12 : memref<!tpu.dma_semaphore, #tpu.memory_space<semaphore_mem>>) src(%dma_wait3A_167 : memref<10240x128xf32, #tpu.memory_space<hbm>>) dst(%arg10 : memref<80x128xf32, #tpu.memory_space<vmem>>)
        %add3A_168 = arith.constant 32 : i32
        %add3A_169 = arith.addi %add3A_135, %add3A_168 : i32
        %add3A_170 = arith.constant 64 : i32
        %add3A_171 = arith.addi %add3A_135, %add3A_170 : i32
        %lt3A_172 = arith.constant 4000 : i32
        %lt3A_173 = arith.cmpi slt, %add3A_169, %lt3A_172 : i32
        %convert_element_type3A_174 = arith.extui %lt3A_173 : i1 to i32
        %cond3A_175 = arith.constant 0 : i32
        %cond3A_176 = arith.cmpi ne, %convert_element_type3A_174, %cond3A_175 : i32
        scf.if %cond3A_176 {
          %mul3A_189 = arith.constant 80 : i32
          %mul3A_190 = arith.muli %add3A_169, %mul3A_189 : i32
          %dma_wait3A_191 = arith.constant 1 : i32
          %dma_wait3A_192 = arith.constant 0 : i32
          %dma_wait3A_193 = tpu.memref_slice %arg7[%dma_wait3A_191, %dma_wait3A_192] : memref<3x80xi32, #tpu.memory_space<vmem>> -> memref<1x80xi32, #tpu.memory_space<vmem>>
          %dma_wait3A_194 = tpu.memref_squeeze %dma_wait3A_193 : memref<1x80xi32, #tpu.memory_space<vmem>> -> memref<80xi32, #tpu.memory_space<vmem>>
          %dma_wait3A_195 = tpu.memref_slice %arg3[%mul3A_190] : memref<320000xi32, #tpu.memory_space<hbm>> -> memref<80xi32, #tpu.memory_space<hbm>>
          %dma_wait3A_196 = arith.constant 0 : i32
          %dma_wait3A_197 = tpu.memref_slice %arg7[%dma_wait3A_191, %dma_wait3A_196] : memref<3x80xi32, #tpu.memory_space<vmem>> -> memref<1x80xi32, #tpu.memory_space<vmem>>
          %dma_wait3A_198 = tpu.memref_squeeze %dma_wait3A_197 : memref<1x80xi32, #tpu.memory_space<vmem>> -> memref<80xi32, #tpu.memory_space<vmem>>
          %dma_wait3A_199 = tpu.memref_slice %arg3[%mul3A_190] : memref<320000xi32, #tpu.memory_space<hbm>> -> memref<80xi32, #tpu.memory_space<hbm>>
          tpu.wait_dma2 semaphore(%arg16 : memref<!tpu.dma_semaphore, #tpu.memory_space<semaphore_mem>>) src(%dma_wait3A_199 : memref<80xi32, #tpu.memory_space<hbm>>) dst(%dma_wait3A_198 : memref<80xi32, #tpu.memory_space<vmem>>)
          %dma_wait3A_200 = arith.constant 1 : i32
          %dma_wait3A_201 = arith.constant 0 : i32
          %dma_wait3A_202 = tpu.memref_slice %arg8[%dma_wait3A_200, %dma_wait3A_201] : memref<3x80xi32, #tpu.memory_space<vmem>> -> memref<1x80xi32, #tpu.memory_space<vmem>>
          %dma_wait3A_203 = tpu.memref_squeeze %dma_wait3A_202 : memref<1x80xi32, #tpu.memory_space<vmem>> -> memref<80xi32, #tpu.memory_space<vmem>>
          %dma_wait3A_204 = tpu.memref_slice %arg4[%mul3A_190] : memref<320000xi32, #tpu.memory_space<hbm>> -> memref<80xi32, #tpu.memory_space<hbm>>
          %dma_wait3A_205 = arith.constant 0 : i32
          %dma_wait3A_206 = tpu.memref_slice %arg8[%dma_wait3A_200, %dma_wait3A_205] : memref<3x80xi32, #tpu.memory_space<vmem>> -> memref<1x80xi32, #tpu.memory_space<vmem>>
          %dma_wait3A_207 = tpu.memref_squeeze %dma_wait3A_206 : memref<1x80xi32, #tpu.memory_space<vmem>> -> memref<80xi32, #tpu.memory_space<vmem>>
          %dma_wait3A_208 = tpu.memref_slice %arg4[%mul3A_190] : memref<320000xi32, #tpu.memory_space<hbm>> -> memref<80xi32, #tpu.memory_space<hbm>>
          tpu.wait_dma2 semaphore(%arg16 : memref<!tpu.dma_semaphore, #tpu.memory_space<semaphore_mem>>) src(%dma_wait3A_208 : memref<80xi32, #tpu.memory_space<hbm>>) dst(%dma_wait3A_207 : memref<80xi32, #tpu.memory_space<vmem>>)
          %ge3A = arith.constant 32 : i32
          %ge3A_209 = arith.cmpi sge, %add3A_135, %ge3A : i32
          %convert_element_type3A_210 = arith.extui %ge3A_209 : i1 to i32
          %cond3A_211 = arith.constant 0 : i32
          %cond3A_212 = arith.cmpi ne, %convert_element_type3A_210, %cond3A_211 : i32
          scf.if %cond3A_212 {
            %dma_wait3A_220 = arith.constant 2 : i32
            %dma_wait3A_221 = arith.constant 0 : i32
            %dma_wait3A_222 = tpu.memref_slice %arg8[%dma_wait3A_220, %dma_wait3A_221] : memref<3x80xi32, #tpu.memory_space<vmem>> -> memref<1x80xi32, #tpu.memory_space<vmem>>
            %dma_wait3A_223 = tpu.memref_squeeze %dma_wait3A_222 : memref<1x80xi32, #tpu.memory_space<vmem>> -> memref<80xi32, #tpu.memory_space<vmem>>
            %dma_wait3A_224 = arith.constant 0 : i32
            %dma_wait3A_225 = arith.constant 0 : i32
            %dma_wait3A_226 = tpu.memref_slice %arg6[%dma_wait3A_224, %dma_wait3A_225] : memref<10240x128xf32, #tpu.memory_space<vmem_shared>> -> memref<10240x128xf32, #tpu.memory_space<vmem_shared>>
            tpu.wait_indirect_dma semaphore(%arg13 : memref<!tpu.dma_semaphore, #tpu.memory_space<semaphore_mem>>) src(%arg9 : memref<80x128xf32, #tpu.memory_space<vmem>>) dst(%dma_wait3A_226 : memref<10240x128xf32, #tpu.memory_space<vmem_shared>>)
          } else {
          }
          %dma_start3A_213 = arith.constant 1 : i32
          %dma_start3A_214 = arith.constant 0 : i32
          %dma_start3A_215 = tpu.memref_slice %arg7[%dma_start3A_213, %dma_start3A_214] : memref<3x80xi32, #tpu.memory_space<vmem>> -> memref<1x80xi32, #tpu.memory_space<vmem>>
          %dma_start3A_216 = tpu.memref_squeeze %dma_start3A_215 : memref<1x80xi32, #tpu.memory_space<vmem>> -> memref<80xi32, #tpu.memory_space<vmem>>
          %dma_start3A_217 = arith.constant 0 : i32
          %dma_start3A_218 = arith.constant 0 : i32
          %dma_start3A_219 = tpu.memref_slice %arg2[%dma_start3A_217, %dma_start3A_218] : memref<10240x128xf32, #tpu.memory_space<hbm>> -> memref<10240x128xf32, #tpu.memory_space<hbm>>
          tpu.enqueue_indirect_dma source(%dma_start3A_219 : memref<10240x128xf32, #tpu.memory_space<hbm>>) target(%arg9 : memref<80x128xf32, #tpu.memory_space<vmem>>) offsets(%dma_start3A_216 : memref<80xi32, #tpu.memory_space<vmem>>) semaphore(%arg11 : memref<!tpu.dma_semaphore, #tpu.memory_space<semaphore_mem>>)
        } else {
        }
        %dma_start3A_177 = arith.constant 0 : i32
        %dma_start3A_178 = arith.constant 0 : i32
        %dma_start3A_179 = tpu.memref_slice %arg8[%dma_start3A_177, %dma_start3A_178] : memref<3x80xi32, #tpu.memory_space<vmem>> -> memref<1x80xi32, #tpu.memory_space<vmem>>
        %dma_start3A_180 = tpu.memref_squeeze %dma_start3A_179 : memref<1x80xi32, #tpu.memory_space<vmem>> -> memref<80xi32, #tpu.memory_space<vmem>>
        %dma_start3A_181 = arith.constant 0 : i32
        %dma_start3A_182 = arith.constant 0 : i32
        %dma_start3A_183 = tpu.memref_slice %arg6[%dma_start3A_181, %dma_start3A_182] : memref<10240x128xf32, #tpu.memory_space<vmem_shared>> -> memref<10240x128xf32, #tpu.memory_space<vmem_shared>>
        tpu.enqueue_indirect_dma source(%arg10 : memref<80x128xf32, #tpu.memory_space<vmem>>) target(%dma_start3A_183 : memref<10240x128xf32, #tpu.memory_space<vmem_shared>>) offsets(%dma_start3A_180 : memref<80xi32, #tpu.memory_space<vmem>>) semaphore(%arg14 : memref<!tpu.dma_semaphore, #tpu.memory_space<semaphore_mem>>) {add = true}
        %lt3A_184 = arith.constant 4000 : i32
        %lt3A_185 = arith.cmpi slt, %add3A_171, %lt3A_184 : i32
        %convert_element_type3A_186 = arith.extui %lt3A_185 : i1 to i32
        %cond3A_187 = arith.constant 0 : i32
        %cond3A_188 = arith.cmpi ne, %convert_element_type3A_186, %cond3A_187 : i32
        scf.if %cond3A_188 {
          %mul3A_189 = arith.constant 80 : i32
          %mul3A_190 = arith.muli %add3A_171, %mul3A_189 : i32
          %dma_start3A_191 = arith.constant 2 : i32
          %dma_start3A_192 = arith.constant 0 : i32
          %dma_start3A_193 = tpu.memref_slice %arg7[%dma_start3A_191, %dma_start3A_192] : memref<3x80xi32, #tpu.memory_space<vmem>> -> memref<1x80xi32, #tpu.memory_space<vmem>>
          %dma_start3A_194 = tpu.memref_squeeze %dma_start3A_193 : memref<1x80xi32, #tpu.memory_space<vmem>> -> memref<80xi32, #tpu.memory_space<vmem>>
          %dma_start3A_195 = tpu.memref_slice %arg3[%mul3A_190] : memref<320000xi32, #tpu.memory_space<hbm>> -> memref<80xi32, #tpu.memory_space<hbm>>
          %dma_start3A_196 = arith.constant 0 : i32
          %dma_start3A_197 = tpu.memref_slice %arg7[%dma_start3A_191, %dma_start3A_196] : memref<3x80xi32, #tpu.memory_space<vmem>> -> memref<1x80xi32, #tpu.memory_space<vmem>>
          %dma_start3A_198 = tpu.memref_squeeze %dma_start3A_197 : memref<1x80xi32, #tpu.memory_space<vmem>> -> memref<80xi32, #tpu.memory_space<vmem>>
          %dma_start3A_199 = tpu.memref_slice %arg3[%mul3A_190] : memref<320000xi32, #tpu.memory_space<hbm>> -> memref<80xi32, #tpu.memory_space<hbm>>
          tpu.enqueue_dma source(%dma_start3A_199 : memref<80xi32, #tpu.memory_space<hbm>>) target(%dma_start3A_198 : memref<80xi32, #tpu.memory_space<vmem>>) target_semaphore(%arg17 : memref<!tpu.dma_semaphore, #tpu.memory_space<semaphore_mem>>)
          %dma_start3A_200 = arith.constant 2 : i32
          %dma_start3A_201 = arith.constant 0 : i32
          %dma_start3A_202 = tpu.memref_slice %arg8[%dma_start3A_200, %dma_start3A_201] : memref<3x80xi32, #tpu.memory_space<vmem>> -> memref<1x80xi32, #tpu.memory_space<vmem>>
          %dma_start3A_203 = tpu.memref_squeeze %dma_start3A_202 : memref<1x80xi32, #tpu.memory_space<vmem>> -> memref<80xi32, #tpu.memory_space<vmem>>
          %dma_start3A_204 = tpu.memref_slice %arg4[%mul3A_190] : memref<320000xi32, #tpu.memory_space<hbm>> -> memref<80xi32, #tpu.memory_space<hbm>>
          %dma_start3A_205 = arith.constant 0 : i32
          %dma_start3A_206 = tpu.memref_slice %arg8[%dma_start3A_200, %dma_start3A_205] : memref<3x80xi32, #tpu.memory_space<vmem>> -> memref<1x80xi32, #tpu.memory_space<vmem>>
          %dma_start3A_207 = tpu.memref_squeeze %dma_start3A_206 : memref<1x80xi32, #tpu.memory_space<vmem>> -> memref<80xi32, #tpu.memory_space<vmem>>
          %dma_start3A_208 = tpu.memref_slice %arg4[%mul3A_190] : memref<320000xi32, #tpu.memory_space<hbm>> -> memref<80xi32, #tpu.memory_space<hbm>>
          tpu.enqueue_dma source(%dma_start3A_208 : memref<80xi32, #tpu.memory_space<hbm>>) target(%dma_start3A_207 : memref<80xi32, #tpu.memory_space<vmem>>) target_semaphore(%arg17 : memref<!tpu.dma_semaphore, #tpu.memory_space<semaphore_mem>>)
        } else {
        }
      } else {
      }
      %add3A_141 = arith.constant 4 : i32
      %add3A_142 = arith.addi %add3A_103, %add3A_141 : i32
      %mul3A_143 = arith.constant 32 : i32
      %mul3A_144 = arith.muli %add3A_142, %mul3A_143 : i32
      %add3A_145 = arith.addi %add3A, %mul3A_144 : i32
      %lt3A_146 = arith.constant 4000 : i32
      %lt3A_147 = arith.cmpi slt, %add3A_145, %lt3A_146 : i32
      %convert_element_type3A_148 = arith.extui %lt3A_147 : i1 to i32
      %cond3A_149 = arith.constant 0 : i32
      %cond3A_150 = arith.cmpi ne, %convert_element_type3A_148, %cond3A_149 : i32
      scf.if %cond3A_150 {
        %dma_wait3A_161 = arith.constant 1 : i32
        %dma_wait3A_162 = arith.constant 0 : i32
        %dma_wait3A_163 = tpu.memref_slice %arg7[%dma_wait3A_161, %dma_wait3A_162] : memref<3x80xi32, #tpu.memory_space<vmem>> -> memref<1x80xi32, #tpu.memory_space<vmem>>
        %dma_wait3A_164 = tpu.memref_squeeze %dma_wait3A_163 : memref<1x80xi32, #tpu.memory_space<vmem>> -> memref<80xi32, #tpu.memory_space<vmem>>
        %dma_wait3A_165 = arith.constant 0 : i32
        %dma_wait3A_166 = arith.constant 0 : i32
        %dma_wait3A_167 = tpu.memref_slice %arg2[%dma_wait3A_165, %dma_wait3A_166] : memref<10240x128xf32, #tpu.memory_space<hbm>> -> memref<10240x128xf32, #tpu.memory_space<hbm>>
        tpu.wait_indirect_dma semaphore(%arg11 : memref<!tpu.dma_semaphore, #tpu.memory_space<semaphore_mem>>) src(%dma_wait3A_167 : memref<10240x128xf32, #tpu.memory_space<hbm>>) dst(%arg9 : memref<80x128xf32, #tpu.memory_space<vmem>>)
        %add3A_168 = arith.constant 32 : i32
        %add3A_169 = arith.addi %add3A_145, %add3A_168 : i32
        %add3A_170 = arith.constant 64 : i32
        %add3A_171 = arith.addi %add3A_145, %add3A_170 : i32
        %lt3A_172 = arith.constant 4000 : i32
        %lt3A_173 = arith.cmpi slt, %add3A_169, %lt3A_172 : i32
        %convert_element_type3A_174 = arith.extui %lt3A_173 : i1 to i32
        %cond3A_175 = arith.constant 0 : i32
        %cond3A_176 = arith.cmpi ne, %convert_element_type3A_174, %cond3A_175 : i32
        scf.if %cond3A_176 {
          %mul3A_189 = arith.constant 80 : i32
          %mul3A_190 = arith.muli %add3A_169, %mul3A_189 : i32
          %dma_wait3A_191 = arith.constant 2 : i32
          %dma_wait3A_192 = arith.constant 0 : i32
          %dma_wait3A_193 = tpu.memref_slice %arg7[%dma_wait3A_191, %dma_wait3A_192] : memref<3x80xi32, #tpu.memory_space<vmem>> -> memref<1x80xi32, #tpu.memory_space<vmem>>
          %dma_wait3A_194 = tpu.memref_squeeze %dma_wait3A_193 : memref<1x80xi32, #tpu.memory_space<vmem>> -> memref<80xi32, #tpu.memory_space<vmem>>
          %dma_wait3A_195 = tpu.memref_slice %arg3[%mul3A_190] : memref<320000xi32, #tpu.memory_space<hbm>> -> memref<80xi32, #tpu.memory_space<hbm>>
          %dma_wait3A_196 = arith.constant 0 : i32
          %dma_wait3A_197 = tpu.memref_slice %arg7[%dma_wait3A_191, %dma_wait3A_196] : memref<3x80xi32, #tpu.memory_space<vmem>> -> memref<1x80xi32, #tpu.memory_space<vmem>>
          %dma_wait3A_198 = tpu.memref_squeeze %dma_wait3A_197 : memref<1x80xi32, #tpu.memory_space<vmem>> -> memref<80xi32, #tpu.memory_space<vmem>>
          %dma_wait3A_199 = tpu.memref_slice %arg3[%mul3A_190] : memref<320000xi32, #tpu.memory_space<hbm>> -> memref<80xi32, #tpu.memory_space<hbm>>
          tpu.wait_dma2 semaphore(%arg17 : memref<!tpu.dma_semaphore, #tpu.memory_space<semaphore_mem>>) src(%dma_wait3A_199 : memref<80xi32, #tpu.memory_space<hbm>>) dst(%dma_wait3A_198 : memref<80xi32, #tpu.memory_space<vmem>>)
          %dma_wait3A_200 = arith.constant 2 : i32
          %dma_wait3A_201 = arith.constant 0 : i32
          %dma_wait3A_202 = tpu.memref_slice %arg8[%dma_wait3A_200, %dma_wait3A_201] : memref<3x80xi32, #tpu.memory_space<vmem>> -> memref<1x80xi32, #tpu.memory_space<vmem>>
          %dma_wait3A_203 = tpu.memref_squeeze %dma_wait3A_202 : memref<1x80xi32, #tpu.memory_space<vmem>> -> memref<80xi32, #tpu.memory_space<vmem>>
          %dma_wait3A_204 = tpu.memref_slice %arg4[%mul3A_190] : memref<320000xi32, #tpu.memory_space<hbm>> -> memref<80xi32, #tpu.memory_space<hbm>>
          %dma_wait3A_205 = arith.constant 0 : i32
          %dma_wait3A_206 = tpu.memref_slice %arg8[%dma_wait3A_200, %dma_wait3A_205] : memref<3x80xi32, #tpu.memory_space<vmem>> -> memref<1x80xi32, #tpu.memory_space<vmem>>
          %dma_wait3A_207 = tpu.memref_squeeze %dma_wait3A_206 : memref<1x80xi32, #tpu.memory_space<vmem>> -> memref<80xi32, #tpu.memory_space<vmem>>
          %dma_wait3A_208 = tpu.memref_slice %arg4[%mul3A_190] : memref<320000xi32, #tpu.memory_space<hbm>> -> memref<80xi32, #tpu.memory_space<hbm>>
          tpu.wait_dma2 semaphore(%arg17 : memref<!tpu.dma_semaphore, #tpu.memory_space<semaphore_mem>>) src(%dma_wait3A_208 : memref<80xi32, #tpu.memory_space<hbm>>) dst(%dma_wait3A_207 : memref<80xi32, #tpu.memory_space<vmem>>)
          %ge3A = arith.constant 32 : i32
          %ge3A_209 = arith.cmpi sge, %add3A_145, %ge3A : i32
          %convert_element_type3A_210 = arith.extui %ge3A_209 : i1 to i32
          %cond3A_211 = arith.constant 0 : i32
          %cond3A_212 = arith.cmpi ne, %convert_element_type3A_210, %cond3A_211 : i32
          scf.if %cond3A_212 {
            %dma_wait3A_220 = arith.constant 0 : i32
            %dma_wait3A_221 = arith.constant 0 : i32
            %dma_wait3A_222 = tpu.memref_slice %arg8[%dma_wait3A_220, %dma_wait3A_221] : memref<3x80xi32, #tpu.memory_space<vmem>> -> memref<1x80xi32, #tpu.memory_space<vmem>>
            %dma_wait3A_223 = tpu.memref_squeeze %dma_wait3A_222 : memref<1x80xi32, #tpu.memory_space<vmem>> -> memref<80xi32, #tpu.memory_space<vmem>>
            %dma_wait3A_224 = arith.constant 0 : i32
            %dma_wait3A_225 = arith.constant 0 : i32
            %dma_wait3A_226 = tpu.memref_slice %arg6[%dma_wait3A_224, %dma_wait3A_225] : memref<10240x128xf32, #tpu.memory_space<vmem_shared>> -> memref<10240x128xf32, #tpu.memory_space<vmem_shared>>
            tpu.wait_indirect_dma semaphore(%arg14 : memref<!tpu.dma_semaphore, #tpu.memory_space<semaphore_mem>>) src(%arg10 : memref<80x128xf32, #tpu.memory_space<vmem>>) dst(%dma_wait3A_226 : memref<10240x128xf32, #tpu.memory_space<vmem_shared>>)
          } else {
          }
          %dma_start3A_213 = arith.constant 2 : i32
          %dma_start3A_214 = arith.constant 0 : i32
          %dma_start3A_215 = tpu.memref_slice %arg7[%dma_start3A_213, %dma_start3A_214] : memref<3x80xi32, #tpu.memory_space<vmem>> -> memref<1x80xi32, #tpu.memory_space<vmem>>
          %dma_start3A_216 = tpu.memref_squeeze %dma_start3A_215 : memref<1x80xi32, #tpu.memory_space<vmem>> -> memref<80xi32, #tpu.memory_space<vmem>>
          %dma_start3A_217 = arith.constant 0 : i32
          %dma_start3A_218 = arith.constant 0 : i32
          %dma_start3A_219 = tpu.memref_slice %arg2[%dma_start3A_217, %dma_start3A_218] : memref<10240x128xf32, #tpu.memory_space<hbm>> -> memref<10240x128xf32, #tpu.memory_space<hbm>>
          tpu.enqueue_indirect_dma source(%dma_start3A_219 : memref<10240x128xf32, #tpu.memory_space<hbm>>) target(%arg10 : memref<80x128xf32, #tpu.memory_space<vmem>>) offsets(%dma_start3A_216 : memref<80xi32, #tpu.memory_space<vmem>>) semaphore(%arg12 : memref<!tpu.dma_semaphore, #tpu.memory_space<semaphore_mem>>)
        } else {
        }
        %dma_start3A_177 = arith.constant 1 : i32
        %dma_start3A_178 = arith.constant 0 : i32
        %dma_start3A_179 = tpu.memref_slice %arg8[%dma_start3A_177, %dma_start3A_178] : memref<3x80xi32, #tpu.memory_space<vmem>> -> memref<1x80xi32, #tpu.memory_space<vmem>>
        %dma_start3A_180 = tpu.memref_squeeze %dma_start3A_179 : memref<1x80xi32, #tpu.memory_space<vmem>> -> memref<80xi32, #tpu.memory_space<vmem>>
        %dma_start3A_181 = arith.constant 0 : i32
        %dma_start3A_182 = arith.constant 0 : i32
        %dma_start3A_183 = tpu.memref_slice %arg6[%dma_start3A_181, %dma_start3A_182] : memref<10240x128xf32, #tpu.memory_space<vmem_shared>> -> memref<10240x128xf32, #tpu.memory_space<vmem_shared>>
        tpu.enqueue_indirect_dma source(%arg9 : memref<80x128xf32, #tpu.memory_space<vmem>>) target(%dma_start3A_183 : memref<10240x128xf32, #tpu.memory_space<vmem_shared>>) offsets(%dma_start3A_180 : memref<80xi32, #tpu.memory_space<vmem>>) semaphore(%arg13 : memref<!tpu.dma_semaphore, #tpu.memory_space<semaphore_mem>>) {add = true}
        %lt3A_184 = arith.constant 4000 : i32
        %lt3A_185 = arith.cmpi slt, %add3A_171, %lt3A_184 : i32
        %convert_element_type3A_186 = arith.extui %lt3A_185 : i1 to i32
        %cond3A_187 = arith.constant 0 : i32
        %cond3A_188 = arith.cmpi ne, %convert_element_type3A_186, %cond3A_187 : i32
        scf.if %cond3A_188 {
          %mul3A_189 = arith.constant 80 : i32
          %mul3A_190 = arith.muli %add3A_171, %mul3A_189 : i32
          %dma_start3A_191 = arith.constant 0 : i32
          %dma_start3A_192 = arith.constant 0 : i32
          %dma_start3A_193 = tpu.memref_slice %arg7[%dma_start3A_191, %dma_start3A_192] : memref<3x80xi32, #tpu.memory_space<vmem>> -> memref<1x80xi32, #tpu.memory_space<vmem>>
          %dma_start3A_194 = tpu.memref_squeeze %dma_start3A_193 : memref<1x80xi32, #tpu.memory_space<vmem>> -> memref<80xi32, #tpu.memory_space<vmem>>
          %dma_start3A_195 = tpu.memref_slice %arg3[%mul3A_190] : memref<320000xi32, #tpu.memory_space<hbm>> -> memref<80xi32, #tpu.memory_space<hbm>>
          %dma_start3A_196 = arith.constant 0 : i32
          %dma_start3A_197 = tpu.memref_slice %arg7[%dma_start3A_191, %dma_start3A_196] : memref<3x80xi32, #tpu.memory_space<vmem>> -> memref<1x80xi32, #tpu.memory_space<vmem>>
          %dma_start3A_198 = tpu.memref_squeeze %dma_start3A_197 : memref<1x80xi32, #tpu.memory_space<vmem>> -> memref<80xi32, #tpu.memory_space<vmem>>
          %dma_start3A_199 = tpu.memref_slice %arg3[%mul3A_190] : memref<320000xi32, #tpu.memory_space<hbm>> -> memref<80xi32, #tpu.memory_space<hbm>>
          tpu.enqueue_dma source(%dma_start3A_199 : memref<80xi32, #tpu.memory_space<hbm>>) target(%dma_start3A_198 : memref<80xi32, #tpu.memory_space<vmem>>) target_semaphore(%arg15 : memref<!tpu.dma_semaphore, #tpu.memory_space<semaphore_mem>>)
          %dma_start3A_200 = arith.constant 0 : i32
          %dma_start3A_201 = arith.constant 0 : i32
          %dma_start3A_202 = tpu.memref_slice %arg8[%dma_start3A_200, %dma_start3A_201] : memref<3x80xi32, #tpu.memory_space<vmem>> -> memref<1x80xi32, #tpu.memory_space<vmem>>
          %dma_start3A_203 = tpu.memref_squeeze %dma_start3A_202 : memref<1x80xi32, #tpu.memory_space<vmem>> -> memref<80xi32, #tpu.memory_space<vmem>>
          %dma_start3A_204 = tpu.memref_slice %arg4[%mul3A_190] : memref<320000xi32, #tpu.memory_space<hbm>> -> memref<80xi32, #tpu.memory_space<hbm>>
          %dma_start3A_205 = arith.constant 0 : i32
          %dma_start3A_206 = tpu.memref_slice %arg8[%dma_start3A_200, %dma_start3A_205] : memref<3x80xi32, #tpu.memory_space<vmem>> -> memref<1x80xi32, #tpu.memory_space<vmem>>
          %dma_start3A_207 = tpu.memref_squeeze %dma_start3A_206 : memref<1x80xi32, #tpu.memory_space<vmem>> -> memref<80xi32, #tpu.memory_space<vmem>>
          %dma_start3A_208 = tpu.memref_slice %arg4[%mul3A_190] : memref<320000xi32, #tpu.memory_space<hbm>> -> memref<80xi32, #tpu.memory_space<hbm>>
          tpu.enqueue_dma source(%dma_start3A_208 : memref<80xi32, #tpu.memory_space<hbm>>) target(%dma_start3A_207 : memref<80xi32, #tpu.memory_space<vmem>>) target_semaphore(%arg15 : memref<!tpu.dma_semaphore, #tpu.memory_space<semaphore_mem>>)
        } else {
        }
      } else {
      }
      %add3A_151 = arith.constant 5 : i32
      %add3A_152 = arith.addi %add3A_103, %add3A_151 : i32
      %mul3A_153 = arith.constant 32 : i32
      %mul3A_154 = arith.muli %add3A_152, %mul3A_153 : i32
      %add3A_155 = arith.addi %add3A, %mul3A_154 : i32
      %lt3A_156 = arith.constant 4000 : i32
      %lt3A_157 = arith.cmpi slt, %add3A_155, %lt3A_156 : i32
      %convert_element_type3A_158 = arith.extui %lt3A_157 : i1 to i32
      %cond3A_159 = arith.constant 0 : i32
      %cond3A_160 = arith.cmpi ne, %convert_element_type3A_158, %cond3A_159 : i32
      scf.if %cond3A_160 {
        %dma_wait3A_161 = arith.constant 2 : i32
        %dma_wait3A_162 = arith.constant 0 : i32
        %dma_wait3A_163 = tpu.memref_slice %arg7[%dma_wait3A_161, %dma_wait3A_162] : memref<3x80xi32, #tpu.memory_space<vmem>> -> memref<1x80xi32, #tpu.memory_space<vmem>>
        %dma_wait3A_164 = tpu.memref_squeeze %dma_wait3A_163 : memref<1x80xi32, #tpu.memory_space<vmem>> -> memref<80xi32, #tpu.memory_space<vmem>>
        %dma_wait3A_165 = arith.constant 0 : i32
        %dma_wait3A_166 = arith.constant 0 : i32
        %dma_wait3A_167 = tpu.memref_slice %arg2[%dma_wait3A_165, %dma_wait3A_166] : memref<10240x128xf32, #tpu.memory_space<hbm>> -> memref<10240x128xf32, #tpu.memory_space<hbm>>
        tpu.wait_indirect_dma semaphore(%arg12 : memref<!tpu.dma_semaphore, #tpu.memory_space<semaphore_mem>>) src(%dma_wait3A_167 : memref<10240x128xf32, #tpu.memory_space<hbm>>) dst(%arg10 : memref<80x128xf32, #tpu.memory_space<vmem>>)
        %add3A_168 = arith.constant 32 : i32
        %add3A_169 = arith.addi %add3A_155, %add3A_168 : i32
        %add3A_170 = arith.constant 64 : i32
        %add3A_171 = arith.addi %add3A_155, %add3A_170 : i32
        %lt3A_172 = arith.constant 4000 : i32
        %lt3A_173 = arith.cmpi slt, %add3A_169, %lt3A_172 : i32
        %convert_element_type3A_174 = arith.extui %lt3A_173 : i1 to i32
        %cond3A_175 = arith.constant 0 : i32
        %cond3A_176 = arith.cmpi ne, %convert_element_type3A_174, %cond3A_175 : i32
        scf.if %cond3A_176 {
          %mul3A_189 = arith.constant 80 : i32
          %mul3A_190 = arith.muli %add3A_169, %mul3A_189 : i32
          %dma_wait3A_191 = arith.constant 0 : i32
          %dma_wait3A_192 = arith.constant 0 : i32
          %dma_wait3A_193 = tpu.memref_slice %arg7[%dma_wait3A_191, %dma_wait3A_192] : memref<3x80xi32, #tpu.memory_space<vmem>> -> memref<1x80xi32, #tpu.memory_space<vmem>>
          %dma_wait3A_194 = tpu.memref_squeeze %dma_wait3A_193 : memref<1x80xi32, #tpu.memory_space<vmem>> -> memref<80xi32, #tpu.memory_space<vmem>>
          %dma_wait3A_195 = tpu.memref_slice %arg3[%mul3A_190] : memref<320000xi32, #tpu.memory_space<hbm>> -> memref<80xi32, #tpu.memory_space<hbm>>
          %dma_wait3A_196 = arith.constant 0 : i32
          %dma_wait3A_197 = tpu.memref_slice %arg7[%dma_wait3A_191, %dma_wait3A_196] : memref<3x80xi32, #tpu.memory_space<vmem>> -> memref<1x80xi32, #tpu.memory_space<vmem>>
          %dma_wait3A_198 = tpu.memref_squeeze %dma_wait3A_197 : memref<1x80xi32, #tpu.memory_space<vmem>> -> memref<80xi32, #tpu.memory_space<vmem>>
          %dma_wait3A_199 = tpu.memref_slice %arg3[%mul3A_190] : memref<320000xi32, #tpu.memory_space<hbm>> -> memref<80xi32, #tpu.memory_space<hbm>>
          tpu.wait_dma2 semaphore(%arg15 : memref<!tpu.dma_semaphore, #tpu.memory_space<semaphore_mem>>) src(%dma_wait3A_199 : memref<80xi32, #tpu.memory_space<hbm>>) dst(%dma_wait3A_198 : memref<80xi32, #tpu.memory_space<vmem>>)
          %dma_wait3A_200 = arith.constant 0 : i32
          %dma_wait3A_201 = arith.constant 0 : i32
          %dma_wait3A_202 = tpu.memref_slice %arg8[%dma_wait3A_200, %dma_wait3A_201] : memref<3x80xi32, #tpu.memory_space<vmem>> -> memref<1x80xi32, #tpu.memory_space<vmem>>
          %dma_wait3A_203 = tpu.memref_squeeze %dma_wait3A_202 : memref<1x80xi32, #tpu.memory_space<vmem>> -> memref<80xi32, #tpu.memory_space<vmem>>
          %dma_wait3A_204 = tpu.memref_slice %arg4[%mul3A_190] : memref<320000xi32, #tpu.memory_space<hbm>> -> memref<80xi32, #tpu.memory_space<hbm>>
          %dma_wait3A_205 = arith.constant 0 : i32
          %dma_wait3A_206 = tpu.memref_slice %arg8[%dma_wait3A_200, %dma_wait3A_205] : memref<3x80xi32, #tpu.memory_space<vmem>> -> memref<1x80xi32, #tpu.memory_space<vmem>>
          %dma_wait3A_207 = tpu.memref_squeeze %dma_wait3A_206 : memref<1x80xi32, #tpu.memory_space<vmem>> -> memref<80xi32, #tpu.memory_space<vmem>>
          %dma_wait3A_208 = tpu.memref_slice %arg4[%mul3A_190] : memref<320000xi32, #tpu.memory_space<hbm>> -> memref<80xi32, #tpu.memory_space<hbm>>
          tpu.wait_dma2 semaphore(%arg15 : memref<!tpu.dma_semaphore, #tpu.memory_space<semaphore_mem>>) src(%dma_wait3A_208 : memref<80xi32, #tpu.memory_space<hbm>>) dst(%dma_wait3A_207 : memref<80xi32, #tpu.memory_space<vmem>>)
          %ge3A = arith.constant 32 : i32
          %ge3A_209 = arith.cmpi sge, %add3A_155, %ge3A : i32
          %convert_element_type3A_210 = arith.extui %ge3A_209 : i1 to i32
          %cond3A_211 = arith.constant 0 : i32
          %cond3A_212 = arith.cmpi ne, %convert_element_type3A_210, %cond3A_211 : i32
          scf.if %cond3A_212 {
            %dma_wait3A_220 = arith.constant 1 : i32
            %dma_wait3A_221 = arith.constant 0 : i32
            %dma_wait3A_222 = tpu.memref_slice %arg8[%dma_wait3A_220, %dma_wait3A_221] : memref<3x80xi32, #tpu.memory_space<vmem>> -> memref<1x80xi32, #tpu.memory_space<vmem>>
            %dma_wait3A_223 = tpu.memref_squeeze %dma_wait3A_222 : memref<1x80xi32, #tpu.memory_space<vmem>> -> memref<80xi32, #tpu.memory_space<vmem>>
            %dma_wait3A_224 = arith.constant 0 : i32
            %dma_wait3A_225 = arith.constant 0 : i32
            %dma_wait3A_226 = tpu.memref_slice %arg6[%dma_wait3A_224, %dma_wait3A_225] : memref<10240x128xf32, #tpu.memory_space<vmem_shared>> -> memref<10240x128xf32, #tpu.memory_space<vmem_shared>>
            tpu.wait_indirect_dma semaphore(%arg13 : memref<!tpu.dma_semaphore, #tpu.memory_space<semaphore_mem>>) src(%arg9 : memref<80x128xf32, #tpu.memory_space<vmem>>) dst(%dma_wait3A_226 : memref<10240x128xf32, #tpu.memory_space<vmem_shared>>)
          } else {
          }
          %dma_start3A_213 = arith.constant 0 : i32
          %dma_start3A_214 = arith.constant 0 : i32
          %dma_start3A_215 = tpu.memref_slice %arg7[%dma_start3A_213, %dma_start3A_214] : memref<3x80xi32, #tpu.memory_space<vmem>> -> memref<1x80xi32, #tpu.memory_space<vmem>>
          %dma_start3A_216 = tpu.memref_squeeze %dma_start3A_215 : memref<1x80xi32, #tpu.memory_space<vmem>> -> memref<80xi32, #tpu.memory_space<vmem>>
          %dma_start3A_217 = arith.constant 0 : i32
          %dma_start3A_218 = arith.constant 0 : i32
          %dma_start3A_219 = tpu.memref_slice %arg2[%dma_start3A_217, %dma_start3A_218] : memref<10240x128xf32, #tpu.memory_space<hbm>> -> memref<10240x128xf32, #tpu.memory_space<hbm>>
          tpu.enqueue_indirect_dma source(%dma_start3A_219 : memref<10240x128xf32, #tpu.memory_space<hbm>>) target(%arg9 : memref<80x128xf32, #tpu.memory_space<vmem>>) offsets(%dma_start3A_216 : memref<80xi32, #tpu.memory_space<vmem>>) semaphore(%arg11 : memref<!tpu.dma_semaphore, #tpu.memory_space<semaphore_mem>>)
        } else {
        }
        %dma_start3A_177 = arith.constant 2 : i32
        %dma_start3A_178 = arith.constant 0 : i32
        %dma_start3A_179 = tpu.memref_slice %arg8[%dma_start3A_177, %dma_start3A_178] : memref<3x80xi32, #tpu.memory_space<vmem>> -> memref<1x80xi32, #tpu.memory_space<vmem>>
        %dma_start3A_180 = tpu.memref_squeeze %dma_start3A_179 : memref<1x80xi32, #tpu.memory_space<vmem>> -> memref<80xi32, #tpu.memory_space<vmem>>
        %dma_start3A_181 = arith.constant 0 : i32
        %dma_start3A_182 = arith.constant 0 : i32
        %dma_start3A_183 = tpu.memref_slice %arg6[%dma_start3A_181, %dma_start3A_182] : memref<10240x128xf32, #tpu.memory_space<vmem_shared>> -> memref<10240x128xf32, #tpu.memory_space<vmem_shared>>
        tpu.enqueue_indirect_dma source(%arg10 : memref<80x128xf32, #tpu.memory_space<vmem>>) target(%dma_start3A_183 : memref<10240x128xf32, #tpu.memory_space<vmem_shared>>) offsets(%dma_start3A_180 : memref<80xi32, #tpu.memory_space<vmem>>) semaphore(%arg14 : memref<!tpu.dma_semaphore, #tpu.memory_space<semaphore_mem>>) {add = true}
        %lt3A_184 = arith.constant 4000 : i32
        %lt3A_185 = arith.cmpi slt, %add3A_171, %lt3A_184 : i32
        %convert_element_type3A_186 = arith.extui %lt3A_185 : i1 to i32
        %cond3A_187 = arith.constant 0 : i32
        %cond3A_188 = arith.cmpi ne, %convert_element_type3A_186, %cond3A_187 : i32
        scf.if %cond3A_188 {
          %mul3A_189 = arith.constant 80 : i32
          %mul3A_190 = arith.muli %add3A_171, %mul3A_189 : i32
          %dma_start3A_191 = arith.constant 1 : i32
          %dma_start3A_192 = arith.constant 0 : i32
          %dma_start3A_193 = tpu.memref_slice %arg7[%dma_start3A_191, %dma_start3A_192] : memref<3x80xi32, #tpu.memory_space<vmem>> -> memref<1x80xi32, #tpu.memory_space<vmem>>
          %dma_start3A_194 = tpu.memref_squeeze %dma_start3A_193 : memref<1x80xi32, #tpu.memory_space<vmem>> -> memref<80xi32, #tpu.memory_space<vmem>>
          %dma_start3A_195 = tpu.memref_slice %arg3[%mul3A_190] : memref<320000xi32, #tpu.memory_space<hbm>> -> memref<80xi32, #tpu.memory_space<hbm>>
          %dma_start3A_196 = arith.constant 0 : i32
          %dma_start3A_197 = tpu.memref_slice %arg7[%dma_start3A_191, %dma_start3A_196] : memref<3x80xi32, #tpu.memory_space<vmem>> -> memref<1x80xi32, #tpu.memory_space<vmem>>
          %dma_start3A_198 = tpu.memref_squeeze %dma_start3A_197 : memref<1x80xi32, #tpu.memory_space<vmem>> -> memref<80xi32, #tpu.memory_space<vmem>>
          %dma_start3A_199 = tpu.memref_slice %arg3[%mul3A_190] : memref<320000xi32, #tpu.memory_space<hbm>> -> memref<80xi32, #tpu.memory_space<hbm>>
          tpu.enqueue_dma source(%dma_start3A_199 : memref<80xi32, #tpu.memory_space<hbm>>) target(%dma_start3A_198 : memref<80xi32, #tpu.memory_space<vmem>>) target_semaphore(%arg16 : memref<!tpu.dma_semaphore, #tpu.memory_space<semaphore_mem>>)
          %dma_start3A_200 = arith.constant 1 : i32
          %dma_start3A_201 = arith.constant 0 : i32
          %dma_start3A_202 = tpu.memref_slice %arg8[%dma_start3A_200, %dma_start3A_201] : memref<3x80xi32, #tpu.memory_space<vmem>> -> memref<1x80xi32, #tpu.memory_space<vmem>>
          %dma_start3A_203 = tpu.memref_squeeze %dma_start3A_202 : memref<1x80xi32, #tpu.memory_space<vmem>> -> memref<80xi32, #tpu.memory_space<vmem>>
          %dma_start3A_204 = tpu.memref_slice %arg4[%mul3A_190] : memref<320000xi32, #tpu.memory_space<hbm>> -> memref<80xi32, #tpu.memory_space<hbm>>
          %dma_start3A_205 = arith.constant 0 : i32
          %dma_start3A_206 = tpu.memref_slice %arg8[%dma_start3A_200, %dma_start3A_205] : memref<3x80xi32, #tpu.memory_space<vmem>> -> memref<1x80xi32, #tpu.memory_space<vmem>>
          %dma_start3A_207 = tpu.memref_squeeze %dma_start3A_206 : memref<1x80xi32, #tpu.memory_space<vmem>> -> memref<80xi32, #tpu.memory_space<vmem>>
          %dma_start3A_208 = tpu.memref_slice %arg4[%mul3A_190] : memref<320000xi32, #tpu.memory_space<hbm>> -> memref<80xi32, #tpu.memory_space<hbm>>
          tpu.enqueue_dma source(%dma_start3A_208 : memref<80xi32, #tpu.memory_space<hbm>>) target(%dma_start3A_207 : memref<80xi32, #tpu.memory_space<vmem>>) target_semaphore(%arg16 : memref<!tpu.dma_semaphore, #tpu.memory_space<semaphore_mem>>)
        } else {
        }
      } else {
      }
    }
    %scan3A_83 = arith.constant 21 : i32
    %dma_wait3A_84 = arith.constant 0 : i32
    %dma_wait3A_85 = arith.constant 0 : i32
    %dma_wait3A_86 = tpu.memref_slice %arg8[%dma_wait3A_84, %dma_wait3A_85] : memref<3x80xi32, #tpu.memory_space<vmem>> -> memref<1x80xi32, #tpu.memory_space<vmem>>
    %dma_wait3A_87 = tpu.memref_squeeze %dma_wait3A_86 : memref<1x80xi32, #tpu.memory_space<vmem>> -> memref<80xi32, #tpu.memory_space<vmem>>
    %dma_wait3A_88 = arith.constant 0 : i32
    %dma_wait3A_89 = arith.constant 0 : i32
    %dma_wait3A_90 = tpu.memref_slice %arg6[%dma_wait3A_88, %dma_wait3A_89] : memref<10240x128xf32, #tpu.memory_space<vmem_shared>> -> memref<10240x128xf32, #tpu.memory_space<vmem_shared>>
    tpu.wait_indirect_dma semaphore(%arg14 : memref<!tpu.dma_semaphore, #tpu.memory_space<semaphore_mem>>) src(%arg10 : memref<80x128xf32, #tpu.memory_space<vmem>>) dst(%dma_wait3A_90 : memref<10240x128xf32, #tpu.memory_space<vmem_shared>>)
    %dma_wait3A_91 = arith.constant 1 : i32
    %dma_wait3A_92 = arith.constant 0 : i32
    %dma_wait3A_93 = tpu.memref_slice %arg8[%dma_wait3A_91, %dma_wait3A_92] : memref<3x80xi32, #tpu.memory_space<vmem>> -> memref<1x80xi32, #tpu.memory_space<vmem>>
    %dma_wait3A_94 = tpu.memref_squeeze %dma_wait3A_93 : memref<1x80xi32, #tpu.memory_space<vmem>> -> memref<80xi32, #tpu.memory_space<vmem>>
    %dma_wait3A_95 = arith.constant 0 : i32
    %dma_wait3A_96 = arith.constant 0 : i32
    %dma_wait3A_97 = tpu.memref_slice %arg6[%dma_wait3A_95, %dma_wait3A_96] : memref<10240x128xf32, #tpu.memory_space<vmem_shared>> -> memref<10240x128xf32, #tpu.memory_space<vmem_shared>>
    tpu.wait_indirect_dma semaphore(%arg13 : memref<!tpu.dma_semaphore, #tpu.memory_space<semaphore_mem>>) src(%arg9 : memref<80x128xf32, #tpu.memory_space<vmem>>) dst(%dma_wait3A_97 : memref<10240x128xf32, #tpu.memory_space<vmem_shared>>)
    %barrier3A_98 = arith.constant 0 : index
    tpu.barrier barrier_id(%barrier3A_98)
    "tpu.region"() ({
      %run_scoped3A = tpu.sem_alloc : memref<!tpu.dma_semaphore, #tpu.memory_space<semaphore_mem>>
      %dma_start3A_99 = arith.constant 0 : i32
      %dma_start3A_100 = tpu.memref_slice %arg5[%arg0, %mul3A_6, %dma_start3A_99] : memref<2x10240x128xf32, #tpu.memory_space<hbm>> -> memref<1x640x128xf32, #tpu.memory_space<hbm>>
      %dma_start3A_101 = tpu.memref_squeeze %dma_start3A_100 : memref<1x640x128xf32, #tpu.memory_space<hbm>> -> memref<640x128xf32, #tpu.memory_space<hbm>>
      %dma_start3A_102 = arith.constant 0 : i32
      %dma_start3A_103 = tpu.memref_slice %arg6[%mul3A_6, %dma_start3A_102] : memref<10240x128xf32, #tpu.memory_space<vmem_shared>> -> memref<640x128xf32, #tpu.memory_space<vmem_shared>>
      tpu.enqueue_dma source(%dma_start3A_103 : memref<640x128xf32, #tpu.memory_space<vmem_shared>>) target(%dma_start3A_101 : memref<640x128xf32, #tpu.memory_space<hbm>>) target_semaphore(%run_scoped3A : memref<!tpu.dma_semaphore, #tpu.memory_space<semaphore_mem>>)
      %dma_wait3A_104 = arith.constant 0 : i32
      %dma_wait3A_105 = tpu.memref_slice %arg5[%arg0, %mul3A_6, %dma_wait3A_104] : memref<2x10240x128xf32, #tpu.memory_space<hbm>> -> memref<1x640x128xf32, #tpu.memory_space<hbm>>
      %dma_wait3A_106 = tpu.memref_squeeze %dma_wait3A_105 : memref<1x640x128xf32, #tpu.memory_space<hbm>> -> memref<640x128xf32, #tpu.memory_space<hbm>>
      %dma_wait3A_107 = arith.constant 0 : i32
      %dma_wait3A_108 = tpu.memref_slice %arg6[%mul3A_6, %dma_wait3A_107] : memref<10240x128xf32, #tpu.memory_space<vmem_shared>> -> memref<640x128xf32, #tpu.memory_space<vmem_shared>>
      tpu.wait_dma2 semaphore(%run_scoped3A : memref<!tpu.dma_semaphore, #tpu.memory_space<semaphore_mem>>) src(%dma_wait3A_108 : memref<640x128xf32, #tpu.memory_space<vmem_shared>>) dst(%dma_wait3A_106 : memref<640x128xf32, #tpu.memory_space<hbm>>)
      tpu.yield
    }) : () -> ()
    return
  }
}

#map = affine_map<(d0, d1) -> (0, 0)>
#map1 = affine_map<(d0, d1) -> (0)>
#map2 = affine_map<(d0, d1) -> (0, 0, 0)>
module attributes {stable_mosaic.version = 14 : i64} {
  func.func @_segsum_body(%arg0: i32, %arg1: i32, %arg2: memref<10240x128xf32, #tpu.memory_space<hbm>>, %arg3: memref<320000xi32, #tpu.memory_space<hbm>>, %arg4: memref<320000xi32, #tpu.memory_space<hbm>>, %arg5: memref<2x10240x128xf32, #tpu.memory_space<hbm>>, %arg6: memref<10240x128xf32, #tpu.memory_space<vmem_shared>>, %arg7: memref<3x80xi32, #tpu.memory_space<vmem>>, %arg8: memref<3x80xi32, #tpu.memory_space<vmem>>, %arg9: memref<80x128xf32, #tpu.memory_space<vmem>>, %arg10: memref<80x128xf32, #tpu.memory_space<vmem>>, %arg11: memref<!tpu.dma_semaphore, #tpu.memory_space<semaphore_mem>>, %arg12: memref<!tpu.dma_semaphore, #tpu.memory_space<semaphore_mem>>, %arg13: memref<!tpu.dma_semaphore, #tpu.memory_space<semaphore_mem>>, %arg14: memref<!tpu.dma_semaphore, #tpu.memory_space<semaphore_mem>>, %arg15: memref<!tpu.dma_semaphore, #tpu.memory_space<semaphore_mem>>, %arg16: memref<!tpu.dma_semaphore, #tpu.memory_space<semaphore_mem>>, %arg17: memref<!tpu.dma_semaphore, #tpu.memory_space<semaphore_mem>>) attributes {dimension_semantics = [#tpu.dimension_semantics<core_parallel>, #tpu.dimension_semantics<subcore_parallel>], iteration_bounds = array<i64: 2, 16>, scalar_prefetch = 0 : i64, scratch_operands = 12 : i64, tpu.core_type = #tpu.core_type<sc_vector_subcore>, window_params = [{transform_indices = #map}, {transform_indices = #map1}, {transform_indices = #map1}, {transform_indices = #map2}]} {
    %mul3A = arith.constant 16 : i32
    %mul3A_0 = arith.muli %arg0, %mul3A : i32
    %add3A = arith.addi %mul3A_0, %arg1 : i32
    %scan3A = arith.constant 0 : i32
    %scan3A_1 = arith.constant 80 : i32
    %scan3A_2 = arith.addi %scan3A, %scan3A_1 : i32
    %scan3A_3 = arith.constant 1 : i32
    scf.for %scan3A_99 = %scan3A to %scan3A_2 step %scan3A_3  : i32 {
      %mul3A_100 = arith.constant 1 : i32
      %mul3A_101 = arith.muli %scan3A_99, %mul3A_100 : i32
      %add3A_102 = arith.constant 0 : i32
      %add3A_103 = arith.addi %add3A_102, %mul3A_101 : i32
      %scan3A_104 = arith.constant 0 : i32
      %scan3A_105 = arith.constant 8 : i32
      %scan3A_106 = arith.addi %scan3A_104, %scan3A_105 : i32
      %scan3A_107 = arith.constant 1 : i32
      scf.for %scan3A_109 = %scan3A_104 to %scan3A_106 step %scan3A_107  : i32 {
        %mul3A_110 = arith.constant 1 : i32
        %mul3A_111 = arith.muli %scan3A_109, %mul3A_110 : i32
        %add3A_112 = arith.constant 0 : i32
        %add3A_113 = arith.addi %add3A_112, %mul3A_111 : i32
        %broadcast_in_dim3A = arith.constant 0.000000e+00 : f32
        %broadcast_in_dim3A_114 = vector.broadcast %broadcast_in_dim3A : f32 to vector<16xf32>
        %mul3A_115 = arith.constant 16 : i32
        %mul3A_116 = arith.muli %add3A_113, %mul3A_115 : i32
        %swap3A = arith.index_cast %add3A_103 : i32 to index
        %swap3A_117 = arith.index_cast %mul3A_116 : i32 to index
        %swap3A_118 = tpu.vector_load %arg9[%swap3A, %swap3A_117] {strides = array<i32>} : memref<80x128xf32, #tpu.memory_space<vmem>>, vector<1x16xf32>,
        %swap3A_119 = vector.shape_cast %swap3A_118 : vector<1x16xf32> to vector<16xf32>
        %swap3A_120 = vector.shape_cast %broadcast_in_dim3A_114 : vector<16xf32> to vector<1x16xf32>
        tpu.vector_store %arg9[%swap3A, %swap3A_117], %swap3A_120 {strides = array<i32>} : memref<80x128xf32, #tpu.memory_space<vmem>>, vector<1x16xf32>,
      }
      %scan3A_108 = arith.constant 8 : i32
    }
    %scan3A_4 = arith.constant 80 : i32
    %mul3A_5 = arith.constant 640 : i32
    %mul3A_6 = arith.muli %arg1, %mul3A_5 : i32
    %scan3A_7 = arith.constant 0 : i32
    %scan3A_8 = arith.constant 8 : i32
    %scan3A_9 = arith.addi %scan3A_7, %scan3A_8 : i32
    %scan3A_10 = arith.constant 1 : i32
    scf.for %scan3A_99 = %scan3A_7 to %scan3A_9 step %scan3A_10  : i32 {
      %mul3A_100 = arith.constant 1 : i32
      %mul3A_101 = arith.muli %scan3A_99, %mul3A_100 : i32
      %add3A_102 = arith.constant 0 : i32
      %add3A_103 = arith.addi %add3A_102, %mul3A_101 : i32
      %mul3A_104 = arith.constant 80 : i32
      %mul3A_105 = arith.muli %add3A_103, %mul3A_104 : i32
      %add3A_106 = arith.addi %mul3A_6, %mul3A_105 : i32
      "tpu.region"() ({
        %run_scoped3A = tpu.sem_alloc : memref<!tpu.dma_semaphore, #tpu.memory_space<semaphore_mem>>
        %dma_start3A_107 = arith.constant 0 : i32
        %dma_start3A_108 = arith.constant 0 : i32
        %dma_start3A_109 = tpu.memref_slice %arg9[%dma_start3A_107, %dma_start3A_108] : memref<80x128xf32, #tpu.memory_space<vmem>> -> memref<80x128xf32, #tpu.memory_space<vmem>>
        %dma_start3A_110 = arith.constant 0 : i32
        %dma_start3A_111 = tpu.memref_slice %arg6[%add3A_106, %dma_start3A_110] : memref<10240x128xf32, #tpu.memory_space<vmem_shared>> -> memref<80x128xf32, #tpu.memory_space<vmem_shared>>
        %dma_start3A_112 = arith.constant 0 : i32
        %dma_start3A_113 = tpu.memref_slice %arg6[%add3A_106, %dma_start3A_112] : memref<10240x128xf32, #tpu.memory_space<vmem_shared>> -> memref<80x128xf32, #tpu.memory_space<vmem_shared>>
        %dma_start3A_114 = arith.constant 0 : i32
        %dma_start3A_115 = arith.constant 0 : i32
        %dma_start3A_116 = tpu.memref_slice %arg9[%dma_start3A_114, %dma_start3A_115] : memref<80x128xf32, #tpu.memory_space<vmem>> -> memref<80x128xf32, #tpu.memory_space<vmem>>
        tpu.enqueue_dma source(%dma_start3A_116 : memref<80x128xf32, #tpu.memory_space<vmem>>) target(%dma_start3A_113 : memref<80x128xf32, #tpu.memory_space<vmem_shared>>) target_semaphore(%run_scoped3A : memref<!tpu.dma_semaphore, #tpu.memory_space<semaphore_mem>>)
        %dma_wait3A_117 = arith.constant 0 : i32
        %dma_wait3A_118 = arith.constant 0 : i32
        %dma_wait3A_119 = tpu.memref_slice %arg9[%dma_wait3A_117, %dma_wait3A_118] : memref<80x128xf32, #tpu.memory_space<vmem>> -> memref<80x128xf32, #tpu.memory_space<vmem>>
        %dma_wait3A_120 = arith.constant 0 : i32
        %dma_wait3A_121 = tpu.memref_slice %arg6[%add3A_106, %dma_wait3A_120] : memref<10240x128xf32, #tpu.memory_space<vmem_shared>> -> memref<80x128xf32, #tpu.memory_space<vmem_shared>>
        %dma_wait3A_122 = arith.constant 0 : i32
        %dma_wait3A_123 = tpu.memref_slice %arg6[%add3A_106, %dma_wait3A_122] : memref<10240x128xf32, #tpu.memory_space<vmem_shared>> -> memref<80x128xf32, #tpu.memory_space<vmem_shared>>
        %dma_wait3A_124 = arith.constant 0 : i32
        %dma_wait3A_125 = arith.constant 0 : i32
        %dma_wait3A_126 = tpu.memref_slice %arg9[%dma_wait3A_124, %dma_wait3A_125] : memref<80x128xf32, #tpu.memory_space<vmem>> -> memref<80x128xf32, #tpu.memory_space<vmem>>
        tpu.wait_dma2 semaphore(%run_scoped3A : memref<!tpu.dma_semaphore, #tpu.memory_space<semaphore_mem>>) src(%dma_wait3A_126 : memref<80x128xf32, #tpu.memory_space<vmem>>) dst(%dma_wait3A_123 : memref<80x128xf32, #tpu.memory_space<vmem_shared>>)
        tpu.yield
      }) : () -> ()
    }
    %scan3A_11 = arith.constant 8 : i32
    %barrier3A = arith.constant 0 : index
    tpu.barrier barrier_id(%barrier3A)
    %mul3A_12 = arith.constant 80 : i32
    %mul3A_13 = arith.muli %add3A, %mul3A_12 : i32
    %dma_start3A = arith.constant 0 : i32
    %dma_start3A_14 = arith.constant 0 : i32
    %dma_start3A_15 = tpu.memref_slice %arg7[%dma_start3A, %dma_start3A_14] : memref<3x80xi32, #tpu.memory_space<vmem>> -> memref<1x80xi32, #tpu.memory_space<vmem>>
    %dma_start3A_16 = tpu.memref_squeeze %dma_start3A_15 : memref<1x80xi32, #tpu.memory_space<vmem>> -> memref<80xi32, #tpu.memory_space<vmem>>
    %dma_start3A_17 = tpu.memref_slice %arg3[%mul3A_13] : memref<320000xi32, #tpu.memory_space<hbm>> -> memref<80xi32, #tpu.memory_space<hbm>>
    %dma_start3A_18 = arith.constant 0 : i32
    %dma_start3A_19 = tpu.memref_slice %arg7[%dma_start3A, %dma_start3A_18] : memref<3x80xi32, #tpu.memory_space<vmem>> -> memref<1x80xi32, #tpu.memory_space<vmem>>
    %dma_start3A_20 = tpu.memref_squeeze %dma_start3A_19 : memref<1x80xi32, #tpu.memory_space<vmem>> -> memref<80xi32, #tpu.memory_space<vmem>>
    %dma_start3A_21 = tpu.memref_slice %arg3[%mul3A_13] : memref<320000xi32, #tpu.memory_space<hbm>> -> memref<80xi32, #tpu.memory_space<hbm>>
    tpu.enqueue_dma source(%dma_start3A_21 : memref<80xi32, #tpu.memory_space<hbm>>) target(%dma_start3A_20 : memref<80xi32, #tpu.memory_space<vmem>>) target_semaphore(%arg15 : memref<!tpu.dma_semaphore, #tpu.memory_space<semaphore_mem>>)
    %dma_start3A_22 = arith.constant 0 : i32
    %dma_start3A_23 = arith.constant 0 : i32
    %dma_start3A_24 = tpu.memref_slice %arg8[%dma_start3A_22, %dma_start3A_23] : memref<3x80xi32, #tpu.memory_space<vmem>> -> memref<1x80xi32, #tpu.memory_space<vmem>>
    %dma_start3A_25 = tpu.memref_squeeze %dma_start3A_24 : memref<1x80xi32, #tpu.memory_space<vmem>> -> memref<80xi32, #tpu.memory_space<vmem>>
    %dma_start3A_26 = tpu.memref_slice %arg4[%mul3A_13] : memref<320000xi32, #tpu.memory_space<hbm>> -> memref<80xi32, #tpu.memory_space<hbm>>
    %dma_start3A_27 = arith.constant 0 : i32
    %dma_start3A_28 = tpu.memref_slice %arg8[%dma_start3A_22, %dma_start3A_27] : memref<3x80xi32, #tpu.memory_space<vmem>> -> memref<1x80xi32, #tpu.memory_space<vmem>>
    %dma_start3A_29 = tpu.memref_squeeze %dma_start3A_28 : memref<1x80xi32, #tpu.memory_space<vmem>> -> memref<80xi32, #tpu.memory_space<vmem>>
    %dma_start3A_30 = tpu.memref_slice %arg4[%mul3A_13] : memref<320000xi32, #tpu.memory_space<hbm>> -> memref<80xi32, #tpu.memory_space<hbm>>
    tpu.enqueue_dma source(%dma_start3A_30 : memref<80xi32, #tpu.memory_space<hbm>>) target(%dma_start3A_29 : memref<80xi32, #tpu.memory_space<vmem>>) target_semaphore(%arg15 : memref<!tpu.dma_semaphore, #tpu.memory_space<semaphore_mem>>)
    %add3A_31 = arith.constant 32 : i32
    %add3A_32 = arith.addi %add3A, %add3A_31 : i32
    %mul3A_33 = arith.constant 80 : i32
    %mul3A_34 = arith.muli %add3A_32, %mul3A_33 : i32
    %dma_start3A_35 = arith.constant 1 : i32
    %dma_start3A_36 = arith.constant 0 : i32
    %dma_start3A_37 = tpu.memref_slice %arg7[%dma_start3A_35, %dma_start3A_36] : memref<3x80xi32, #tpu.memory_space<vmem>> -> memref<1x80xi32, #tpu.memory_space<vmem>>
    %dma_start3A_38 = tpu.memref_squeeze %dma_start3A_37 : memref<1x80xi32, #tpu.memory_space<vmem>> -> memref<80xi32, #tpu.memory_space<vmem>>
    %dma_start3A_39 = tpu.memref_slice %arg3[%mul3A_34] : memref<320000xi32, #tpu.memory_space<hbm>> -> memref<80xi32, #tpu.memory_space<hbm>>
    %dma_start3A_40 = arith.constant 0 : i32
    %dma_start3A_41 = tpu.memref_slice %arg7[%dma_start3A_35, %dma_start3A_40] : memref<3x80xi32, #tpu.memory_space<vmem>> -> memref<1x80xi32, #tpu.memory_space<vmem>>
    %dma_start3A_42 = tpu.memref_squeeze %dma_start3A_41 : memref<1x80xi32, #tpu.memory_space<vmem>> -> memref<80xi32, #tpu.memory_space<vmem>>
    %dma_start3A_43 = tpu.memref_slice %arg3[%mul3A_34] : memref<320000xi32, #tpu.memory_space<hbm>> -> memref<80xi32, #tpu.memory_space<hbm>>
    tpu.enqueue_dma source(%dma_start3A_43 : memref<80xi32, #tpu.memory_space<hbm>>) target(%dma_start3A_42 : memref<80xi32, #tpu.memory_space<vmem>>) target_semaphore(%arg16 : memref<!tpu.dma_semaphore, #tpu.memory_space<semaphore_mem>>)
    %dma_start3A_44 = arith.constant 1 : i32
    %dma_start3A_45 = arith.constant 0 : i32
    %dma_start3A_46 = tpu.memref_slice %arg8[%dma_start3A_44, %dma_start3A_45] : memref<3x80xi32, #tpu.memory_space<vmem>> -> memref<1x80xi32, #tpu.memory_space<vmem>>
    %dma_start3A_47 = tpu.memref_squeeze %dma_start3A_46 : memref<1x80xi32, #tpu.memory_space<vmem>> -> memref<80xi32, #tpu.memory_space<vmem>>
    %dma_start3A_48 = tpu.memref_slice %arg4[%mul3A_34] : memref<320000xi32, #tpu.memory_space<hbm>> -> memref<80xi32, #tpu.memory_space<hbm>>
    %dma_start3A_49 = arith.constant 0 : i32
    %dma_start3A_50 = tpu.memref_slice %arg8[%dma_start3A_44, %dma_start3A_49] : memref<3x80xi32, #tpu.memory_space<vmem>> -> memref<1x80xi32, #tpu.memory_space<vmem>>
    %dma_start3A_51 = tpu.memref_squeeze %dma_start3A_50 : memref<1x80xi32, #tpu.memory_space<vmem>> -> memref<80xi32, #tpu.memory_space<vmem>>
    %dma_start3A_52 = tpu.memref_slice %arg4[%mul3A_34] : memref<320000xi32, #tpu.memory_space<hbm>> -> memref<80xi32, #tpu.memory_space<hbm>>
    tpu.enqueue_dma source(%dma_start3A_52 : memref<80xi32, #tpu.memory_space<hbm>>) target(%dma_start3A_51 : memref<80xi32, #tpu.memory_space<vmem>>) target_semaphore(%arg16 : memref<!tpu.dma_semaphore, #tpu.memory_space<semaphore_mem>>)
    %mul3A_53 = arith.constant 80 : i32
    %mul3A_54 = arith.muli %add3A, %mul3A_53 : i32
    %dma_wait3A = arith.constant 0 : i32
    %dma_wait3A_55 = arith.constant 0 : i32
    %dma_wait3A_56 = tpu.memref_slice %arg7[%dma_wait3A, %dma_wait3A_55] : memref<3x80xi32, #tpu.memory_space<vmem>> -> memref<1x80xi32, #tpu.memory_space<vmem>>
    %dma_wait3A_57 = tpu.memref_squeeze %dma_wait3A_56 : memref<1x80xi32, #tpu.memory_space<vmem>> -> memref<80xi32, #tpu.memory_space<vmem>>
    %dma_wait3A_58 = tpu.memref_slice %arg3[%mul3A_54] : memref<320000xi32, #tpu.memory_space<hbm>> -> memref<80xi32, #tpu.memory_space<hbm>>
    %dma_wait3A_59 = arith.constant 0 : i32
    %dma_wait3A_60 = tpu.memref_slice %arg7[%dma_wait3A, %dma_wait3A_59] : memref<3x80xi32, #tpu.memory_space<vmem>> -> memref<1x80xi32, #tpu.memory_space<vmem>>
    %dma_wait3A_61 = tpu.memref_squeeze %dma_wait3A_60 : memref<1x80xi32, #tpu.memory_space<vmem>> -> memref<80xi32, #tpu.memory_space<vmem>>
    %dma_wait3A_62 = tpu.memref_slice %arg3[%mul3A_54] : memref<320000xi32, #tpu.memory_space<hbm>> -> memref<80xi32, #tpu.memory_space<hbm>>
    tpu.wait_dma2 semaphore(%arg15 : memref<!tpu.dma_semaphore, #tpu.memory_space<semaphore_mem>>) src(%dma_wait3A_62 : memref<80xi32, #tpu.memory_space<hbm>>) dst(%dma_wait3A_61 : memref<80xi32, #tpu.memory_space<vmem>>)
    %dma_wait3A_63 = arith.constant 0 : i32
    %dma_wait3A_64 = arith.constant 0 : i32
    %dma_wait3A_65 = tpu.memref_slice %arg8[%dma_wait3A_63, %dma_wait3A_64] : memref<3x80xi32, #tpu.memory_space<vmem>> -> memref<1x80xi32, #tpu.memory_space<vmem>>
    %dma_wait3A_66 = tpu.memref_squeeze %dma_wait3A_65 : memref<1x80xi32, #tpu.memory_space<vmem>> -> memref<80xi32, #tpu.memory_space<vmem>>
    %dma_wait3A_67 = tpu.memref_slice %arg4[%mul3A_54] : memref<320000xi32, #tpu.memory_space<hbm>> -> memref<80xi32, #tpu.memory_space<hbm>>
    %dma_wait3A_68 = arith.constant 0 : i32
    %dma_wait3A_69 = tpu.memref_slice %arg8[%dma_wait3A_63, %dma_wait3A_68] : memref<3x80xi32, #tpu.memory_space<vmem>> -> memref<1x80xi32, #tpu.memory_space<vmem>>
    %dma_wait3A_70 = tpu.memref_squeeze %dma_wait3A_69 : memref<1x80xi32, #tpu.memory_space<vmem>> -> memref<80xi32, #tpu.memory_space<vmem>>
    %dma_wait3A_71 = tpu.memref_slice %arg4[%mul3A_54] : memref<320000xi32, #tpu.memory_space<hbm>> -> memref<80xi32, #tpu.memory_space<hbm>>
    tpu.wait_dma2 semaphore(%arg15 : memref<!tpu.dma_semaphore, #tpu.memory_space<semaphore_mem>>) src(%dma_wait3A_71 : memref<80xi32, #tpu.memory_space<hbm>>) dst(%dma_wait3A_70 : memref<80xi32, #tpu.memory_space<vmem>>)
    %dma_start3A_72 = arith.constant 0 : i32
    %dma_start3A_73 = arith.constant 0 : i32
    %dma_start3A_74 = tpu.memref_slice %arg7[%dma_start3A_72, %dma_start3A_73] : memref<3x80xi32, #tpu.memory_space<vmem>> -> memref<1x80xi32, #tpu.memory_space<vmem>>
    %dma_start3A_75 = tpu.memref_squeeze %dma_start3A_74 : memref<1x80xi32, #tpu.memory_space<vmem>> -> memref<80xi32, #tpu.memory_space<vmem>>
    %dma_start3A_76 = arith.constant 0 : i32
    %dma_start3A_77 = arith.constant 0 : i32
    %dma_start3A_78 = tpu.memref_slice %arg2[%dma_start3A_76, %dma_start3A_77] : memref<10240x128xf32, #tpu.memory_space<hbm>> -> memref<10240x128xf32, #tpu.memory_space<hbm>>
    tpu.enqueue_indirect_dma source(%dma_start3A_78 : memref<10240x128xf32, #tpu.memory_space<hbm>>) target(%arg9 : memref<80x128xf32, #tpu.memory_space<vmem>>) offsets(%dma_start3A_75 : memref<80xi32, #tpu.memory_space<vmem>>) semaphore(%arg11 : memref<!tpu.dma_semaphore, #tpu.memory_space<semaphore_mem>>)
    %scan3A_79 = arith.constant 0 : i32
    %scan3A_80 = arith.constant 21 : i32
    %scan3A_81 = arith.addi %scan3A_79, %scan3A_80 : i32
    %scan3A_82 = arith.constant 1 : i32
    scf.for %scan3A_99 = %scan3A_79 to %scan3A_81 step %scan3A_82  : i32 {
      %mul3A_100 = arith.constant 6 : i32
      %mul3A_101 = arith.muli %scan3A_99, %mul3A_100 : i32
      %add3A_102 = arith.constant 0 : i32
      %add3A_103 = arith.addi %add3A_102, %mul3A_101 : i32
      %add3A_104 = arith.constant 0 : i32
      %add3A_105 = arith.addi %add3A_103, %add3A_104 : i32
      %mul3A_106 = arith.constant 32 : i32
      %mul3A_107 = arith.muli %add3A_105, %mul3A_106 : i32
      %add3A_108 = arith.addi %add3A, %mul3A_107 : i32
      %lt3A = arith.constant 4000 : i32
      %lt3A_109 = arith.cmpi slt, %add3A_108, %lt3A : i32
      %convert_element_type3A = arith.extui %lt3A_109 : i1 to i32
      %cond3A = arith.constant 0 : i32
      %cond3A_110 = arith.cmpi ne, %convert_element_type3A, %cond3A : i32
      scf.if %cond3A_110 {
        %dma_wait3A_161 = arith.constant 0 : i32
        %dma_wait3A_162 = arith.constant 0 : i32
        %dma_wait3A_163 = tpu.memref_slice %arg7[%dma_wait3A_161, %dma_wait3A_162] : memref<3x80xi32, #tpu.memory_space<vmem>> -> memref<1x80xi32, #tpu.memory_space<vmem>>
        %dma_wait3A_164 = tpu.memref_squeeze %dma_wait3A_163 : memref<1x80xi32, #tpu.memory_space<vmem>> -> memref<80xi32, #tpu.memory_space<vmem>>
        %dma_wait3A_165 = arith.constant 0 : i32
        %dma_wait3A_166 = arith.constant 0 : i32
        %dma_wait3A_167 = tpu.memref_slice %arg2[%dma_wait3A_165, %dma_wait3A_166] : memref<10240x128xf32, #tpu.memory_space<hbm>> -> memref<10240x128xf32, #tpu.memory_space<hbm>>
        tpu.wait_indirect_dma semaphore(%arg11 : memref<!tpu.dma_semaphore, #tpu.memory_space<semaphore_mem>>) src(%dma_wait3A_167 : memref<10240x128xf32, #tpu.memory_space<hbm>>) dst(%arg9 : memref<80x128xf32, #tpu.memory_space<vmem>>)
        %add3A_168 = arith.constant 32 : i32
        %add3A_169 = arith.addi %add3A_108, %add3A_168 : i32
        %add3A_170 = arith.constant 64 : i32
        %add3A_171 = arith.addi %add3A_108, %add3A_170 : i32
        %lt3A_172 = arith.constant 4000 : i32
        %lt3A_173 = arith.cmpi slt, %add3A_169, %lt3A_172 : i32
        %convert_element_type3A_174 = arith.extui %lt3A_173 : i1 to i32
        %cond3A_175 = arith.constant 0 : i32
        %cond3A_176 = arith.cmpi ne, %convert_element_type3A_174, %cond3A_175 : i32
        scf.if %cond3A_176 {
          %mul3A_189 = arith.constant 80 : i32
          %mul3A_190 = arith.muli %add3A_169, %mul3A_189 : i32
          %dma_wait3A_191 = arith.constant 1 : i32
          %dma_wait3A_192 = arith.constant 0 : i32
          %dma_wait3A_193 = tpu.memref_slice %arg7[%dma_wait3A_191, %dma_wait3A_192] : memref<3x80xi32, #tpu.memory_space<vmem>> -> memref<1x80xi32, #tpu.memory_space<vmem>>
          %dma_wait3A_194 = tpu.memref_squeeze %dma_wait3A_193 : memref<1x80xi32, #tpu.memory_space<vmem>> -> memref<80xi32, #tpu.memory_space<vmem>>
          %dma_wait3A_195 = tpu.memref_slice %arg3[%mul3A_190] : memref<320000xi32, #tpu.memory_space<hbm>> -> memref<80xi32, #tpu.memory_space<hbm>>
          %dma_wait3A_196 = arith.constant 0 : i32
          %dma_wait3A_197 = tpu.memref_slice %arg7[%dma_wait3A_191, %dma_wait3A_196] : memref<3x80xi32, #tpu.memory_space<vmem>> -> memref<1x80xi32, #tpu.memory_space<vmem>>
          %dma_wait3A_198 = tpu.memref_squeeze %dma_wait3A_197 : memref<1x80xi32, #tpu.memory_space<vmem>> -> memref<80xi32, #tpu.memory_space<vmem>>
          %dma_wait3A_199 = tpu.memref_slice %arg3[%mul3A_190] : memref<320000xi32, #tpu.memory_space<hbm>> -> memref<80xi32, #tpu.memory_space<hbm>>
          tpu.wait_dma2 semaphore(%arg16 : memref<!tpu.dma_semaphore, #tpu.memory_space<semaphore_mem>>) src(%dma_wait3A_199 : memref<80xi32, #tpu.memory_space<hbm>>) dst(%dma_wait3A_198 : memref<80xi32, #tpu.memory_space<vmem>>)
          %dma_wait3A_200 = arith.constant 1 : i32
          %dma_wait3A_201 = arith.constant 0 : i32
          %dma_wait3A_202 = tpu.memref_slice %arg8[%dma_wait3A_200, %dma_wait3A_201] : memref<3x80xi32, #tpu.memory_space<vmem>> -> memref<1x80xi32, #tpu.memory_space<vmem>>
          %dma_wait3A_203 = tpu.memref_squeeze %dma_wait3A_202 : memref<1x80xi32, #tpu.memory_space<vmem>> -> memref<80xi32, #tpu.memory_space<vmem>>
          %dma_wait3A_204 = tpu.memref_slice %arg4[%mul3A_190] : memref<320000xi32, #tpu.memory_space<hbm>> -> memref<80xi32, #tpu.memory_space<hbm>>
          %dma_wait3A_205 = arith.constant 0 : i32
          %dma_wait3A_206 = tpu.memref_slice %arg8[%dma_wait3A_200, %dma_wait3A_205] : memref<3x80xi32, #tpu.memory_space<vmem>> -> memref<1x80xi32, #tpu.memory_space<vmem>>
          %dma_wait3A_207 = tpu.memref_squeeze %dma_wait3A_206 : memref<1x80xi32, #tpu.memory_space<vmem>> -> memref<80xi32, #tpu.memory_space<vmem>>
          %dma_wait3A_208 = tpu.memref_slice %arg4[%mul3A_190] : memref<320000xi32, #tpu.memory_space<hbm>> -> memref<80xi32, #tpu.memory_space<hbm>>
          tpu.wait_dma2 semaphore(%arg16 : memref<!tpu.dma_semaphore, #tpu.memory_space<semaphore_mem>>) src(%dma_wait3A_208 : memref<80xi32, #tpu.memory_space<hbm>>) dst(%dma_wait3A_207 : memref<80xi32, #tpu.memory_space<vmem>>)
          %ge3A = arith.constant 32 : i32
          %ge3A_209 = arith.cmpi sge, %add3A_108, %ge3A : i32
          %convert_element_type3A_210 = arith.extui %ge3A_209 : i1 to i32
          %cond3A_211 = arith.constant 0 : i32
          %cond3A_212 = arith.cmpi ne, %convert_element_type3A_210, %cond3A_211 : i32
          scf.if %cond3A_212 {
            %dma_wait3A_220 = arith.constant 2 : i32
            %dma_wait3A_221 = arith.constant 0 : i32
            %dma_wait3A_222 = tpu.memref_slice %arg8[%dma_wait3A_220, %dma_wait3A_221] : memref<3x80xi32, #tpu.memory_space<vmem>> -> memref<1x80xi32, #tpu.memory_space<vmem>>
            %dma_wait3A_223 = tpu.memref_squeeze %dma_wait3A_222 : memref<1x80xi32, #tpu.memory_space<vmem>> -> memref<80xi32, #tpu.memory_space<vmem>>
            %dma_wait3A_224 = arith.constant 0 : i32
            %dma_wait3A_225 = arith.constant 0 : i32
            %dma_wait3A_226 = tpu.memref_slice %arg6[%dma_wait3A_224, %dma_wait3A_225] : memref<10240x128xf32, #tpu.memory_space<vmem_shared>> -> memref<10240x128xf32, #tpu.memory_space<vmem_shared>>
            tpu.wait_indirect_dma semaphore(%arg14 : memref<!tpu.dma_semaphore, #tpu.memory_space<semaphore_mem>>) src(%arg10 : memref<80x128xf32, #tpu.memory_space<vmem>>) dst(%dma_wait3A_226 : memref<10240x128xf32, #tpu.memory_space<vmem_shared>>)
          } else {
          }
          %dma_start3A_213 = arith.constant 1 : i32
          %dma_start3A_214 = arith.constant 0 : i32
          %dma_start3A_215 = tpu.memref_slice %arg7[%dma_start3A_213, %dma_start3A_214] : memref<3x80xi32, #tpu.memory_space<vmem>> -> memref<1x80xi32, #tpu.memory_space<vmem>>
          %dma_start3A_216 = tpu.memref_squeeze %dma_start3A_215 : memref<1x80xi32, #tpu.memory_space<vmem>> -> memref<80xi32, #tpu.memory_space<vmem>>
          %dma_start3A_217 = arith.constant 0 : i32
          %dma_start3A_218 = arith.constant 0 : i32
          %dma_start3A_219 = tpu.memref_slice %arg2[%dma_start3A_217, %dma_start3A_218] : memref<10240x128xf32, #tpu.memory_space<hbm>> -> memref<10240x128xf32, #tpu.memory_space<hbm>>
          tpu.enqueue_indirect_dma source(%dma_start3A_219 : memref<10240x128xf32, #tpu.memory_space<hbm>>) target(%arg10 : memref<80x128xf32, #tpu.memory_space<vmem>>) offsets(%dma_start3A_216 : memref<80xi32, #tpu.memory_space<vmem>>) semaphore(%arg12 : memref<!tpu.dma_semaphore, #tpu.memory_space<semaphore_mem>>)
        } else {
        }
        %dma_start3A_177 = arith.constant 0 : i32
        %dma_start3A_178 = arith.constant 0 : i32
        %dma_start3A_179 = tpu.memref_slice %arg8[%dma_start3A_177, %dma_start3A_178] : memref<3x80xi32, #tpu.memory_space<vmem>> -> memref<1x80xi32, #tpu.memory_space<vmem>>
        %dma_start3A_180 = tpu.memref_squeeze %dma_start3A_179 : memref<1x80xi32, #tpu.memory_space<vmem>> -> memref<80xi32, #tpu.memory_space<vmem>>
        %dma_start3A_181 = arith.constant 0 : i32
        %dma_start3A_182 = arith.constant 0 : i32
        %dma_start3A_183 = tpu.memref_slice %arg6[%dma_start3A_181, %dma_start3A_182] : memref<10240x128xf32, #tpu.memory_space<vmem_shared>> -> memref<10240x128xf32, #tpu.memory_space<vmem_shared>>
        tpu.enqueue_indirect_dma source(%arg9 : memref<80x128xf32, #tpu.memory_space<vmem>>) target(%dma_start3A_183 : memref<10240x128xf32, #tpu.memory_space<vmem_shared>>) offsets(%dma_start3A_180 : memref<80xi32, #tpu.memory_space<vmem>>) semaphore(%arg13 : memref<!tpu.dma_semaphore, #tpu.memory_space<semaphore_mem>>) {add = true}
        %lt3A_184 = arith.constant 4000 : i32
        %lt3A_185 = arith.cmpi slt, %add3A_171, %lt3A_184 : i32
        %convert_element_type3A_186 = arith.extui %lt3A_185 : i1 to i32
        %cond3A_187 = arith.constant 0 : i32
        %cond3A_188 = arith.cmpi ne, %convert_element_type3A_186, %cond3A_187 : i32
        scf.if %cond3A_188 {
          %mul3A_189 = arith.constant 80 : i32
          %mul3A_190 = arith.muli %add3A_171, %mul3A_189 : i32
          %dma_start3A_191 = arith.constant 2 : i32
          %dma_start3A_192 = arith.constant 0 : i32
          %dma_start3A_193 = tpu.memref_slice %arg7[%dma_start3A_191, %dma_start3A_192] : memref<3x80xi32, #tpu.memory_space<vmem>> -> memref<1x80xi32, #tpu.memory_space<vmem>>
          %dma_start3A_194 = tpu.memref_squeeze %dma_start3A_193 : memref<1x80xi32, #tpu.memory_space<vmem>> -> memref<80xi32, #tpu.memory_space<vmem>>
          %dma_start3A_195 = tpu.memref_slice %arg3[%mul3A_190] : memref<320000xi32, #tpu.memory_space<hbm>> -> memref<80xi32, #tpu.memory_space<hbm>>
          %dma_start3A_196 = arith.constant 0 : i32
          %dma_start3A_197 = tpu.memref_slice %arg7[%dma_start3A_191, %dma_start3A_196] : memref<3x80xi32, #tpu.memory_space<vmem>> -> memref<1x80xi32, #tpu.memory_space<vmem>>
          %dma_start3A_198 = tpu.memref_squeeze %dma_start3A_197 : memref<1x80xi32, #tpu.memory_space<vmem>> -> memref<80xi32, #tpu.memory_space<vmem>>
          %dma_start3A_199 = tpu.memref_slice %arg3[%mul3A_190] : memref<320000xi32, #tpu.memory_space<hbm>> -> memref<80xi32, #tpu.memory_space<hbm>>
          tpu.enqueue_dma source(%dma_start3A_199 : memref<80xi32, #tpu.memory_space<hbm>>) target(%dma_start3A_198 : memref<80xi32, #tpu.memory_space<vmem>>) target_semaphore(%arg17 : memref<!tpu.dma_semaphore, #tpu.memory_space<semaphore_mem>>)
          %dma_start3A_200 = arith.constant 2 : i32
          %dma_start3A_201 = arith.constant 0 : i32
          %dma_start3A_202 = tpu.memref_slice %arg8[%dma_start3A_200, %dma_start3A_201] : memref<3x80xi32, #tpu.memory_space<vmem>> -> memref<1x80xi32, #tpu.memory_space<vmem>>
          %dma_start3A_203 = tpu.memref_squeeze %dma_start3A_202 : memref<1x80xi32, #tpu.memory_space<vmem>> -> memref<80xi32, #tpu.memory_space<vmem>>
          %dma_start3A_204 = tpu.memref_slice %arg4[%mul3A_190] : memref<320000xi32, #tpu.memory_space<hbm>> -> memref<80xi32, #tpu.memory_space<hbm>>
          %dma_start3A_205 = arith.constant 0 : i32
          %dma_start3A_206 = tpu.memref_slice %arg8[%dma_start3A_200, %dma_start3A_205] : memref<3x80xi32, #tpu.memory_space<vmem>> -> memref<1x80xi32, #tpu.memory_space<vmem>>
          %dma_start3A_207 = tpu.memref_squeeze %dma_start3A_206 : memref<1x80xi32, #tpu.memory_space<vmem>> -> memref<80xi32, #tpu.memory_space<vmem>>
          %dma_start3A_208 = tpu.memref_slice %arg4[%mul3A_190] : memref<320000xi32, #tpu.memory_space<hbm>> -> memref<80xi32, #tpu.memory_space<hbm>>
          tpu.enqueue_dma source(%dma_start3A_208 : memref<80xi32, #tpu.memory_space<hbm>>) target(%dma_start3A_207 : memref<80xi32, #tpu.memory_space<vmem>>) target_semaphore(%arg17 : memref<!tpu.dma_semaphore, #tpu.memory_space<semaphore_mem>>)
        } else {
        }
      } else {
      }
      %add3A_111 = arith.constant 1 : i32
      %add3A_112 = arith.addi %add3A_103, %add3A_111 : i32
      %mul3A_113 = arith.constant 32 : i32
      %mul3A_114 = arith.muli %add3A_112, %mul3A_113 : i32
      %add3A_115 = arith.addi %add3A, %mul3A_114 : i32
      %lt3A_116 = arith.constant 4000 : i32
      %lt3A_117 = arith.cmpi slt, %add3A_115, %lt3A_116 : i32
      %convert_element_type3A_118 = arith.extui %lt3A_117 : i1 to i32
      %cond3A_119 = arith.constant 0 : i32
      %cond3A_120 = arith.cmpi ne, %convert_element_type3A_118, %cond3A_119 : i32
      scf.if %cond3A_120 {
        %dma_wait3A_161 = arith.constant 1 : i32
        %dma_wait3A_162 = arith.constant 0 : i32
        %dma_wait3A_163 = tpu.memref_slice %arg7[%dma_wait3A_161, %dma_wait3A_162] : memref<3x80xi32, #tpu.memory_space<vmem>> -> memref<1x80xi32, #tpu.memory_space<vmem>>
        %dma_wait3A_164 = tpu.memref_squeeze %dma_wait3A_163 : memref<1x80xi32, #tpu.memory_space<vmem>> -> memref<80xi32, #tpu.memory_space<vmem>>
        %dma_wait3A_165 = arith.constant 0 : i32
        %dma_wait3A_166 = arith.constant 0 : i32
        %dma_wait3A_167 = tpu.memref_slice %arg2[%dma_wait3A_165, %dma_wait3A_166] : memref<10240x128xf32, #tpu.memory_space<hbm>> -> memref<10240x128xf32, #tpu.memory_space<hbm>>
        tpu.wait_indirect_dma semaphore(%arg12 : memref<!tpu.dma_semaphore, #tpu.memory_space<semaphore_mem>>) src(%dma_wait3A_167 : memref<10240x128xf32, #tpu.memory_space<hbm>>) dst(%arg10 : memref<80x128xf32, #tpu.memory_space<vmem>>)
        %add3A_168 = arith.constant 32 : i32
        %add3A_169 = arith.addi %add3A_115, %add3A_168 : i32
        %add3A_170 = arith.constant 64 : i32
        %add3A_171 = arith.addi %add3A_115, %add3A_170 : i32
        %lt3A_172 = arith.constant 4000 : i32
        %lt3A_173 = arith.cmpi slt, %add3A_169, %lt3A_172 : i32
        %convert_element_type3A_174 = arith.extui %lt3A_173 : i1 to i32
        %cond3A_175 = arith.constant 0 : i32
        %cond3A_176 = arith.cmpi ne, %convert_element_type3A_174, %cond3A_175 : i32
        scf.if %cond3A_176 {
          %mul3A_189 = arith.constant 80 : i32
          %mul3A_190 = arith.muli %add3A_169, %mul3A_189 : i32
          %dma_wait3A_191 = arith.constant 2 : i32
          %dma_wait3A_192 = arith.constant 0 : i32
          %dma_wait3A_193 = tpu.memref_slice %arg7[%dma_wait3A_191, %dma_wait3A_192] : memref<3x80xi32, #tpu.memory_space<vmem>> -> memref<1x80xi32, #tpu.memory_space<vmem>>
          %dma_wait3A_194 = tpu.memref_squeeze %dma_wait3A_193 : memref<1x80xi32, #tpu.memory_space<vmem>> -> memref<80xi32, #tpu.memory_space<vmem>>
          %dma_wait3A_195 = tpu.memref_slice %arg3[%mul3A_190] : memref<320000xi32, #tpu.memory_space<hbm>> -> memref<80xi32, #tpu.memory_space<hbm>>
          %dma_wait3A_196 = arith.constant 0 : i32
          %dma_wait3A_197 = tpu.memref_slice %arg7[%dma_wait3A_191, %dma_wait3A_196] : memref<3x80xi32, #tpu.memory_space<vmem>> -> memref<1x80xi32, #tpu.memory_space<vmem>>
          %dma_wait3A_198 = tpu.memref_squeeze %dma_wait3A_197 : memref<1x80xi32, #tpu.memory_space<vmem>> -> memref<80xi32, #tpu.memory_space<vmem>>
          %dma_wait3A_199 = tpu.memref_slice %arg3[%mul3A_190] : memref<320000xi32, #tpu.memory_space<hbm>> -> memref<80xi32, #tpu.memory_space<hbm>>
          tpu.wait_dma2 semaphore(%arg17 : memref<!tpu.dma_semaphore, #tpu.memory_space<semaphore_mem>>) src(%dma_wait3A_199 : memref<80xi32, #tpu.memory_space<hbm>>) dst(%dma_wait3A_198 : memref<80xi32, #tpu.memory_space<vmem>>)
          %dma_wait3A_200 = arith.constant 2 : i32
          %dma_wait3A_201 = arith.constant 0 : i32
          %dma_wait3A_202 = tpu.memref_slice %arg8[%dma_wait3A_200, %dma_wait3A_201] : memref<3x80xi32, #tpu.memory_space<vmem>> -> memref<1x80xi32, #tpu.memory_space<vmem>>
          %dma_wait3A_203 = tpu.memref_squeeze %dma_wait3A_202 : memref<1x80xi32, #tpu.memory_space<vmem>> -> memref<80xi32, #tpu.memory_space<vmem>>
          %dma_wait3A_204 = tpu.memref_slice %arg4[%mul3A_190] : memref<320000xi32, #tpu.memory_space<hbm>> -> memref<80xi32, #tpu.memory_space<hbm>>
          %dma_wait3A_205 = arith.constant 0 : i32
          %dma_wait3A_206 = tpu.memref_slice %arg8[%dma_wait3A_200, %dma_wait3A_205] : memref<3x80xi32, #tpu.memory_space<vmem>> -> memref<1x80xi32, #tpu.memory_space<vmem>>
          %dma_wait3A_207 = tpu.memref_squeeze %dma_wait3A_206 : memref<1x80xi32, #tpu.memory_space<vmem>> -> memref<80xi32, #tpu.memory_space<vmem>>
          %dma_wait3A_208 = tpu.memref_slice %arg4[%mul3A_190] : memref<320000xi32, #tpu.memory_space<hbm>> -> memref<80xi32, #tpu.memory_space<hbm>>
          tpu.wait_dma2 semaphore(%arg17 : memref<!tpu.dma_semaphore, #tpu.memory_space<semaphore_mem>>) src(%dma_wait3A_208 : memref<80xi32, #tpu.memory_space<hbm>>) dst(%dma_wait3A_207 : memref<80xi32, #tpu.memory_space<vmem>>)
          %ge3A = arith.constant 32 : i32
          %ge3A_209 = arith.cmpi sge, %add3A_115, %ge3A : i32
          %convert_element_type3A_210 = arith.extui %ge3A_209 : i1 to i32
          %cond3A_211 = arith.constant 0 : i32
          %cond3A_212 = arith.cmpi ne, %convert_element_type3A_210, %cond3A_211 : i32
          scf.if %cond3A_212 {
            %dma_wait3A_220 = arith.constant 0 : i32
            %dma_wait3A_221 = arith.constant 0 : i32
            %dma_wait3A_222 = tpu.memref_slice %arg8[%dma_wait3A_220, %dma_wait3A_221] : memref<3x80xi32, #tpu.memory_space<vmem>> -> memref<1x80xi32, #tpu.memory_space<vmem>>
            %dma_wait3A_223 = tpu.memref_squeeze %dma_wait3A_222 : memref<1x80xi32, #tpu.memory_space<vmem>> -> memref<80xi32, #tpu.memory_space<vmem>>
            %dma_wait3A_224 = arith.constant 0 : i32
            %dma_wait3A_225 = arith.constant 0 : i32
            %dma_wait3A_226 = tpu.memref_slice %arg6[%dma_wait3A_224, %dma_wait3A_225] : memref<10240x128xf32, #tpu.memory_space<vmem_shared>> -> memref<10240x128xf32, #tpu.memory_space<vmem_shared>>
            tpu.wait_indirect_dma semaphore(%arg13 : memref<!tpu.dma_semaphore, #tpu.memory_space<semaphore_mem>>) src(%arg9 : memref<80x128xf32, #tpu.memory_space<vmem>>) dst(%dma_wait3A_226 : memref<10240x128xf32, #tpu.memory_space<vmem_shared>>)
          } else {
          }
          %dma_start3A_213 = arith.constant 2 : i32
          %dma_start3A_214 = arith.constant 0 : i32
          %dma_start3A_215 = tpu.memref_slice %arg7[%dma_start3A_213, %dma_start3A_214] : memref<3x80xi32, #tpu.memory_space<vmem>> -> memref<1x80xi32, #tpu.memory_space<vmem>>
          %dma_start3A_216 = tpu.memref_squeeze %dma_start3A_215 : memref<1x80xi32, #tpu.memory_space<vmem>> -> memref<80xi32, #tpu.memory_space<vmem>>
          %dma_start3A_217 = arith.constant 0 : i32
          %dma_start3A_218 = arith.constant 0 : i32
          %dma_start3A_219 = tpu.memref_slice %arg2[%dma_start3A_217, %dma_start3A_218] : memref<10240x128xf32, #tpu.memory_space<hbm>> -> memref<10240x128xf32, #tpu.memory_space<hbm>>
          tpu.enqueue_indirect_dma source(%dma_start3A_219 : memref<10240x128xf32, #tpu.memory_space<hbm>>) target(%arg9 : memref<80x128xf32, #tpu.memory_space<vmem>>) offsets(%dma_start3A_216 : memref<80xi32, #tpu.memory_space<vmem>>) semaphore(%arg11 : memref<!tpu.dma_semaphore, #tpu.memory_space<semaphore_mem>>)
        } else {
        }
        %dma_start3A_177 = arith.constant 1 : i32
        %dma_start3A_178 = arith.constant 0 : i32
        %dma_start3A_179 = tpu.memref_slice %arg8[%dma_start3A_177, %dma_start3A_178] : memref<3x80xi32, #tpu.memory_space<vmem>> -> memref<1x80xi32, #tpu.memory_space<vmem>>
        %dma_start3A_180 = tpu.memref_squeeze %dma_start3A_179 : memref<1x80xi32, #tpu.memory_space<vmem>> -> memref<80xi32, #tpu.memory_space<vmem>>
        %dma_start3A_181 = arith.constant 0 : i32
        %dma_start3A_182 = arith.constant 0 : i32
        %dma_start3A_183 = tpu.memref_slice %arg6[%dma_start3A_181, %dma_start3A_182] : memref<10240x128xf32, #tpu.memory_space<vmem_shared>> -> memref<10240x128xf32, #tpu.memory_space<vmem_shared>>
        tpu.enqueue_indirect_dma source(%arg10 : memref<80x128xf32, #tpu.memory_space<vmem>>) target(%dma_start3A_183 : memref<10240x128xf32, #tpu.memory_space<vmem_shared>>) offsets(%dma_start3A_180 : memref<80xi32, #tpu.memory_space<vmem>>) semaphore(%arg14 : memref<!tpu.dma_semaphore, #tpu.memory_space<semaphore_mem>>) {add = true}
        %lt3A_184 = arith.constant 4000 : i32
        %lt3A_185 = arith.cmpi slt, %add3A_171, %lt3A_184 : i32
        %convert_element_type3A_186 = arith.extui %lt3A_185 : i1 to i32
        %cond3A_187 = arith.constant 0 : i32
        %cond3A_188 = arith.cmpi ne, %convert_element_type3A_186, %cond3A_187 : i32
        scf.if %cond3A_188 {
          %mul3A_189 = arith.constant 80 : i32
          %mul3A_190 = arith.muli %add3A_171, %mul3A_189 : i32
          %dma_start3A_191 = arith.constant 0 : i32
          %dma_start3A_192 = arith.constant 0 : i32
          %dma_start3A_193 = tpu.memref_slice %arg7[%dma_start3A_191, %dma_start3A_192] : memref<3x80xi32, #tpu.memory_space<vmem>> -> memref<1x80xi32, #tpu.memory_space<vmem>>
          %dma_start3A_194 = tpu.memref_squeeze %dma_start3A_193 : memref<1x80xi32, #tpu.memory_space<vmem>> -> memref<80xi32, #tpu.memory_space<vmem>>
          %dma_start3A_195 = tpu.memref_slice %arg3[%mul3A_190] : memref<320000xi32, #tpu.memory_space<hbm>> -> memref<80xi32, #tpu.memory_space<hbm>>
          %dma_start3A_196 = arith.constant 0 : i32
          %dma_start3A_197 = tpu.memref_slice %arg7[%dma_start3A_191, %dma_start3A_196] : memref<3x80xi32, #tpu.memory_space<vmem>> -> memref<1x80xi32, #tpu.memory_space<vmem>>
          %dma_start3A_198 = tpu.memref_squeeze %dma_start3A_197 : memref<1x80xi32, #tpu.memory_space<vmem>> -> memref<80xi32, #tpu.memory_space<vmem>>
          %dma_start3A_199 = tpu.memref_slice %arg3[%mul3A_190] : memref<320000xi32, #tpu.memory_space<hbm>> -> memref<80xi32, #tpu.memory_space<hbm>>
          tpu.enqueue_dma source(%dma_start3A_199 : memref<80xi32, #tpu.memory_space<hbm>>) target(%dma_start3A_198 : memref<80xi32, #tpu.memory_space<vmem>>) target_semaphore(%arg15 : memref<!tpu.dma_semaphore, #tpu.memory_space<semaphore_mem>>)
          %dma_start3A_200 = arith.constant 0 : i32
          %dma_start3A_201 = arith.constant 0 : i32
          %dma_start3A_202 = tpu.memref_slice %arg8[%dma_start3A_200, %dma_start3A_201] : memref<3x80xi32, #tpu.memory_space<vmem>> -> memref<1x80xi32, #tpu.memory_space<vmem>>
          %dma_start3A_203 = tpu.memref_squeeze %dma_start3A_202 : memref<1x80xi32, #tpu.memory_space<vmem>> -> memref<80xi32, #tpu.memory_space<vmem>>
          %dma_start3A_204 = tpu.memref_slice %arg4[%mul3A_190] : memref<320000xi32, #tpu.memory_space<hbm>> -> memref<80xi32, #tpu.memory_space<hbm>>
          %dma_start3A_205 = arith.constant 0 : i32
          %dma_start3A_206 = tpu.memref_slice %arg8[%dma_start3A_200, %dma_start3A_205] : memref<3x80xi32, #tpu.memory_space<vmem>> -> memref<1x80xi32, #tpu.memory_space<vmem>>
          %dma_start3A_207 = tpu.memref_squeeze %dma_start3A_206 : memref<1x80xi32, #tpu.memory_space<vmem>> -> memref<80xi32, #tpu.memory_space<vmem>>
          %dma_start3A_208 = tpu.memref_slice %arg4[%mul3A_190] : memref<320000xi32, #tpu.memory_space<hbm>> -> memref<80xi32, #tpu.memory_space<hbm>>
          tpu.enqueue_dma source(%dma_start3A_208 : memref<80xi32, #tpu.memory_space<hbm>>) target(%dma_start3A_207 : memref<80xi32, #tpu.memory_space<vmem>>) target_semaphore(%arg15 : memref<!tpu.dma_semaphore, #tpu.memory_space<semaphore_mem>>)
        } else {
        }
      } else {
      }
      %add3A_121 = arith.constant 2 : i32
      %add3A_122 = arith.addi %add3A_103, %add3A_121 : i32
      %mul3A_123 = arith.constant 32 : i32
      %mul3A_124 = arith.muli %add3A_122, %mul3A_123 : i32
      %add3A_125 = arith.addi %add3A, %mul3A_124 : i32
      %lt3A_126 = arith.constant 4000 : i32
      %lt3A_127 = arith.cmpi slt, %add3A_125, %lt3A_126 : i32
      %convert_element_type3A_128 = arith.extui %lt3A_127 : i1 to i32
      %cond3A_129 = arith.constant 0 : i32
      %cond3A_130 = arith.cmpi ne, %convert_element_type3A_128, %cond3A_129 : i32
      scf.if %cond3A_130 {
        %dma_wait3A_161 = arith.constant 2 : i32
        %dma_wait3A_162 = arith.constant 0 : i32
        %dma_wait3A_163 = tpu.memref_slice %arg7[%dma_wait3A_161, %dma_wait3A_162] : memref<3x80xi32, #tpu.memory_space<vmem>> -> memref<1x80xi32, #tpu.memory_space<vmem>>
        %dma_wait3A_164 = tpu.memref_squeeze %dma_wait3A_163 : memref<1x80xi32, #tpu.memory_space<vmem>> -> memref<80xi32, #tpu.memory_space<vmem>>
        %dma_wait3A_165 = arith.constant 0 : i32
        %dma_wait3A_166 = arith.constant 0 : i32
        %dma_wait3A_167 = tpu.memref_slice %arg2[%dma_wait3A_165, %dma_wait3A_166] : memref<10240x128xf32, #tpu.memory_space<hbm>> -> memref<10240x128xf32, #tpu.memory_space<hbm>>
        tpu.wait_indirect_dma semaphore(%arg11 : memref<!tpu.dma_semaphore, #tpu.memory_space<semaphore_mem>>) src(%dma_wait3A_167 : memref<10240x128xf32, #tpu.memory_space<hbm>>) dst(%arg9 : memref<80x128xf32, #tpu.memory_space<vmem>>)
        %add3A_168 = arith.constant 32 : i32
        %add3A_169 = arith.addi %add3A_125, %add3A_168 : i32
        %add3A_170 = arith.constant 64 : i32
        %add3A_171 = arith.addi %add3A_125, %add3A_170 : i32
        %lt3A_172 = arith.constant 4000 : i32
        %lt3A_173 = arith.cmpi slt, %add3A_169, %lt3A_172 : i32
        %convert_element_type3A_174 = arith.extui %lt3A_173 : i1 to i32
        %cond3A_175 = arith.constant 0 : i32
        %cond3A_176 = arith.cmpi ne, %convert_element_type3A_174, %cond3A_175 : i32
        scf.if %cond3A_176 {
          %mul3A_189 = arith.constant 80 : i32
          %mul3A_190 = arith.muli %add3A_169, %mul3A_189 : i32
          %dma_wait3A_191 = arith.constant 0 : i32
          %dma_wait3A_192 = arith.constant 0 : i32
          %dma_wait3A_193 = tpu.memref_slice %arg7[%dma_wait3A_191, %dma_wait3A_192] : memref<3x80xi32, #tpu.memory_space<vmem>> -> memref<1x80xi32, #tpu.memory_space<vmem>>
          %dma_wait3A_194 = tpu.memref_squeeze %dma_wait3A_193 : memref<1x80xi32, #tpu.memory_space<vmem>> -> memref<80xi32, #tpu.memory_space<vmem>>
          %dma_wait3A_195 = tpu.memref_slice %arg3[%mul3A_190] : memref<320000xi32, #tpu.memory_space<hbm>> -> memref<80xi32, #tpu.memory_space<hbm>>
          %dma_wait3A_196 = arith.constant 0 : i32
          %dma_wait3A_197 = tpu.memref_slice %arg7[%dma_wait3A_191, %dma_wait3A_196] : memref<3x80xi32, #tpu.memory_space<vmem>> -> memref<1x80xi32, #tpu.memory_space<vmem>>
          %dma_wait3A_198 = tpu.memref_squeeze %dma_wait3A_197 : memref<1x80xi32, #tpu.memory_space<vmem>> -> memref<80xi32, #tpu.memory_space<vmem>>
          %dma_wait3A_199 = tpu.memref_slice %arg3[%mul3A_190] : memref<320000xi32, #tpu.memory_space<hbm>> -> memref<80xi32, #tpu.memory_space<hbm>>
          tpu.wait_dma2 semaphore(%arg15 : memref<!tpu.dma_semaphore, #tpu.memory_space<semaphore_mem>>) src(%dma_wait3A_199 : memref<80xi32, #tpu.memory_space<hbm>>) dst(%dma_wait3A_198 : memref<80xi32, #tpu.memory_space<vmem>>)
          %dma_wait3A_200 = arith.constant 0 : i32
          %dma_wait3A_201 = arith.constant 0 : i32
          %dma_wait3A_202 = tpu.memref_slice %arg8[%dma_wait3A_200, %dma_wait3A_201] : memref<3x80xi32, #tpu.memory_space<vmem>> -> memref<1x80xi32, #tpu.memory_space<vmem>>
          %dma_wait3A_203 = tpu.memref_squeeze %dma_wait3A_202 : memref<1x80xi32, #tpu.memory_space<vmem>> -> memref<80xi32, #tpu.memory_space<vmem>>
          %dma_wait3A_204 = tpu.memref_slice %arg4[%mul3A_190] : memref<320000xi32, #tpu.memory_space<hbm>> -> memref<80xi32, #tpu.memory_space<hbm>>
          %dma_wait3A_205 = arith.constant 0 : i32
          %dma_wait3A_206 = tpu.memref_slice %arg8[%dma_wait3A_200, %dma_wait3A_205] : memref<3x80xi32, #tpu.memory_space<vmem>> -> memref<1x80xi32, #tpu.memory_space<vmem>>
          %dma_wait3A_207 = tpu.memref_squeeze %dma_wait3A_206 : memref<1x80xi32, #tpu.memory_space<vmem>> -> memref<80xi32, #tpu.memory_space<vmem>>
          %dma_wait3A_208 = tpu.memref_slice %arg4[%mul3A_190] : memref<320000xi32, #tpu.memory_space<hbm>> -> memref<80xi32, #tpu.memory_space<hbm>>
          tpu.wait_dma2 semaphore(%arg15 : memref<!tpu.dma_semaphore, #tpu.memory_space<semaphore_mem>>) src(%dma_wait3A_208 : memref<80xi32, #tpu.memory_space<hbm>>) dst(%dma_wait3A_207 : memref<80xi32, #tpu.memory_space<vmem>>)
          %ge3A = arith.constant 32 : i32
          %ge3A_209 = arith.cmpi sge, %add3A_125, %ge3A : i32
          %convert_element_type3A_210 = arith.extui %ge3A_209 : i1 to i32
          %cond3A_211 = arith.constant 0 : i32
          %cond3A_212 = arith.cmpi ne, %convert_element_type3A_210, %cond3A_211 : i32
          scf.if %cond3A_212 {
            %dma_wait3A_220 = arith.constant 1 : i32
            %dma_wait3A_221 = arith.constant 0 : i32
            %dma_wait3A_222 = tpu.memref_slice %arg8[%dma_wait3A_220, %dma_wait3A_221] : memref<3x80xi32, #tpu.memory_space<vmem>> -> memref<1x80xi32, #tpu.memory_space<vmem>>
            %dma_wait3A_223 = tpu.memref_squeeze %dma_wait3A_222 : memref<1x80xi32, #tpu.memory_space<vmem>> -> memref<80xi32, #tpu.memory_space<vmem>>
            %dma_wait3A_224 = arith.constant 0 : i32
            %dma_wait3A_225 = arith.constant 0 : i32
            %dma_wait3A_226 = tpu.memref_slice %arg6[%dma_wait3A_224, %dma_wait3A_225] : memref<10240x128xf32, #tpu.memory_space<vmem_shared>> -> memref<10240x128xf32, #tpu.memory_space<vmem_shared>>
            tpu.wait_indirect_dma semaphore(%arg14 : memref<!tpu.dma_semaphore, #tpu.memory_space<semaphore_mem>>) src(%arg10 : memref<80x128xf32, #tpu.memory_space<vmem>>) dst(%dma_wait3A_226 : memref<10240x128xf32, #tpu.memory_space<vmem_shared>>)
          } else {
          }
          %dma_start3A_213 = arith.constant 0 : i32
          %dma_start3A_214 = arith.constant 0 : i32
          %dma_start3A_215 = tpu.memref_slice %arg7[%dma_start3A_213, %dma_start3A_214] : memref<3x80xi32, #tpu.memory_space<vmem>> -> memref<1x80xi32, #tpu.memory_space<vmem>>
          %dma_start3A_216 = tpu.memref_squeeze %dma_start3A_215 : memref<1x80xi32, #tpu.memory_space<vmem>> -> memref<80xi32, #tpu.memory_space<vmem>>
          %dma_start3A_217 = arith.constant 0 : i32
          %dma_start3A_218 = arith.constant 0 : i32
          %dma_start3A_219 = tpu.memref_slice %arg2[%dma_start3A_217, %dma_start3A_218] : memref<10240x128xf32, #tpu.memory_space<hbm>> -> memref<10240x128xf32, #tpu.memory_space<hbm>>
          tpu.enqueue_indirect_dma source(%dma_start3A_219 : memref<10240x128xf32, #tpu.memory_space<hbm>>) target(%arg10 : memref<80x128xf32, #tpu.memory_space<vmem>>) offsets(%dma_start3A_216 : memref<80xi32, #tpu.memory_space<vmem>>) semaphore(%arg12 : memref<!tpu.dma_semaphore, #tpu.memory_space<semaphore_mem>>)
        } else {
        }
        %dma_start3A_177 = arith.constant 2 : i32
        %dma_start3A_178 = arith.constant 0 : i32
        %dma_start3A_179 = tpu.memref_slice %arg8[%dma_start3A_177, %dma_start3A_178] : memref<3x80xi32, #tpu.memory_space<vmem>> -> memref<1x80xi32, #tpu.memory_space<vmem>>
        %dma_start3A_180 = tpu.memref_squeeze %dma_start3A_179 : memref<1x80xi32, #tpu.memory_space<vmem>> -> memref<80xi32, #tpu.memory_space<vmem>>
        %dma_start3A_181 = arith.constant 0 : i32
        %dma_start3A_182 = arith.constant 0 : i32
        %dma_start3A_183 = tpu.memref_slice %arg6[%dma_start3A_181, %dma_start3A_182] : memref<10240x128xf32, #tpu.memory_space<vmem_shared>> -> memref<10240x128xf32, #tpu.memory_space<vmem_shared>>
        tpu.enqueue_indirect_dma source(%arg9 : memref<80x128xf32, #tpu.memory_space<vmem>>) target(%dma_start3A_183 : memref<10240x128xf32, #tpu.memory_space<vmem_shared>>) offsets(%dma_start3A_180 : memref<80xi32, #tpu.memory_space<vmem>>) semaphore(%arg13 : memref<!tpu.dma_semaphore, #tpu.memory_space<semaphore_mem>>) {add = true}
        %lt3A_184 = arith.constant 4000 : i32
        %lt3A_185 = arith.cmpi slt, %add3A_171, %lt3A_184 : i32
        %convert_element_type3A_186 = arith.extui %lt3A_185 : i1 to i32
        %cond3A_187 = arith.constant 0 : i32
        %cond3A_188 = arith.cmpi ne, %convert_element_type3A_186, %cond3A_187 : i32
        scf.if %cond3A_188 {
          %mul3A_189 = arith.constant 80 : i32
          %mul3A_190 = arith.muli %add3A_171, %mul3A_189 : i32
          %dma_start3A_191 = arith.constant 1 : i32
          %dma_start3A_192 = arith.constant 0 : i32
          %dma_start3A_193 = tpu.memref_slice %arg7[%dma_start3A_191, %dma_start3A_192] : memref<3x80xi32, #tpu.memory_space<vmem>> -> memref<1x80xi32, #tpu.memory_space<vmem>>
          %dma_start3A_194 = tpu.memref_squeeze %dma_start3A_193 : memref<1x80xi32, #tpu.memory_space<vmem>> -> memref<80xi32, #tpu.memory_space<vmem>>
          %dma_start3A_195 = tpu.memref_slice %arg3[%mul3A_190] : memref<320000xi32, #tpu.memory_space<hbm>> -> memref<80xi32, #tpu.memory_space<hbm>>
          %dma_start3A_196 = arith.constant 0 : i32
          %dma_start3A_197 = tpu.memref_slice %arg7[%dma_start3A_191, %dma_start3A_196] : memref<3x80xi32, #tpu.memory_space<vmem>> -> memref<1x80xi32, #tpu.memory_space<vmem>>
          %dma_start3A_198 = tpu.memref_squeeze %dma_start3A_197 : memref<1x80xi32, #tpu.memory_space<vmem>> -> memref<80xi32, #tpu.memory_space<vmem>>
          %dma_start3A_199 = tpu.memref_slice %arg3[%mul3A_190] : memref<320000xi32, #tpu.memory_space<hbm>> -> memref<80xi32, #tpu.memory_space<hbm>>
          tpu.enqueue_dma source(%dma_start3A_199 : memref<80xi32, #tpu.memory_space<hbm>>) target(%dma_start3A_198 : memref<80xi32, #tpu.memory_space<vmem>>) target_semaphore(%arg16 : memref<!tpu.dma_semaphore, #tpu.memory_space<semaphore_mem>>)
          %dma_start3A_200 = arith.constant 1 : i32
          %dma_start3A_201 = arith.constant 0 : i32
          %dma_start3A_202 = tpu.memref_slice %arg8[%dma_start3A_200, %dma_start3A_201] : memref<3x80xi32, #tpu.memory_space<vmem>> -> memref<1x80xi32, #tpu.memory_space<vmem>>
          %dma_start3A_203 = tpu.memref_squeeze %dma_start3A_202 : memref<1x80xi32, #tpu.memory_space<vmem>> -> memref<80xi32, #tpu.memory_space<vmem>>
          %dma_start3A_204 = tpu.memref_slice %arg4[%mul3A_190] : memref<320000xi32, #tpu.memory_space<hbm>> -> memref<80xi32, #tpu.memory_space<hbm>>
          %dma_start3A_205 = arith.constant 0 : i32
          %dma_start3A_206 = tpu.memref_slice %arg8[%dma_start3A_200, %dma_start3A_205] : memref<3x80xi32, #tpu.memory_space<vmem>> -> memref<1x80xi32, #tpu.memory_space<vmem>>
          %dma_start3A_207 = tpu.memref_squeeze %dma_start3A_206 : memref<1x80xi32, #tpu.memory_space<vmem>> -> memref<80xi32, #tpu.memory_space<vmem>>
          %dma_start3A_208 = tpu.memref_slice %arg4[%mul3A_190] : memref<320000xi32, #tpu.memory_space<hbm>> -> memref<80xi32, #tpu.memory_space<hbm>>
          tpu.enqueue_dma source(%dma_start3A_208 : memref<80xi32, #tpu.memory_space<hbm>>) target(%dma_start3A_207 : memref<80xi32, #tpu.memory_space<vmem>>) target_semaphore(%arg16 : memref<!tpu.dma_semaphore, #tpu.memory_space<semaphore_mem>>)
        } else {
        }
      } else {
      }
      %add3A_131 = arith.constant 3 : i32
      %add3A_132 = arith.addi %add3A_103, %add3A_131 : i32
      %mul3A_133 = arith.constant 32 : i32
      %mul3A_134 = arith.muli %add3A_132, %mul3A_133 : i32
      %add3A_135 = arith.addi %add3A, %mul3A_134 : i32
      %lt3A_136 = arith.constant 4000 : i32
      %lt3A_137 = arith.cmpi slt, %add3A_135, %lt3A_136 : i32
      %convert_element_type3A_138 = arith.extui %lt3A_137 : i1 to i32
      %cond3A_139 = arith.constant 0 : i32
      %cond3A_140 = arith.cmpi ne, %convert_element_type3A_138, %cond3A_139 : i32
      scf.if %cond3A_140 {
        %dma_wait3A_161 = arith.constant 0 : i32
        %dma_wait3A_162 = arith.constant 0 : i32
        %dma_wait3A_163 = tpu.memref_slice %arg7[%dma_wait3A_161, %dma_wait3A_162] : memref<3x80xi32, #tpu.memory_space<vmem>> -> memref<1x80xi32, #tpu.memory_space<vmem>>
        %dma_wait3A_164 = tpu.memref_squeeze %dma_wait3A_163 : memref<1x80xi32, #tpu.memory_space<vmem>> -> memref<80xi32, #tpu.memory_space<vmem>>
        %dma_wait3A_165 = arith.constant 0 : i32
        %dma_wait3A_166 = arith.constant 0 : i32
        %dma_wait3A_167 = tpu.memref_slice %arg2[%dma_wait3A_165, %dma_wait3A_166] : memref<10240x128xf32, #tpu.memory_space<hbm>> -> memref<10240x128xf32, #tpu.memory_space<hbm>>
        tpu.wait_indirect_dma semaphore(%arg12 : memref<!tpu.dma_semaphore, #tpu.memory_space<semaphore_mem>>) src(%dma_wait3A_167 : memref<10240x128xf32, #tpu.memory_space<hbm>>) dst(%arg10 : memref<80x128xf32, #tpu.memory_space<vmem>>)
        %add3A_168 = arith.constant 32 : i32
        %add3A_169 = arith.addi %add3A_135, %add3A_168 : i32
        %add3A_170 = arith.constant 64 : i32
        %add3A_171 = arith.addi %add3A_135, %add3A_170 : i32
        %lt3A_172 = arith.constant 4000 : i32
        %lt3A_173 = arith.cmpi slt, %add3A_169, %lt3A_172 : i32
        %convert_element_type3A_174 = arith.extui %lt3A_173 : i1 to i32
        %cond3A_175 = arith.constant 0 : i32
        %cond3A_176 = arith.cmpi ne, %convert_element_type3A_174, %cond3A_175 : i32
        scf.if %cond3A_176 {
          %mul3A_189 = arith.constant 80 : i32
          %mul3A_190 = arith.muli %add3A_169, %mul3A_189 : i32
          %dma_wait3A_191 = arith.constant 1 : i32
          %dma_wait3A_192 = arith.constant 0 : i32
          %dma_wait3A_193 = tpu.memref_slice %arg7[%dma_wait3A_191, %dma_wait3A_192] : memref<3x80xi32, #tpu.memory_space<vmem>> -> memref<1x80xi32, #tpu.memory_space<vmem>>
          %dma_wait3A_194 = tpu.memref_squeeze %dma_wait3A_193 : memref<1x80xi32, #tpu.memory_space<vmem>> -> memref<80xi32, #tpu.memory_space<vmem>>
          %dma_wait3A_195 = tpu.memref_slice %arg3[%mul3A_190] : memref<320000xi32, #tpu.memory_space<hbm>> -> memref<80xi32, #tpu.memory_space<hbm>>
          %dma_wait3A_196 = arith.constant 0 : i32
          %dma_wait3A_197 = tpu.memref_slice %arg7[%dma_wait3A_191, %dma_wait3A_196] : memref<3x80xi32, #tpu.memory_space<vmem>> -> memref<1x80xi32, #tpu.memory_space<vmem>>
          %dma_wait3A_198 = tpu.memref_squeeze %dma_wait3A_197 : memref<1x80xi32, #tpu.memory_space<vmem>> -> memref<80xi32, #tpu.memory_space<vmem>>
          %dma_wait3A_199 = tpu.memref_slice %arg3[%mul3A_190] : memref<320000xi32, #tpu.memory_space<hbm>> -> memref<80xi32, #tpu.memory_space<hbm>>
          tpu.wait_dma2 semaphore(%arg16 : memref<!tpu.dma_semaphore, #tpu.memory_space<semaphore_mem>>) src(%dma_wait3A_199 : memref<80xi32, #tpu.memory_space<hbm>>) dst(%dma_wait3A_198 : memref<80xi32, #tpu.memory_space<vmem>>)
          %dma_wait3A_200 = arith.constant 1 : i32
          %dma_wait3A_201 = arith.constant 0 : i32
          %dma_wait3A_202 = tpu.memref_slice %arg8[%dma_wait3A_200, %dma_wait3A_201] : memref<3x80xi32, #tpu.memory_space<vmem>> -> memref<1x80xi32, #tpu.memory_space<vmem>>
          %dma_wait3A_203 = tpu.memref_squeeze %dma_wait3A_202 : memref<1x80xi32, #tpu.memory_space<vmem>> -> memref<80xi32, #tpu.memory_space<vmem>>
          %dma_wait3A_204 = tpu.memref_slice %arg4[%mul3A_190] : memref<320000xi32, #tpu.memory_space<hbm>> -> memref<80xi32, #tpu.memory_space<hbm>>
          %dma_wait3A_205 = arith.constant 0 : i32
          %dma_wait3A_206 = tpu.memref_slice %arg8[%dma_wait3A_200, %dma_wait3A_205] : memref<3x80xi32, #tpu.memory_space<vmem>> -> memref<1x80xi32, #tpu.memory_space<vmem>>
          %dma_wait3A_207 = tpu.memref_squeeze %dma_wait3A_206 : memref<1x80xi32, #tpu.memory_space<vmem>> -> memref<80xi32, #tpu.memory_space<vmem>>
          %dma_wait3A_208 = tpu.memref_slice %arg4[%mul3A_190] : memref<320000xi32, #tpu.memory_space<hbm>> -> memref<80xi32, #tpu.memory_space<hbm>>
          tpu.wait_dma2 semaphore(%arg16 : memref<!tpu.dma_semaphore, #tpu.memory_space<semaphore_mem>>) src(%dma_wait3A_208 : memref<80xi32, #tpu.memory_space<hbm>>) dst(%dma_wait3A_207 : memref<80xi32, #tpu.memory_space<vmem>>)
          %ge3A = arith.constant 32 : i32
          %ge3A_209 = arith.cmpi sge, %add3A_135, %ge3A : i32
          %convert_element_type3A_210 = arith.extui %ge3A_209 : i1 to i32
          %cond3A_211 = arith.constant 0 : i32
          %cond3A_212 = arith.cmpi ne, %convert_element_type3A_210, %cond3A_211 : i32
          scf.if %cond3A_212 {
            %dma_wait3A_220 = arith.constant 2 : i32
            %dma_wait3A_221 = arith.constant 0 : i32
            %dma_wait3A_222 = tpu.memref_slice %arg8[%dma_wait3A_220, %dma_wait3A_221] : memref<3x80xi32, #tpu.memory_space<vmem>> -> memref<1x80xi32, #tpu.memory_space<vmem>>
            %dma_wait3A_223 = tpu.memref_squeeze %dma_wait3A_222 : memref<1x80xi32, #tpu.memory_space<vmem>> -> memref<80xi32, #tpu.memory_space<vmem>>
            %dma_wait3A_224 = arith.constant 0 : i32
            %dma_wait3A_225 = arith.constant 0 : i32
            %dma_wait3A_226 = tpu.memref_slice %arg6[%dma_wait3A_224, %dma_wait3A_225] : memref<10240x128xf32, #tpu.memory_space<vmem_shared>> -> memref<10240x128xf32, #tpu.memory_space<vmem_shared>>
            tpu.wait_indirect_dma semaphore(%arg13 : memref<!tpu.dma_semaphore, #tpu.memory_space<semaphore_mem>>) src(%arg9 : memref<80x128xf32, #tpu.memory_space<vmem>>) dst(%dma_wait3A_226 : memref<10240x128xf32, #tpu.memory_space<vmem_shared>>)
          } else {
          }
          %dma_start3A_213 = arith.constant 1 : i32
          %dma_start3A_214 = arith.constant 0 : i32
          %dma_start3A_215 = tpu.memref_slice %arg7[%dma_start3A_213, %dma_start3A_214] : memref<3x80xi32, #tpu.memory_space<vmem>> -> memref<1x80xi32, #tpu.memory_space<vmem>>
          %dma_start3A_216 = tpu.memref_squeeze %dma_start3A_215 : memref<1x80xi32, #tpu.memory_space<vmem>> -> memref<80xi32, #tpu.memory_space<vmem>>
          %dma_start3A_217 = arith.constant 0 : i32
          %dma_start3A_218 = arith.constant 0 : i32
          %dma_start3A_219 = tpu.memref_slice %arg2[%dma_start3A_217, %dma_start3A_218] : memref<10240x128xf32, #tpu.memory_space<hbm>> -> memref<10240x128xf32, #tpu.memory_space<hbm>>
          tpu.enqueue_indirect_dma source(%dma_start3A_219 : memref<10240x128xf32, #tpu.memory_space<hbm>>) target(%arg9 : memref<80x128xf32, #tpu.memory_space<vmem>>) offsets(%dma_start3A_216 : memref<80xi32, #tpu.memory_space<vmem>>) semaphore(%arg11 : memref<!tpu.dma_semaphore, #tpu.memory_space<semaphore_mem>>)
        } else {
        }
        %dma_start3A_177 = arith.constant 0 : i32
        %dma_start3A_178 = arith.constant 0 : i32
        %dma_start3A_179 = tpu.memref_slice %arg8[%dma_start3A_177, %dma_start3A_178] : memref<3x80xi32, #tpu.memory_space<vmem>> -> memref<1x80xi32, #tpu.memory_space<vmem>>
        %dma_start3A_180 = tpu.memref_squeeze %dma_start3A_179 : memref<1x80xi32, #tpu.memory_space<vmem>> -> memref<80xi32, #tpu.memory_space<vmem>>
        %dma_start3A_181 = arith.constant 0 : i32
        %dma_start3A_182 = arith.constant 0 : i32
        %dma_start3A_183 = tpu.memref_slice %arg6[%dma_start3A_181, %dma_start3A_182] : memref<10240x128xf32, #tpu.memory_space<vmem_shared>> -> memref<10240x128xf32, #tpu.memory_space<vmem_shared>>
        tpu.enqueue_indirect_dma source(%arg10 : memref<80x128xf32, #tpu.memory_space<vmem>>) target(%dma_start3A_183 : memref<10240x128xf32, #tpu.memory_space<vmem_shared>>) offsets(%dma_start3A_180 : memref<80xi32, #tpu.memory_space<vmem>>) semaphore(%arg14 : memref<!tpu.dma_semaphore, #tpu.memory_space<semaphore_mem>>) {add = true}
        %lt3A_184 = arith.constant 4000 : i32
        %lt3A_185 = arith.cmpi slt, %add3A_171, %lt3A_184 : i32
        %convert_element_type3A_186 = arith.extui %lt3A_185 : i1 to i32
        %cond3A_187 = arith.constant 0 : i32
        %cond3A_188 = arith.cmpi ne, %convert_element_type3A_186, %cond3A_187 : i32
        scf.if %cond3A_188 {
          %mul3A_189 = arith.constant 80 : i32
          %mul3A_190 = arith.muli %add3A_171, %mul3A_189 : i32
          %dma_start3A_191 = arith.constant 2 : i32
          %dma_start3A_192 = arith.constant 0 : i32
          %dma_start3A_193 = tpu.memref_slice %arg7[%dma_start3A_191, %dma_start3A_192] : memref<3x80xi32, #tpu.memory_space<vmem>> -> memref<1x80xi32, #tpu.memory_space<vmem>>
          %dma_start3A_194 = tpu.memref_squeeze %dma_start3A_193 : memref<1x80xi32, #tpu.memory_space<vmem>> -> memref<80xi32, #tpu.memory_space<vmem>>
          %dma_start3A_195 = tpu.memref_slice %arg3[%mul3A_190] : memref<320000xi32, #tpu.memory_space<hbm>> -> memref<80xi32, #tpu.memory_space<hbm>>
          %dma_start3A_196 = arith.constant 0 : i32
          %dma_start3A_197 = tpu.memref_slice %arg7[%dma_start3A_191, %dma_start3A_196] : memref<3x80xi32, #tpu.memory_space<vmem>> -> memref<1x80xi32, #tpu.memory_space<vmem>>
          %dma_start3A_198 = tpu.memref_squeeze %dma_start3A_197 : memref<1x80xi32, #tpu.memory_space<vmem>> -> memref<80xi32, #tpu.memory_space<vmem>>
          %dma_start3A_199 = tpu.memref_slice %arg3[%mul3A_190] : memref<320000xi32, #tpu.memory_space<hbm>> -> memref<80xi32, #tpu.memory_space<hbm>>
          tpu.enqueue_dma source(%dma_start3A_199 : memref<80xi32, #tpu.memory_space<hbm>>) target(%dma_start3A_198 : memref<80xi32, #tpu.memory_space<vmem>>) target_semaphore(%arg17 : memref<!tpu.dma_semaphore, #tpu.memory_space<semaphore_mem>>)
          %dma_start3A_200 = arith.constant 2 : i32
          %dma_start3A_201 = arith.constant 0 : i32
          %dma_start3A_202 = tpu.memref_slice %arg8[%dma_start3A_200, %dma_start3A_201] : memref<3x80xi32, #tpu.memory_space<vmem>> -> memref<1x80xi32, #tpu.memory_space<vmem>>
          %dma_start3A_203 = tpu.memref_squeeze %dma_start3A_202 : memref<1x80xi32, #tpu.memory_space<vmem>> -> memref<80xi32, #tpu.memory_space<vmem>>
          %dma_start3A_204 = tpu.memref_slice %arg4[%mul3A_190] : memref<320000xi32, #tpu.memory_space<hbm>> -> memref<80xi32, #tpu.memory_space<hbm>>
          %dma_start3A_205 = arith.constant 0 : i32
          %dma_start3A_206 = tpu.memref_slice %arg8[%dma_start3A_200, %dma_start3A_205] : memref<3x80xi32, #tpu.memory_space<vmem>> -> memref<1x80xi32, #tpu.memory_space<vmem>>
          %dma_start3A_207 = tpu.memref_squeeze %dma_start3A_206 : memref<1x80xi32, #tpu.memory_space<vmem>> -> memref<80xi32, #tpu.memory_space<vmem>>
          %dma_start3A_208 = tpu.memref_slice %arg4[%mul3A_190] : memref<320000xi32, #tpu.memory_space<hbm>> -> memref<80xi32, #tpu.memory_space<hbm>>
          tpu.enqueue_dma source(%dma_start3A_208 : memref<80xi32, #tpu.memory_space<hbm>>) target(%dma_start3A_207 : memref<80xi32, #tpu.memory_space<vmem>>) target_semaphore(%arg17 : memref<!tpu.dma_semaphore, #tpu.memory_space<semaphore_mem>>)
        } else {
        }
      } else {
      }
      %add3A_141 = arith.constant 4 : i32
      %add3A_142 = arith.addi %add3A_103, %add3A_141 : i32
      %mul3A_143 = arith.constant 32 : i32
      %mul3A_144 = arith.muli %add3A_142, %mul3A_143 : i32
      %add3A_145 = arith.addi %add3A, %mul3A_144 : i32
      %lt3A_146 = arith.constant 4000 : i32
      %lt3A_147 = arith.cmpi slt, %add3A_145, %lt3A_146 : i32
      %convert_element_type3A_148 = arith.extui %lt3A_147 : i1 to i32
      %cond3A_149 = arith.constant 0 : i32
      %cond3A_150 = arith.cmpi ne, %convert_element_type3A_148, %cond3A_149 : i32
      scf.if %cond3A_150 {
        %dma_wait3A_161 = arith.constant 1 : i32
        %dma_wait3A_162 = arith.constant 0 : i32
        %dma_wait3A_163 = tpu.memref_slice %arg7[%dma_wait3A_161, %dma_wait3A_162] : memref<3x80xi32, #tpu.memory_space<vmem>> -> memref<1x80xi32, #tpu.memory_space<vmem>>
        %dma_wait3A_164 = tpu.memref_squeeze %dma_wait3A_163 : memref<1x80xi32, #tpu.memory_space<vmem>> -> memref<80xi32, #tpu.memory_space<vmem>>
        %dma_wait3A_165 = arith.constant 0 : i32
        %dma_wait3A_166 = arith.constant 0 : i32
        %dma_wait3A_167 = tpu.memref_slice %arg2[%dma_wait3A_165, %dma_wait3A_166] : memref<10240x128xf32, #tpu.memory_space<hbm>> -> memref<10240x128xf32, #tpu.memory_space<hbm>>
        tpu.wait_indirect_dma semaphore(%arg11 : memref<!tpu.dma_semaphore, #tpu.memory_space<semaphore_mem>>) src(%dma_wait3A_167 : memref<10240x128xf32, #tpu.memory_space<hbm>>) dst(%arg9 : memref<80x128xf32, #tpu.memory_space<vmem>>)
        %add3A_168 = arith.constant 32 : i32
        %add3A_169 = arith.addi %add3A_145, %add3A_168 : i32
        %add3A_170 = arith.constant 64 : i32
        %add3A_171 = arith.addi %add3A_145, %add3A_170 : i32
        %lt3A_172 = arith.constant 4000 : i32
        %lt3A_173 = arith.cmpi slt, %add3A_169, %lt3A_172 : i32
        %convert_element_type3A_174 = arith.extui %lt3A_173 : i1 to i32
        %cond3A_175 = arith.constant 0 : i32
        %cond3A_176 = arith.cmpi ne, %convert_element_type3A_174, %cond3A_175 : i32
        scf.if %cond3A_176 {
          %mul3A_189 = arith.constant 80 : i32
          %mul3A_190 = arith.muli %add3A_169, %mul3A_189 : i32
          %dma_wait3A_191 = arith.constant 2 : i32
          %dma_wait3A_192 = arith.constant 0 : i32
          %dma_wait3A_193 = tpu.memref_slice %arg7[%dma_wait3A_191, %dma_wait3A_192] : memref<3x80xi32, #tpu.memory_space<vmem>> -> memref<1x80xi32, #tpu.memory_space<vmem>>
          %dma_wait3A_194 = tpu.memref_squeeze %dma_wait3A_193 : memref<1x80xi32, #tpu.memory_space<vmem>> -> memref<80xi32, #tpu.memory_space<vmem>>
          %dma_wait3A_195 = tpu.memref_slice %arg3[%mul3A_190] : memref<320000xi32, #tpu.memory_space<hbm>> -> memref<80xi32, #tpu.memory_space<hbm>>
          %dma_wait3A_196 = arith.constant 0 : i32
          %dma_wait3A_197 = tpu.memref_slice %arg7[%dma_wait3A_191, %dma_wait3A_196] : memref<3x80xi32, #tpu.memory_space<vmem>> -> memref<1x80xi32, #tpu.memory_space<vmem>>
          %dma_wait3A_198 = tpu.memref_squeeze %dma_wait3A_197 : memref<1x80xi32, #tpu.memory_space<vmem>> -> memref<80xi32, #tpu.memory_space<vmem>>
          %dma_wait3A_199 = tpu.memref_slice %arg3[%mul3A_190] : memref<320000xi32, #tpu.memory_space<hbm>> -> memref<80xi32, #tpu.memory_space<hbm>>
          tpu.wait_dma2 semaphore(%arg17 : memref<!tpu.dma_semaphore, #tpu.memory_space<semaphore_mem>>) src(%dma_wait3A_199 : memref<80xi32, #tpu.memory_space<hbm>>) dst(%dma_wait3A_198 : memref<80xi32, #tpu.memory_space<vmem>>)
          %dma_wait3A_200 = arith.constant 2 : i32
          %dma_wait3A_201 = arith.constant 0 : i32
          %dma_wait3A_202 = tpu.memref_slice %arg8[%dma_wait3A_200, %dma_wait3A_201] : memref<3x80xi32, #tpu.memory_space<vmem>> -> memref<1x80xi32, #tpu.memory_space<vmem>>
          %dma_wait3A_203 = tpu.memref_squeeze %dma_wait3A_202 : memref<1x80xi32, #tpu.memory_space<vmem>> -> memref<80xi32, #tpu.memory_space<vmem>>
          %dma_wait3A_204 = tpu.memref_slice %arg4[%mul3A_190] : memref<320000xi32, #tpu.memory_space<hbm>> -> memref<80xi32, #tpu.memory_space<hbm>>
          %dma_wait3A_205 = arith.constant 0 : i32
          %dma_wait3A_206 = tpu.memref_slice %arg8[%dma_wait3A_200, %dma_wait3A_205] : memref<3x80xi32, #tpu.memory_space<vmem>> -> memref<1x80xi32, #tpu.memory_space<vmem>>
          %dma_wait3A_207 = tpu.memref_squeeze %dma_wait3A_206 : memref<1x80xi32, #tpu.memory_space<vmem>> -> memref<80xi32, #tpu.memory_space<vmem>>
          %dma_wait3A_208 = tpu.memref_slice %arg4[%mul3A_190] : memref<320000xi32, #tpu.memory_space<hbm>> -> memref<80xi32, #tpu.memory_space<hbm>>
          tpu.wait_dma2 semaphore(%arg17 : memref<!tpu.dma_semaphore, #tpu.memory_space<semaphore_mem>>) src(%dma_wait3A_208 : memref<80xi32, #tpu.memory_space<hbm>>) dst(%dma_wait3A_207 : memref<80xi32, #tpu.memory_space<vmem>>)
          %ge3A = arith.constant 32 : i32
          %ge3A_209 = arith.cmpi sge, %add3A_145, %ge3A : i32
          %convert_element_type3A_210 = arith.extui %ge3A_209 : i1 to i32
          %cond3A_211 = arith.constant 0 : i32
          %cond3A_212 = arith.cmpi ne, %convert_element_type3A_210, %cond3A_211 : i32
          scf.if %cond3A_212 {
            %dma_wait3A_220 = arith.constant 0 : i32
            %dma_wait3A_221 = arith.constant 0 : i32
            %dma_wait3A_222 = tpu.memref_slice %arg8[%dma_wait3A_220, %dma_wait3A_221] : memref<3x80xi32, #tpu.memory_space<vmem>> -> memref<1x80xi32, #tpu.memory_space<vmem>>
            %dma_wait3A_223 = tpu.memref_squeeze %dma_wait3A_222 : memref<1x80xi32, #tpu.memory_space<vmem>> -> memref<80xi32, #tpu.memory_space<vmem>>
            %dma_wait3A_224 = arith.constant 0 : i32
            %dma_wait3A_225 = arith.constant 0 : i32
            %dma_wait3A_226 = tpu.memref_slice %arg6[%dma_wait3A_224, %dma_wait3A_225] : memref<10240x128xf32, #tpu.memory_space<vmem_shared>> -> memref<10240x128xf32, #tpu.memory_space<vmem_shared>>
            tpu.wait_indirect_dma semaphore(%arg14 : memref<!tpu.dma_semaphore, #tpu.memory_space<semaphore_mem>>) src(%arg10 : memref<80x128xf32, #tpu.memory_space<vmem>>) dst(%dma_wait3A_226 : memref<10240x128xf32, #tpu.memory_space<vmem_shared>>)
          } else {
          }
          %dma_start3A_213 = arith.constant 2 : i32
          %dma_start3A_214 = arith.constant 0 : i32
          %dma_start3A_215 = tpu.memref_slice %arg7[%dma_start3A_213, %dma_start3A_214] : memref<3x80xi32, #tpu.memory_space<vmem>> -> memref<1x80xi32, #tpu.memory_space<vmem>>
          %dma_start3A_216 = tpu.memref_squeeze %dma_start3A_215 : memref<1x80xi32, #tpu.memory_space<vmem>> -> memref<80xi32, #tpu.memory_space<vmem>>
          %dma_start3A_217 = arith.constant 0 : i32
          %dma_start3A_218 = arith.constant 0 : i32
          %dma_start3A_219 = tpu.memref_slice %arg2[%dma_start3A_217, %dma_start3A_218] : memref<10240x128xf32, #tpu.memory_space<hbm>> -> memref<10240x128xf32, #tpu.memory_space<hbm>>
          tpu.enqueue_indirect_dma source(%dma_start3A_219 : memref<10240x128xf32, #tpu.memory_space<hbm>>) target(%arg10 : memref<80x128xf32, #tpu.memory_space<vmem>>) offsets(%dma_start3A_216 : memref<80xi32, #tpu.memory_space<vmem>>) semaphore(%arg12 : memref<!tpu.dma_semaphore, #tpu.memory_space<semaphore_mem>>)
        } else {
        }
        %dma_start3A_177 = arith.constant 1 : i32
        %dma_start3A_178 = arith.constant 0 : i32
        %dma_start3A_179 = tpu.memref_slice %arg8[%dma_start3A_177, %dma_start3A_178] : memref<3x80xi32, #tpu.memory_space<vmem>> -> memref<1x80xi32, #tpu.memory_space<vmem>>
        %dma_start3A_180 = tpu.memref_squeeze %dma_start3A_179 : memref<1x80xi32, #tpu.memory_space<vmem>> -> memref<80xi32, #tpu.memory_space<vmem>>
        %dma_start3A_181 = arith.constant 0 : i32
        %dma_start3A_182 = arith.constant 0 : i32
        %dma_start3A_183 = tpu.memref_slice %arg6[%dma_start3A_181, %dma_start3A_182] : memref<10240x128xf32, #tpu.memory_space<vmem_shared>> -> memref<10240x128xf32, #tpu.memory_space<vmem_shared>>
        tpu.enqueue_indirect_dma source(%arg9 : memref<80x128xf32, #tpu.memory_space<vmem>>) target(%dma_start3A_183 : memref<10240x128xf32, #tpu.memory_space<vmem_shared>>) offsets(%dma_start3A_180 : memref<80xi32, #tpu.memory_space<vmem>>) semaphore(%arg13 : memref<!tpu.dma_semaphore, #tpu.memory_space<semaphore_mem>>) {add = true}
        %lt3A_184 = arith.constant 4000 : i32
        %lt3A_185 = arith.cmpi slt, %add3A_171, %lt3A_184 : i32
        %convert_element_type3A_186 = arith.extui %lt3A_185 : i1 to i32
        %cond3A_187 = arith.constant 0 : i32
        %cond3A_188 = arith.cmpi ne, %convert_element_type3A_186, %cond3A_187 : i32
        scf.if %cond3A_188 {
          %mul3A_189 = arith.constant 80 : i32
          %mul3A_190 = arith.muli %add3A_171, %mul3A_189 : i32
          %dma_start3A_191 = arith.constant 0 : i32
          %dma_start3A_192 = arith.constant 0 : i32
          %dma_start3A_193 = tpu.memref_slice %arg7[%dma_start3A_191, %dma_start3A_192] : memref<3x80xi32, #tpu.memory_space<vmem>> -> memref<1x80xi32, #tpu.memory_space<vmem>>
          %dma_start3A_194 = tpu.memref_squeeze %dma_start3A_193 : memref<1x80xi32, #tpu.memory_space<vmem>> -> memref<80xi32, #tpu.memory_space<vmem>>
          %dma_start3A_195 = tpu.memref_slice %arg3[%mul3A_190] : memref<320000xi32, #tpu.memory_space<hbm>> -> memref<80xi32, #tpu.memory_space<hbm>>
          %dma_start3A_196 = arith.constant 0 : i32
          %dma_start3A_197 = tpu.memref_slice %arg7[%dma_start3A_191, %dma_start3A_196] : memref<3x80xi32, #tpu.memory_space<vmem>> -> memref<1x80xi32, #tpu.memory_space<vmem>>
          %dma_start3A_198 = tpu.memref_squeeze %dma_start3A_197 : memref<1x80xi32, #tpu.memory_space<vmem>> -> memref<80xi32, #tpu.memory_space<vmem>>
          %dma_start3A_199 = tpu.memref_slice %arg3[%mul3A_190] : memref<320000xi32, #tpu.memory_space<hbm>> -> memref<80xi32, #tpu.memory_space<hbm>>
          tpu.enqueue_dma source(%dma_start3A_199 : memref<80xi32, #tpu.memory_space<hbm>>) target(%dma_start3A_198 : memref<80xi32, #tpu.memory_space<vmem>>) target_semaphore(%arg15 : memref<!tpu.dma_semaphore, #tpu.memory_space<semaphore_mem>>)
          %dma_start3A_200 = arith.constant 0 : i32
          %dma_start3A_201 = arith.constant 0 : i32
          %dma_start3A_202 = tpu.memref_slice %arg8[%dma_start3A_200, %dma_start3A_201] : memref<3x80xi32, #tpu.memory_space<vmem>> -> memref<1x80xi32, #tpu.memory_space<vmem>>
          %dma_start3A_203 = tpu.memref_squeeze %dma_start3A_202 : memref<1x80xi32, #tpu.memory_space<vmem>> -> memref<80xi32, #tpu.memory_space<vmem>>
          %dma_start3A_204 = tpu.memref_slice %arg4[%mul3A_190] : memref<320000xi32, #tpu.memory_space<hbm>> -> memref<80xi32, #tpu.memory_space<hbm>>
          %dma_start3A_205 = arith.constant 0 : i32
          %dma_start3A_206 = tpu.memref_slice %arg8[%dma_start3A_200, %dma_start3A_205] : memref<3x80xi32, #tpu.memory_space<vmem>> -> memref<1x80xi32, #tpu.memory_space<vmem>>
          %dma_start3A_207 = tpu.memref_squeeze %dma_start3A_206 : memref<1x80xi32, #tpu.memory_space<vmem>> -> memref<80xi32, #tpu.memory_space<vmem>>
          %dma_start3A_208 = tpu.memref_slice %arg4[%mul3A_190] : memref<320000xi32, #tpu.memory_space<hbm>> -> memref<80xi32, #tpu.memory_space<hbm>>
          tpu.enqueue_dma source(%dma_start3A_208 : memref<80xi32, #tpu.memory_space<hbm>>) target(%dma_start3A_207 : memref<80xi32, #tpu.memory_space<vmem>>) target_semaphore(%arg15 : memref<!tpu.dma_semaphore, #tpu.memory_space<semaphore_mem>>)
        } else {
        }
      } else {
      }
      %add3A_151 = arith.constant 5 : i32
      %add3A_152 = arith.addi %add3A_103, %add3A_151 : i32
      %mul3A_153 = arith.constant 32 : i32
      %mul3A_154 = arith.muli %add3A_152, %mul3A_153 : i32
      %add3A_155 = arith.addi %add3A, %mul3A_154 : i32
      %lt3A_156 = arith.constant 4000 : i32
      %lt3A_157 = arith.cmpi slt, %add3A_155, %lt3A_156 : i32
      %convert_element_type3A_158 = arith.extui %lt3A_157 : i1 to i32
      %cond3A_159 = arith.constant 0 : i32
      %cond3A_160 = arith.cmpi ne, %convert_element_type3A_158, %cond3A_159 : i32
      scf.if %cond3A_160 {
        %dma_wait3A_161 = arith.constant 2 : i32
        %dma_wait3A_162 = arith.constant 0 : i32
        %dma_wait3A_163 = tpu.memref_slice %arg7[%dma_wait3A_161, %dma_wait3A_162] : memref<3x80xi32, #tpu.memory_space<vmem>> -> memref<1x80xi32, #tpu.memory_space<vmem>>
        %dma_wait3A_164 = tpu.memref_squeeze %dma_wait3A_163 : memref<1x80xi32, #tpu.memory_space<vmem>> -> memref<80xi32, #tpu.memory_space<vmem>>
        %dma_wait3A_165 = arith.constant 0 : i32
        %dma_wait3A_166 = arith.constant 0 : i32
        %dma_wait3A_167 = tpu.memref_slice %arg2[%dma_wait3A_165, %dma_wait3A_166] : memref<10240x128xf32, #tpu.memory_space<hbm>> -> memref<10240x128xf32, #tpu.memory_space<hbm>>
        tpu.wait_indirect_dma semaphore(%arg12 : memref<!tpu.dma_semaphore, #tpu.memory_space<semaphore_mem>>) src(%dma_wait3A_167 : memref<10240x128xf32, #tpu.memory_space<hbm>>) dst(%arg10 : memref<80x128xf32, #tpu.memory_space<vmem>>)
        %add3A_168 = arith.constant 32 : i32
        %add3A_169 = arith.addi %add3A_155, %add3A_168 : i32
        %add3A_170 = arith.constant 64 : i32
        %add3A_171 = arith.addi %add3A_155, %add3A_170 : i32
        %lt3A_172 = arith.constant 4000 : i32
        %lt3A_173 = arith.cmpi slt, %add3A_169, %lt3A_172 : i32
        %convert_element_type3A_174 = arith.extui %lt3A_173 : i1 to i32
        %cond3A_175 = arith.constant 0 : i32
        %cond3A_176 = arith.cmpi ne, %convert_element_type3A_174, %cond3A_175 : i32
        scf.if %cond3A_176 {
          %mul3A_189 = arith.constant 80 : i32
          %mul3A_190 = arith.muli %add3A_169, %mul3A_189 : i32
          %dma_wait3A_191 = arith.constant 0 : i32
          %dma_wait3A_192 = arith.constant 0 : i32
          %dma_wait3A_193 = tpu.memref_slice %arg7[%dma_wait3A_191, %dma_wait3A_192] : memref<3x80xi32, #tpu.memory_space<vmem>> -> memref<1x80xi32, #tpu.memory_space<vmem>>
          %dma_wait3A_194 = tpu.memref_squeeze %dma_wait3A_193 : memref<1x80xi32, #tpu.memory_space<vmem>> -> memref<80xi32, #tpu.memory_space<vmem>>
          %dma_wait3A_195 = tpu.memref_slice %arg3[%mul3A_190] : memref<320000xi32, #tpu.memory_space<hbm>> -> memref<80xi32, #tpu.memory_space<hbm>>
          %dma_wait3A_196 = arith.constant 0 : i32
          %dma_wait3A_197 = tpu.memref_slice %arg7[%dma_wait3A_191, %dma_wait3A_196] : memref<3x80xi32, #tpu.memory_space<vmem>> -> memref<1x80xi32, #tpu.memory_space<vmem>>
          %dma_wait3A_198 = tpu.memref_squeeze %dma_wait3A_197 : memref<1x80xi32, #tpu.memory_space<vmem>> -> memref<80xi32, #tpu.memory_space<vmem>>
          %dma_wait3A_199 = tpu.memref_slice %arg3[%mul3A_190] : memref<320000xi32, #tpu.memory_space<hbm>> -> memref<80xi32, #tpu.memory_space<hbm>>
          tpu.wait_dma2 semaphore(%arg15 : memref<!tpu.dma_semaphore, #tpu.memory_space<semaphore_mem>>) src(%dma_wait3A_199 : memref<80xi32, #tpu.memory_space<hbm>>) dst(%dma_wait3A_198 : memref<80xi32, #tpu.memory_space<vmem>>)
          %dma_wait3A_200 = arith.constant 0 : i32
          %dma_wait3A_201 = arith.constant 0 : i32
          %dma_wait3A_202 = tpu.memref_slice %arg8[%dma_wait3A_200, %dma_wait3A_201] : memref<3x80xi32, #tpu.memory_space<vmem>> -> memref<1x80xi32, #tpu.memory_space<vmem>>
          %dma_wait3A_203 = tpu.memref_squeeze %dma_wait3A_202 : memref<1x80xi32, #tpu.memory_space<vmem>> -> memref<80xi32, #tpu.memory_space<vmem>>
          %dma_wait3A_204 = tpu.memref_slice %arg4[%mul3A_190] : memref<320000xi32, #tpu.memory_space<hbm>> -> memref<80xi32, #tpu.memory_space<hbm>>
          %dma_wait3A_205 = arith.constant 0 : i32
          %dma_wait3A_206 = tpu.memref_slice %arg8[%dma_wait3A_200, %dma_wait3A_205] : memref<3x80xi32, #tpu.memory_space<vmem>> -> memref<1x80xi32, #tpu.memory_space<vmem>>
          %dma_wait3A_207 = tpu.memref_squeeze %dma_wait3A_206 : memref<1x80xi32, #tpu.memory_space<vmem>> -> memref<80xi32, #tpu.memory_space<vmem>>
          %dma_wait3A_208 = tpu.memref_slice %arg4[%mul3A_190] : memref<320000xi32, #tpu.memory_space<hbm>> -> memref<80xi32, #tpu.memory_space<hbm>>
          tpu.wait_dma2 semaphore(%arg15 : memref<!tpu.dma_semaphore, #tpu.memory_space<semaphore_mem>>) src(%dma_wait3A_208 : memref<80xi32, #tpu.memory_space<hbm>>) dst(%dma_wait3A_207 : memref<80xi32, #tpu.memory_space<vmem>>)
          %ge3A = arith.constant 32 : i32
          %ge3A_209 = arith.cmpi sge, %add3A_155, %ge3A : i32
          %convert_element_type3A_210 = arith.extui %ge3A_209 : i1 to i32
          %cond3A_211 = arith.constant 0 : i32
          %cond3A_212 = arith.cmpi ne, %convert_element_type3A_210, %cond3A_211 : i32
          scf.if %cond3A_212 {
            %dma_wait3A_220 = arith.constant 1 : i32
            %dma_wait3A_221 = arith.constant 0 : i32
            %dma_wait3A_222 = tpu.memref_slice %arg8[%dma_wait3A_220, %dma_wait3A_221] : memref<3x80xi32, #tpu.memory_space<vmem>> -> memref<1x80xi32, #tpu.memory_space<vmem>>
            %dma_wait3A_223 = tpu.memref_squeeze %dma_wait3A_222 : memref<1x80xi32, #tpu.memory_space<vmem>> -> memref<80xi32, #tpu.memory_space<vmem>>
            %dma_wait3A_224 = arith.constant 0 : i32
            %dma_wait3A_225 = arith.constant 0 : i32
            %dma_wait3A_226 = tpu.memref_slice %arg6[%dma_wait3A_224, %dma_wait3A_225] : memref<10240x128xf32, #tpu.memory_space<vmem_shared>> -> memref<10240x128xf32, #tpu.memory_space<vmem_shared>>
            tpu.wait_indirect_dma semaphore(%arg13 : memref<!tpu.dma_semaphore, #tpu.memory_space<semaphore_mem>>) src(%arg9 : memref<80x128xf32, #tpu.memory_space<vmem>>) dst(%dma_wait3A_226 : memref<10240x128xf32, #tpu.memory_space<vmem_shared>>)
          } else {
          }
          %dma_start3A_213 = arith.constant 0 : i32
          %dma_start3A_214 = arith.constant 0 : i32
          %dma_start3A_215 = tpu.memref_slice %arg7[%dma_start3A_213, %dma_start3A_214] : memref<3x80xi32, #tpu.memory_space<vmem>> -> memref<1x80xi32, #tpu.memory_space<vmem>>
          %dma_start3A_216 = tpu.memref_squeeze %dma_start3A_215 : memref<1x80xi32, #tpu.memory_space<vmem>> -> memref<80xi32, #tpu.memory_space<vmem>>
          %dma_start3A_217 = arith.constant 0 : i32
          %dma_start3A_218 = arith.constant 0 : i32
          %dma_start3A_219 = tpu.memref_slice %arg2[%dma_start3A_217, %dma_start3A_218] : memref<10240x128xf32, #tpu.memory_space<hbm>> -> memref<10240x128xf32, #tpu.memory_space<hbm>>
          tpu.enqueue_indirect_dma source(%dma_start3A_219 : memref<10240x128xf32, #tpu.memory_space<hbm>>) target(%arg9 : memref<80x128xf32, #tpu.memory_space<vmem>>) offsets(%dma_start3A_216 : memref<80xi32, #tpu.memory_space<vmem>>) semaphore(%arg11 : memref<!tpu.dma_semaphore, #tpu.memory_space<semaphore_mem>>)
        } else {
        }
        %dma_start3A_177 = arith.constant 2 : i32
        %dma_start3A_178 = arith.constant 0 : i32
        %dma_start3A_179 = tpu.memref_slice %arg8[%dma_start3A_177, %dma_start3A_178] : memref<3x80xi32, #tpu.memory_space<vmem>> -> memref<1x80xi32, #tpu.memory_space<vmem>>
        %dma_start3A_180 = tpu.memref_squeeze %dma_start3A_179 : memref<1x80xi32, #tpu.memory_space<vmem>> -> memref<80xi32, #tpu.memory_space<vmem>>
        %dma_start3A_181 = arith.constant 0 : i32
        %dma_start3A_182 = arith.constant 0 : i32
        %dma_start3A_183 = tpu.memref_slice %arg6[%dma_start3A_181, %dma_start3A_182] : memref<10240x128xf32, #tpu.memory_space<vmem_shared>> -> memref<10240x128xf32, #tpu.memory_space<vmem_shared>>
        tpu.enqueue_indirect_dma source(%arg10 : memref<80x128xf32, #tpu.memory_space<vmem>>) target(%dma_start3A_183 : memref<10240x128xf32, #tpu.memory_space<vmem_shared>>) offsets(%dma_start3A_180 : memref<80xi32, #tpu.memory_space<vmem>>) semaphore(%arg14 : memref<!tpu.dma_semaphore, #tpu.memory_space<semaphore_mem>>) {add = true}
        %lt3A_184 = arith.constant 4000 : i32
        %lt3A_185 = arith.cmpi slt, %add3A_171, %lt3A_184 : i32
        %convert_element_type3A_186 = arith.extui %lt3A_185 : i1 to i32
        %cond3A_187 = arith.constant 0 : i32
        %cond3A_188 = arith.cmpi ne, %convert_element_type3A_186, %cond3A_187 : i32
        scf.if %cond3A_188 {
          %mul3A_189 = arith.constant 80 : i32
          %mul3A_190 = arith.muli %add3A_171, %mul3A_189 : i32
          %dma_start3A_191 = arith.constant 1 : i32
          %dma_start3A_192 = arith.constant 0 : i32
          %dma_start3A_193 = tpu.memref_slice %arg7[%dma_start3A_191, %dma_start3A_192] : memref<3x80xi32, #tpu.memory_space<vmem>> -> memref<1x80xi32, #tpu.memory_space<vmem>>
          %dma_start3A_194 = tpu.memref_squeeze %dma_start3A_193 : memref<1x80xi32, #tpu.memory_space<vmem>> -> memref<80xi32, #tpu.memory_space<vmem>>
          %dma_start3A_195 = tpu.memref_slice %arg3[%mul3A_190] : memref<320000xi32, #tpu.memory_space<hbm>> -> memref<80xi32, #tpu.memory_space<hbm>>
          %dma_start3A_196 = arith.constant 0 : i32
          %dma_start3A_197 = tpu.memref_slice %arg7[%dma_start3A_191, %dma_start3A_196] : memref<3x80xi32, #tpu.memory_space<vmem>> -> memref<1x80xi32, #tpu.memory_space<vmem>>
          %dma_start3A_198 = tpu.memref_squeeze %dma_start3A_197 : memref<1x80xi32, #tpu.memory_space<vmem>> -> memref<80xi32, #tpu.memory_space<vmem>>
          %dma_start3A_199 = tpu.memref_slice %arg3[%mul3A_190] : memref<320000xi32, #tpu.memory_space<hbm>> -> memref<80xi32, #tpu.memory_space<hbm>>
          tpu.enqueue_dma source(%dma_start3A_199 : memref<80xi32, #tpu.memory_space<hbm>>) target(%dma_start3A_198 : memref<80xi32, #tpu.memory_space<vmem>>) target_semaphore(%arg16 : memref<!tpu.dma_semaphore, #tpu.memory_space<semaphore_mem>>)
          %dma_start3A_200 = arith.constant 1 : i32
          %dma_start3A_201 = arith.constant 0 : i32
          %dma_start3A_202 = tpu.memref_slice %arg8[%dma_start3A_200, %dma_start3A_201] : memref<3x80xi32, #tpu.memory_space<vmem>> -> memref<1x80xi32, #tpu.memory_space<vmem>>
          %dma_start3A_203 = tpu.memref_squeeze %dma_start3A_202 : memref<1x80xi32, #tpu.memory_space<vmem>> -> memref<80xi32, #tpu.memory_space<vmem>>
          %dma_start3A_204 = tpu.memref_slice %arg4[%mul3A_190] : memref<320000xi32, #tpu.memory_space<hbm>> -> memref<80xi32, #tpu.memory_space<hbm>>
          %dma_start3A_205 = arith.constant 0 : i32
          %dma_start3A_206 = tpu.memref_slice %arg8[%dma_start3A_200, %dma_start3A_205] : memref<3x80xi32, #tpu.memory_space<vmem>> -> memref<1x80xi32, #tpu.memory_space<vmem>>
          %dma_start3A_207 = tpu.memref_squeeze %dma_start3A_206 : memref<1x80xi32, #tpu.memory_space<vmem>> -> memref<80xi32, #tpu.memory_space<vmem>>
          %dma_start3A_208 = tpu.memref_slice %arg4[%mul3A_190] : memref<320000xi32, #tpu.memory_space<hbm>> -> memref<80xi32, #tpu.memory_space<hbm>>
          tpu.enqueue_dma source(%dma_start3A_208 : memref<80xi32, #tpu.memory_space<hbm>>) target(%dma_start3A_207 : memref<80xi32, #tpu.memory_space<vmem>>) target_semaphore(%arg16 : memref<!tpu.dma_semaphore, #tpu.memory_space<semaphore_mem>>)
        } else {
        }
      } else {
      }
    }
    %scan3A_83 = arith.constant 21 : i32
    %dma_wait3A_84 = arith.constant 0 : i32
    %dma_wait3A_85 = arith.constant 0 : i32
    %dma_wait3A_86 = tpu.memref_slice %arg8[%dma_wait3A_84, %dma_wait3A_85] : memref<3x80xi32, #tpu.memory_space<vmem>> -> memref<1x80xi32, #tpu.memory_space<vmem>>
    %dma_wait3A_87 = tpu.memref_squeeze %dma_wait3A_86 : memref<1x80xi32, #tpu.memory_space<vmem>> -> memref<80xi32, #tpu.memory_space<vmem>>
    %dma_wait3A_88 = arith.constant 0 : i32
    %dma_wait3A_89 = arith.constant 0 : i32
    %dma_wait3A_90 = tpu.memref_slice %arg6[%dma_wait3A_88, %dma_wait3A_89] : memref<10240x128xf32, #tpu.memory_space<vmem_shared>> -> memref<10240x128xf32, #tpu.memory_space<vmem_shared>>
    tpu.wait_indirect_dma semaphore(%arg14 : memref<!tpu.dma_semaphore, #tpu.memory_space<semaphore_mem>>) src(%arg10 : memref<80x128xf32, #tpu.memory_space<vmem>>) dst(%dma_wait3A_90 : memref<10240x128xf32, #tpu.memory_space<vmem_shared>>)
    %dma_wait3A_91 = arith.constant 1 : i32
    %dma_wait3A_92 = arith.constant 0 : i32
    %dma_wait3A_93 = tpu.memref_slice %arg8[%dma_wait3A_91, %dma_wait3A_92] : memref<3x80xi32, #tpu.memory_space<vmem>> -> memref<1x80xi32, #tpu.memory_space<vmem>>
    %dma_wait3A_94 = tpu.memref_squeeze %dma_wait3A_93 : memref<1x80xi32, #tpu.memory_space<vmem>> -> memref<80xi32, #tpu.memory_space<vmem>>
    %dma_wait3A_95 = arith.constant 0 : i32
    %dma_wait3A_96 = arith.constant 0 : i32
    %dma_wait3A_97 = tpu.memref_slice %arg6[%dma_wait3A_95, %dma_wait3A_96] : memref<10240x128xf32, #tpu.memory_space<vmem_shared>> -> memref<10240x128xf32, #tpu.memory_space<vmem_shared>>
    tpu.wait_indirect_dma semaphore(%arg13 : memref<!tpu.dma_semaphore, #tpu.memory_space<semaphore_mem>>) src(%arg9 : memref<80x128xf32, #tpu.memory_space<vmem>>) dst(%dma_wait3A_97 : memref<10240x128xf32, #tpu.memory_space<vmem_shared>>)
    %barrier3A_98 = arith.constant 0 : index
    tpu.barrier barrier_id(%barrier3A_98)
    "tpu.region"() ({
      %run_scoped3A = tpu.sem_alloc : memref<!tpu.dma_semaphore, #tpu.memory_space<semaphore_mem>>
      %dma_start3A_99 = arith.constant 0 : i32
      %dma_start3A_100 = tpu.memref_slice %arg5[%arg0, %mul3A_6, %dma_start3A_99] : memref<2x10240x128xf32, #tpu.memory_space<hbm>> -> memref<1x640x128xf32, #tpu.memory_space<hbm>>
      %dma_start3A_101 = tpu.memref_squeeze %dma_start3A_100 : memref<1x640x128xf32, #tpu.memory_space<hbm>> -> memref<640x128xf32, #tpu.memory_space<hbm>>
      %dma_start3A_102 = arith.constant 0 : i32
      %dma_start3A_103 = tpu.memref_slice %arg6[%mul3A_6, %dma_start3A_102] : memref<10240x128xf32, #tpu.memory_space<vmem_shared>> -> memref<640x128xf32, #tpu.memory_space<vmem_shared>>
      tpu.enqueue_dma source(%dma_start3A_103 : memref<640x128xf32, #tpu.memory_space<vmem_shared>>) target(%dma_start3A_101 : memref<640x128xf32, #tpu.memory_space<hbm>>) target_semaphore(%run_scoped3A : memref<!tpu.dma_semaphore, #tpu.memory_space<semaphore_mem>>)
      %dma_wait3A_104 = arith.constant 0 : i32
      %dma_wait3A_105 = tpu.memref_slice %arg5[%arg0, %mul3A_6, %dma_wait3A_104] : memref<2x10240x128xf32, #tpu.memory_space<hbm>> -> memref<1x640x128xf32, #tpu.memory_space<hbm>>
      %dma_wait3A_106 = tpu.memref_squeeze %dma_wait3A_105 : memref<1x640x128xf32, #tpu.memory_space<hbm>> -> memref<640x128xf32, #tpu.memory_space<hbm>>
      %dma_wait3A_107 = arith.constant 0 : i32
      %dma_wait3A_108 = tpu.memref_slice %arg6[%mul3A_6, %dma_wait3A_107] : memref<10240x128xf32, #tpu.memory_space<vmem_shared>> -> memref<640x128xf32, #tpu.memory_space<vmem_shared>>
      tpu.wait_dma2 semaphore(%run_scoped3A : memref<!tpu.dma_semaphore, #tpu.memory_space<semaphore_mem>>) src(%dma_wait3A_108 : memref<640x128xf32, #tpu.memory_space<vmem_shared>>) dst(%dma_wait3A_106 : memref<640x128xf32, #tpu.memory_space<hbm>>)
      tpu.yield
    }) : () -> ()
    return
  }
}

#map = affine_map<(d0, d1) -> (0)>
#map1 = affine_map<(d0, d1) -> (0, 0)>
module attributes {stable_mosaic.version = 14 : i64} {
  func.func @_counts_body(%arg0: i32, %arg1: i32, %arg2: memref<320000xi32, #tpu.memory_space<hbm>>, %arg3: memref<32x10240xf32, #tpu.memory_space<hbm>>, %arg4: memref<81920xf32, #tpu.memory_space<vmem>>, %arg5: memref<6x80xi32, #tpu.memory_space<vmem>>, %arg6: memref<!tpu.dma_semaphore, #tpu.memory_space<semaphore_mem>>, %arg7: memref<!tpu.dma_semaphore, #tpu.memory_space<semaphore_mem>>, %arg8: memref<!tpu.dma_semaphore, #tpu.memory_space<semaphore_mem>>, %arg9: memref<!tpu.dma_semaphore, #tpu.memory_space<semaphore_mem>>, %arg10: memref<!tpu.dma_semaphore, #tpu.memory_space<semaphore_mem>>, %arg11: memref<!tpu.dma_semaphore, #tpu.memory_space<semaphore_mem>>) attributes {dimension_semantics = [#tpu.dimension_semantics<core_parallel>, #tpu.dimension_semantics<subcore_parallel>], iteration_bounds = array<i64: 2, 16>, scalar_prefetch = 0 : i64, scratch_operands = 8 : i64, tpu.core_type = #tpu.core_type<sc_vector_subcore>, window_params = [{transform_indices = #map}, {transform_indices = #map1}]} {
    %mul3A = arith.constant 16 : i32
    %mul3A_0 = arith.muli %arg0, %mul3A : i32
    %add3A = arith.addi %mul3A_0, %arg1 : i32
    %scan3A = arith.constant 0 : i32
    %scan3A_1 = arith.constant 5120 : i32
    %scan3A_2 = arith.addi %scan3A, %scan3A_1 : i32
    %scan3A_3 = arith.constant 1 : i32
    scf.for %scan3A_89 = %scan3A to %scan3A_2 step %scan3A_3  : i32 {
      %mul3A_90 = arith.constant 1 : i32
      %mul3A_91 = arith.muli %scan3A_89, %mul3A_90 : i32
      %add3A_92 = arith.constant 0 : i32
      %add3A_93 = arith.addi %add3A_92, %mul3A_91 : i32
      %broadcast_in_dim3A_94 = arith.constant 0.000000e+00 : f32
      %broadcast_in_dim3A_95 = vector.broadcast %broadcast_in_dim3A_94 : f32 to vector<16xf32>
      %mul3A_96 = arith.constant 16 : i32
      %mul3A_97 = arith.muli %add3A_93, %mul3A_96 : i32
      %swap3A = arith.index_cast %mul3A_97 : i32 to index
      %swap3A_98 = tpu.vector_load %arg4[%swap3A] {strides = array<i32>} : memref<81920xf32, #tpu.memory_space<vmem>>, vector<16xf32>,
      tpu.vector_store %arg4[%swap3A], %broadcast_in_dim3A_95 {strides = array<i32>} : memref<81920xf32, #tpu.memory_space<vmem>>, vector<16xf32>,
    }
    %scan3A_4 = arith.constant 5120 : i32
    %iota3A = tpu.iota {dimensions = array<i32: 0>} : vector<16xi32>
    %and3A = arith.constant 7 : i32
    %and3A_5 = vector.broadcast %and3A : i32 to vector<16xi32>
    %and3A_6 = arith.andi %iota3A, %and3A_5 : vector<16xi32>
    %mul3A_7 = arith.constant 10240 : i32
    %mul3A_8 = vector.broadcast %mul3A_7 : i32 to vector<16xi32>
    %mul3A_9 = arith.muli %and3A_6, %mul3A_8 : vector<16xi32>
    %lt3A = arith.constant 8 : i32
    %lt3A_10 = vector.broadcast %lt3A : i32 to vector<16xi32>
    %lt3A_11 = arith.cmpi slt, %iota3A, %lt3A_10 : vector<16xi32>
    %ge3A = arith.constant 8 : i32
    %ge3A_12 = vector.broadcast %ge3A : i32 to vector<16xi32>
    %ge3A_13 = arith.cmpi sge, %iota3A, %ge3A_12 : vector<16xi32>
    %broadcast_in_dim3A = arith.constant 1.000000e+00 : f32
    %broadcast_in_dim3A_14 = vector.broadcast %broadcast_in_dim3A : f32 to vector<16xf32>
    %add3A_15 = arith.constant 0 : i32
    %add3A_16 = arith.addi %add3A, %add3A_15 : i32
    %mul3A_17 = arith.constant 80 : i32
    %mul3A_18 = arith.muli %add3A_16, %mul3A_17 : i32
    %dma_start3A = arith.constant 0 : i32
    %dma_start3A_19 = arith.constant 0 : i32
    %dma_start3A_20 = tpu.memref_slice %arg5[%dma_start3A, %dma_start3A_19] : memref<6x80xi32, #tpu.memory_space<vmem>> -> memref<1x80xi32, #tpu.memory_space<vmem>>
    %dma_start3A_21 = tpu.memref_squeeze %dma_start3A_20 : memref<1x80xi32, #tpu.memory_space<vmem>> -> memref<80xi32, #tpu.memory_space<vmem>>
    %dma_start3A_22 = tpu.memref_slice %arg2[%mul3A_18] : memref<320000xi32, #tpu.memory_space<hbm>> -> memref<80xi32, #tpu.memory_space<hbm>>
    %dma_start3A_23 = arith.constant 0 : i32
    %dma_start3A_24 = tpu.memref_slice %arg5[%dma_start3A, %dma_start3A_23] : memref<6x80xi32, #tpu.memory_space<vmem>> -> memref<1x80xi32, #tpu.memory_space<vmem>>
    %dma_start3A_25 = tpu.memref_squeeze %dma_start3A_24 : memref<1x80xi32, #tpu.memory_space<vmem>> -> memref<80xi32, #tpu.memory_space<vmem>>
    %dma_start3A_26 = tpu.memref_slice %arg2[%mul3A_18] : memref<320000xi32, #tpu.memory_space<hbm>> -> memref<80xi32, #tpu.memory_space<hbm>>
    tpu.enqueue_dma source(%dma_start3A_26 : memref<80xi32, #tpu.memory_space<hbm>>) target(%dma_start3A_25 : memref<80xi32, #tpu.memory_space<vmem>>) target_semaphore(%arg6 : memref<!tpu.dma_semaphore, #tpu.memory_space<semaphore_mem>>)
    %add3A_27 = arith.constant 32 : i32
    %add3A_28 = arith.addi %add3A, %add3A_27 : i32
    %mul3A_29 = arith.constant 80 : i32
    %mul3A_30 = arith.muli %add3A_28, %mul3A_29 : i32
    %dma_start3A_31 = arith.constant 1 : i32
    %dma_start3A_32 = arith.constant 0 : i32
    %dma_start3A_33 = tpu.memref_slice %arg5[%dma_start3A_31, %dma_start3A_32] : memref<6x80xi32, #tpu.memory_space<vmem>> -> memref<1x80xi32, #tpu.memory_space<vmem>>
    %dma_start3A_34 = tpu.memref_squeeze %dma_start3A_33 : memref<1x80xi32, #tpu.memory_space<vmem>> -> memref<80xi32, #tpu.memory_space<vmem>>
    %dma_start3A_35 = tpu.memref_slice %arg2[%mul3A_30] : memref<320000xi32, #tpu.memory_space<hbm>> -> memref<80xi32, #tpu.memory_space<hbm>>
    %dma_start3A_36 = arith.constant 0 : i32
    %dma_start3A_37 = tpu.memref_slice %arg5[%dma_start3A_31, %dma_start3A_36] : memref<6x80xi32, #tpu.memory_space<vmem>> -> memref<1x80xi32, #tpu.memory_space<vmem>>
    %dma_start3A_38 = tpu.memref_squeeze %dma_start3A_37 : memref<1x80xi32, #tpu.memory_space<vmem>> -> memref<80xi32, #tpu.memory_space<vmem>>
    %dma_start3A_39 = tpu.memref_slice %arg2[%mul3A_30] : memref<320000xi32, #tpu.memory_space<hbm>> -> memref<80xi32, #tpu.memory_space<hbm>>
    tpu.enqueue_dma source(%dma_start3A_39 : memref<80xi32, #tpu.memory_space<hbm>>) target(%dma_start3A_38 : memref<80xi32, #tpu.memory_space<vmem>>) target_semaphore(%arg7 : memref<!tpu.dma_semaphore, #tpu.memory_space<semaphore_mem>>)
    %add3A_40 = arith.constant 64 : i32
    %add3A_41 = arith.addi %add3A, %add3A_40 : i32
    %mul3A_42 = arith.constant 80 : i32
    %mul3A_43 = arith.muli %add3A_41, %mul3A_42 : i32
    %dma_start3A_44 = arith.constant 2 : i32
    %dma_start3A_45 = arith.constant 0 : i32
    %dma_start3A_46 = tpu.memref_slice %arg5[%dma_start3A_44, %dma_start3A_45] : memref<6x80xi32, #tpu.memory_space<vmem>> -> memref<1x80xi32, #tpu.memory_space<vmem>>
    %dma_start3A_47 = tpu.memref_squeeze %dma_start3A_46 : memref<1x80xi32, #tpu.memory_space<vmem>> -> memref<80xi32, #tpu.memory_space<vmem>>
    %dma_start3A_48 = tpu.memref_slice %arg2[%mul3A_43] : memref<320000xi32, #tpu.memory_space<hbm>> -> memref<80xi32, #tpu.memory_space<hbm>>
    %dma_start3A_49 = arith.constant 0 : i32
    %dma_start3A_50 = tpu.memref_slice %arg5[%dma_start3A_44, %dma_start3A_49] : memref<6x80xi32, #tpu.memory_space<vmem>> -> memref<1x80xi32, #tpu.memory_space<vmem>>
    %dma_start3A_51 = tpu.memref_squeeze %dma_start3A_50 : memref<1x80xi32, #tpu.memory_space<vmem>> -> memref<80xi32, #tpu.memory_space<vmem>>
    %dma_start3A_52 = tpu.memref_slice %arg2[%mul3A_43] : memref<320000xi32, #tpu.memory_space<hbm>> -> memref<80xi32, #tpu.memory_space<hbm>>
    tpu.enqueue_dma source(%dma_start3A_52 : memref<80xi32, #tpu.memory_space<hbm>>) target(%dma_start3A_51 : memref<80xi32, #tpu.memory_space<vmem>>) target_semaphore(%arg8 : memref<!tpu.dma_semaphore, #tpu.memory_space<semaphore_mem>>)
    %add3A_53 = arith.constant 96 : i32
    %add3A_54 = arith.addi %add3A, %add3A_53 : i32
    %mul3A_55 = arith.constant 80 : i32
    %mul3A_56 = arith.muli %add3A_54, %mul3A_55 : i32
    %dma_start3A_57 = arith.constant 3 : i32
    %dma_start3A_58 = arith.constant 0 : i32
    %dma_start3A_59 = tpu.memref_slice %arg5[%dma_start3A_57, %dma_start3A_58] : memref<6x80xi32, #tpu.memory_space<vmem>> -> memref<1x80xi32, #tpu.memory_space<vmem>>
    %dma_start3A_60 = tpu.memref_squeeze %dma_start3A_59 : memref<1x80xi32, #tpu.memory_space<vmem>> -> memref<80xi32, #tpu.memory_space<vmem>>
    %dma_start3A_61 = tpu.memref_slice %arg2[%mul3A_56] : memref<320000xi32, #tpu.memory_space<hbm>> -> memref<80xi32, #tpu.memory_space<hbm>>
    %dma_start3A_62 = arith.constant 0 : i32
    %dma_start3A_63 = tpu.memref_slice %arg5[%dma_start3A_57, %dma_start3A_62] : memref<6x80xi32, #tpu.memory_space<vmem>> -> memref<1x80xi32, #tpu.memory_space<vmem>>
    %dma_start3A_64 = tpu.memref_squeeze %dma_start3A_63 : memref<1x80xi32, #tpu.memory_space<vmem>> -> memref<80xi32, #tpu.memory_space<vmem>>
    %dma_start3A_65 = tpu.memref_slice %arg2[%mul3A_56] : memref<320000xi32, #tpu.memory_space<hbm>> -> memref<80xi32, #tpu.memory_space<hbm>>
    tpu.enqueue_dma source(%dma_start3A_65 : memref<80xi32, #tpu.memory_space<hbm>>) target(%dma_start3A_64 : memref<80xi32, #tpu.memory_space<vmem>>) target_semaphore(%arg9 : memref<!tpu.dma_semaphore, #tpu.memory_space<semaphore_mem>>)
    %add3A_66 = arith.constant 128 : i32
    %add3A_67 = arith.addi %add3A, %add3A_66 : i32
    %mul3A_68 = arith.constant 80 : i32
    %mul3A_69 = arith.muli %add3A_67, %mul3A_68 : i32
    %dma_start3A_70 = arith.constant 4 : i32
    %dma_start3A_71 = arith.constant 0 : i32
    %dma_start3A_72 = tpu.memref_slice %arg5[%dma_start3A_70, %dma_start3A_71] : memref<6x80xi32, #tpu.memory_space<vmem>> -> memref<1x80xi32, #tpu.memory_space<vmem>>
    %dma_start3A_73 = tpu.memref_squeeze %dma_start3A_72 : memref<1x80xi32, #tpu.memory_space<vmem>> -> memref<80xi32, #tpu.memory_space<vmem>>
    %dma_start3A_74 = tpu.memref_slice %arg2[%mul3A_69] : memref<320000xi32, #tpu.memory_space<hbm>> -> memref<80xi32, #tpu.memory_space<hbm>>
    %dma_start3A_75 = arith.constant 0 : i32
    %dma_start3A_76 = tpu.memref_slice %arg5[%dma_start3A_70, %dma_start3A_75] : memref<6x80xi32, #tpu.memory_space<vmem>> -> memref<1x80xi32, #tpu.memory_space<vmem>>
    %dma_start3A_77 = tpu.memref_squeeze %dma_start3A_76 : memref<1x80xi32, #tpu.memory_space<vmem>> -> memref<80xi32, #tpu.memory_space<vmem>>
    %dma_start3A_78 = tpu.memref_slice %arg2[%mul3A_69] : memref<320000xi32, #tpu.memory_space<hbm>> -> memref<80xi32, #tpu.memory_space<hbm>>
    tpu.enqueue_dma source(%dma_start3A_78 : memref<80xi32, #tpu.memory_space<hbm>>) target(%dma_start3A_77 : memref<80xi32, #tpu.memory_space<vmem>>) target_semaphore(%arg10 : memref<!tpu.dma_semaphore, #tpu.memory_space<semaphore_mem>>)
    %scan3A_79 = arith.constant 0 : i32
    %scan3A_80 = arith.constant 21 : i32
    %scan3A_81 = arith.addi %scan3A_79, %scan3A_80 : i32
    %scan3A_82 = arith.constant 1 : i32
    scf.for %scan3A_89 = %scan3A_79 to %scan3A_81 step %scan3A_82  : i32 {
      %mul3A_90 = arith.constant 6 : i32
      %mul3A_91 = arith.muli %scan3A_89, %mul3A_90 : i32
      %add3A_92 = arith.constant 0 : i32
      %add3A_93 = arith.addi %add3A_92, %mul3A_91 : i32
      %add3A_94 = arith.constant 0 : i32
      %add3A_95 = arith.addi %add3A_93, %add3A_94 : i32
      %mul3A_96 = arith.constant 32 : i32
      %mul3A_97 = arith.muli %add3A_95, %mul3A_96 : i32
      %add3A_98 = arith.addi %add3A, %mul3A_97 : i32
      %lt3A_99 = arith.constant 4000 : i32
      %lt3A_100 = arith.cmpi slt, %add3A_98, %lt3A_99 : i32
      %convert_element_type3A = arith.extui %lt3A_100 : i1 to i32
      %cond3A = arith.constant 0 : i32
      %cond3A_101 = arith.cmpi ne, %convert_element_type3A, %cond3A : i32
      scf.if %cond3A_101 {
        %mul3A_152 = arith.constant 80 : i32
        %mul3A_153 = arith.muli %add3A_98, %mul3A_152 : i32
        %dma_wait3A = arith.constant 0 : i32
        %dma_wait3A_154 = arith.constant 0 : i32
        %dma_wait3A_155 = tpu.memref_slice %arg5[%dma_wait3A, %dma_wait3A_154] : memref<6x80xi32, #tpu.memory_space<vmem>> -> memref<1x80xi32, #tpu.memory_space<vmem>>
        %dma_wait3A_156 = tpu.memref_squeeze %dma_wait3A_155 : memref<1x80xi32, #tpu.memory_space<vmem>> -> memref<80xi32, #tpu.memory_space<vmem>>
        %dma_wait3A_157 = tpu.memref_slice %arg2[%mul3A_153] : memref<320000xi32, #tpu.memory_space<hbm>> -> memref<80xi32, #tpu.memory_space<hbm>>
        %dma_wait3A_158 = arith.constant 0 : i32
        %dma_wait3A_159 = tpu.memref_slice %arg5[%dma_wait3A, %dma_wait3A_158] : memref<6x80xi32, #tpu.memory_space<vmem>> -> memref<1x80xi32, #tpu.memory_space<vmem>>
        %dma_wait3A_160 = tpu.memref_squeeze %dma_wait3A_159 : memref<1x80xi32, #tpu.memory_space<vmem>> -> memref<80xi32, #tpu.memory_space<vmem>>
        %dma_wait3A_161 = tpu.memref_slice %arg2[%mul3A_153] : memref<320000xi32, #tpu.memory_space<hbm>> -> memref<80xi32, #tpu.memory_space<hbm>>
        tpu.wait_dma2 semaphore(%arg6 : memref<!tpu.dma_semaphore, #tpu.memory_space<semaphore_mem>>) src(%dma_wait3A_161 : memref<80xi32, #tpu.memory_space<hbm>>) dst(%dma_wait3A_160 : memref<80xi32, #tpu.memory_space<vmem>>)
        %add3A_162 = arith.constant 160 : i32
        %add3A_163 = arith.addi %add3A_98, %add3A_162 : i32
        %scan3A_164 = arith.constant 0 : i32
        %scan3A_165 = arith.constant 5 : i32
        %scan3A_166 = arith.addi %scan3A_164, %scan3A_165 : i32
        %scan3A_167 = arith.constant 1 : i32
        scf.for %scan3A_174 = %scan3A_164 to %scan3A_166 step %scan3A_167  : i32 {
          %mul3A_175 = arith.constant 1 : i32
          %mul3A_176 = arith.muli %scan3A_174, %mul3A_175 : i32
          %add3A_177 = arith.constant 0 : i32
          %add3A_178 = arith.addi %add3A_177, %mul3A_176 : i32
          %mul3A_179 = arith.constant 16 : i32
          %mul3A_180 = arith.muli %add3A_178, %mul3A_179 : i32
          %get3A = arith.constant 0 : i32
          %get3A_181 = arith.index_cast %get3A : i32 to index
          %get3A_182 = arith.index_cast %mul3A_180 : i32 to index
          %get3A_183 = tpu.vector_load %arg5[%get3A_181, %get3A_182] {strides = array<i32>} : memref<6x80xi32, #tpu.memory_space<vmem>>, vector<16xi32>,
          %add3A_184 = arith.addi %mul3A_9, %get3A_183 : vector<16xi32>
          tpu.vector_store_idx %arg4[%add3A_184], %broadcast_in_dim3A_14 masked %lt3A_11 {add = true} : memref<81920xf32, #tpu.memory_space<vmem>>[vector<16xi32>], vector<16xf32>, vector<16xi1>
          tpu.vector_store_idx %arg4[%add3A_184], %broadcast_in_dim3A_14 masked %ge3A_13 {add = true} : memref<81920xf32, #tpu.memory_space<vmem>>[vector<16xi32>], vector<16xf32>, vector<16xi1>
        }
        %scan3A_168 = arith.constant 5 : i32
        %lt3A_169 = arith.constant 4000 : i32
        %lt3A_170 = arith.cmpi slt, %add3A_163, %lt3A_169 : i32
        %convert_element_type3A_171 = arith.extui %lt3A_170 : i1 to i32
        %cond3A_172 = arith.constant 0 : i32
        %cond3A_173 = arith.cmpi ne, %convert_element_type3A_171, %cond3A_172 : i32
        scf.if %cond3A_173 {
          %mul3A_174 = arith.constant 80 : i32
          %mul3A_175 = arith.muli %add3A_163, %mul3A_174 : i32
          %dma_start3A_176 = arith.constant 5 : i32
          %dma_start3A_177 = arith.constant 0 : i32
          %dma_start3A_178 = tpu.memref_slice %arg5[%dma_start3A_176, %dma_start3A_177] : memref<6x80xi32, #tpu.memory_space<vmem>> -> memref<1x80xi32, #tpu.memory_space<vmem>>
          %dma_start3A_179 = tpu.memref_squeeze %dma_start3A_178 : memref<1x80xi32, #tpu.memory_space<vmem>> -> memref<80xi32, #tpu.memory_space<vmem>>
          %dma_start3A_180 = tpu.memref_slice %arg2[%mul3A_175] : memref<320000xi32, #tpu.memory_space<hbm>> -> memref<80xi32, #tpu.memory_space<hbm>>
          %dma_start3A_181 = arith.constant 0 : i32
          %dma_start3A_182 = tpu.memref_slice %arg5[%dma_start3A_176, %dma_start3A_181] : memref<6x80xi32, #tpu.memory_space<vmem>> -> memref<1x80xi32, #tpu.memory_space<vmem>>
          %dma_start3A_183 = tpu.memref_squeeze %dma_start3A_182 : memref<1x80xi32, #tpu.memory_space<vmem>> -> memref<80xi32, #tpu.memory_space<vmem>>
          %dma_start3A_184 = tpu.memref_slice %arg2[%mul3A_175] : memref<320000xi32, #tpu.memory_space<hbm>> -> memref<80xi32, #tpu.memory_space<hbm>>
          tpu.enqueue_dma source(%dma_start3A_184 : memref<80xi32, #tpu.memory_space<hbm>>) target(%dma_start3A_183 : memref<80xi32, #tpu.memory_space<vmem>>) target_semaphore(%arg11 : memref<!tpu.dma_semaphore, #tpu.memory_space<semaphore_mem>>)
        } else {
        }
      } else {
      }
      %add3A_102 = arith.constant 1 : i32
      %add3A_103 = arith.addi %add3A_93, %add3A_102 : i32
      %mul3A_104 = arith.constant 32 : i32
      %mul3A_105 = arith.muli %add3A_103, %mul3A_104 : i32
      %add3A_106 = arith.addi %add3A, %mul3A_105 : i32
      %lt3A_107 = arith.constant 4000 : i32
      %lt3A_108 = arith.cmpi slt, %add3A_106, %lt3A_107 : i32
      %convert_element_type3A_109 = arith.extui %lt3A_108 : i1 to i32
      %cond3A_110 = arith.constant 0 : i32
      %cond3A_111 = arith.cmpi ne, %convert_element_type3A_109, %cond3A_110 : i32
      scf.if %cond3A_111 {
        %mul3A_152 = arith.constant 80 : i32
        %mul3A_153 = arith.muli %add3A_106, %mul3A_152 : i32
        %dma_wait3A = arith.constant 1 : i32
        %dma_wait3A_154 = arith.constant 0 : i32
        %dma_wait3A_155 = tpu.memref_slice %arg5[%dma_wait3A, %dma_wait3A_154] : memref<6x80xi32, #tpu.memory_space<vmem>> -> memref<1x80xi32, #tpu.memory_space<vmem>>
        %dma_wait3A_156 = tpu.memref_squeeze %dma_wait3A_155 : memref<1x80xi32, #tpu.memory_space<vmem>> -> memref<80xi32, #tpu.memory_space<vmem>>
        %dma_wait3A_157 = tpu.memref_slice %arg2[%mul3A_153] : memref<320000xi32, #tpu.memory_space<hbm>> -> memref<80xi32, #tpu.memory_space<hbm>>
        %dma_wait3A_158 = arith.constant 0 : i32
        %dma_wait3A_159 = tpu.memref_slice %arg5[%dma_wait3A, %dma_wait3A_158] : memref<6x80xi32, #tpu.memory_space<vmem>> -> memref<1x80xi32, #tpu.memory_space<vmem>>
        %dma_wait3A_160 = tpu.memref_squeeze %dma_wait3A_159 : memref<1x80xi32, #tpu.memory_space<vmem>> -> memref<80xi32, #tpu.memory_space<vmem>>
        %dma_wait3A_161 = tpu.memref_slice %arg2[%mul3A_153] : memref<320000xi32, #tpu.memory_space<hbm>> -> memref<80xi32, #tpu.memory_space<hbm>>
        tpu.wait_dma2 semaphore(%arg7 : memref<!tpu.dma_semaphore, #tpu.memory_space<semaphore_mem>>) src(%dma_wait3A_161 : memref<80xi32, #tpu.memory_space<hbm>>) dst(%dma_wait3A_160 : memref<80xi32, #tpu.memory_space<vmem>>)
        %add3A_162 = arith.constant 160 : i32
        %add3A_163 = arith.addi %add3A_106, %add3A_162 : i32
        %scan3A_164 = arith.constant 0 : i32
        %scan3A_165 = arith.constant 5 : i32
        %scan3A_166 = arith.addi %scan3A_164, %scan3A_165 : i32
        %scan3A_167 = arith.constant 1 : i32
        scf.for %scan3A_174 = %scan3A_164 to %scan3A_166 step %scan3A_167  : i32 {
          %mul3A_175 = arith.constant 1 : i32
          %mul3A_176 = arith.muli %scan3A_174, %mul3A_175 : i32
          %add3A_177 = arith.constant 0 : i32
          %add3A_178 = arith.addi %add3A_177, %mul3A_176 : i32
          %mul3A_179 = arith.constant 16 : i32
          %mul3A_180 = arith.muli %add3A_178, %mul3A_179 : i32
          %get3A = arith.constant 1 : i32
          %get3A_181 = arith.index_cast %get3A : i32 to index
          %get3A_182 = arith.index_cast %mul3A_180 : i32 to index
          %get3A_183 = tpu.vector_load %arg5[%get3A_181, %get3A_182] {strides = array<i32>} : memref<6x80xi32, #tpu.memory_space<vmem>>, vector<16xi32>,
          %add3A_184 = arith.addi %mul3A_9, %get3A_183 : vector<16xi32>
          tpu.vector_store_idx %arg4[%add3A_184], %broadcast_in_dim3A_14 masked %lt3A_11 {add = true} : memref<81920xf32, #tpu.memory_space<vmem>>[vector<16xi32>], vector<16xf32>, vector<16xi1>
          tpu.vector_store_idx %arg4[%add3A_184], %broadcast_in_dim3A_14 masked %ge3A_13 {add = true} : memref<81920xf32, #tpu.memory_space<vmem>>[vector<16xi32>], vector<16xf32>, vector<16xi1>
        }
        %scan3A_168 = arith.constant 5 : i32
        %lt3A_169 = arith.constant 4000 : i32
        %lt3A_170 = arith.cmpi slt, %add3A_163, %lt3A_169 : i32
        %convert_element_type3A_171 = arith.extui %lt3A_170 : i1 to i32
        %cond3A_172 = arith.constant 0 : i32
        %cond3A_173 = arith.cmpi ne, %convert_element_type3A_171, %cond3A_172 : i32
        scf.if %cond3A_173 {
          %mul3A_174 = arith.constant 80 : i32
          %mul3A_175 = arith.muli %add3A_163, %mul3A_174 : i32
          %dma_start3A_176 = arith.constant 0 : i32
          %dma_start3A_177 = arith.constant 0 : i32
          %dma_start3A_178 = tpu.memref_slice %arg5[%dma_start3A_176, %dma_start3A_177] : memref<6x80xi32, #tpu.memory_space<vmem>> -> memref<1x80xi32, #tpu.memory_space<vmem>>
          %dma_start3A_179 = tpu.memref_squeeze %dma_start3A_178 : memref<1x80xi32, #tpu.memory_space<vmem>> -> memref<80xi32, #tpu.memory_space<vmem>>
          %dma_start3A_180 = tpu.memref_slice %arg2[%mul3A_175] : memref<320000xi32, #tpu.memory_space<hbm>> -> memref<80xi32, #tpu.memory_space<hbm>>
          %dma_start3A_181 = arith.constant 0 : i32
          %dma_start3A_182 = tpu.memref_slice %arg5[%dma_start3A_176, %dma_start3A_181] : memref<6x80xi32, #tpu.memory_space<vmem>> -> memref<1x80xi32, #tpu.memory_space<vmem>>
          %dma_start3A_183 = tpu.memref_squeeze %dma_start3A_182 : memref<1x80xi32, #tpu.memory_space<vmem>> -> memref<80xi32, #tpu.memory_space<vmem>>
          %dma_start3A_184 = tpu.memref_slice %arg2[%mul3A_175] : memref<320000xi32, #tpu.memory_space<hbm>> -> memref<80xi32, #tpu.memory_space<hbm>>
          tpu.enqueue_dma source(%dma_start3A_184 : memref<80xi32, #tpu.memory_space<hbm>>) target(%dma_start3A_183 : memref<80xi32, #tpu.memory_space<vmem>>) target_semaphore(%arg6 : memref<!tpu.dma_semaphore, #tpu.memory_space<semaphore_mem>>)
        } else {
        }
      } else {
      }
      %add3A_112 = arith.constant 2 : i32
      %add3A_113 = arith.addi %add3A_93, %add3A_112 : i32
      %mul3A_114 = arith.constant 32 : i32
      %mul3A_115 = arith.muli %add3A_113, %mul3A_114 : i32
      %add3A_116 = arith.addi %add3A, %mul3A_115 : i32
      %lt3A_117 = arith.constant 4000 : i32
      %lt3A_118 = arith.cmpi slt, %add3A_116, %lt3A_117 : i32
      %convert_element_type3A_119 = arith.extui %lt3A_118 : i1 to i32
      %cond3A_120 = arith.constant 0 : i32
      %cond3A_121 = arith.cmpi ne, %convert_element_type3A_119, %cond3A_120 : i32
      scf.if %cond3A_121 {
        %mul3A_152 = arith.constant 80 : i32
        %mul3A_153 = arith.muli %add3A_116, %mul3A_152 : i32
        %dma_wait3A = arith.constant 2 : i32
        %dma_wait3A_154 = arith.constant 0 : i32
        %dma_wait3A_155 = tpu.memref_slice %arg5[%dma_wait3A, %dma_wait3A_154] : memref<6x80xi32, #tpu.memory_space<vmem>> -> memref<1x80xi32, #tpu.memory_space<vmem>>
        %dma_wait3A_156 = tpu.memref_squeeze %dma_wait3A_155 : memref<1x80xi32, #tpu.memory_space<vmem>> -> memref<80xi32, #tpu.memory_space<vmem>>
        %dma_wait3A_157 = tpu.memref_slice %arg2[%mul3A_153] : memref<320000xi32, #tpu.memory_space<hbm>> -> memref<80xi32, #tpu.memory_space<hbm>>
        %dma_wait3A_158 = arith.constant 0 : i32
        %dma_wait3A_159 = tpu.memref_slice %arg5[%dma_wait3A, %dma_wait3A_158] : memref<6x80xi32, #tpu.memory_space<vmem>> -> memref<1x80xi32, #tpu.memory_space<vmem>>
        %dma_wait3A_160 = tpu.memref_squeeze %dma_wait3A_159 : memref<1x80xi32, #tpu.memory_space<vmem>> -> memref<80xi32, #tpu.memory_space<vmem>>
        %dma_wait3A_161 = tpu.memref_slice %arg2[%mul3A_153] : memref<320000xi32, #tpu.memory_space<hbm>> -> memref<80xi32, #tpu.memory_space<hbm>>
        tpu.wait_dma2 semaphore(%arg8 : memref<!tpu.dma_semaphore, #tpu.memory_space<semaphore_mem>>) src(%dma_wait3A_161 : memref<80xi32, #tpu.memory_space<hbm>>) dst(%dma_wait3A_160 : memref<80xi32, #tpu.memory_space<vmem>>)
        %add3A_162 = arith.constant 160 : i32
        %add3A_163 = arith.addi %add3A_116, %add3A_162 : i32
        %scan3A_164 = arith.constant 0 : i32
        %scan3A_165 = arith.constant 5 : i32
        %scan3A_166 = arith.addi %scan3A_164, %scan3A_165 : i32
        %scan3A_167 = arith.constant 1 : i32
        scf.for %scan3A_174 = %scan3A_164 to %scan3A_166 step %scan3A_167  : i32 {
          %mul3A_175 = arith.constant 1 : i32
          %mul3A_176 = arith.muli %scan3A_174, %mul3A_175 : i32
          %add3A_177 = arith.constant 0 : i32
          %add3A_178 = arith.addi %add3A_177, %mul3A_176 : i32
          %mul3A_179 = arith.constant 16 : i32
          %mul3A_180 = arith.muli %add3A_178, %mul3A_179 : i32
          %get3A = arith.constant 2 : i32
          %get3A_181 = arith.index_cast %get3A : i32 to index
          %get3A_182 = arith.index_cast %mul3A_180 : i32 to index
          %get3A_183 = tpu.vector_load %arg5[%get3A_181, %get3A_182] {strides = array<i32>} : memref<6x80xi32, #tpu.memory_space<vmem>>, vector<16xi32>,
          %add3A_184 = arith.addi %mul3A_9, %get3A_183 : vector<16xi32>
          tpu.vector_store_idx %arg4[%add3A_184], %broadcast_in_dim3A_14 masked %lt3A_11 {add = true} : memref<81920xf32, #tpu.memory_space<vmem>>[vector<16xi32>], vector<16xf32>, vector<16xi1>
          tpu.vector_store_idx %arg4[%add3A_184], %broadcast_in_dim3A_14 masked %ge3A_13 {add = true} : memref<81920xf32, #tpu.memory_space<vmem>>[vector<16xi32>], vector<16xf32>, vector<16xi1>
        }
        %scan3A_168 = arith.constant 5 : i32
        %lt3A_169 = arith.constant 4000 : i32
        %lt3A_170 = arith.cmpi slt, %add3A_163, %lt3A_169 : i32
        %convert_element_type3A_171 = arith.extui %lt3A_170 : i1 to i32
        %cond3A_172 = arith.constant 0 : i32
        %cond3A_173 = arith.cmpi ne, %convert_element_type3A_171, %cond3A_172 : i32
        scf.if %cond3A_173 {
          %mul3A_174 = arith.constant 80 : i32
          %mul3A_175 = arith.muli %add3A_163, %mul3A_174 : i32
          %dma_start3A_176 = arith.constant 1 : i32
          %dma_start3A_177 = arith.constant 0 : i32
          %dma_start3A_178 = tpu.memref_slice %arg5[%dma_start3A_176, %dma_start3A_177] : memref<6x80xi32, #tpu.memory_space<vmem>> -> memref<1x80xi32, #tpu.memory_space<vmem>>
          %dma_start3A_179 = tpu.memref_squeeze %dma_start3A_178 : memref<1x80xi32, #tpu.memory_space<vmem>> -> memref<80xi32, #tpu.memory_space<vmem>>
          %dma_start3A_180 = tpu.memref_slice %arg2[%mul3A_175] : memref<320000xi32, #tpu.memory_space<hbm>> -> memref<80xi32, #tpu.memory_space<hbm>>
          %dma_start3A_181 = arith.constant 0 : i32
          %dma_start3A_182 = tpu.memref_slice %arg5[%dma_start3A_176, %dma_start3A_181] : memref<6x80xi32, #tpu.memory_space<vmem>> -> memref<1x80xi32, #tpu.memory_space<vmem>>
          %dma_start3A_183 = tpu.memref_squeeze %dma_start3A_182 : memref<1x80xi32, #tpu.memory_space<vmem>> -> memref<80xi32, #tpu.memory_space<vmem>>
          %dma_start3A_184 = tpu.memref_slice %arg2[%mul3A_175] : memref<320000xi32, #tpu.memory_space<hbm>> -> memref<80xi32, #tpu.memory_space<hbm>>
          tpu.enqueue_dma source(%dma_start3A_184 : memref<80xi32, #tpu.memory_space<hbm>>) target(%dma_start3A_183 : memref<80xi32, #tpu.memory_space<vmem>>) target_semaphore(%arg7 : memref<!tpu.dma_semaphore, #tpu.memory_space<semaphore_mem>>)
        } else {
        }
      } else {
      }
      %add3A_122 = arith.constant 3 : i32
      %add3A_123 = arith.addi %add3A_93, %add3A_122 : i32
      %mul3A_124 = arith.constant 32 : i32
      %mul3A_125 = arith.muli %add3A_123, %mul3A_124 : i32
      %add3A_126 = arith.addi %add3A, %mul3A_125 : i32
      %lt3A_127 = arith.constant 4000 : i32
      %lt3A_128 = arith.cmpi slt, %add3A_126, %lt3A_127 : i32
      %convert_element_type3A_129 = arith.extui %lt3A_128 : i1 to i32
      %cond3A_130 = arith.constant 0 : i32
      %cond3A_131 = arith.cmpi ne, %convert_element_type3A_129, %cond3A_130 : i32
      scf.if %cond3A_131 {
        %mul3A_152 = arith.constant 80 : i32
        %mul3A_153 = arith.muli %add3A_126, %mul3A_152 : i32
        %dma_wait3A = arith.constant 3 : i32
        %dma_wait3A_154 = arith.constant 0 : i32
        %dma_wait3A_155 = tpu.memref_slice %arg5[%dma_wait3A, %dma_wait3A_154] : memref<6x80xi32, #tpu.memory_space<vmem>> -> memref<1x80xi32, #tpu.memory_space<vmem>>
        %dma_wait3A_156 = tpu.memref_squeeze %dma_wait3A_155 : memref<1x80xi32, #tpu.memory_space<vmem>> -> memref<80xi32, #tpu.memory_space<vmem>>
        %dma_wait3A_157 = tpu.memref_slice %arg2[%mul3A_153] : memref<320000xi32, #tpu.memory_space<hbm>> -> memref<80xi32, #tpu.memory_space<hbm>>
        %dma_wait3A_158 = arith.constant 0 : i32
        %dma_wait3A_159 = tpu.memref_slice %arg5[%dma_wait3A, %dma_wait3A_158] : memref<6x80xi32, #tpu.memory_space<vmem>> -> memref<1x80xi32, #tpu.memory_space<vmem>>
        %dma_wait3A_160 = tpu.memref_squeeze %dma_wait3A_159 : memref<1x80xi32, #tpu.memory_space<vmem>> -> memref<80xi32, #tpu.memory_space<vmem>>
        %dma_wait3A_161 = tpu.memref_slice %arg2[%mul3A_153] : memref<320000xi32, #tpu.memory_space<hbm>> -> memref<80xi32, #tpu.memory_space<hbm>>
        tpu.wait_dma2 semaphore(%arg9 : memref<!tpu.dma_semaphore, #tpu.memory_space<semaphore_mem>>) src(%dma_wait3A_161 : memref<80xi32, #tpu.memory_space<hbm>>) dst(%dma_wait3A_160 : memref<80xi32, #tpu.memory_space<vmem>>)
        %add3A_162 = arith.constant 160 : i32
        %add3A_163 = arith.addi %add3A_126, %add3A_162 : i32
        %scan3A_164 = arith.constant 0 : i32
        %scan3A_165 = arith.constant 5 : i32
        %scan3A_166 = arith.addi %scan3A_164, %scan3A_165 : i32
        %scan3A_167 = arith.constant 1 : i32
        scf.for %scan3A_174 = %scan3A_164 to %scan3A_166 step %scan3A_167  : i32 {
          %mul3A_175 = arith.constant 1 : i32
          %mul3A_176 = arith.muli %scan3A_174, %mul3A_175 : i32
          %add3A_177 = arith.constant 0 : i32
          %add3A_178 = arith.addi %add3A_177, %mul3A_176 : i32
          %mul3A_179 = arith.constant 16 : i32
          %mul3A_180 = arith.muli %add3A_178, %mul3A_179 : i32
          %get3A = arith.constant 3 : i32
          %get3A_181 = arith.index_cast %get3A : i32 to index
          %get3A_182 = arith.index_cast %mul3A_180 : i32 to index
          %get3A_183 = tpu.vector_load %arg5[%get3A_181, %get3A_182] {strides = array<i32>} : memref<6x80xi32, #tpu.memory_space<vmem>>, vector<16xi32>,
          %add3A_184 = arith.addi %mul3A_9, %get3A_183 : vector<16xi32>
          tpu.vector_store_idx %arg4[%add3A_184], %broadcast_in_dim3A_14 masked %lt3A_11 {add = true} : memref<81920xf32, #tpu.memory_space<vmem>>[vector<16xi32>], vector<16xf32>, vector<16xi1>
          tpu.vector_store_idx %arg4[%add3A_184], %broadcast_in_dim3A_14 masked %ge3A_13 {add = true} : memref<81920xf32, #tpu.memory_space<vmem>>[vector<16xi32>], vector<16xf32>, vector<16xi1>
        }
        %scan3A_168 = arith.constant 5 : i32
        %lt3A_169 = arith.constant 4000 : i32
        %lt3A_170 = arith.cmpi slt, %add3A_163, %lt3A_169 : i32
        %convert_element_type3A_171 = arith.extui %lt3A_170 : i1 to i32
        %cond3A_172 = arith.constant 0 : i32
        %cond3A_173 = arith.cmpi ne, %convert_element_type3A_171, %cond3A_172 : i32
        scf.if %cond3A_173 {
          %mul3A_174 = arith.constant 80 : i32
          %mul3A_175 = arith.muli %add3A_163, %mul3A_174 : i32
          %dma_start3A_176 = arith.constant 2 : i32
          %dma_start3A_177 = arith.constant 0 : i32
          %dma_start3A_178 = tpu.memref_slice %arg5[%dma_start3A_176, %dma_start3A_177] : memref<6x80xi32, #tpu.memory_space<vmem>> -> memref<1x80xi32, #tpu.memory_space<vmem>>
          %dma_start3A_179 = tpu.memref_squeeze %dma_start3A_178 : memref<1x80xi32, #tpu.memory_space<vmem>> -> memref<80xi32, #tpu.memory_space<vmem>>
          %dma_start3A_180 = tpu.memref_slice %arg2[%mul3A_175] : memref<320000xi32, #tpu.memory_space<hbm>> -> memref<80xi32, #tpu.memory_space<hbm>>
          %dma_start3A_181 = arith.constant 0 : i32
          %dma_start3A_182 = tpu.memref_slice %arg5[%dma_start3A_176, %dma_start3A_181] : memref<6x80xi32, #tpu.memory_space<vmem>> -> memref<1x80xi32, #tpu.memory_space<vmem>>
          %dma_start3A_183 = tpu.memref_squeeze %dma_start3A_182 : memref<1x80xi32, #tpu.memory_space<vmem>> -> memref<80xi32, #tpu.memory_space<vmem>>
          %dma_start3A_184 = tpu.memref_slice %arg2[%mul3A_175] : memref<320000xi32, #tpu.memory_space<hbm>> -> memref<80xi32, #tpu.memory_space<hbm>>
          tpu.enqueue_dma source(%dma_start3A_184 : memref<80xi32, #tpu.memory_space<hbm>>) target(%dma_start3A_183 : memref<80xi32, #tpu.memory_space<vmem>>) target_semaphore(%arg8 : memref<!tpu.dma_semaphore, #tpu.memory_space<semaphore_mem>>)
        } else {
        }
      } else {
      }
      %add3A_132 = arith.constant 4 : i32
      %add3A_133 = arith.addi %add3A_93, %add3A_132 : i32
      %mul3A_134 = arith.constant 32 : i32
      %mul3A_135 = arith.muli %add3A_133, %mul3A_134 : i32
      %add3A_136 = arith.addi %add3A, %mul3A_135 : i32
      %lt3A_137 = arith.constant 4000 : i32
      %lt3A_138 = arith.cmpi slt, %add3A_136, %lt3A_137 : i32
      %convert_element_type3A_139 = arith.extui %lt3A_138 : i1 to i32
      %cond3A_140 = arith.constant 0 : i32
      %cond3A_141 = arith.cmpi ne, %convert_element_type3A_139, %cond3A_140 : i32
      scf.if %cond3A_141 {
        %mul3A_152 = arith.constant 80 : i32
        %mul3A_153 = arith.muli %add3A_136, %mul3A_152 : i32
        %dma_wait3A = arith.constant 4 : i32
        %dma_wait3A_154 = arith.constant 0 : i32
        %dma_wait3A_155 = tpu.memref_slice %arg5[%dma_wait3A, %dma_wait3A_154] : memref<6x80xi32, #tpu.memory_space<vmem>> -> memref<1x80xi32, #tpu.memory_space<vmem>>
        %dma_wait3A_156 = tpu.memref_squeeze %dma_wait3A_155 : memref<1x80xi32, #tpu.memory_space<vmem>> -> memref<80xi32, #tpu.memory_space<vmem>>
        %dma_wait3A_157 = tpu.memref_slice %arg2[%mul3A_153] : memref<320000xi32, #tpu.memory_space<hbm>> -> memref<80xi32, #tpu.memory_space<hbm>>
        %dma_wait3A_158 = arith.constant 0 : i32
        %dma_wait3A_159 = tpu.memref_slice %arg5[%dma_wait3A, %dma_wait3A_158] : memref<6x80xi32, #tpu.memory_space<vmem>> -> memref<1x80xi32, #tpu.memory_space<vmem>>
        %dma_wait3A_160 = tpu.memref_squeeze %dma_wait3A_159 : memref<1x80xi32, #tpu.memory_space<vmem>> -> memref<80xi32, #tpu.memory_space<vmem>>
        %dma_wait3A_161 = tpu.memref_slice %arg2[%mul3A_153] : memref<320000xi32, #tpu.memory_space<hbm>> -> memref<80xi32, #tpu.memory_space<hbm>>
        tpu.wait_dma2 semaphore(%arg10 : memref<!tpu.dma_semaphore, #tpu.memory_space<semaphore_mem>>) src(%dma_wait3A_161 : memref<80xi32, #tpu.memory_space<hbm>>) dst(%dma_wait3A_160 : memref<80xi32, #tpu.memory_space<vmem>>)
        %add3A_162 = arith.constant 160 : i32
        %add3A_163 = arith.addi %add3A_136, %add3A_162 : i32
        %scan3A_164 = arith.constant 0 : i32
        %scan3A_165 = arith.constant 5 : i32
        %scan3A_166 = arith.addi %scan3A_164, %scan3A_165 : i32
        %scan3A_167 = arith.constant 1 : i32
        scf.for %scan3A_174 = %scan3A_164 to %scan3A_166 step %scan3A_167  : i32 {
          %mul3A_175 = arith.constant 1 : i32
          %mul3A_176 = arith.muli %scan3A_174, %mul3A_175 : i32
          %add3A_177 = arith.constant 0 : i32
          %add3A_178 = arith.addi %add3A_177, %mul3A_176 : i32
          %mul3A_179 = arith.constant 16 : i32
          %mul3A_180 = arith.muli %add3A_178, %mul3A_179 : i32
          %get3A = arith.constant 4 : i32
          %get3A_181 = arith.index_cast %get3A : i32 to index
          %get3A_182 = arith.index_cast %mul3A_180 : i32 to index
          %get3A_183 = tpu.vector_load %arg5[%get3A_181, %get3A_182] {strides = array<i32>} : memref<6x80xi32, #tpu.memory_space<vmem>>, vector<16xi32>,
          %add3A_184 = arith.addi %mul3A_9, %get3A_183 : vector<16xi32>
          tpu.vector_store_idx %arg4[%add3A_184], %broadcast_in_dim3A_14 masked %lt3A_11 {add = true} : memref<81920xf32, #tpu.memory_space<vmem>>[vector<16xi32>], vector<16xf32>, vector<16xi1>
          tpu.vector_store_idx %arg4[%add3A_184], %broadcast_in_dim3A_14 masked %ge3A_13 {add = true} : memref<81920xf32, #tpu.memory_space<vmem>>[vector<16xi32>], vector<16xf32>, vector<16xi1>
        }
        %scan3A_168 = arith.constant 5 : i32
        %lt3A_169 = arith.constant 4000 : i32
        %lt3A_170 = arith.cmpi slt, %add3A_163, %lt3A_169 : i32
        %convert_element_type3A_171 = arith.extui %lt3A_170 : i1 to i32
        %cond3A_172 = arith.constant 0 : i32
        %cond3A_173 = arith.cmpi ne, %convert_element_type3A_171, %cond3A_172 : i32
        scf.if %cond3A_173 {
          %mul3A_174 = arith.constant 80 : i32
          %mul3A_175 = arith.muli %add3A_163, %mul3A_174 : i32
          %dma_start3A_176 = arith.constant 3 : i32
          %dma_start3A_177 = arith.constant 0 : i32
          %dma_start3A_178 = tpu.memref_slice %arg5[%dma_start3A_176, %dma_start3A_177] : memref<6x80xi32, #tpu.memory_space<vmem>> -> memref<1x80xi32, #tpu.memory_space<vmem>>
          %dma_start3A_179 = tpu.memref_squeeze %dma_start3A_178 : memref<1x80xi32, #tpu.memory_space<vmem>> -> memref<80xi32, #tpu.memory_space<vmem>>
          %dma_start3A_180 = tpu.memref_slice %arg2[%mul3A_175] : memref<320000xi32, #tpu.memory_space<hbm>> -> memref<80xi32, #tpu.memory_space<hbm>>
          %dma_start3A_181 = arith.constant 0 : i32
          %dma_start3A_182 = tpu.memref_slice %arg5[%dma_start3A_176, %dma_start3A_181] : memref<6x80xi32, #tpu.memory_space<vmem>> -> memref<1x80xi32, #tpu.memory_space<vmem>>
          %dma_start3A_183 = tpu.memref_squeeze %dma_start3A_182 : memref<1x80xi32, #tpu.memory_space<vmem>> -> memref<80xi32, #tpu.memory_space<vmem>>
          %dma_start3A_184 = tpu.memref_slice %arg2[%mul3A_175] : memref<320000xi32, #tpu.memory_space<hbm>> -> memref<80xi32, #tpu.memory_space<hbm>>
          tpu.enqueue_dma source(%dma_start3A_184 : memref<80xi32, #tpu.memory_space<hbm>>) target(%dma_start3A_183 : memref<80xi32, #tpu.memory_space<vmem>>) target_semaphore(%arg9 : memref<!tpu.dma_semaphore, #tpu.memory_space<semaphore_mem>>)
        } else {
        }
      } else {
      }
      %add3A_142 = arith.constant 5 : i32
      %add3A_143 = arith.addi %add3A_93, %add3A_142 : i32
      %mul3A_144 = arith.constant 32 : i32
      %mul3A_145 = arith.muli %add3A_143, %mul3A_144 : i32
      %add3A_146 = arith.addi %add3A, %mul3A_145 : i32
      %lt3A_147 = arith.constant 4000 : i32
      %lt3A_148 = arith.cmpi slt, %add3A_146, %lt3A_147 : i32
      %convert_element_type3A_149 = arith.extui %lt3A_148 : i1 to i32
      %cond3A_150 = arith.constant 0 : i32
      %cond3A_151 = arith.cmpi ne, %convert_element_type3A_149, %cond3A_150 : i32
      scf.if %cond3A_151 {
        %mul3A_152 = arith.constant 80 : i32
        %mul3A_153 = arith.muli %add3A_146, %mul3A_152 : i32
        %dma_wait3A = arith.constant 5 : i32
        %dma_wait3A_154 = arith.constant 0 : i32
        %dma_wait3A_155 = tpu.memref_slice %arg5[%dma_wait3A, %dma_wait3A_154] : memref<6x80xi32, #tpu.memory_space<vmem>> -> memref<1x80xi32, #tpu.memory_space<vmem>>
        %dma_wait3A_156 = tpu.memref_squeeze %dma_wait3A_155 : memref<1x80xi32, #tpu.memory_space<vmem>> -> memref<80xi32, #tpu.memory_space<vmem>>
        %dma_wait3A_157 = tpu.memref_slice %arg2[%mul3A_153] : memref<320000xi32, #tpu.memory_space<hbm>> -> memref<80xi32, #tpu.memory_space<hbm>>
        %dma_wait3A_158 = arith.constant 0 : i32
        %dma_wait3A_159 = tpu.memref_slice %arg5[%dma_wait3A, %dma_wait3A_158] : memref<6x80xi32, #tpu.memory_space<vmem>> -> memref<1x80xi32, #tpu.memory_space<vmem>>
        %dma_wait3A_160 = tpu.memref_squeeze %dma_wait3A_159 : memref<1x80xi32, #tpu.memory_space<vmem>> -> memref<80xi32, #tpu.memory_space<vmem>>
        %dma_wait3A_161 = tpu.memref_slice %arg2[%mul3A_153] : memref<320000xi32, #tpu.memory_space<hbm>> -> memref<80xi32, #tpu.memory_space<hbm>>
        tpu.wait_dma2 semaphore(%arg11 : memref<!tpu.dma_semaphore, #tpu.memory_space<semaphore_mem>>) src(%dma_wait3A_161 : memref<80xi32, #tpu.memory_space<hbm>>) dst(%dma_wait3A_160 : memref<80xi32, #tpu.memory_space<vmem>>)
        %add3A_162 = arith.constant 160 : i32
        %add3A_163 = arith.addi %add3A_146, %add3A_162 : i32
        %scan3A_164 = arith.constant 0 : i32
        %scan3A_165 = arith.constant 5 : i32
        %scan3A_166 = arith.addi %scan3A_164, %scan3A_165 : i32
        %scan3A_167 = arith.constant 1 : i32
        scf.for %scan3A_174 = %scan3A_164 to %scan3A_166 step %scan3A_167  : i32 {
          %mul3A_175 = arith.constant 1 : i32
          %mul3A_176 = arith.muli %scan3A_174, %mul3A_175 : i32
          %add3A_177 = arith.constant 0 : i32
          %add3A_178 = arith.addi %add3A_177, %mul3A_176 : i32
          %mul3A_179 = arith.constant 16 : i32
          %mul3A_180 = arith.muli %add3A_178, %mul3A_179 : i32
          %get3A = arith.constant 5 : i32
          %get3A_181 = arith.index_cast %get3A : i32 to index
          %get3A_182 = arith.index_cast %mul3A_180 : i32 to index
          %get3A_183 = tpu.vector_load %arg5[%get3A_181, %get3A_182] {strides = array<i32>} : memref<6x80xi32, #tpu.memory_space<vmem>>, vector<16xi32>,
          %add3A_184 = arith.addi %mul3A_9, %get3A_183 : vector<16xi32>
          tpu.vector_store_idx %arg4[%add3A_184], %broadcast_in_dim3A_14 masked %lt3A_11 {add = true} : memref<81920xf32, #tpu.memory_space<vmem>>[vector<16xi32>], vector<16xf32>, vector<16xi1>
          tpu.vector_store_idx %arg4[%add3A_184], %broadcast_in_dim3A_14 masked %ge3A_13 {add = true} : memref<81920xf32, #tpu.memory_space<vmem>>[vector<16xi32>], vector<16xf32>, vector<16xi1>
        }
        %scan3A_168 = arith.constant 5 : i32
        %lt3A_169 = arith.constant 4000 : i32
        %lt3A_170 = arith.cmpi slt, %add3A_163, %lt3A_169 : i32
        %convert_element_type3A_171 = arith.extui %lt3A_170 : i1 to i32
        %cond3A_172 = arith.constant 0 : i32
        %cond3A_173 = arith.cmpi ne, %convert_element_type3A_171, %cond3A_172 : i32
        scf.if %cond3A_173 {
          %mul3A_174 = arith.constant 80 : i32
          %mul3A_175 = arith.muli %add3A_163, %mul3A_174 : i32
          %dma_start3A_176 = arith.constant 4 : i32
          %dma_start3A_177 = arith.constant 0 : i32
          %dma_start3A_178 = tpu.memref_slice %arg5[%dma_start3A_176, %dma_start3A_177] : memref<6x80xi32, #tpu.memory_space<vmem>> -> memref<1x80xi32, #tpu.memory_space<vmem>>
          %dma_start3A_179 = tpu.memref_squeeze %dma_start3A_178 : memref<1x80xi32, #tpu.memory_space<vmem>> -> memref<80xi32, #tpu.memory_space<vmem>>
          %dma_start3A_180 = tpu.memref_slice %arg2[%mul3A_175] : memref<320000xi32, #tpu.memory_space<hbm>> -> memref<80xi32, #tpu.memory_space<hbm>>
          %dma_start3A_181 = arith.constant 0 : i32
          %dma_start3A_182 = tpu.memref_slice %arg5[%dma_start3A_176, %dma_start3A_181] : memref<6x80xi32, #tpu.memory_space<vmem>> -> memref<1x80xi32, #tpu.memory_space<vmem>>
          %dma_start3A_183 = tpu.memref_squeeze %dma_start3A_182 : memref<1x80xi32, #tpu.memory_space<vmem>> -> memref<80xi32, #tpu.memory_space<vmem>>
          %dma_start3A_184 = tpu.memref_slice %arg2[%mul3A_175] : memref<320000xi32, #tpu.memory_space<hbm>> -> memref<80xi32, #tpu.memory_space<hbm>>
          tpu.enqueue_dma source(%dma_start3A_184 : memref<80xi32, #tpu.memory_space<hbm>>) target(%dma_start3A_183 : memref<80xi32, #tpu.memory_space<vmem>>) target_semaphore(%arg10 : memref<!tpu.dma_semaphore, #tpu.memory_space<semaphore_mem>>)
        } else {
        }
      } else {
      }
    }
    %scan3A_83 = arith.constant 21 : i32
    %scan3A_84 = arith.constant 0 : i32
    %scan3A_85 = arith.constant 640 : i32
    %scan3A_86 = arith.addi %scan3A_84, %scan3A_85 : i32
    %scan3A_87 = arith.constant 1 : i32
    scf.for %scan3A_89 = %scan3A_84 to %scan3A_86 step %scan3A_87  : i32 {
      %mul3A_90 = arith.constant 1 : i32
      %mul3A_91 = arith.muli %scan3A_89, %mul3A_90 : i32
      %add3A_92 = arith.constant 0 : i32
      %add3A_93 = arith.addi %add3A_92, %mul3A_91 : i32
      %mul3A_94 = arith.constant 16 : i32
      %mul3A_95 = arith.muli %add3A_93, %mul3A_94 : i32
      %get3A = arith.index_cast %mul3A_95 : i32 to index
      %get3A_96 = tpu.vector_load %arg4[%get3A] {strides = array<i32>} : memref<81920xf32, #tpu.memory_space<vmem>>, vector<16xf32>,
      %mul3A_97 = arith.constant 16 : i32
      %mul3A_98 = arith.muli %add3A_93, %mul3A_97 : i32
      %add3A_99 = arith.constant 10240 : i32
      %add3A_100 = arith.addi %add3A_99, %mul3A_98 : i32
      %get3A_101 = arith.index_cast %add3A_100 : i32 to index
      %get3A_102 = tpu.vector_load %arg4[%get3A_101] {strides = array<i32>} : memref<81920xf32, #tpu.memory_space<vmem>>, vector<16xf32>,
      %add3A_103 = arith.addf %get3A_96, %get3A_102 : vector<16xf32>
      %mul3A_104 = arith.constant 16 : i32
      %mul3A_105 = arith.muli %add3A_93, %mul3A_104 : i32
      %add3A_106 = arith.constant 20480 : i32
      %add3A_107 = arith.addi %add3A_106, %mul3A_105 : i32
      %get3A_108 = arith.index_cast %add3A_107 : i32 to index
      %get3A_109 = tpu.vector_load %arg4[%get3A_108] {strides = array<i32>} : memref<81920xf32, #tpu.memory_space<vmem>>, vector<16xf32>,
      %add3A_110 = arith.addf %add3A_103, %get3A_109 : vector<16xf32>
      %mul3A_111 = arith.constant 16 : i32
      %mul3A_112 = arith.muli %add3A_93, %mul3A_111 : i32
      %add3A_113 = arith.constant 30720 : i32
      %add3A_114 = arith.addi %add3A_113, %mul3A_112 : i32
      %get3A_115 = arith.index_cast %add3A_114 : i32 to index
      %get3A_116 = tpu.vector_load %arg4[%get3A_115] {strides = array<i32>} : memref<81920xf32, #tpu.memory_space<vmem>>, vector<16xf32>,
      %add3A_117 = arith.addf %add3A_110, %get3A_116 : vector<16xf32>
      %mul3A_118 = arith.constant 16 : i32
      %mul3A_119 = arith.muli %add3A_93, %mul3A_118 : i32
      %add3A_120 = arith.constant 40960 : i32
      %add3A_121 = arith.addi %add3A_120, %mul3A_119 : i32
      %get3A_122 = arith.index_cast %add3A_121 : i32 to index
      %get3A_123 = tpu.vector_load %arg4[%get3A_122] {strides = array<i32>} : memref<81920xf32, #tpu.memory_space<vmem>>, vector<16xf32>,
      %add3A_124 = arith.addf %add3A_117, %get3A_123 : vector<16xf32>
      %mul3A_125 = arith.constant 16 : i32
      %mul3A_126 = arith.muli %add3A_93, %mul3A_125 : i32
      %add3A_127 = arith.constant 51200 : i32
      %add3A_128 = arith.addi %add3A_127, %mul3A_126 : i32
      %get3A_129 = arith.index_cast %add3A_128 : i32 to index
      %get3A_130 = tpu.vector_load %arg4[%get3A_129] {strides = array<i32>} : memref<81920xf32, #tpu.memory_space<vmem>>, vector<16xf32>,
      %add3A_131 = arith.addf %add3A_124, %get3A_130 : vector<16xf32>
      %mul3A_132 = arith.constant 16 : i32
      %mul3A_133 = arith.muli %add3A_93, %mul3A_132 : i32
      %add3A_134 = arith.constant 61440 : i32
      %add3A_135 = arith.addi %add3A_134, %mul3A_133 : i32
      %get3A_136 = arith.index_cast %add3A_135 : i32 to index
      %get3A_137 = tpu.vector_load %arg4[%get3A_136] {strides = array<i32>} : memref<81920xf32, #tpu.memory_space<vmem>>, vector<16xf32>,
      %add3A_138 = arith.addf %add3A_131, %get3A_137 : vector<16xf32>
      %mul3A_139 = arith.constant 16 : i32
      %mul3A_140 = arith.muli %add3A_93, %mul3A_139 : i32
      %add3A_141 = arith.constant 71680 : i32
      %add3A_142 = arith.addi %add3A_141, %mul3A_140 : i32
      %get3A_143 = arith.index_cast %add3A_142 : i32 to index
      %get3A_144 = tpu.vector_load %arg4[%get3A_143] {strides = array<i32>} : memref<81920xf32, #tpu.memory_space<vmem>>, vector<16xf32>,
      %add3A_145 = arith.addf %add3A_138, %get3A_144 : vector<16xf32>
      %mul3A_146 = arith.constant 16 : i32
      %mul3A_147 = arith.muli %add3A_93, %mul3A_146 : i32
      %swap3A = arith.index_cast %mul3A_147 : i32 to index
      %swap3A_148 = tpu.vector_load %arg4[%swap3A] {strides = array<i32>} : memref<81920xf32, #tpu.memory_space<vmem>>, vector<16xf32>,
      tpu.vector_store %arg4[%swap3A], %add3A_145 {strides = array<i32>} : memref<81920xf32, #tpu.memory_space<vmem>>, vector<16xf32>,
    }
    %scan3A_88 = arith.constant 640 : i32
    "tpu.region"() ({
      %run_scoped3A = tpu.sem_alloc : memref<!tpu.dma_semaphore, #tpu.memory_space<semaphore_mem>>
      %dma_start3A_89 = arith.constant 0 : i32
      %dma_start3A_90 = tpu.memref_slice %arg4[%dma_start3A_89] : memref<81920xf32, #tpu.memory_space<vmem>> -> memref<10240xf32, #tpu.memory_space<vmem>>
      %dma_start3A_91 = arith.constant 0 : i32
      %dma_start3A_92 = tpu.memref_slice %arg3[%add3A, %dma_start3A_91] : memref<32x10240xf32, #tpu.memory_space<hbm>> -> memref<1x10240xf32, #tpu.memory_space<hbm>>
      %dma_start3A_93 = tpu.memref_squeeze %dma_start3A_92 : memref<1x10240xf32, #tpu.memory_space<hbm>> -> memref<10240xf32, #tpu.memory_space<hbm>>
      %dma_start3A_94 = arith.constant 0 : i32
      %dma_start3A_95 = tpu.memref_slice %arg3[%add3A, %dma_start3A_94] : memref<32x10240xf32, #tpu.memory_space<hbm>> -> memref<1x10240xf32, #tpu.memory_space<hbm>>
      %dma_start3A_96 = tpu.memref_squeeze %dma_start3A_95 : memref<1x10240xf32, #tpu.memory_space<hbm>> -> memref<10240xf32, #tpu.memory_space<hbm>>
      %dma_start3A_97 = arith.constant 0 : i32
      %dma_start3A_98 = tpu.memref_slice %arg4[%dma_start3A_97] : memref<81920xf32, #tpu.memory_space<vmem>> -> memref<10240xf32, #tpu.memory_space<vmem>>
      tpu.enqueue_dma source(%dma_start3A_98 : memref<10240xf32, #tpu.memory_space<vmem>>) target(%dma_start3A_96 : memref<10240xf32, #tpu.memory_space<hbm>>) target_semaphore(%run_scoped3A : memref<!tpu.dma_semaphore, #tpu.memory_space<semaphore_mem>>)
      %dma_wait3A = arith.constant 0 : i32
      %dma_wait3A_99 = tpu.memref_slice %arg4[%dma_wait3A] : memref<81920xf32, #tpu.memory_space<vmem>> -> memref<10240xf32, #tpu.memory_space<vmem>>
      %dma_wait3A_100 = arith.constant 0 : i32
      %dma_wait3A_101 = tpu.memref_slice %arg3[%add3A, %dma_wait3A_100] : memref<32x10240xf32, #tpu.memory_space<hbm>> -> memref<1x10240xf32, #tpu.memory_space<hbm>>
      %dma_wait3A_102 = tpu.memref_squeeze %dma_wait3A_101 : memref<1x10240xf32, #tpu.memory_space<hbm>> -> memref<10240xf32, #tpu.memory_space<hbm>>
      %dma_wait3A_103 = arith.constant 0 : i32
      %dma_wait3A_104 = tpu.memref_slice %arg3[%add3A, %dma_wait3A_103] : memref<32x10240xf32, #tpu.memory_space<hbm>> -> memref<1x10240xf32, #tpu.memory_space<hbm>>
      %dma_wait3A_105 = tpu.memref_squeeze %dma_wait3A_104 : memref<1x10240xf32, #tpu.memory_space<hbm>> -> memref<10240xf32, #tpu.memory_space<hbm>>
      %dma_wait3A_106 = arith.constant 0 : i32
      %dma_wait3A_107 = tpu.memref_slice %arg4[%dma_wait3A_106] : memref<81920xf32, #tpu.memory_space<vmem>> -> memref<10240xf32, #tpu.memory_space<vmem>>
      tpu.wait_dma2 semaphore(%run_scoped3A : memref<!tpu.dma_semaphore, #tpu.memory_space<semaphore_mem>>) src(%dma_wait3A_107 : memref<10240xf32, #tpu.memory_space<vmem>>) dst(%dma_wait3A_105 : memref<10240xf32, #tpu.memory_space<hbm>>)
      tpu.yield
    }) : () -> ()
    return
  }
}

module attributes {stable_mosaic.version = 14 : i64} {
  func.func @_tc_layer_body(%arg0: i32, %arg1: memref<2x512x128xf32, #tpu.memory_space<vmem>>, %arg2: memref<32x10240xf32, #tpu.memory_space<vmem>>, %arg3: memref<512x128xf32, #tpu.memory_space<vmem>>, %arg4: memref<128x128xf32, #tpu.memory_space<vmem>>, %arg5: memref<1x128xf32, #tpu.memory_space<vmem>>, %arg6: memref<128x128xf32, #tpu.memory_space<vmem>>, %arg7: memref<512x128xf32, #tpu.memory_space<vmem>>) attributes {dimension_semantics = [#tpu.dimension_semantics<arbitrary>], iteration_bounds = array<i64: 20>, scalar_prefetch = 0 : i64, scratch_operands = 0 : i64, tpu.core_type = #tpu.core_type<tc>, window_params = [{transform_indices = @transform_0, window_bounds = array<i64: 2, 512, 128>}, {pipeline_mode = #tpu.pipeline_mode<synchronous>, transform_indices = @transform_1, window_bounds = array<i64: 32, 10240>}, {transform_indices = @transform_2, window_bounds = array<i64: 512, 128>}, {pipeline_mode = #tpu.pipeline_mode<synchronous>, transform_indices = @transform_3, window_bounds = array<i64: 128, 128>}, {pipeline_mode = #tpu.pipeline_mode<synchronous>, transform_indices = @transform_4, window_bounds = array<i64: 1, 128>}, {pipeline_mode = #tpu.pipeline_mode<synchronous>, transform_indices = @transform_5, window_bounds = array<i64: 128, 128>}, {transform_indices = @transform_6, window_bounds = array<i64: 512, 128>}]} {
    %get3A = arith.constant 0 : index
    %get3A_0 = arith.constant 0 : index
    %get3A_1 = arith.constant 0 : index
    %get3A_2 = vector.load %arg1[%get3A, %get3A_0, %get3A_1] : memref<2x512x128xf32, #tpu.memory_space<vmem>>, vector<1x512x128xf32>
    %get3A_3 = vector.shape_cast %get3A_2 : vector<1x512x128xf32> to vector<512x128xf32>
    %get3A_4 = arith.constant 1 : index
    %get3A_5 = arith.constant 0 : index
    %get3A_6 = arith.constant 0 : index
    %get3A_7 = vector.load %arg1[%get3A_4, %get3A_5, %get3A_6] : memref<2x512x128xf32, #tpu.memory_space<vmem>>, vector<1x512x128xf32>
    %get3A_8 = vector.shape_cast %get3A_7 : vector<1x512x128xf32> to vector<512x128xf32>
    %add3A = arith.addf %get3A_3, %get3A_8 : vector<512x128xf32>
    %mul3A = arith.constant 512 : i32
    %mul3A_9 = arith.muli %arg0, %mul3A : i32
    %get3A_10 = arith.constant 0 : index
    %get3A_11 = arith.index_cast %mul3A_9 : i32 to index
    %get3A_12 = vector.load %arg2[%get3A_10, %get3A_11] : memref<32x10240xf32, #tpu.memory_space<vmem>>, vector<32x512xf32>
    %reduce_sum3A = arith.constant dense<0.000000e+00> : vector<512xf32>
    %reduce_sum3A_13 = vector.multi_reduction <add>, %get3A_12, %reduce_sum3A [0] : vector<32x512xf32> to vector<512xf32>
    %broadcast_in_dim3A = vector.shape_cast %reduce_sum3A_13 : vector<512xf32> to vector<512x1xf32>
    %max3A = arith.constant 1.000000e+00 : f32
    %max3A_14 = vector.broadcast %max3A : f32 to vector<512x1xf32>
    %max3A_15 = arith.maximumf %broadcast_in_dim3A, %max3A_14 : vector<512x1xf32>
    %div3A = vector.broadcast %max3A_15 : vector<512x1xf32> to vector<512x128xf32>
    %div3A_16 = arith.divf %add3A, %div3A : vector<512x128xf32>
    %get3A_17 = arith.constant 0 : index
    %get3A_18 = arith.constant 0 : index
    %get3A_19 = vector.load %arg4[%get3A_17, %get3A_18] : memref<128x128xf32, #tpu.memory_space<vmem>>, vector<128x128xf32>
    %dot_general3A = arith.constant dense<0.000000e+00> : vector<512x128xf32>
    %dot_general3A_20 = tpu.matmul %div3A_16, %get3A_19, %dot_general3A {dimension_numbers = #tpu.dot_dimension_numbers<[1], [1], [0], [0], [0, 0, 1, 0], [], []>, transpose_lhs_hint = false} : vector<512x128xf32>, vector<128x128xf32>, vector<512x128xf32> -> vector<512x128xf32>
    %get3A_21 = arith.constant 0 : index
    %get3A_22 = arith.constant 0 : index
    %get3A_23 = vector.load %arg3[%get3A_21, %get3A_22] : memref<512x128xf32, #tpu.memory_space<vmem>>, vector<512x128xf32>
    %get3A_24 = arith.constant 0 : index
    %get3A_25 = arith.constant 0 : index
    %get3A_26 = vector.load %arg6[%get3A_24, %get3A_25] : memref<128x128xf32, #tpu.memory_space<vmem>>, vector<128x128xf32>
    %dot_general3A_27 = arith.constant dense<0.000000e+00> : vector<512x128xf32>
    %dot_general3A_28 = tpu.matmul %get3A_23, %get3A_26, %dot_general3A_27 {dimension_numbers = #tpu.dot_dimension_numbers<[1], [1], [0], [0], [0, 0, 1, 0], [], []>, transpose_lhs_hint = false} : vector<512x128xf32>, vector<128x128xf32>, vector<512x128xf32> -> vector<512x128xf32>
    %add3A_29 = arith.addf %dot_general3A_20, %dot_general3A_28 : vector<512x128xf32>
    %get3A_30 = arith.constant 0 : index
    %get3A_31 = arith.constant 0 : index
    %get3A_32 = vector.load %arg5[%get3A_30, %get3A_31] : memref<1x128xf32, #tpu.memory_space<vmem>>, vector<1x128xf32>
    %add3A_33 = vector.broadcast %get3A_32 : vector<1x128xf32> to vector<512x128xf32>
    %add3A_34 = arith.addf %add3A_29, %add3A_33 : vector<512x128xf32>
    %max3A_35 = arith.constant 0.000000e+00 : f32
    %max3A_36 = vector.broadcast %max3A_35 : f32 to vector<512x128xf32>
    %max3A_37 = arith.maximumf %add3A_34, %max3A_36 : vector<512x128xf32>
    %swap3A = arith.constant 0 : index
    %swap3A_38 = arith.constant 0 : index
    %swap3A_39 = vector.load %arg7[%swap3A, %swap3A_38] : memref<512x128xf32, #tpu.memory_space<vmem>>, vector<512x128xf32>
    tpu.vector_store %arg7[%swap3A, %swap3A_38], %max3A_37 {strides = array<i32>} : memref<512x128xf32, #tpu.memory_space<vmem>>, vector<512x128xf32>,
    return
  }
  func.func @transform_0(%arg0: i32) -> (i32, i32, i32) {
    %c0_i32 = arith.constant 0 : i32
    %c0_i32_0 = arith.constant 0 : i32
    %c0_i32_1 = arith.constant 0 : i32
    return %c0_i32, %arg0, %c0_i32_0 : i32, i32, i32
  }
  func.func @transform_1(%arg0: i32) -> (i32, i32) {
    %c0_i32 = arith.constant 0 : i32
    %c0_i32_0 = arith.constant 0 : i32
    %c0_i32_1 = arith.constant 0 : i32
    return %c0_i32, %c0_i32_0 : i32, i32
  }
  func.func @transform_2(%arg0: i32) -> (i32, i32) {
    %c0_i32 = arith.constant 0 : i32
    %c0_i32_0 = arith.constant 0 : i32
    return %arg0, %c0_i32 : i32, i32
  }
  func.func @transform_3(%arg0: i32) -> (i32, i32) {
    %c0_i32 = arith.constant 0 : i32
    %c0_i32_0 = arith.constant 0 : i32
    %c0_i32_1 = arith.constant 0 : i32
    return %c0_i32, %c0_i32_0 : i32, i32
  }
  func.func @transform_4(%arg0: i32) -> (i32, i32) {
    %c0_i32 = arith.constant 0 : i32
    %c0_i32_0 = arith.constant 0 : i32
    %c0_i32_1 = arith.constant 0 : i32
    return %c0_i32, %c0_i32_0 : i32, i32
  }
  func.func @transform_5(%arg0: i32) -> (i32, i32) {
    %c0_i32 = arith.constant 0 : i32
    %c0_i32_0 = arith.constant 0 : i32
    %c0_i32_1 = arith.constant 0 : i32
    return %c0_i32, %c0_i32_0 : i32, i32
  }
  func.func @transform_6(%arg0: i32) -> (i32, i32) {
    %c0_i32 = arith.constant 0 : i32
    %c0_i32_0 = arith.constant 0 : i32
    return %arg0, %c0_i32 : i32, i32
  }
}

module attributes {stable_mosaic.version = 14 : i64} {
  func.func @_tc_layer_body(%arg0: i32, %arg1: memref<2x512x128xf32, #tpu.memory_space<vmem>>, %arg2: memref<32x10240xf32, #tpu.memory_space<vmem>>, %arg3: memref<512x128xf32, #tpu.memory_space<vmem>>, %arg4: memref<128x128xf32, #tpu.memory_space<vmem>>, %arg5: memref<1x128xf32, #tpu.memory_space<vmem>>, %arg6: memref<128x128xf32, #tpu.memory_space<vmem>>, %arg7: memref<512x128xf32, #tpu.memory_space<vmem>>) attributes {dimension_semantics = [#tpu.dimension_semantics<arbitrary>], iteration_bounds = array<i64: 20>, scalar_prefetch = 0 : i64, scratch_operands = 0 : i64, tpu.core_type = #tpu.core_type<tc>, window_params = [{transform_indices = @transform_0, window_bounds = array<i64: 2, 512, 128>}, {pipeline_mode = #tpu.pipeline_mode<synchronous>, transform_indices = @transform_1, window_bounds = array<i64: 32, 10240>}, {transform_indices = @transform_2, window_bounds = array<i64: 512, 128>}, {pipeline_mode = #tpu.pipeline_mode<synchronous>, transform_indices = @transform_3, window_bounds = array<i64: 128, 128>}, {pipeline_mode = #tpu.pipeline_mode<synchronous>, transform_indices = @transform_4, window_bounds = array<i64: 1, 128>}, {pipeline_mode = #tpu.pipeline_mode<synchronous>, transform_indices = @transform_5, window_bounds = array<i64: 128, 128>}, {transform_indices = @transform_6, window_bounds = array<i64: 512, 128>}]} {
    %get3A = arith.constant 0 : index
    %get3A_0 = arith.constant 0 : index
    %get3A_1 = arith.constant 0 : index
    %get3A_2 = vector.load %arg1[%get3A, %get3A_0, %get3A_1] : memref<2x512x128xf32, #tpu.memory_space<vmem>>, vector<1x512x128xf32>
    %get3A_3 = vector.shape_cast %get3A_2 : vector<1x512x128xf32> to vector<512x128xf32>
    %get3A_4 = arith.constant 1 : index
    %get3A_5 = arith.constant 0 : index
    %get3A_6 = arith.constant 0 : index
    %get3A_7 = vector.load %arg1[%get3A_4, %get3A_5, %get3A_6] : memref<2x512x128xf32, #tpu.memory_space<vmem>>, vector<1x512x128xf32>
    %get3A_8 = vector.shape_cast %get3A_7 : vector<1x512x128xf32> to vector<512x128xf32>
    %add3A = arith.addf %get3A_3, %get3A_8 : vector<512x128xf32>
    %mul3A = arith.constant 512 : i32
    %mul3A_9 = arith.muli %arg0, %mul3A : i32
    %get3A_10 = arith.constant 0 : index
    %get3A_11 = arith.index_cast %mul3A_9 : i32 to index
    %get3A_12 = vector.load %arg2[%get3A_10, %get3A_11] : memref<32x10240xf32, #tpu.memory_space<vmem>>, vector<32x512xf32>
    %reduce_sum3A = arith.constant dense<0.000000e+00> : vector<512xf32>
    %reduce_sum3A_13 = vector.multi_reduction <add>, %get3A_12, %reduce_sum3A [0] : vector<32x512xf32> to vector<512xf32>
    %broadcast_in_dim3A = vector.shape_cast %reduce_sum3A_13 : vector<512xf32> to vector<512x1xf32>
    %max3A = arith.constant 1.000000e+00 : f32
    %max3A_14 = vector.broadcast %max3A : f32 to vector<512x1xf32>
    %max3A_15 = arith.maximumf %broadcast_in_dim3A, %max3A_14 : vector<512x1xf32>
    %div3A = vector.broadcast %max3A_15 : vector<512x1xf32> to vector<512x128xf32>
    %div3A_16 = arith.divf %add3A, %div3A : vector<512x128xf32>
    %get3A_17 = arith.constant 0 : index
    %get3A_18 = arith.constant 0 : index
    %get3A_19 = vector.load %arg4[%get3A_17, %get3A_18] : memref<128x128xf32, #tpu.memory_space<vmem>>, vector<128x128xf32>
    %dot_general3A = arith.constant dense<0.000000e+00> : vector<512x128xf32>
    %dot_general3A_20 = tpu.matmul %div3A_16, %get3A_19, %dot_general3A {dimension_numbers = #tpu.dot_dimension_numbers<[1], [1], [0], [0], [0, 0, 1, 0], [], []>, transpose_lhs_hint = false} : vector<512x128xf32>, vector<128x128xf32>, vector<512x128xf32> -> vector<512x128xf32>
    %get3A_21 = arith.constant 0 : index
    %get3A_22 = arith.constant 0 : index
    %get3A_23 = vector.load %arg3[%get3A_21, %get3A_22] : memref<512x128xf32, #tpu.memory_space<vmem>>, vector<512x128xf32>
    %get3A_24 = arith.constant 0 : index
    %get3A_25 = arith.constant 0 : index
    %get3A_26 = vector.load %arg6[%get3A_24, %get3A_25] : memref<128x128xf32, #tpu.memory_space<vmem>>, vector<128x128xf32>
    %dot_general3A_27 = arith.constant dense<0.000000e+00> : vector<512x128xf32>
    %dot_general3A_28 = tpu.matmul %get3A_23, %get3A_26, %dot_general3A_27 {dimension_numbers = #tpu.dot_dimension_numbers<[1], [1], [0], [0], [0, 0, 1, 0], [], []>, transpose_lhs_hint = false} : vector<512x128xf32>, vector<128x128xf32>, vector<512x128xf32> -> vector<512x128xf32>
    %add3A_29 = arith.addf %dot_general3A_20, %dot_general3A_28 : vector<512x128xf32>
    %get3A_30 = arith.constant 0 : index
    %get3A_31 = arith.constant 0 : index
    %get3A_32 = vector.load %arg5[%get3A_30, %get3A_31] : memref<1x128xf32, #tpu.memory_space<vmem>>, vector<1x128xf32>
    %add3A_33 = vector.broadcast %get3A_32 : vector<1x128xf32> to vector<512x128xf32>
    %add3A_34 = arith.addf %add3A_29, %add3A_33 : vector<512x128xf32>
    %swap3A = arith.constant 0 : index
    %swap3A_35 = arith.constant 0 : index
    %swap3A_36 = vector.load %arg7[%swap3A, %swap3A_35] : memref<512x128xf32, #tpu.memory_space<vmem>>, vector<512x128xf32>
    tpu.vector_store %arg7[%swap3A, %swap3A_35], %add3A_34 {strides = array<i32>} : memref<512x128xf32, #tpu.memory_space<vmem>>, vector<512x128xf32>,
    return
  }
  func.func @transform_0(%arg0: i32) -> (i32, i32, i32) {
    %c0_i32 = arith.constant 0 : i32
    %c0_i32_0 = arith.constant 0 : i32
    %c0_i32_1 = arith.constant 0 : i32
    return %c0_i32, %arg0, %c0_i32_0 : i32, i32, i32
  }
  func.func @transform_1(%arg0: i32) -> (i32, i32) {
    %c0_i32 = arith.constant 0 : i32
    %c0_i32_0 = arith.constant 0 : i32
    %c0_i32_1 = arith.constant 0 : i32
    return %c0_i32, %c0_i32_0 : i32, i32
  }
  func.func @transform_2(%arg0: i32) -> (i32, i32) {
    %c0_i32 = arith.constant 0 : i32
    %c0_i32_0 = arith.constant 0 : i32
    return %arg0, %c0_i32 : i32, i32
  }
  func.func @transform_3(%arg0: i32) -> (i32, i32) {
    %c0_i32 = arith.constant 0 : i32
    %c0_i32_0 = arith.constant 0 : i32
    %c0_i32_1 = arith.constant 0 : i32
    return %c0_i32, %c0_i32_0 : i32, i32
  }
  func.func @transform_4(%arg0: i32) -> (i32, i32) {
    %c0_i32 = arith.constant 0 : i32
    %c0_i32_0 = arith.constant 0 : i32
    %c0_i32_1 = arith.constant 0 : i32
    return %c0_i32, %c0_i32_0 : i32, i32
  }
  func.func @transform_5(%arg0: i32) -> (i32, i32) {
    %c0_i32 = arith.constant 0 : i32
    %c0_i32_0 = arith.constant 0 : i32
    %c0_i32_1 = arith.constant 0 : i32
    return %c0_i32, %c0_i32_0 : i32, i32
  }
  func.func @transform_6(%arg0: i32) -> (i32, i32) {
    %c0_i32 = arith.constant 0 : i32
    %c0_i32_0 = arith.constant 0 : i32
    return %arg0, %c0_i32 : i32, i32
  }
}

</mosaic_0001>

<sc_bundles>
// kernel: kernel.10.cloned.1.call-start
scs
__scs_entry_jumppad:
0x0: {  	(pc) =	sbr.rel $0x88, $3  }
0x1: {  	(tag) =	ssettag $0x0;
	lr =	simm.s32 $0x1  }
0x2: {  	[smem:$0x3F99] =	sst lr;
	_ =	strace $0xD0000000  }
0x3: {  	_ = 	snop  }
0x4: {  	_ = 	snop  }
0x5: {  	_ = 	snop  }
0x6: {  	_ = 	snop  }
0x7: {  	_ = 	snop  }
__scs_overlays_trampoline_lowered:
0x8: {  	[smem:$0x3FA8] =	sst s0  }
0x9: {  	[smem:$0x3FA9] =	sst s1  }
0xa: {  	[smem:$0x3FAA] =	sst s2  }
0xb: {  	[smem:$0x3FAB] =	sst s3  }
0xc: {  	[smem:$0x3FAC] =	sst s4  }
0xd: {  	[smem:$0x3FAD] =	sst s5  }
0xe: {  	[smem:$0x3FAE] =	sst s6  }
0xf: {  	[smem:$0x3FAF] =	sst s7  }
0x10: {  	[smem:$0x3FB0] =	sst s8  }
0x11: {  	[smem:$0x3FB1] =	sst s9;
	s0 =	simm.s32 @!p0 $0x0  }
0x12: {  	s1 =	sld [smem:$0x3F97];
	s0 =	simm.s32 @p0 $0x1  }
0x13: {  	[smem:$0x3FB2] =	sst s0;
	s0 =	simm.s32 @!p1 $0x0  }
0x14: {  	s2 =	sld [smem:$0x3F96];
	s0 =	simm.s32 @p1 $0x1  }
0x15: {  	[smem:$0x3FB3] =	sst s0;
	s0 =	simm.s32 @!p2 $0x0  }
0x16: {  	s3 =	sld [smem:$0x3FDB];
	s0 =	simm.s32 @p2 $0x1  }
0x17: {  	s4 =	simm.s32 $0x1BF5;
	[smem:$0x3FB5] =	sst s0  }
0x18: {  	s0 =	sld [smem:$0x3F98];
	_ =	swait.ge [sflag:s4], $0x0  }
0x19: {  	s7 =	sld [smem:$0x3F99]  }
0x1a: {  	s8 =	sadd.s32 $0xFFFFE003, lr  }
0x1b: {  	s9 =	sadd.s32 $0xFFFFFEF7, lr;
	s5 =	simm.s32 $0xFFFFFFFF;
	p2 =	slt.u32 s8, $0xFFFFF086  }
0x1c: {  	p1 =	slt.u32 s9, $0xF7A;
	s5 =	simm.s32 @!p2 $0x0  }
0x1d: {  	s5 =	simm.s32 @p1 $0x1;
	p0 =	seq.s32 s7, s2  }
0x1e: {  	s7 =	smul.u32 @!p0 $0xF7A, s2;
	p2 =	seq.s32 @!p0 s5, $0x0  }
0x1f: {  	s9 =	smul.u32 $0xF7A, s1;
	s8 =	simm.s32 @!p0 $0x1BF5;
	p2 =	por !p2, p0  }
0x20: {  	[sflag:s8] =	ssyncset.s32 @!p0 $0xFFFFF086;
	s6 =	sadd.s32 @!p0 s3, s7;
	s7 =	simm.s32 @!p0 $0x108  }
0x21: {  	s3 =	sadd.s32 s3, s9;
	s6 =	sadd.s32 @!p0 $0x88, s6;
	s7 =	simm.s32 @p2 $0x1082  }
0x22: {  	[simem:s7], [sflag:s8] =	dma.local @!p0 [hbm:s6], $0xF7A  }
0x23: {  	s9 =	sor.u32 $0xD0000000, s2;
	s6 =	simm.s32 $0x108;
	_ =	swait.ge @!p0 [sflag:s8], $0x0  }
0x24: {  	s3 =	sadd.s32 $0x88, s3;
	s6 =	simm.s32 @!p1 $0x1082;
	[sflag:s4] =	ssyncset.s32 $0xFFFFF086  }
0x25: {  	[simem:s6], [sflag:s4] =	dma.local [hbm:s3], $0xF7A  }
0x26: {  	[smem:$0x3F99] =	sst s1;
	(tag) =	ssettag s2;
	_ =	strace s9  }
0x27: {  	s1 =	sld [smem:$0x3FA9]  }
0x28: {  	s2 =	sld [smem:$0x3FAA]  }
0x29: {  	s4 =	sld [smem:$0x3FAC]  }
0x2a: {  	p0 =	seq.s32 s5, $0x0;
	s5 =	sld [smem:$0x3FAD]  }
0x2b: {  	s6 =	sld [smem:$0x3FAE]  }
0x2c: {  	s7 =	sld [smem:$0x3FAF]  }
0x2d: {  	s3 =	simm.s32 $0x108;
	s8 =	sld [smem:$0x3FB0]  }
0x2e: {  	s3 =	simm.s32 @!p0 $0x1082;
	s9 =	sld [smem:$0x3FB1]  }
0x2f: {  	lr =	sadd.s32 s0, s3;
	s0 =	sld [smem:$0x3FA8]  }
0x30: {  	s3 =	sld [smem:$0x3FAB]  }
0x31: {  	[smem:$0x3FB4] =	sst s10  }
0x32: {  	s10 =	sld [smem:$0x3FB2];
	_ =	sdelay $0x3  }
0x33: {  	p0 =	seq.s32 s10, $0x1;
	s10 =	sld [smem:$0x3FB4];
	_ =	sdelay $0x3  }
0x34: {  	[smem:$0x3FB4] =	sst s10  }
0x35: {  	s10 =	sld [smem:$0x3FB3];
	_ =	sdelay $0x3  }
0x36: {  	p1 =	seq.s32 s10, $0x1;
	s10 =	sld [smem:$0x3FB4];
	_ =	sdelay $0x3  }
0x37: {  	[smem:$0x3FB4] =	sst s10  }
0x38: {  	s10 =	sld [smem:$0x3FB5]  }
0x39: {  	_ = 	snop;
	(pc) =	sbr.ind lr, $3  }
0x3a: {  	_ = 	snop  }
0x3b: {  	_ = 	snop  }
0x3c: {  	p2 =	seq.s32 s10, $0x1;
	s10 =	sld [smem:$0x3FB4]  }
0x3d: {  	_ =	shalt  }
0x3e: {  	_ =	shalt  }
0x3f: {  	_ =	shalt  }
0x40: {  	_ =	shalt  }
0x41: {  	_ =	shalt  }
0x42: {  	_ =	shalt  }
0x43: {  	_ =	shalt  }
0x44: {  	_ =	shalt  }
0x45: {  	_ =	shalt  }
0x46: {  	_ =	shalt  }
0x47: {  	_ =	shalt  }
0x48: {  	_ =	shalt  }
0x49: {  	_ =	shalt  }
0x4a: {  	_ =	shalt  }
0x4b: {  	_ =	shalt  }
0x4c: {  	_ =	shalt  }
0x4d: {  	_ =	shalt  }
0x4e: {  	_ =	shalt  }
0x4f: {  	_ =	shalt  }
0x50: {  	_ =	shalt  }
0x51: {  	_ =	shalt  }
0x52: {  	_ =	shalt  }
0x53: {  	_ =	shalt  }
0x54: {  	_ =	shalt  }
0x55: {  	_ =	shalt  }
0x56: {  	_ =	shalt  }
0x57: {  	_ =	shalt  }
0x58: {  	_ =	shalt  }
0x59: {  	_ =	shalt  }
0x5a: {  	_ =	shalt  }
0x5b: {  	_ =	shalt  }
0x5c: {  	_ =	shalt  }
0x5d: {  	_ =	shalt  }
0x5e: {  	_ =	shalt  }
0x5f: {  	_ =	shalt  }
0x60: {  	_ =	shalt  }
0x61: {  	_ =	shalt  }
0x62: {  	_ =	shalt  }
0x63: {  	_ =	shalt  }
0x64: {  	_ =	shalt  }
0x65: {  	_ =	shalt  }
0x66: {  	_ =	shalt  }
0x67: {  	_ =	shalt  }
0x68: {  	_ =	shalt  }
0x69: {  	_ =	shalt  }
0x6a: {  	_ =	shalt  }
0x6b: {  	_ =	shalt  }
0x6c: {  	_ =	shalt  }
0x6d: {  	_ =	shalt  }
0x6e: {  	_ =	shalt  }
0x6f: {  	_ =	shalt  }
0x70: {  	_ =	shalt  }
0x71: {  	_ =	shalt  }
0x72: {  	_ =	shalt  }
0x73: {  	_ =	shalt  }
0x74: {  	_ =	shalt  }
0x75: {  	_ =	shalt  }
0x76: {  	_ =	shalt  }
0x77: {  	_ =	shalt  }
0x78: {  	_ =	shalt  }
0x79: {  	_ =	shalt  }
0x7a: {  	_ =	shalt  }
0x7b: {  	_ =	shalt  }
0x7c: {  	_ =	shalt  }
0x7d: {  	_ =	shalt  }
0x7e: {  	_ =	shalt  }
0x7f: {  	_ =	shalt  }
0x80: {  	_ =	shalt  }
0x81: {  	_ =	shalt  }
0x82: {  	_ =	shalt  }
0x83: {  	_ =	shalt  }
0x84: {  	_ =	shalt  }
0x85: {  	_ =	shalt  }
0x86: {  	_ =	shalt  }
0x87: {  	_ =	shalt  }
.Lfunc_end0:
.L_simem_size_0:
called_computation.1_lowered:
.L_overlay_start_0:
0x88: {  	s2 =	sld [smem:$0x3FD9]  }
0x89: {  	s3 =	sld [smem:$0x3FFE];
	_ =	sdelay $0x1  }
0x8a: {  	s1 =	srdreg.scid  }
0x8b: {  	s0 =	sand.u32 $0x1, s1  }
0x8c: {  	s17 =	sshll.u32 s0, $0xA;
	s2 =	sadd.s32 s3, s2  }
0x8d: {  	s2 =	sadd.s32 s2, s17  }
0x8e: {  	[smem:$0x3FC0] =	sst s2  }
0x8f: {  	_ = 	snop  }
0x90: {  	(tm) =	ssettm $0x1  }
0x91: {  	s18 =	sld [smem:$0x3FFB];
	_ =	sdelay $0x3  }
0x92: {  	_ =	strace s18  }
0x93: {  	s2 =	sld [smem:$0x3FFC];
	_ =	sdelay $0x3  }
0x94: {  	_ =	strace s2  }
0x95: {  	s2 =	sld [smem:$0x3FFD];
	_ =	sdelay $0x3  }
0x96: {  	_ =	strace s2  }
0x97: {  	_ =	strace $0x8FFFFFFF  }
0x98: {  	s19 =	sld [smem:$0x3FDB];
	_ =	sdelay $0x1  }
0x99: {  	s20 =	simm.s32 $_scs_section_size  }
0x9a: {  	s4 =	simm.s32 $_size__tile_overlayer_lowered;
	s5 =	simm.s32 $_tile_overlayer_lowered  }
0x9b: {  	s6 =	simm.s32 $0x1BFF;
	s21 =	sshll.u32 s5, $0x1;
	s3 =	sadd.s32 s20, s19  }
0x9c: {  	s22 =	simm.s32 $0x0;
	s4 =	sshll.u32 s4, $0x1;
	s5 =	sadd.s32 s21, s3  }
0x9d: {  	[timem:s22], [sflag:s6] =	dma.local [hbm:s5], s4  }
0x9e: {  	_ =	swait.ge [sflag:s6], s4  }
0x9f: {  	s4 =	ssub.s32 $0x0, s4;
	[sflag:s6] =	ssyncset.done $0x0  }
0xa0: {  	[sflag:s6] =	ssyncadd.s32 s4;
	_ =	sdelay $0x1  }
0xa1: {  	s23 =	simm.s32 $0x1B8B  }
0xa2: {  	_ =	swait.ge [sflag:s23], $0x1  }
0xa3: {  	[sflag:s23] =	ssyncset.done $0x0  }
0xa4: {  	[sflag:s23] =	ssyncadd.s32 $0xFFFFFFFF  }
0xa5: {  	s4 =	sld [smem:$0x0]  }
0xa6: {  	s5 =	sand.u32 $0xFFFFFFFE, s1  }
0xa7: {  	p0 =	sne.s32 s1, s5  }
0xa8: {  	s5 =	sshll.u32 @p0 s5, $0xE  }
0xa9: {  	s5 =	sadd.s32 @p0 $0x11B8D, s5;
	s6 =	sshll.u32 @p0 s4, $0x11  }
0xaa: {  	s5 =	sor.u32 @p0 s6, s5  }
0xab: {  	[sflag:s5] =	ssyncadd.remote.s32 @p0 $0x1;
	_ =	sdelay $0x1  }
0xac: {  	s5 =	simm.s32 @p0 $0x1B8D  }
0xad: {  	_ =	swait.eq @p0 [sflag:s5], $0x1  }
0xae: {  	[sflag:s5] =	ssyncadd.s32 @p0 $0xFFFFFFFF  }
0xaf: {  	s6 =	sshll.u32 @!p0 s1, $0xE  }
0xb0: {  	s6 =	sor.u32 @!p0 $0x4000, s6;
	s5 =	simm.s32 @!p0 $0x1B8D  }
0xb1: {  	s4 =	sshll.u32 @!p0 s4, $0x11;
	s6 =	sadd.s32 @!p0 $0x11B8D, s6;
	_ =	swait.eq @!p0 [sflag:s5], $0x1  }
0xb2: {  	s4 =	sor.u32 @!p0 s4, s6;
	[sflag:s5] =	ssyncadd.s32 @!p0 $0xFFFFFFFF  }
0xb3: {  	s25 =	simm.s32 $0x1B8E;
	s24 =	sld [smem:$0x3FFE];
	[sflag:s4] =	ssyncadd.remote.s32 @!p0 $0x1  }
0xb4: {  	s26 =	simm.s32 $execute0_lowered;
	[smem:$0x3FD2] =	sst s25  }
0xb5: {  	s5 =	sshll.u32 s26, $0x1;
	_ =	strace $0x80000049;
	[dreg:$0x1] =	wrdreg $0xFFFFFFFF  }
0xb6: {  	s28 =	simm.s32 $_size_execute0_lowered;
	s3 =	sadd.s32 s3, s5;
	[dreg:$0x0] =	wrdreg $0x0  }
0xb7: {  	s5 =	sshll.u32 s28, $0x1;
	[dreg:$0x2] =	wrdreg s3  }
0xb8: {  	[dreg:$0x3] =	wrdreg s5  }
0xb9: {  	[dreg:$0x4] =	wrdreg $0xC0  }
0xba: {  	_ =	task [dreg:s22], $0x5FFFF  }
0xbb: {  	[dreg:$0x1] =	wrdreg $0xFFFFFFFF  }
0xbc: {  	[dreg:$0x0] =	wrdreg $0x60  }
0xbd: {  	[dreg:$0x2] =	wrdreg s24  }
0xbe: {  	[dreg:$0x3] =	wrdreg $0x0  }
0xbf: {  	[dreg:$0x4] =	wrdreg $0xA  }
0xc0: {  	_ =	task.clear_ibuf [dreg:s22], $0x5FFFF;
	_ =	strace $0x90000049  }
0xc1: {  	s29 =	simm.s32 $0xA;
	_ =	strace $0x8000004B  }
0xc2: {  	_ =	swait.ge [sflag:s29], $0x1  }
0xc3: {  	[sflag:s29] =	ssyncadd.s32 $0xFFFFFFFF  }
0xc4: {  	_ =	strace $0x9000004B  }
0xc5: {  	_ =	sfence  }
0xc6: {  	s30 =	sld [smem:$0x0];
	_ =	sdelay $0x2  }
0xc7: {  	s31 =	sshll.u32 s1, $0xD;
	s1 =	sshrl.u32 s1, $0x2  }
0xc8: {  	s4 =	sand.u32 $0x4000, s31;
	s1 =	sadd.s32 s1, s30  }
0xc9: {  	s0 =	sor.u32 s4, s0;
	s1 =	sshll.u32 s1, $0x11  }
0xca: {  	s0 =	sor.u32 s1, s0  }
0xcb: {  	s0 =	sadd.s32 $0x8F2B, s0  }
0xcc: {  	[sflag:s0] =	ssyncadd.remote.s32 $0x1  }
0xcd: {  	_ =	sfence.sel $0xFFFF  }
0xce: {  	[dreg:$0x0] =	wrdreg $0xFFFFFFFF;
	(pc) =	sbr.abs _section_cstart, $3  }
0xcf: {  	[dreg:$0x1] =	wrdreg $0xFFFFFFFF  }
0xd0: {  	_ =	task.clear_ibuf [dreg:s22], $0x2FFFF;
	_ =	strace $0x9FFFFFFF  }
0xd1: {  	(tm) =	ssettm $0x7FFFFFFF  }
tec
execute0_lowered:
.L_overlay_start_1:
0x0: {  	(tag) =	ssettag $0x1  }
0x1: {  	s0 =	rddreg [dreg:$0x0]  }
0x2: {  	s1 =	rddreg [dreg:$0x1];
	s3 =	simm.s32 $0x0  }
0x3: {  	s2 =	srdreg.scid;
	s10 =	stileid.u32;
	s28 =	simm.s32 $0x16C00  }
0x4: {  	s29 =	simm.s32 $0x14100;
	s30 =	simm.s32 $0x14300;
	s6 =	smul.u32 $0x14000, s10  }
0x5: {  	s31 =	simm.s32 $0x2;
	[smem:$0x7FF] =	sst s3;
	s9 =	smul.u32 $0x50000, s10  }
0x6: {  	s2 =	sand.u32 $0x1, s2;
	s4 =	sadd.s32 $0x16600, s0;
	s15 =	smul.u32 $0x50, s10  }
0x7: {  	s11 =	sadd.s32 $0xC800, s0;
	s12 =	sadd.s32 $0x2A00, s0;
	s5 =	smul.u32 $0x140000, s2  }
0x8: {  	_ =	strace $0x8000004A;
	s7 =	sshll.u32 s2, $0x4;
	s8 =	ssub.s32 $0x2, s2  }
0x9: {  	s2 =	smul.u32 $0x500, s2;
	s7 =	sor.u32 s10, s7;
	s13 =	sshrl.u32 s8, $0x1  }
0xa: {  	s18 =	sshrl.u32 s9, $0x2;
	s5 =	sadd.s32 s6, s5;
	s26 =	smul.u32 $0xA, s7  }
0xb: {  	s7 =	smul.u32 $0x50, s7;
	s2 =	sadd.s32 s15, s2;
	s15 =	smov.u32 s11  }
0xc: {  	s5 =	sshrl.u32 s5, $0x3;
	s20 =	sadd.s32 $0x1E00, s2;
	s22 =	sadd.s32 $0x1400, s2  }
0xd: {  	s24 =	sadd.s32 $0x4600, s2;
	s9 =	sadd.s32 $0x2800, s2;
	s0 =	sadd.s32 s5, s0  }
0xe: {  	s5 =	ssub.s32 s8, s13;
	s7 =	sshrl.u32 s7, $0x3;
	s14 =	sadd.s32 s11, s26  }
0xf: {  	s6 =	sadd.s32 s12, s26;
	s25 =	sshrl.u32 s24, $0x3;
	s10 =	sshrl.u32 s9, $0x3  }
0x10: {  	s9 =	simm.s32 $0x14200;
	[dreg:$0x3] =	wrdreg s14;
	s7 =	sadd.s32 $0x140, s7  }
0x11: {  	[dreg:$0x4] =	wrdreg s6;
	s0 =	sadd.s32 $0x3E600, s0;
	s19 =	smax.u32 s5, $0x1  }
0x12: {  	s5 =	sshrl.u32 s22, $0x3;
	s26 =	sadd.s32 s25, s12;
	[dreg:$0x7] =	wrdreg s0  }
0x13: {  	s6 =	sadd.s32 $0x3200, s2;
	s2 =	sadd.s32 $0x3C00, s2;
	[dreg:$0x9] =	wrdreg s19  }
0x14: {  	s24 =	sadd.s32 s10, s12;
	s16 =	sadd.s32 s11, s7;
	[dreg:$0xd] =	wrdreg s26  }
0x15: {  	s17 =	sadd.s32 s12, s7;
	s7 =	sadd.s32 s18, s1;
	[dreg:$0xf] =	wrdreg s2  }
0x16: {  	s0 =	sshrl.u32 s20, $0x3;
	s18 =	sadd.s32 s5, s11;
	[dreg:$0x5] =	wrdreg s16  }
0x17: {  	s8 =	sshrl.u32 s6, $0x3;
	s2 =	simm.s32 $0x14400;
	[dreg:$0x6] =	wrdreg s17  }
0x18: {  	s6 =	simm.s32 $0x0;
	s21 =	sadd.s32 $0x2800, s7;
	[dreg:$0x8] =	wrdreg s7  }
0x19: {  	s23 =	sadd.s32 s0, s12;
	s0 =	sadd.s32 s0, s11;
	[dreg:$0xa] =	wrdreg s21  }
0x1a: {  	s17 =	sadd.s32 s5, s12;
	s22 =	sadd.s32 s8, s12;
	[dreg:$0xb] =	wrdreg s23  }
0x1b: {  	s16 =	smov.u32 s12;
	s13 =	sadd.s32 $0x5000, s7;
	[dreg:$0xc] =	wrdreg s0  }
0x1c: {  	s14 =	sadd.s32 $0x7800, s7;
	s19 =	sadd.s32 $0xA000, s7;
	[dreg:$0x10] =	wrdreg s13  }
0x1d: {  	s20 =	sadd.s32 $0xC800, s7;
	s26 =	sadd.s32 $0x11800, s7;
	[dreg:$0x11] =	wrdreg s14  }
0x1e: {  	s12 =	simm.s32 $0x3;
	s0 =	sadd.s32 s25, s11;
	[dreg:$0x12] =	wrdreg s19  }
0x1f: {  	s23 =	sadd.s32 s8, s11;
	s25 =	sadd.s32 s10, s11;
	[dreg:$0x13] =	wrdreg s20  }
.Ltmp0:
0x20: {  	s21 =	sadd.s32 $0xF000, s7;
	[dreg:$0x15] =	wrdreg s26;
	(pc) =	sbr.rel .LBB2_1-.Ltmp0, $4  }
0x21: {  	s19 =	simm.s32 $0x8;
	s8 =	simm.s32 $0x14000;
	s10 =	simm.s32 $0x14080  }
0x22: {  	s11 =	simm.s32 $0x14280;
	s13 =	simm.s32 $0x5;
	s14 =	simm.s32 $0x50  }
0x23: {  	s26 =	simm.s32 $0x6;
	s7 =	simm.s32 $0x4;
	[dreg:$0xe] =	wrdreg s0  }
0x24: {  	v0 =	vimm.f32 $0.0e+00;
	[dreg:$0x14] =	wrdreg s21;
	s21 =	simm.s32 $0x1;
	s0 =	simm.s32 $0x7  }
.LBB2_6:
0x25: {  	_ =	swait.ge [sflag:s21], $0x2800  }
0x26: {  	[sflag:s21] =	ssyncset.done $0x0  }
0x27: {  	[sflag:s21] =	ssyncadd.s32 $0xFFFFD800  }
0x28: {  	[spmem:s1] =	stream.indirect.scatter.add.f32 [tilespmem:s2], [sflag:$0x3], $0x80, s11, s14, $0xb8;
	[tilespmem:$0x19400] =	vst v63  }
0x29: {  	_ =	swait.ge [sflag:s7], $0x2800  }
0x2a: {  	[sflag:s7] =	ssyncset.done $0x0  }
0x2b: {  	[sflag:s7] =	ssyncadd.s32 $0xFFFFD800  }
0x2c: {  	_ =	swait.ge [sflag:s12], $0x2800  }
0x2d: {  	[sflag:s12] =	ssyncset.done $0x0  }
0x2e: {  	[sflag:s12] =	ssyncadd.s32 $0xFFFFD800  }
0x2f: {  	s5 =	stileid.u32;
	[bflag:$0x0] =	sbarrier.arrive $0xFFFF  }
0x30: {  	s5 =	sshll.u32 s5, $0x6;
	s6 =	rddreg [dreg:$0x8]  }
0x31: {  	s5 =	sor.u32 $0x1C08, s5;
	s19 =	rddreg [dreg:$0x7];
	s6 =	sshrl.u32 s6, $0x3  }
0x32: {  	[hbm:s19], [sflag:s5] =	dma.local [spmem:s6], $0x2800  }
0x33: {  	s19 =	simm.s32 $0x8  }
0x34: {  	_ =	swait.ge [sflag:s19], $0x2800  }
0x35: {  	s5 =	rddreg [dreg:$0x16]  }
0x36: {  	s20 =	rddreg [dreg:$0x9];
	s6 =	sadd.s32 $0x1, s5  }
0x37: {  	p0 =	sne.s32 s6, s20  }
.Ltmp1:
0x38: {  	_ = 	snop;
	(pc) =	sbr.rel @!p0 .LBB2_7-.Ltmp1, $3  }
0x39: {  	_ =	sdelay $0x1  }
0x3a: {  	[sflag:s19] =	ssyncset.done $0x0  }
0x3b: {  	[sflag:s19] =	ssyncadd.s32 $0xFFFFD800  }
.LBB2_1:
0x3c: {  	[dreg:$0x16] =	wrdreg s6;
	s5 =	simm.s32 $0x70;
	s6 =	simm.s32 $0x3C0  }
.LBB2_2:
0x3d: {  	p0 =	sne.s32 s6, $0x9FC0;
	[tilespmem:s5+$0x14400] =	vst v0  }
0x3e: {  	[tilespmem:s5+$0x14390] =	vst v0  }
0x3f: {  	[tilespmem:s5+$0x143A0] =	vst v0  }
.Ltmp2:
0x40: {  	[tilespmem:s5+$0x143B0] =	vst v0;
	(pc) =	sbr.rel @p0 .LBB2_2-.Ltmp2, $4  }
0x41: {  	[tilespmem:s5+$0x143C0] =	vst v0  }
0x42: {  	[tilespmem:s5+$0x143D0] =	vst v0  }
0x43: {  	[tilespmem:s5+$0x143E0] =	vst v0  }
0x44: {  	[tilespmem:s5+$0x143F0] =	vst v0;
	s5 =	sshra.s32 s6, $0x2;
	s6 =	sadd.s32 $0x200, s6  }
0x45: {  	[tilespmem:s5+$0x14400] =	vst v0  }
0x46: {  	[tilespmem:s5+$0x14390] =	vst v0  }
0x47: {  	[tilespmem:s5+$0x143A0] =	vst v0  }
0x48: {  	[tilespmem:s5+$0x143B0] =	vst v0  }
0x49: {  	[tilespmem:s5+$0x143C0] =	vst v0  }
0x4a: {  	[tilespmem:s5+$0x143D0] =	vst v0  }
0x4b: {  	[tilespmem:s5+$0x143E0] =	vst v0  }
0x4c: {  	[tilespmem:s5+$0x143F0] =	vst v0;
	s20 =	rddreg [dreg:$0x8]  }
0x4d: {  	[spmem:s20] =	stream.linear.scatter [tilespmem:s2], [sflag:$0x8], $0x2800, $0x38;
	[tilespmem:$0x19400] =	vst v63  }
0x4e: {  	_ =	swait.ge [sflag:s19], $0x2800  }
0x4f: {  	[sflag:s19] =	ssyncset.done $0x0  }
0x50: {  	s6 =	rddreg [dreg:$0xa];
	[sflag:s19] =	ssyncadd.s32 $0xFFFFD800  }
0x51: {  	[spmem:s6] =	stream.linear.scatter [tilespmem:s2], [sflag:$0x8], $0x2800, $0x38;
	[tilespmem:$0x19400] =	vst v63  }
0x52: {  	_ =	swait.ge [sflag:s19], $0x2800  }
0x53: {  	[sflag:s19] =	ssyncset.done $0x0  }
0x54: {  	s20 =	rddreg [dreg:$0x10];
	[sflag:s19] =	ssyncadd.s32 $0xFFFFD800  }
0x55: {  	[spmem:s20] =	stream.linear.scatter [tilespmem:s2], [sflag:$0x8], $0x2800, $0x38;
	[tilespmem:$0x19400] =	vst v63  }
0x56: {  	_ =	swait.ge [sflag:s19], $0x2800  }
0x57: {  	[sflag:s19] =	ssyncset.done $0x0  }
0x58: {  	s6 =	rddreg [dreg:$0x11];
	[sflag:s19] =	ssyncadd.s32 $0xFFFFD800  }
0x59: {  	[spmem:s6] =	stream.linear.scatter [tilespmem:s2], [sflag:$0x8], $0x2800, $0x38;
	[tilespmem:$0x19400] =	vst v63  }
0x5a: {  	_ =	swait.ge [sflag:s19], $0x2800  }
0x5b: {  	[sflag:s19] =	ssyncset.done $0x0  }
0x5c: {  	s20 =	rddreg [dreg:$0x12];
	[sflag:s19] =	ssyncadd.s32 $0xFFFFD800  }
0x5d: {  	[spmem:s20] =	stream.linear.scatter [tilespmem:s2], [sflag:$0x8], $0x2800, $0x38;
	[tilespmem:$0x19400] =	vst v63  }
0x5e: {  	_ =	swait.ge [sflag:s19], $0x2800  }
0x5f: {  	[sflag:s19] =	ssyncset.done $0x0  }
0x60: {  	s6 =	rddreg [dreg:$0x13];
	[sflag:s19] =	ssyncadd.s32 $0xFFFFD800  }
0x61: {  	[spmem:s6] =	stream.linear.scatter [tilespmem:s2], [sflag:$0x8], $0x2800, $0x38;
	[tilespmem:$0x19400] =	vst v63  }
0x62: {  	_ =	swait.ge [sflag:s19], $0x2800  }
0x63: {  	[sflag:s19] =	ssyncset.done $0x0  }
0x64: {  	s20 =	rddreg [dreg:$0x14];
	[sflag:s19] =	ssyncadd.s32 $0xFFFFD800  }
0x65: {  	[spmem:s20] =	stream.linear.scatter [tilespmem:s2], [sflag:$0x8], $0x2800, $0x38;
	[tilespmem:$0x19400] =	vst v63  }
0x66: {  	_ =	swait.ge [sflag:s19], $0x2800  }
0x67: {  	[sflag:s19] =	ssyncset.done $0x0  }
0x68: {  	s6 =	rddreg [dreg:$0x15];
	[sflag:s19] =	ssyncadd.s32 $0xFFFFD800  }
0x69: {  	[spmem:s6] =	stream.linear.scatter [tilespmem:s2], [sflag:$0x8], $0x2800, $0x38;
	[tilespmem:$0x19400] =	vst v63  }
0x6a: {  	_ =	swait.ge [sflag:s19], $0x2800  }
0x6b: {  	[sflag:s19] =	ssyncset.done $0x0  }
0x6c: {  	[sflag:s19] =	ssyncadd.s32 $0xFFFFD800  }
0x6d: {  	[bflag:$0x0] =	sbarrier.arrive $0xFFFF  }
0x6e: {  	s5 =	simm.s32 $0x0;
	s6 =	rddreg [dreg:$0x3]  }
0x6f: {  	[tilespmem:s8], [sflag:$0x5] =	stream.linear.gather [hbm4b:s6+s5], $0x50, $0x38;
	[tilespmem:$0x19400] =	vst v63  }
0x70: {  	s20 =	rddreg [dreg:$0x4]  }
0x71: {  	[tilespmem:s9], [sflag:$0x5] =	stream.linear.gather [hbm4b:s20+s5], $0x50, $0x38;
	[tilespmem:$0x19400] =	vst v63  }
0x72: {  	s19 =	rddreg [dreg:$0x5]  }
0x73: {  	[tilespmem:s10], [sflag:$0x6] =	stream.linear.gather [hbm4b:s19+s5], $0x50, $0x38;
	[tilespmem:$0x19400] =	vst v63  }
0x74: {  	s20 =	rddreg [dreg:$0x6]  }
0x75: {  	[tilespmem:s11], [sflag:$0x6] =	stream.linear.gather [hbm4b:s20+s5], $0x50, $0x38;
	[tilespmem:$0x19400] =	vst v63  }
0x76: {  	_ =	swait.ge [sflag:s13], $0x50  }
0x77: {  	[sflag:s13] =	ssyncset.done $0x0  }
0x78: {  	[sflag:s13] =	ssyncadd.s32 $0xFFFFFFB0  }
0x79: {  	_ =	swait.ge [sflag:s13], $0x50  }
0x7a: {  	[sflag:s13] =	ssyncset.done $0x0  }
0x7b: {  	s6 =	rddreg [dreg:$0xf];
	[sflag:s13] =	ssyncadd.s32 $0xFFFFFFB0  }
0x7c: {  	[tilespmem:s2], [sflag:$0x1] =	stream.indirect.gather [hbm4b:s4+s14], $0x80, s8, s14, $0xb8;
	[tilespmem:$0x19400] =	vst v63  }
.LBB2_4:
0x7d: {  	_ =	swait.ge [sflag:s21], $0x2800  }
0x7e: {  	[sflag:s21] =	ssyncset.done $0x0  }
0x7f: {  	[sflag:s21] =	ssyncadd.s32 $0xFFFFD800  }
0x80: {  	_ =	swait.ge [sflag:s26], $0x50  }
0x81: {  	[sflag:s26] =	ssyncset.done $0x0  }
0x82: {  	[sflag:s26] =	ssyncadd.s32 $0xFFFFFFB0  }
0x83: {  	_ =	swait.ge [sflag:s26], $0x50  }
0x84: {  	p0 =	seq.s32 s5, $0x0;
	[sflag:s26] =	ssyncset.done $0x0  }
0x85: {  	s19 =	simm.s32 @!p0 $0x4;
	[sflag:s26] =	ssyncadd.s32 $0xFFFFFFB0  }
0x86: {  	_ =	swait.ge @!p0 [sflag:s19], $0x2800  }
0x87: {  	[sflag:s19] =	ssyncset.done @!p0 $0x0  }
0x88: {  	[sflag:s19] =	ssyncadd.s32 @!p0 $0xFFFFD800  }
0x89: {  	[tilespmem:s28], [sflag:$0x2] =	stream.indirect.gather [hbm4b:s4+s14], $0x80, s10, s14, $0xb8;
	[tilespmem:$0x19400] =	vst v63  }
0x8a: {  	_ = 	snop  }
0x8b: {  	[spmem:s1] =	stream.indirect.scatter.add.f32 [tilespmem:s2], [sflag:$0x3], $0x80, s9, s14, $0xb8;
	[tilespmem:$0x19400] =	vst v63  }
0x8c: {  	s20 =	sadd.s32 s5, s18  }
0x8d: {  	[tilespmem:s29], [sflag:$0x7] =	stream.linear.gather [hbm4b:s20+s3], $0x50, $0x38;
	[tilespmem:$0x19400] =	vst v63  }
0x8e: {  	s20 =	sadd.s32 s5, s17  }
0x8f: {  	[tilespmem:s30], [sflag:$0x7] =	stream.linear.gather [hbm4b:s20+s3], $0x50, $0x38;
	[tilespmem:$0x19400] =	vst v63  }
0x90: {  	_ =	swait.ge [sflag:s31], $0x2800  }
0x91: {  	[sflag:s31] =	ssyncset.done $0x0  }
0x92: {  	[sflag:s31] =	ssyncadd.s32 $0xFFFFD800  }
0x93: {  	_ =	swait.ge [sflag:s0], $0x50  }
0x94: {  	[sflag:s0] =	ssyncset.done $0x0  }
0x95: {  	[sflag:s0] =	ssyncadd.s32 $0xFFFFFFB0  }
0x96: {  	_ =	swait.ge [sflag:s0], $0x50  }
0x97: {  	[sflag:s0] =	ssyncset.done $0x0  }
0x98: {  	[sflag:s0] =	ssyncadd.s32 $0xFFFFFFB0  }
0x99: {  	_ =	swait.ge [sflag:s12], $0x2800  }
0x9a: {  	[sflag:s12] =	ssyncset.done $0x0  }
0x9b: {  	[sflag:s12] =	ssyncadd.s32 $0xFFFFD800  }
0x9c: {  	[tilespmem:s2], [sflag:$0x1] =	stream.indirect.gather [hbm4b:s4+s14], $0x80, s29, s14, $0xb8;
	[tilespmem:$0x19400] =	vst v63  }
0x9d: {  	s20 =	rddreg [dreg:$0xc]  }
0x9e: {  	[spmem:s1] =	stream.indirect.scatter.add.f32 [tilespmem:s28], [sflag:$0x4], $0x80, s11, s14, $0xb8;
	[tilespmem:$0x19400] =	vst v63  }
0x9f: {  	s19 =	sadd.s32 s5, s20;
	s20 =	rddreg [dreg:$0xb]  }
0xa0: {  	[tilespmem:s8], [sflag:$0x5] =	stream.linear.gather [hbm4b:s19+s3], $0x50, $0x38;
	[tilespmem:$0x19400] =	vst v63  }
0xa1: {  	s19 =	sadd.s32 s5, s20  }
0xa2: {  	[tilespmem:s9], [sflag:$0x5] =	stream.linear.gather [hbm4b:s19+s3], $0x50, $0x38;
	[tilespmem:$0x19400] =	vst v63  }
0xa3: {  	_ =	swait.ge [sflag:s21], $0x2800  }
0xa4: {  	[sflag:s21] =	ssyncset.done $0x0  }
0xa5: {  	[sflag:s21] =	ssyncadd.s32 $0xFFFFD800  }
0xa6: {  	_ =	swait.ge [sflag:s13], $0x50  }
0xa7: {  	[sflag:s13] =	ssyncset.done $0x0  }
0xa8: {  	[sflag:s13] =	ssyncadd.s32 $0xFFFFFFB0  }
0xa9: {  	_ =	swait.ge [sflag:s13], $0x50  }
0xaa: {  	[sflag:s13] =	ssyncset.done $0x0  }
0xab: {  	[sflag:s13] =	ssyncadd.s32 $0xFFFFFFB0  }
0xac: {  	_ =	swait.ge [sflag:s7], $0x2800  }
0xad: {  	[sflag:s7] =	ssyncset.done $0x0  }
0xae: {  	[sflag:s7] =	ssyncadd.s32 $0xFFFFD800  }
0xaf: {  	[tilespmem:s28], [sflag:$0x2] =	stream.indirect.gather [hbm4b:s4+s14], $0x80, s8, s14, $0xb8;
	[tilespmem:$0x19400] =	vst v63  }
0xb0: {  	_ = 	snop  }
0xb1: {  	[spmem:s1] =	stream.indirect.scatter.add.f32 [tilespmem:s2], [sflag:$0x3], $0x80, s30, s14, $0xb8;
	[tilespmem:$0x19400] =	vst v63  }
0xb2: {  	s20 =	sadd.s32 s5, s25  }
0xb3: {  	[tilespmem:s10], [sflag:$0x6] =	stream.linear.gather [hbm4b:s20+s3], $0x50, $0x38;
	[tilespmem:$0x19400] =	vst v63  }
0xb4: {  	s20 =	sadd.s32 s5, s24  }
0xb5: {  	[tilespmem:s11], [sflag:$0x6] =	stream.linear.gather [hbm4b:s20+s3], $0x50, $0x38;
	[tilespmem:$0x19400] =	vst v63  }
0xb6: {  	_ =	swait.ge [sflag:s31], $0x2800  }
0xb7: {  	[sflag:s31] =	ssyncset.done $0x0  }
0xb8: {  	[sflag:s31] =	ssyncadd.s32 $0xFFFFD800  }
0xb9: {  	_ =	swait.ge [sflag:s26], $0x50  }
0xba: {  	[sflag:s26] =	ssyncset.done $0x0  }
0xbb: {  	[sflag:s26] =	ssyncadd.s32 $0xFFFFFFB0  }
0xbc: {  	_ =	swait.ge [sflag:s26], $0x50  }
0xbd: {  	[sflag:s26] =	ssyncset.done $0x0  }
0xbe: {  	[sflag:s26] =	ssyncadd.s32 $0xFFFFFFB0  }
0xbf: {  	p0 =	seq.s32 s5, $0x9600;
	_ =	swait.ge [sflag:s12], $0x2800  }
.Ltmp3:
0xc0: {  	[sflag:s12] =	ssyncset.done $0x0;
	(pc) =	sbr.rel @p0 .LBB2_6-.Ltmp3, $4  }
0xc1: {  	[sflag:s12] =	ssyncadd.s32 $0xFFFFD800  }
0xc2: {  	[tilespmem:s2], [sflag:$0x1] =	stream.indirect.gather [hbm4b:s4+s14], $0x80, s10, s14, $0xb8;
	[tilespmem:$0x19400] =	vst v63  }
0xc3: {  	_ = 	snop  }
0xc4: {  	[spmem:s1] =	stream.indirect.scatter.add.f32 [tilespmem:s28], [sflag:$0x4], $0x80, s9, s14, $0xb8;
	[tilespmem:$0x19400] =	vst v63  }
0xc5: {  	s19 =	sadd.s32 s5, s23  }
0xc6: {  	[tilespmem:s29], [sflag:$0x7] =	stream.linear.gather [hbm4b:s19+s3], $0x50, $0x38;
	[tilespmem:$0x19400] =	vst v63  }
0xc7: {  	s20 =	sadd.s32 s5, s22  }
0xc8: {  	[tilespmem:s30], [sflag:$0x7] =	stream.linear.gather [hbm4b:s20+s3], $0x50, $0x38;
	[tilespmem:$0x19400] =	vst v63  }
0xc9: {  	_ =	swait.ge [sflag:s21], $0x2800  }
0xca: {  	[sflag:s21] =	ssyncset.done $0x0  }
0xcb: {  	[sflag:s21] =	ssyncadd.s32 $0xFFFFD800  }
0xcc: {  	_ =	swait.ge [sflag:s0], $0x50  }
0xcd: {  	[sflag:s0] =	ssyncset.done $0x0  }
0xce: {  	[sflag:s0] =	ssyncadd.s32 $0xFFFFFFB0  }
0xcf: {  	_ =	swait.ge [sflag:s0], $0x50  }
0xd0: {  	[sflag:s0] =	ssyncset.done $0x0  }
0xd1: {  	[sflag:s0] =	ssyncadd.s32 $0xFFFFFFB0  }
0xd2: {  	_ =	swait.ge [sflag:s7], $0x2800  }
0xd3: {  	[sflag:s7] =	ssyncset.done $0x0  }
0xd4: {  	[sflag:s7] =	ssyncadd.s32 $0xFFFFD800  }
0xd5: {  	[tilespmem:s28], [sflag:$0x2] =	stream.indirect.gather [hbm4b:s4+s14], $0x80, s29, s14, $0xb8;
	[tilespmem:$0x19400] =	vst v63  }
0xd6: {  	s19 =	sshrl.u32 s6, $0x3  }
0xd7: {  	[spmem:s1] =	stream.indirect.scatter.add.f32 [tilespmem:s2], [sflag:$0x3], $0x80, s11, s14, $0xb8;
	[tilespmem:$0x19400] =	vst v63  }
0xd8: {  	s20 =	sadd.s32 s15, s19  }
0xd9: {  	[tilespmem:s8], [sflag:$0x5] =	stream.linear.gather [hbm4b:s20+s3], $0x50, $0x38;
	[tilespmem:$0x19400] =	vst v63  }
0xda: {  	s19 =	sadd.s32 s16, s19  }
0xdb: {  	[tilespmem:s9], [sflag:$0x5] =	stream.linear.gather [hbm4b:s19+s3], $0x50, $0x38;
	[tilespmem:$0x19400] =	vst v63  }
0xdc: {  	_ =	swait.ge [sflag:s31], $0x2800  }
0xdd: {  	[sflag:s31] =	ssyncset.done $0x0  }
0xde: {  	[sflag:s31] =	ssyncadd.s32 $0xFFFFD800  }
0xdf: {  	_ =	swait.ge [sflag:s13], $0x50  }
0xe0: {  	[sflag:s13] =	ssyncset.done $0x0  }
0xe1: {  	[sflag:s13] =	ssyncadd.s32 $0xFFFFFFB0  }
0xe2: {  	_ =	swait.ge [sflag:s13], $0x50  }
0xe3: {  	[sflag:s13] =	ssyncset.done $0x0  }
0xe4: {  	[sflag:s13] =	ssyncadd.s32 $0xFFFFFFB0  }
0xe5: {  	_ =	swait.ge [sflag:s12], $0x2800  }
0xe6: {  	[sflag:s12] =	ssyncset.done $0x0  }
0xe7: {  	[sflag:s12] =	ssyncadd.s32 $0xFFFFD800  }
0xe8: {  	[tilespmem:s2], [sflag:$0x1] =	stream.indirect.gather [hbm4b:s4+s14], $0x80, s8, s14, $0xb8;
	[tilespmem:$0x19400] =	vst v63  }
0xe9: {  	_ = 	snop  }
0xea: {  	[spmem:s1] =	stream.indirect.scatter.add.f32 [tilespmem:s28], [sflag:$0x4], $0x80, s30, s14, $0xb8;
	[tilespmem:$0x19400] =	vst v63  }
.Ltmp4:
0xeb: {  	s20 =	rddreg [dreg:$0xe];
	(pc) =	sbr.rel .LBB2_4-.Ltmp4, $4  }
0xec: {  	s19 =	sadd.s32 s5, s20;
	s20 =	rddreg [dreg:$0xd]  }
0xed: {  	[tilespmem:s10], [sflag:$0x6] =	stream.linear.gather [hbm4b:s19+s3], $0x50, $0x38;
	[tilespmem:$0x19400] =	vst v63  }
0xee: {  	s6 =	sadd.s32 $0x3C00, s6;
	s19 =	sadd.s32 s5, s20;
	s5 =	sadd.s32 $0x780, s5  }
0xef: {  	[tilespmem:s11], [sflag:$0x6] =	stream.linear.gather [hbm4b:s19+s3], $0x50, $0x38;
	[tilespmem:$0x19400] =	vst v63  }
.LBB2_7:
0xf0: {  	_ =	sfence.sel $0x180000  }
0xf1: {  	[bflag:$0x0] =	sbarrier.arrive $0xFFFF  }
0xf2: {  	_ =	strace $0x9000004A  }
0xf3: {  	s0 =	stileid.u32;
	[bflag:$0x2] =	sbarrier.arrive $0xFFFF  }
0xf4: {  	p0 =	sne.s32 s0, $0x0;
	s0 =	rddreg [dreg:$0x2]  }
0xf5: {  	s0 =	sadd.s32 @!p0 $0x100000, s0  }
0xf6: {  	[sflag:s0] =	ssyncadd.tile.s32 @!p0 $0x1;
	_ =	shalt  }
.Lfunc_end2:
_tile_overlayer_lowered:
.L_overlay_start_2:
0xf7: {  	(tag) =	ssettag $0x2  }
0xf8: {  	s0 =	rddreg [dreg:$0x0];
	s2 =	stileid.u32  }
0xf9: {  	s1 =	rddreg [dreg:$0x1];
	p0 =	sne.s32 s2, $0x0  }
0xfa: {  	s3 =	rddreg [dreg:$0x2];
	[bflag:$0x3] =	sbarrier.arrive $0xFFFF;
	s2 =	simm.s32 @!p0 $0x1C08  }
0xfb: {  	[timem:s3], [sflag:s2] =	dma.local @!p0 [hbm:s0], s1  }
0xfc: {  	s0 =	simm.s32 @!p0 $0x8  }
0xfd: {  	_ =	swait.ge @!p0 [sflag:s0], s1  }
0xfe: {  	s1 =	ssub.s32 @!p0 $0x0, s1;
	[sflag:s0] =	ssyncset.done @!p0 $0x0  }
0xff: {  	[sflag:s0] =	ssyncadd.s32 @!p0 s1  }
0x100: {  	[bflag:$0x3] =	sbarrier.arrive $0xFFFF  }
0x101: {  	_ =	shalt  }

// kernel: kernel.13.cloned.1.call-start
scs
__scs_entry_jumppad:
0x0: {  	(pc) =	sbr.rel $0x88, $3  }
0x1: {  	(tag) =	ssettag $0x0;
	lr =	simm.s32 $0x1  }
0x2: {  	[smem:$0x3F99] =	sst lr;
	_ =	strace $0xD0000000  }
0x3: {  	_ = 	snop  }
0x4: {  	_ = 	snop  }
0x5: {  	_ = 	snop  }
0x6: {  	_ = 	snop  }
0x7: {  	_ = 	snop  }
__scs_overlays_trampoline_lowered:
0x8: {  	[smem:$0x3FA8] =	sst s0  }
0x9: {  	[smem:$0x3FA9] =	sst s1  }
0xa: {  	[smem:$0x3FAA] =	sst s2  }
0xb: {  	[smem:$0x3FAB] =	sst s3  }
0xc: {  	[smem:$0x3FAC] =	sst s4  }
0xd: {  	[smem:$0x3FAD] =	sst s5  }
0xe: {  	[smem:$0x3FAE] =	sst s6  }
0xf: {  	[smem:$0x3FAF] =	sst s7  }
0x10: {  	[smem:$0x3FB0] =	sst s8  }
0x11: {  	[smem:$0x3FB1] =	sst s9;
	s0 =	simm.s32 @!p0 $0x0  }
0x12: {  	s1 =	sld [smem:$0x3F97];
	s0 =	simm.s32 @p0 $0x1  }
0x13: {  	[smem:$0x3FB2] =	sst s0;
	s0 =	simm.s32 @!p1 $0x0  }
0x14: {  	s2 =	sld [smem:$0x3F96];
	s0 =	simm.s32 @p1 $0x1  }
0x15: {  	[smem:$0x3FB3] =	sst s0;
	s0 =	simm.s32 @!p2 $0x0  }
0x16: {  	s3 =	sld [smem:$0x3FDB];
	s0 =	simm.s32 @p2 $0x1  }
0x17: {  	s4 =	simm.s32 $0x1BF5;
	[smem:$0x3FB5] =	sst s0  }
0x18: {  	s0 =	sld [smem:$0x3F98];
	_ =	swait.ge [sflag:s4], $0x0  }
0x19: {  	s7 =	sld [smem:$0x3F99]  }
0x1a: {  	s8 =	sadd.s32 $0xFFFFE003, lr  }
0x1b: {  	s9 =	sadd.s32 $0xFFFFFEF7, lr;
	s5 =	simm.s32 $0xFFFFFFFF;
	p2 =	slt.u32 s8, $0xFFFFF086  }
0x1c: {  	p1 =	slt.u32 s9, $0xF7A;
	s5 =	simm.s32 @!p2 $0x0  }
0x1d: {  	s5 =	simm.s32 @p1 $0x1;
	p0 =	seq.s32 s7, s2  }
0x1e: {  	s7 =	smul.u32 @!p0 $0xF7A, s2;
	p2 =	seq.s32 @!p0 s5, $0x0  }
0x1f: {  	s9 =	smul.u32 $0xF7A, s1;
	s8 =	simm.s32 @!p0 $0x1BF5;
	p2 =	por !p2, p0  }
0x20: {  	[sflag:s8] =	ssyncset.s32 @!p0 $0xFFFFF086;
	s6 =	sadd.s32 @!p0 s3, s7;
	s7 =	simm.s32 @!p0 $0x108  }
0x21: {  	s3 =	sadd.s32 s3, s9;
	s6 =	sadd.s32 @!p0 $0x88, s6;
	s7 =	simm.s32 @p2 $0x1082  }
0x22: {  	[simem:s7], [sflag:s8] =	dma.local @!p0 [hbm:s6], $0xF7A  }
0x23: {  	s9 =	sor.u32 $0xD0000000, s2;
	s6 =	simm.s32 $0x108;
	_ =	swait.ge @!p0 [sflag:s8], $0x0  }
0x24: {  	s3 =	sadd.s32 $0x88, s3;
	s6 =	simm.s32 @!p1 $0x1082;
	[sflag:s4] =	ssyncset.s32 $0xFFFFF086  }
0x25: {  	[simem:s6], [sflag:s4] =	dma.local [hbm:s3], $0xF7A  }
0x26: {  	[smem:$0x3F99] =	sst s1;
	(tag) =	ssettag s2;
	_ =	strace s9  }
0x27: {  	s1 =	sld [smem:$0x3FA9]  }
0x28: {  	s2 =	sld [smem:$0x3FAA]  }
0x29: {  	s4 =	sld [smem:$0x3FAC]  }
0x2a: {  	p0 =	seq.s32 s5, $0x0;
	s5 =	sld [smem:$0x3FAD]  }
0x2b: {  	s6 =	sld [smem:$0x3FAE]  }
0x2c: {  	s7 =	sld [smem:$0x3FAF]  }
0x2d: {  	s3 =	simm.s32 $0x108;
	s8 =	sld [smem:$0x3FB0]  }
0x2e: {  	s3 =	simm.s32 @!p0 $0x1082;
	s9 =	sld [smem:$0x3FB1]  }
0x2f: {  	lr =	sadd.s32 s0, s3;
	s0 =	sld [smem:$0x3FA8]  }
0x30: {  	s3 =	sld [smem:$0x3FAB]  }
0x31: {  	[smem:$0x3FB4] =	sst s10  }
0x32: {  	s10 =	sld [smem:$0x3FB2];
	_ =	sdelay $0x3  }
0x33: {  	p0 =	seq.s32 s10, $0x1;
	s10 =	sld [smem:$0x3FB4];
	_ =	sdelay $0x3  }
0x34: {  	[smem:$0x3FB4] =	sst s10  }
0x35: {  	s10 =	sld [smem:$0x3FB3];
	_ =	sdelay $0x3  }
0x36: {  	p1 =	seq.s32 s10, $0x1;
	s10 =	sld [smem:$0x3FB4];
	_ =	sdelay $0x3  }
0x37: {  	[smem:$0x3FB4] =	sst s10  }
0x38: {  	s10 =	sld [smem:$0x3FB5]  }
0x39: {  	_ = 	snop;
	(pc) =	sbr.ind lr, $3  }
0x3a: {  	_ = 	snop  }
0x3b: {  	_ = 	snop  }
0x3c: {  	p2 =	seq.s32 s10, $0x1;
	s10 =	sld [smem:$0x3FB4]  }
0x3d: {  	_ =	shalt  }
0x3e: {  	_ =	shalt  }
0x3f: {  	_ =	shalt  }
0x40: {  	_ =	shalt  }
0x41: {  	_ =	shalt  }
0x42: {  	_ =	shalt  }
0x43: {  	_ =	shalt  }
0x44: {  	_ =	shalt  }
0x45: {  	_ =	shalt  }
0x46: {  	_ =	shalt  }
0x47: {  	_ =	shalt  }
0x48: {  	_ =	shalt  }
0x49: {  	_ =	shalt  }
0x4a: {  	_ =	shalt  }
0x4b: {  	_ =	shalt  }
0x4c: {  	_ =	shalt  }
0x4d: {  	_ =	shalt  }
0x4e: {  	_ =	shalt  }
0x4f: {  	_ =	shalt  }
0x50: {  	_ =	shalt  }
0x51: {  	_ =	shalt  }
0x52: {  	_ =	shalt  }
0x53: {  	_ =	shalt  }
0x54: {  	_ =	shalt  }
0x55: {  	_ =	shalt  }
0x56: {  	_ =	shalt  }
0x57: {  	_ =	shalt  }
0x58: {  	_ =	shalt  }
0x59: {  	_ =	shalt  }
0x5a: {  	_ =	shalt  }
0x5b: {  	_ =	shalt  }
0x5c: {  	_ =	shalt  }
0x5d: {  	_ =	shalt  }
0x5e: {  	_ =	shalt  }
0x5f: {  	_ =	shalt  }
0x60: {  	_ =	shalt  }
0x61: {  	_ =	shalt  }
0x62: {  	_ =	shalt  }
0x63: {  	_ =	shalt  }
0x64: {  	_ =	shalt  }
0x65: {  	_ =	shalt  }
0x66: {  	_ =	shalt  }
0x67: {  	_ =	shalt  }
0x68: {  	_ =	shalt  }
0x69: {  	_ =	shalt  }
0x6a: {  	_ =	shalt  }
0x6b: {  	_ =	shalt  }
0x6c: {  	_ =	shalt  }
0x6d: {  	_ =	shalt  }
0x6e: {  	_ =	shalt  }
0x6f: {  	_ =	shalt  }
0x70: {  	_ =	shalt  }
0x71: {  	_ =	shalt  }
0x72: {  	_ =	shalt  }
0x73: {  	_ =	shalt  }
0x74: {  	_ =	shalt  }
0x75: {  	_ =	shalt  }
0x76: {  	_ =	shalt  }
0x77: {  	_ =	shalt  }
0x78: {  	_ =	shalt  }
0x79: {  	_ =	shalt  }
0x7a: {  	_ =	shalt  }
0x7b: {  	_ =	shalt  }
0x7c: {  	_ =	shalt  }
0x7d: {  	_ =	shalt  }
0x7e: {  	_ =	shalt  }
0x7f: {  	_ =	shalt  }
0x80: {  	_ =	shalt  }
0x81: {  	_ =	shalt  }
0x82: {  	_ =	shalt  }
0x83: {  	_ =	shalt  }
0x84: {  	_ =	shalt  }
0x85: {  	_ =	shalt  }
0x86: {  	_ =	shalt  }
0x87: {  	_ =	shalt  }
.Lfunc_end0:
.L_simem_size_0:
called_computation.2_lowered:
.L_overlay_start_0:
0x88: {  	s2 =	sld [smem:$0x3FD9]  }
0x89: {  	s3 =	sld [smem:$0x3FFE];
	_ =	sdelay $0x1  }
0x8a: {  	s1 =	srdreg.scid  }
0x8b: {  	s0 =	sand.u32 $0x1, s1  }
0x8c: {  	s16 =	sshll.u32 s0, $0xA;
	s2 =	sadd.s32 s3, s2  }
0x8d: {  	s2 =	sadd.s32 s2, s16  }
0x8e: {  	[smem:$0x3FC0] =	sst s2  }
0x8f: {  	_ = 	snop  }
0x90: {  	(tm) =	ssettm $0x1  }
0x91: {  	s17 =	sld [smem:$0x3FFB];
	_ =	sdelay $0x3  }
0x92: {  	_ =	strace s17  }
0x93: {  	s2 =	sld [smem:$0x3FFC];
	_ =	sdelay $0x3  }
0x94: {  	_ =	strace s2  }
0x95: {  	s2 =	sld [smem:$0x3FFD];
	_ =	sdelay $0x3  }
0x96: {  	_ =	strace s2  }
0x97: {  	_ =	strace $0x8FFFFFFF  }
0x98: {  	s18 =	sld [smem:$0x3FDB];
	_ =	sdelay $0x1  }
0x99: {  	s19 =	simm.s32 $_scs_section_size  }
0x9a: {  	s4 =	simm.s32 $_size__tile_overlayer_lowered;
	s5 =	simm.s32 $_tile_overlayer_lowered  }
0x9b: {  	s22 =	simm.s32 $0x1BFF;
	s21 =	sshll.u32 s5, $0x1;
	s2 =	sadd.s32 s19, s18  }
0x9c: {  	s6 =	simm.s32 $0x0;
	s20 =	sshll.u32 s4, $0x1;
	s4 =	sadd.s32 s21, s2  }
0x9d: {  	[timem:s6], [sflag:s22] =	dma.local [hbm:s4], s20  }
0x9e: {  	_ =	swait.ge [sflag:s22], s20  }
0x9f: {  	s3 =	ssub.s32 $0x0, s20;
	[sflag:s22] =	ssyncset.done $0x0  }
0xa0: {  	[sflag:s22] =	ssyncadd.s32 s3;
	_ =	sdelay $0x1  }
0xa1: {  	s23 =	simm.s32 $0x1B8B  }
0xa2: {  	_ =	swait.ge [sflag:s23], $0x1  }
0xa3: {  	[sflag:s23] =	ssyncset.done $0x0  }
0xa4: {  	s25 =	simm.s32 $0x1B8E;
	s24 =	sld [smem:$0x3FFE];
	[sflag:s23] =	ssyncadd.s32 $0xFFFFFFFF  }
0xa5: {  	s26 =	simm.s32 $execute0_lowered;
	[smem:$0x3FD2] =	sst s25  }
0xa6: {  	s4 =	sshll.u32 s26, $0x1;
	_ =	strace $0x8000004C;
	[dreg:$0x1] =	wrdreg $0xFFFFFFFF  }
0xa7: {  	s28 =	simm.s32 $_size_execute0_lowered;
	s2 =	sadd.s32 s2, s4;
	[dreg:$0x0] =	wrdreg $0x0  }
0xa8: {  	s4 =	sshll.u32 s28, $0x1;
	[dreg:$0x2] =	wrdreg s2  }
0xa9: {  	[dreg:$0x3] =	wrdreg s4  }
0xaa: {  	[dreg:$0x4] =	wrdreg $0xC0  }
0xab: {  	_ =	task [dreg:s6], $0x5FFFF  }
0xac: {  	[dreg:$0x1] =	wrdreg $0xFFFFFFFF  }
0xad: {  	[dreg:$0x0] =	wrdreg $0x60  }
0xae: {  	[dreg:$0x2] =	wrdreg s24  }
0xaf: {  	[dreg:$0x3] =	wrdreg $0x0  }
0xb0: {  	[dreg:$0x4] =	wrdreg $0x9  }
0xb1: {  	_ =	task.clear_ibuf [dreg:s6], $0x5FFFF;
	_ =	strace $0x9000004C  }
0xb2: {  	s29 =	simm.s32 $0x9;
	_ =	strace $0x8000004E  }
0xb3: {  	_ =	swait.ge [sflag:s29], $0x1  }
0xb4: {  	[sflag:s29] =	ssyncadd.s32 $0xFFFFFFFF  }
0xb5: {  	_ =	strace $0x9000004E  }
0xb6: {  	_ =	sfence  }
0xb7: {  	s30 =	sld [smem:$0x0];
	_ =	sdelay $0x2  }
0xb8: {  	s31 =	sshll.u32 s1, $0xD;
	s1 =	sshrl.u32 s1, $0x2  }
0xb9: {  	s3 =	sand.u32 $0x4000, s31;
	s1 =	sadd.s32 s1, s30  }
0xba: {  	s0 =	sor.u32 s3, s0;
	s1 =	sshll.u32 s1, $0x11  }
0xbb: {  	s0 =	sor.u32 s1, s0  }
0xbc: {  	s0 =	sadd.s32 $0x8F2B, s0  }
0xbd: {  	[sflag:s0] =	ssyncadd.remote.s32 $0x1  }
0xbe: {  	_ =	sfence.sel $0xFFFF  }
0xbf: {  	[dreg:$0x0] =	wrdreg $0xFFFFFFFF;
	(pc) =	sbr.abs _section_cstart, $3  }
0xc0: {  	[dreg:$0x1] =	wrdreg $0xFFFFFFFF  }
0xc1: {  	_ =	task.clear_ibuf [dreg:s6], $0x2FFFF;
	_ =	strace $0x9FFFFFFF  }
0xc2: {  	(tm) =	ssettm $0x7FFFFFFF  }
0xc3: {  	_ =	shalt  }
tec
execute0_lowered:
.L_overlay_start_1:
0x0: {  	(tag) =	ssettag $0x1  }
0x1: {  	s0 =	rddreg [dreg:$0x0]  }
0x2: {  	s1 =	rddreg [dreg:$0x1];
	s3 =	simm.s32 $0x0  }
0x3: {  	s2 =	srdreg.scid;
	s10 =	stileid.u32;
	s28 =	simm.s32 $0x16C00  }
0x4: {  	s29 =	simm.s32 $0x14100;
	s30 =	simm.s32 $0x14300;
	s6 =	smul.u32 $0x14000, s10  }
0x5: {  	s31 =	simm.s32 $0x2;
	[smem:$0x7FF] =	sst s3;
	s9 =	smul.u32 $0x50000, s10  }
0x6: {  	s2 =	sand.u32 $0x1, s2;
	s4 =	sadd.s32 $0x16600, s0;
	s15 =	smul.u32 $0x50, s10  }
0x7: {  	s11 =	sadd.s32 $0xC800, s0;
	s12 =	sadd.s32 $0x2A00, s0;
	s5 =	smul.u32 $0x140000, s2  }
0x8: {  	_ =	strace $0x8000004D;
	s7 =	sshll.u32 s2, $0x4;
	s8 =	ssub.s32 $0x2, s2  }
0x9: {  	s2 =	smul.u32 $0x500, s2;
	s7 =	sor.u32 s10, s7;
	s13 =	sshrl.u32 s8, $0x1  }
0xa: {  	s18 =	sshrl.u32 s9, $0x2;
	s5 =	sadd.s32 s6, s5;
	s26 =	smul.u32 $0xA, s7  }
0xb: {  	s7 =	smul.u32 $0x50, s7;
	s2 =	sadd.s32 s15, s2;
	s15 =	smov.u32 s11  }
0xc: {  	s5 =	sshrl.u32 s5, $0x3;
	s20 =	sadd.s32 $0x1E00, s2;
	s22 =	sadd.s32 $0x1400, s2  }
0xd: {  	s24 =	sadd.s32 $0x4600, s2;
	s9 =	sadd.s32 $0x2800, s2;
	s0 =	sadd.s32 s5, s0  }
0xe: {  	s5 =	ssub.s32 s8, s13;
	s7 =	sshrl.u32 s7, $0x3;
	s14 =	sadd.s32 s11, s26  }
0xf: {  	s6 =	sadd.s32 s12, s26;
	s25 =	sshrl.u32 s24, $0x3;
	s10 =	sshrl.u32 s9, $0x3  }
0x10: {  	s9 =	simm.s32 $0x14200;
	[dreg:$0x3] =	wrdreg s14;
	s7 =	sadd.s32 $0x140, s7  }
0x11: {  	[dreg:$0x4] =	wrdreg s6;
	s0 =	sadd.s32 $0x3E600, s0;
	s19 =	smax.u32 s5, $0x1  }
0x12: {  	s5 =	sshrl.u32 s22, $0x3;
	s26 =	sadd.s32 s25, s12;
	[dreg:$0x7] =	wrdreg s0  }
0x13: {  	s6 =	sadd.s32 $0x3200, s2;
	s2 =	sadd.s32 $0x3C00, s2;
	[dreg:$0x9] =	wrdreg s19  }
0x14: {  	s24 =	sadd.s32 s10, s12;
	s16 =	sadd.s32 s11, s7;
	[dreg:$0xd] =	wrdreg s26  }
0x15: {  	s17 =	sadd.s32 s12, s7;
	s7 =	sadd.s32 s18, s1;
	[dreg:$0xf] =	wrdreg s2  }
0x16: {  	s0 =	sshrl.u32 s20, $0x3;
	s18 =	sadd.s32 s5, s11;
	[dreg:$0x5] =	wrdreg s16  }
0x17: {  	s8 =	sshrl.u32 s6, $0x3;
	s2 =	simm.s32 $0x14400;
	[dreg:$0x6] =	wrdreg s17  }
0x18: {  	s6 =	simm.s32 $0x0;
	s21 =	sadd.s32 $0x2800, s7;
	[dreg:$0x8] =	wrdreg s7  }
0x19: {  	s23 =	sadd.s32 s0, s12;
	s0 =	sadd.s32 s0, s11;
	[dreg:$0xa] =	wrdreg s21  }
0x1a: {  	s17 =	sadd.s32 s5, s12;
	s22 =	sadd.s32 s8, s12;
	[dreg:$0xb] =	wrdreg s23  }
0x1b: {  	s16 =	smov.u32 s12;
	s13 =	sadd.s32 $0x5000, s7;
	[dreg:$0xc] =	wrdreg s0  }
0x1c: {  	s14 =	sadd.s32 $0x7800, s7;
	s19 =	sadd.s32 $0xA000, s7;
	[dreg:$0x10] =	wrdreg s13  }
0x1d: {  	s20 =	sadd.s32 $0xC800, s7;
	s26 =	sadd.s32 $0x11800, s7;
	[dreg:$0x11] =	wrdreg s14  }
0x1e: {  	s12 =	simm.s32 $0x3;
	s0 =	sadd.s32 s25, s11;
	[dreg:$0x12] =	wrdreg s19  }
0x1f: {  	s23 =	sadd.s32 s8, s11;
	s25 =	sadd.s32 s10, s11;
	[dreg:$0x13] =	wrdreg s20  }
.Ltmp0:
0x20: {  	s21 =	sadd.s32 $0xF000, s7;
	[dreg:$0x15] =	wrdreg s26;
	(pc) =	sbr.rel .LBB2_1-.Ltmp0, $4  }
0x21: {  	s19 =	simm.s32 $0x8;
	s8 =	simm.s32 $0x14000;
	s10 =	simm.s32 $0x14080  }
0x22: {  	s11 =	simm.s32 $0x14280;
	s13 =	simm.s32 $0x5;
	s14 =	simm.s32 $0x50  }
0x23: {  	s26 =	simm.s32 $0x6;
	s7 =	simm.s32 $0x4;
	[dreg:$0xe] =	wrdreg s0  }
0x24: {  	v0 =	vimm.f32 $0.0e+00;
	[dreg:$0x14] =	wrdreg s21;
	s21 =	simm.s32 $0x1;
	s0 =	simm.s32 $0x7  }
.LBB2_6:
0x25: {  	_ =	swait.ge [sflag:s21], $0x2800  }
0x26: {  	[sflag:s21] =	ssyncset.done $0x0  }
0x27: {  	[sflag:s21] =	ssyncadd.s32 $0xFFFFD800  }
0x28: {  	[spmem:s1] =	stream.indirect.scatter.add.f32 [tilespmem:s2], [sflag:$0x3], $0x80, s11, s14, $0xb8;
	[tilespmem:$0x19400] =	vst v63  }
0x29: {  	_ =	swait.ge [sflag:s7], $0x2800  }
0x2a: {  	[sflag:s7] =	ssyncset.done $0x0  }
0x2b: {  	[sflag:s7] =	ssyncadd.s32 $0xFFFFD800  }
0x2c: {  	_ =	swait.ge [sflag:s12], $0x2800  }
0x2d: {  	[sflag:s12] =	ssyncset.done $0x0  }
0x2e: {  	[sflag:s12] =	ssyncadd.s32 $0xFFFFD800  }
0x2f: {  	s5 =	stileid.u32;
	[bflag:$0x0] =	sbarrier.arrive $0xFFFF  }
0x30: {  	s5 =	sshll.u32 s5, $0x6;
	s6 =	rddreg [dreg:$0x8]  }
0x31: {  	s5 =	sor.u32 $0x1C08, s5;
	s19 =	rddreg [dreg:$0x7];
	s6 =	sshrl.u32 s6, $0x3  }
0x32: {  	[hbm:s19], [sflag:s5] =	dma.local [spmem:s6], $0x2800  }
0x33: {  	s19 =	simm.s32 $0x8  }
0x34: {  	_ =	swait.ge [sflag:s19], $0x2800  }
0x35: {  	s5 =	rddreg [dreg:$0x16]  }
0x36: {  	s20 =	rddreg [dreg:$0x9];
	s6 =	sadd.s32 $0x1, s5  }
0x37: {  	p0 =	sne.s32 s6, s20  }
.Ltmp1:
0x38: {  	_ = 	snop;
	(pc) =	sbr.rel @!p0 .LBB2_7-.Ltmp1, $3  }
0x39: {  	_ =	sdelay $0x1  }
0x3a: {  	[sflag:s19] =	ssyncset.done $0x0  }
0x3b: {  	[sflag:s19] =	ssyncadd.s32 $0xFFFFD800  }
.LBB2_1:
0x3c: {  	[dreg:$0x16] =	wrdreg s6;
	s5 =	simm.s32 $0x70;
	s6 =	simm.s32 $0x3C0  }
.LBB2_2:
0x3d: {  	p0 =	sne.s32 s6, $0x9FC0;
	[tilespmem:s5+$0x14400] =	vst v0  }
0x3e: {  	[tilespmem:s5+$0x14390] =	vst v0  }
0x3f: {  	[tilespmem:s5+$0x143A0] =	vst v0  }
.Ltmp2:
0x40: {  	[tilespmem:s5+$0x143B0] =	vst v0;
	(pc) =	sbr.rel @p0 .LBB2_2-.Ltmp2, $4  }
0x41: {  	[tilespmem:s5+$0x143C0] =	vst v0  }
0x42: {  	[tilespmem:s5+$0x143D0] =	vst v0  }
0x43: {  	[tilespmem:s5+$0x143E0] =	vst v0  }
0x44: {  	[tilespmem:s5+$0x143F0] =	vst v0;
	s5 =	sshra.s32 s6, $0x2;
	s6 =	sadd.s32 $0x200, s6  }
0x45: {  	[tilespmem:s5+$0x14400] =	vst v0  }
0x46: {  	[tilespmem:s5+$0x14390] =	vst v0  }
0x47: {  	[tilespmem:s5+$0x143A0] =	vst v0  }
0x48: {  	[tilespmem:s5+$0x143B0] =	vst v0  }
0x49: {  	[tilespmem:s5+$0x143C0] =	vst v0  }
0x4a: {  	[tilespmem:s5+$0x143D0] =	vst v0  }
0x4b: {  	[tilespmem:s5+$0x143E0] =	vst v0  }
0x4c: {  	[tilespmem:s5+$0x143F0] =	vst v0;
	s20 =	rddreg [dreg:$0x8]  }
0x4d: {  	[spmem:s20] =	stream.linear.scatter [tilespmem:s2], [sflag:$0x8], $0x2800, $0x38;
	[tilespmem:$0x19400] =	vst v63  }
0x4e: {  	_ =	swait.ge [sflag:s19], $0x2800  }
0x4f: {  	[sflag:s19] =	ssyncset.done $0x0  }
0x50: {  	s6 =	rddreg [dreg:$0xa];
	[sflag:s19] =	ssyncadd.s32 $0xFFFFD800  }
0x51: {  	[spmem:s6] =	stream.linear.scatter [tilespmem:s2], [sflag:$0x8], $0x2800, $0x38;
	[tilespmem:$0x19400] =	vst v63  }
0x52: {  	_ =	swait.ge [sflag:s19], $0x2800  }
0x53: {  	[sflag:s19] =	ssyncset.done $0x0  }
0x54: {  	s20 =	rddreg [dreg:$0x10];
	[sflag:s19] =	ssyncadd.s32 $0xFFFFD800  }
0x55: {  	[spmem:s20] =	stream.linear.scatter [tilespmem:s2], [sflag:$0x8], $0x2800, $0x38;
	[tilespmem:$0x19400] =	vst v63  }
0x56: {  	_ =	swait.ge [sflag:s19], $0x2800  }
0x57: {  	[sflag:s19] =	ssyncset.done $0x0  }
0x58: {  	s6 =	rddreg [dreg:$0x11];
	[sflag:s19] =	ssyncadd.s32 $0xFFFFD800  }
0x59: {  	[spmem:s6] =	stream.linear.scatter [tilespmem:s2], [sflag:$0x8], $0x2800, $0x38;
	[tilespmem:$0x19400] =	vst v63  }
0x5a: {  	_ =	swait.ge [sflag:s19], $0x2800  }
0x5b: {  	[sflag:s19] =	ssyncset.done $0x0  }
0x5c: {  	s20 =	rddreg [dreg:$0x12];
	[sflag:s19] =	ssyncadd.s32 $0xFFFFD800  }
0x5d: {  	[spmem:s20] =	stream.linear.scatter [tilespmem:s2], [sflag:$0x8], $0x2800, $0x38;
	[tilespmem:$0x19400] =	vst v63  }
0x5e: {  	_ =	swait.ge [sflag:s19], $0x2800  }
0x5f: {  	[sflag:s19] =	ssyncset.done $0x0  }
0x60: {  	s6 =	rddreg [dreg:$0x13];
	[sflag:s19] =	ssyncadd.s32 $0xFFFFD800  }
0x61: {  	[spmem:s6] =	stream.linear.scatter [tilespmem:s2], [sflag:$0x8], $0x2800, $0x38;
	[tilespmem:$0x19400] =	vst v63  }
0x62: {  	_ =	swait.ge [sflag:s19], $0x2800  }
0x63: {  	[sflag:s19] =	ssyncset.done $0x0  }
0x64: {  	s20 =	rddreg [dreg:$0x14];
	[sflag:s19] =	ssyncadd.s32 $0xFFFFD800  }
0x65: {  	[spmem:s20] =	stream.linear.scatter [tilespmem:s2], [sflag:$0x8], $0x2800, $0x38;
	[tilespmem:$0x19400] =	vst v63  }
0x66: {  	_ =	swait.ge [sflag:s19], $0x2800  }
0x67: {  	[sflag:s19] =	ssyncset.done $0x0  }
0x68: {  	s6 =	rddreg [dreg:$0x15];
	[sflag:s19] =	ssyncadd.s32 $0xFFFFD800  }
0x69: {  	[spmem:s6] =	stream.linear.scatter [tilespmem:s2], [sflag:$0x8], $0x2800, $0x38;
	[tilespmem:$0x19400] =	vst v63  }
0x6a: {  	_ =	swait.ge [sflag:s19], $0x2800  }
0x6b: {  	[sflag:s19] =	ssyncset.done $0x0  }
0x6c: {  	[sflag:s19] =	ssyncadd.s32 $0xFFFFD800  }
0x6d: {  	[bflag:$0x0] =	sbarrier.arrive $0xFFFF  }
0x6e: {  	s5 =	simm.s32 $0x0;
	s6 =	rddreg [dreg:$0x3]  }
0x6f: {  	[tilespmem:s8], [sflag:$0x5] =	stream.linear.gather [hbm4b:s6+s5], $0x50, $0x38;
	[tilespmem:$0x19400] =	vst v63  }
0x70: {  	s20 =	rddreg [dreg:$0x4]  }
0x71: {  	[tilespmem:s9], [sflag:$0x5] =	stream.linear.gather [hbm4b:s20+s5], $0x50, $0x38;
	[tilespmem:$0x19400] =	vst v63  }
0x72: {  	s19 =	rddreg [dreg:$0x5]  }
0x73: {  	[tilespmem:s10], [sflag:$0x6] =	stream.linear.gather [hbm4b:s19+s5], $0x50, $0x38;
	[tilespmem:$0x19400] =	vst v63  }
0x74: {  	s20 =	rddreg [dreg:$0x6]  }
0x75: {  	[tilespmem:s11], [sflag:$0x6] =	stream.linear.gather [hbm4b:s20+s5], $0x50, $0x38;
	[tilespmem:$0x19400] =	vst v63  }
0x76: {  	_ =	swait.ge [sflag:s13], $0x50  }
0x77: {  	[sflag:s13] =	ssyncset.done $0x0  }
0x78: {  	[sflag:s13] =	ssyncadd.s32 $0xFFFFFFB0  }
0x79: {  	_ =	swait.ge [sflag:s13], $0x50  }
0x7a: {  	[sflag:s13] =	ssyncset.done $0x0  }
0x7b: {  	s6 =	rddreg [dreg:$0xf];
	[sflag:s13] =	ssyncadd.s32 $0xFFFFFFB0  }
0x7c: {  	[tilespmem:s2], [sflag:$0x1] =	stream.indirect.gather [hbm4b:s4+s14], $0x80, s8, s14, $0xb8;
	[tilespmem:$0x19400] =	vst v63  }
.LBB2_4:
0x7d: {  	_ =	swait.ge [sflag:s21], $0x2800  }
0x7e: {  	[sflag:s21] =	ssyncset.done $0x0  }
0x7f: {  	[sflag:s21] =	ssyncadd.s32 $0xFFFFD800  }
0x80: {  	_ =	swait.ge [sflag:s26], $0x50  }
0x81: {  	[sflag:s26] =	ssyncset.done $0x0  }
0x82: {  	[sflag:s26] =	ssyncadd.s32 $0xFFFFFFB0  }
0x83: {  	_ =	swait.ge [sflag:s26], $0x50  }
0x84: {  	p0 =	seq.s32 s5, $0x0;
	[sflag:s26] =	ssyncset.done $0x0  }
0x85: {  	s19 =	simm.s32 @!p0 $0x4;
	[sflag:s26] =	ssyncadd.s32 $0xFFFFFFB0  }
0x86: {  	_ =	swait.ge @!p0 [sflag:s19], $0x2800  }
0x87: {  	[sflag:s19] =	ssyncset.done @!p0 $0x0  }
0x88: {  	[sflag:s19] =	ssyncadd.s32 @!p0 $0xFFFFD800  }
0x89: {  	[tilespmem:s28], [sflag:$0x2] =	stream.indirect.gather [hbm4b:s4+s14], $0x80, s10, s14, $0xb8;
	[tilespmem:$0x19400] =	vst v63  }
0x8a: {  	_ = 	snop  }
0x8b: {  	[spmem:s1] =	stream.indirect.scatter.add.f32 [tilespmem:s2], [sflag:$0x3], $0x80, s9, s14, $0xb8;
	[tilespmem:$0x19400] =	vst v63  }
0x8c: {  	s20 =	sadd.s32 s5, s18  }
0x8d: {  	[tilespmem:s29], [sflag:$0x7] =	stream.linear.gather [hbm4b:s20+s3], $0x50, $0x38;
	[tilespmem:$0x19400] =	vst v63  }
0x8e: {  	s20 =	sadd.s32 s5, s17  }
0x8f: {  	[tilespmem:s30], [sflag:$0x7] =	stream.linear.gather [hbm4b:s20+s3], $0x50, $0x38;
	[tilespmem:$0x19400] =	vst v63  }
0x90: {  	_ =	swait.ge [sflag:s31], $0x2800  }
0x91: {  	[sflag:s31] =	ssyncset.done $0x0  }
0x92: {  	[sflag:s31] =	ssyncadd.s32 $0xFFFFD800  }
0x93: {  	_ =	swait.ge [sflag:s0], $0x50  }
0x94: {  	[sflag:s0] =	ssyncset.done $0x0  }
0x95: {  	[sflag:s0] =	ssyncadd.s32 $0xFFFFFFB0  }
0x96: {  	_ =	swait.ge [sflag:s0], $0x50  }
0x97: {  	[sflag:s0] =	ssyncset.done $0x0  }
0x98: {  	[sflag:s0] =	ssyncadd.s32 $0xFFFFFFB0  }
0x99: {  	_ =	swait.ge [sflag:s12], $0x2800  }
0x9a: {  	[sflag:s12] =	ssyncset.done $0x0  }
0x9b: {  	[sflag:s12] =	ssyncadd.s32 $0xFFFFD800  }
0x9c: {  	[tilespmem:s2], [sflag:$0x1] =	stream.indirect.gather [hbm4b:s4+s14], $0x80, s29, s14, $0xb8;
	[tilespmem:$0x19400] =	vst v63  }
0x9d: {  	s20 =	rddreg [dreg:$0xc]  }
0x9e: {  	[spmem:s1] =	stream.indirect.scatter.add.f32 [tilespmem:s28], [sflag:$0x4], $0x80, s11, s14, $0xb8;
	[tilespmem:$0x19400] =	vst v63  }
0x9f: {  	s19 =	sadd.s32 s5, s20;
	s20 =	rddreg [dreg:$0xb]  }
0xa0: {  	[tilespmem:s8], [sflag:$0x5] =	stream.linear.gather [hbm4b:s19+s3], $0x50, $0x38;
	[tilespmem:$0x19400] =	vst v63  }
0xa1: {  	s19 =	sadd.s32 s5, s20  }
0xa2: {  	[tilespmem:s9], [sflag:$0x5] =	stream.linear.gather [hbm4b:s19+s3], $0x50, $0x38;
	[tilespmem:$0x19400] =	vst v63  }
0xa3: {  	_ =	swait.ge [sflag:s21], $0x2800  }
0xa4: {  	[sflag:s21] =	ssyncset.done $0x0  }
0xa5: {  	[sflag:s21] =	ssyncadd.s32 $0xFFFFD800  }
0xa6: {  	_ =	swait.ge [sflag:s13], $0x50  }
0xa7: {  	[sflag:s13] =	ssyncset.done $0x0  }
0xa8: {  	[sflag:s13] =	ssyncadd.s32 $0xFFFFFFB0  }
0xa9: {  	_ =	swait.ge [sflag:s13], $0x50  }
0xaa: {  	[sflag:s13] =	ssyncset.done $0x0  }
0xab: {  	[sflag:s13] =	ssyncadd.s32 $0xFFFFFFB0  }
0xac: {  	_ =	swait.ge [sflag:s7], $0x2800  }
0xad: {  	[sflag:s7] =	ssyncset.done $0x0  }
0xae: {  	[sflag:s7] =	ssyncadd.s32 $0xFFFFD800  }
0xaf: {  	[tilespmem:s28], [sflag:$0x2] =	stream.indirect.gather [hbm4b:s4+s14], $0x80, s8, s14, $0xb8;
	[tilespmem:$0x19400] =	vst v63  }
0xb0: {  	_ = 	snop  }
0xb1: {  	[spmem:s1] =	stream.indirect.scatter.add.f32 [tilespmem:s2], [sflag:$0x3], $0x80, s30, s14, $0xb8;
	[tilespmem:$0x19400] =	vst v63  }
0xb2: {  	s20 =	sadd.s32 s5, s25  }
0xb3: {  	[tilespmem:s10], [sflag:$0x6] =	stream.linear.gather [hbm4b:s20+s3], $0x50, $0x38;
	[tilespmem:$0x19400] =	vst v63  }
0xb4: {  	s20 =	sadd.s32 s5, s24  }
0xb5: {  	[tilespmem:s11], [sflag:$0x6] =	stream.linear.gather [hbm4b:s20+s3], $0x50, $0x38;
	[tilespmem:$0x19400] =	vst v63  }
0xb6: {  	_ =	swait.ge [sflag:s31], $0x2800  }
0xb7: {  	[sflag:s31] =	ssyncset.done $0x0  }
0xb8: {  	[sflag:s31] =	ssyncadd.s32 $0xFFFFD800  }
0xb9: {  	_ =	swait.ge [sflag:s26], $0x50  }
0xba: {  	[sflag:s26] =	ssyncset.done $0x0  }
0xbb: {  	[sflag:s26] =	ssyncadd.s32 $0xFFFFFFB0  }
0xbc: {  	_ =	swait.ge [sflag:s26], $0x50  }
0xbd: {  	[sflag:s26] =	ssyncset.done $0x0  }
0xbe: {  	[sflag:s26] =	ssyncadd.s32 $0xFFFFFFB0  }
0xbf: {  	p0 =	seq.s32 s5, $0x9600;
	_ =	swait.ge [sflag:s12], $0x2800  }
.Ltmp3:
0xc0: {  	[sflag:s12] =	ssyncset.done $0x0;
	(pc) =	sbr.rel @p0 .LBB2_6-.Ltmp3, $4  }
0xc1: {  	[sflag:s12] =	ssyncadd.s32 $0xFFFFD800  }
0xc2: {  	[tilespmem:s2], [sflag:$0x1] =	stream.indirect.gather [hbm4b:s4+s14], $0x80, s10, s14, $0xb8;
	[tilespmem:$0x19400] =	vst v63  }
0xc3: {  	_ = 	snop  }
0xc4: {  	[spmem:s1] =	stream.indirect.scatter.add.f32 [tilespmem:s28], [sflag:$0x4], $0x80, s9, s14, $0xb8;
	[tilespmem:$0x19400] =	vst v63  }
0xc5: {  	s19 =	sadd.s32 s5, s23  }
0xc6: {  	[tilespmem:s29], [sflag:$0x7] =	stream.linear.gather [hbm4b:s19+s3], $0x50, $0x38;
	[tilespmem:$0x19400] =	vst v63  }
0xc7: {  	s20 =	sadd.s32 s5, s22  }
0xc8: {  	[tilespmem:s30], [sflag:$0x7] =	stream.linear.gather [hbm4b:s20+s3], $0x50, $0x38;
	[tilespmem:$0x19400] =	vst v63  }
0xc9: {  	_ =	swait.ge [sflag:s21], $0x2800  }
0xca: {  	[sflag:s21] =	ssyncset.done $0x0  }
0xcb: {  	[sflag:s21] =	ssyncadd.s32 $0xFFFFD800  }
0xcc: {  	_ =	swait.ge [sflag:s0], $0x50  }
0xcd: {  	[sflag:s0] =	ssyncset.done $0x0  }
0xce: {  	[sflag:s0] =	ssyncadd.s32 $0xFFFFFFB0  }
0xcf: {  	_ =	swait.ge [sflag:s0], $0x50  }
0xd0: {  	[sflag:s0] =	ssyncset.done $0x0  }
0xd1: {  	[sflag:s0] =	ssyncadd.s32 $0xFFFFFFB0  }
0xd2: {  	_ =	swait.ge [sflag:s7], $0x2800  }
0xd3: {  	[sflag:s7] =	ssyncset.done $0x0  }
0xd4: {  	[sflag:s7] =	ssyncadd.s32 $0xFFFFD800  }
0xd5: {  	[tilespmem:s28], [sflag:$0x2] =	stream.indirect.gather [hbm4b:s4+s14], $0x80, s29, s14, $0xb8;
	[tilespmem:$0x19400] =	vst v63  }
0xd6: {  	s19 =	sshrl.u32 s6, $0x3  }
0xd7: {  	[spmem:s1] =	stream.indirect.scatter.add.f32 [tilespmem:s2], [sflag:$0x3], $0x80, s11, s14, $0xb8;
	[tilespmem:$0x19400] =	vst v63  }
0xd8: {  	s20 =	sadd.s32 s15, s19  }
0xd9: {  	[tilespmem:s8], [sflag:$0x5] =	stream.linear.gather [hbm4b:s20+s3], $0x50, $0x38;
	[tilespmem:$0x19400] =	vst v63  }
0xda: {  	s19 =	sadd.s32 s16, s19  }
0xdb: {  	[tilespmem:s9], [sflag:$0x5] =	stream.linear.gather [hbm4b:s19+s3], $0x50, $0x38;
	[tilespmem:$0x19400] =	vst v63  }
0xdc: {  	_ =	swait.ge [sflag:s31], $0x2800  }
0xdd: {  	[sflag:s31] =	ssyncset.done $0x0  }
0xde: {  	[sflag:s31] =	ssyncadd.s32 $0xFFFFD800  }
0xdf: {  	_ =	swait.ge [sflag:s13], $0x50  }
0xe0: {  	[sflag:s13] =	ssyncset.done $0x0  }
0xe1: {  	[sflag:s13] =	ssyncadd.s32 $0xFFFFFFB0  }
0xe2: {  	_ =	swait.ge [sflag:s13], $0x50  }
0xe3: {  	[sflag:s13] =	ssyncset.done $0x0  }
0xe4: {  	[sflag:s13] =	ssyncadd.s32 $0xFFFFFFB0  }
0xe5: {  	_ =	swait.ge [sflag:s12], $0x2800  }
0xe6: {  	[sflag:s12] =	ssyncset.done $0x0  }
0xe7: {  	[sflag:s12] =	ssyncadd.s32 $0xFFFFD800  }
0xe8: {  	[tilespmem:s2], [sflag:$0x1] =	stream.indirect.gather [hbm4b:s4+s14], $0x80, s8, s14, $0xb8;
	[tilespmem:$0x19400] =	vst v63  }
0xe9: {  	_ = 	snop  }
0xea: {  	[spmem:s1] =	stream.indirect.scatter.add.f32 [tilespmem:s28], [sflag:$0x4], $0x80, s30, s14, $0xb8;
	[tilespmem:$0x19400] =	vst v63  }
.Ltmp4:
0xeb: {  	s20 =	rddreg [dreg:$0xe];
	(pc) =	sbr.rel .LBB2_4-.Ltmp4, $4  }
0xec: {  	s19 =	sadd.s32 s5, s20;
	s20 =	rddreg [dreg:$0xd]  }
0xed: {  	[tilespmem:s10], [sflag:$0x6] =	stream.linear.gather [hbm4b:s19+s3], $0x50, $0x38;
	[tilespmem:$0x19400] =	vst v63  }
0xee: {  	s6 =	sadd.s32 $0x3C00, s6;
	s19 =	sadd.s32 s5, s20;
	s5 =	sadd.s32 $0x780, s5  }
0xef: {  	[tilespmem:s11], [sflag:$0x6] =	stream.linear.gather [hbm4b:s19+s3], $0x50, $0x38;
	[tilespmem:$0x19400] =	vst v63  }
.LBB2_7:
0xf0: {  	_ =	sfence.sel $0x180000  }
0xf1: {  	[bflag:$0x0] =	sbarrier.arrive $0xFFFF  }
0xf2: {  	_ =	strace $0x9000004D  }
0xf3: {  	s0 =	stileid.u32;
	[bflag:$0x2] =	sbarrier.arrive $0xFFFF  }
0xf4: {  	p0 =	sne.s32 s0, $0x0;
	s0 =	rddreg [dreg:$0x2]  }
0xf5: {  	s0 =	sadd.s32 @!p0 $0x100000, s0  }
0xf6: {  	[sflag:s0] =	ssyncadd.tile.s32 @!p0 $0x1;
	_ =	shalt  }
.Lfunc_end2:
_tile_overlayer_lowered:
.L_overlay_start_2:
0xf7: {  	(tag) =	ssettag $0x2  }
0xf8: {  	s0 =	rddreg [dreg:$0x0];
	s2 =	stileid.u32  }
0xf9: {  	s1 =	rddreg [dreg:$0x1];
	p0 =	sne.s32 s2, $0x0  }
0xfa: {  	s3 =	rddreg [dreg:$0x2];
	[bflag:$0x3] =	sbarrier.arrive $0xFFFF;
	s2 =	simm.s32 @!p0 $0x1C08  }
0xfb: {  	[timem:s3], [sflag:s2] =	dma.local @!p0 [hbm:s0], s1  }
0xfc: {  	s0 =	simm.s32 @!p0 $0x8  }
0xfd: {  	_ =	swait.ge @!p0 [sflag:s0], s1  }
0xfe: {  	s1 =	ssub.s32 @!p0 $0x0, s1;
	[sflag:s0] =	ssyncset.done @!p0 $0x0  }
0xff: {  	[sflag:s0] =	ssyncadd.s32 @!p0 s1  }
0x100: {  	[bflag:$0x3] =	sbarrier.arrive $0xFFFF  }
0x101: {  	_ =	shalt  }

// kernel: kernel.7.cloned.1.call-start
scs
__scs_entry_jumppad:
0x0: {  	(pc) =	sbr.rel $0x88, $3  }
0x1: {  	(tag) =	ssettag $0x0;
	lr =	simm.s32 $0x1  }
0x2: {  	[smem:$0x3F99] =	sst lr;
	_ =	strace $0xD0000000  }
0x3: {  	_ = 	snop  }
0x4: {  	_ = 	snop  }
0x5: {  	_ = 	snop  }
0x6: {  	_ = 	snop  }
0x7: {  	_ = 	snop  }
__scs_overlays_trampoline_lowered:
0x8: {  	[smem:$0x3FA8] =	sst s0  }
0x9: {  	[smem:$0x3FA9] =	sst s1  }
0xa: {  	[smem:$0x3FAA] =	sst s2  }
0xb: {  	[smem:$0x3FAB] =	sst s3  }
0xc: {  	[smem:$0x3FAC] =	sst s4  }
0xd: {  	[smem:$0x3FAD] =	sst s5  }
0xe: {  	[smem:$0x3FAE] =	sst s6  }
0xf: {  	[smem:$0x3FAF] =	sst s7  }
0x10: {  	[smem:$0x3FB0] =	sst s8  }
0x11: {  	[smem:$0x3FB1] =	sst s9;
	s0 =	simm.s32 @!p0 $0x0  }
0x12: {  	s1 =	sld [smem:$0x3F97];
	s0 =	simm.s32 @p0 $0x1  }
0x13: {  	[smem:$0x3FB2] =	sst s0;
	s0 =	simm.s32 @!p1 $0x0  }
0x14: {  	s2 =	sld [smem:$0x3F96];
	s0 =	simm.s32 @p1 $0x1  }
0x15: {  	[smem:$0x3FB3] =	sst s0;
	s0 =	simm.s32 @!p2 $0x0  }
0x16: {  	s3 =	sld [smem:$0x3FDB];
	s0 =	simm.s32 @p2 $0x1  }
0x17: {  	s4 =	simm.s32 $0x1BF5;
	[smem:$0x3FB5] =	sst s0  }
0x18: {  	s0 =	sld [smem:$0x3F98];
	_ =	swait.ge [sflag:s4], $0x0  }
0x19: {  	s7 =	sld [smem:$0x3F99]  }
0x1a: {  	s8 =	sadd.s32 $0xFFFFE003, lr  }
0x1b: {  	s9 =	sadd.s32 $0xFFFFFEF7, lr;
	s5 =	simm.s32 $0xFFFFFFFF;
	p2 =	slt.u32 s8, $0xFFFFF086  }
0x1c: {  	p1 =	slt.u32 s9, $0xF7A;
	s5 =	simm.s32 @!p2 $0x0  }
0x1d: {  	s5 =	simm.s32 @p1 $0x1;
	p0 =	seq.s32 s7, s2  }
0x1e: {  	s7 =	smul.u32 @!p0 $0xF7A, s2;
	p2 =	seq.s32 @!p0 s5, $0x0  }
0x1f: {  	s9 =	smul.u32 $0xF7A, s1;
	s8 =	simm.s32 @!p0 $0x1BF5;
	p2 =	por !p2, p0  }
0x20: {  	[sflag:s8] =	ssyncset.s32 @!p0 $0xFFFFF086;
	s6 =	sadd.s32 @!p0 s3, s7;
	s7 =	simm.s32 @!p0 $0x108  }
0x21: {  	s3 =	sadd.s32 s3, s9;
	s6 =	sadd.s32 @!p0 $0x88, s6;
	s7 =	simm.s32 @p2 $0x1082  }
0x22: {  	[simem:s7], [sflag:s8] =	dma.local @!p0 [hbm:s6], $0xF7A  }
0x23: {  	s9 =	sor.u32 $0xD0000000, s2;
	s6 =	simm.s32 $0x108;
	_ =	swait.ge @!p0 [sflag:s8], $0x0  }
0x24: {  	s3 =	sadd.s32 $0x88, s3;
	s6 =	simm.s32 @!p1 $0x1082;
	[sflag:s4] =	ssyncset.s32 $0xFFFFF086  }
0x25: {  	[simem:s6], [sflag:s4] =	dma.local [hbm:s3], $0xF7A  }
0x26: {  	[smem:$0x3F99] =	sst s1;
	(tag) =	ssettag s2;
	_ =	strace s9  }
0x27: {  	s1 =	sld [smem:$0x3FA9]  }
0x28: {  	s2 =	sld [smem:$0x3FAA]  }
0x29: {  	s4 =	sld [smem:$0x3FAC]  }
0x2a: {  	p0 =	seq.s32 s5, $0x0;
	s5 =	sld [smem:$0x3FAD]  }
0x2b: {  	s6 =	sld [smem:$0x3FAE]  }
0x2c: {  	s7 =	sld [smem:$0x3FAF]  }
0x2d: {  	s3 =	simm.s32 $0x108;
	s8 =	sld [smem:$0x3FB0]  }
0x2e: {  	s3 =	simm.s32 @!p0 $0x1082;
	s9 =	sld [smem:$0x3FB1]  }
0x2f: {  	lr =	sadd.s32 s0, s3;
	s0 =	sld [smem:$0x3FA8]  }
0x30: {  	s3 =	sld [smem:$0x3FAB]  }
0x31: {  	[smem:$0x3FB4] =	sst s10  }
0x32: {  	s10 =	sld [smem:$0x3FB2];
	_ =	sdelay $0x3  }
0x33: {  	p0 =	seq.s32 s10, $0x1;
	s10 =	sld [smem:$0x3FB4];
	_ =	sdelay $0x3  }
0x34: {  	[smem:$0x3FB4] =	sst s10  }
0x35: {  	s10 =	sld [smem:$0x3FB3];
	_ =	sdelay $0x3  }
0x36: {  	p1 =	seq.s32 s10, $0x1;
	s10 =	sld [smem:$0x3FB4];
	_ =	sdelay $0x3  }
0x37: {  	[smem:$0x3FB4] =	sst s10  }
0x38: {  	s10 =	sld [smem:$0x3FB5]  }
0x39: {  	_ = 	snop;
	(pc) =	sbr.ind lr, $3  }
0x3a: {  	_ = 	snop  }
0x3b: {  	_ = 	snop  }
0x3c: {  	p2 =	seq.s32 s10, $0x1;
	s10 =	sld [smem:$0x3FB4]  }
0x3d: {  	_ =	shalt  }
0x3e: {  	_ =	shalt  }
0x3f: {  	_ =	shalt  }
0x40: {  	_ =	shalt  }
0x41: {  	_ =	shalt  }
0x42: {  	_ =	shalt  }
0x43: {  	_ =	shalt  }
0x44: {  	_ =	shalt  }
0x45: {  	_ =	shalt  }
0x46: {  	_ =	shalt  }
0x47: {  	_ =	shalt  }
0x48: {  	_ =	shalt  }
0x49: {  	_ =	shalt  }
0x4a: {  	_ =	shalt  }
0x4b: {  	_ =	shalt  }
0x4c: {  	_ =	shalt  }
0x4d: {  	_ =	shalt  }
0x4e: {  	_ =	shalt  }
0x4f: {  	_ =	shalt  }
0x50: {  	_ =	shalt  }
0x51: {  	_ =	shalt  }
0x52: {  	_ =	shalt  }
0x53: {  	_ =	shalt  }
0x54: {  	_ =	shalt  }
0x55: {  	_ =	shalt  }
0x56: {  	_ =	shalt  }
0x57: {  	_ =	shalt  }
0x58: {  	_ =	shalt  }
0x59: {  	_ =	shalt  }
0x5a: {  	_ =	shalt  }
0x5b: {  	_ =	shalt  }
0x5c: {  	_ =	shalt  }
0x5d: {  	_ =	shalt  }
0x5e: {  	_ =	shalt  }
0x5f: {  	_ =	shalt  }
0x60: {  	_ =	shalt  }
0x61: {  	_ =	shalt  }
0x62: {  	_ =	shalt  }
0x63: {  	_ =	shalt  }
0x64: {  	_ =	shalt  }
0x65: {  	_ =	shalt  }
0x66: {  	_ =	shalt  }
0x67: {  	_ =	shalt  }
0x68: {  	_ =	shalt  }
0x69: {  	_ =	shalt  }
0x6a: {  	_ =	shalt  }
0x6b: {  	_ =	shalt  }
0x6c: {  	_ =	shalt  }
0x6d: {  	_ =	shalt  }
0x6e: {  	_ =	shalt  }
0x6f: {  	_ =	shalt  }
0x70: {  	_ =	shalt  }
0x71: {  	_ =	shalt  }
0x72: {  	_ =	shalt  }
0x73: {  	_ =	shalt  }
0x74: {  	_ =	shalt  }
0x75: {  	_ =	shalt  }
0x76: {  	_ =	shalt  }
0x77: {  	_ =	shalt  }
0x78: {  	_ =	shalt  }
0x79: {  	_ =	shalt  }
0x7a: {  	_ =	shalt  }
0x7b: {  	_ =	shalt  }
0x7c: {  	_ =	shalt  }
0x7d: {  	_ =	shalt  }
0x7e: {  	_ =	shalt  }
0x7f: {  	_ =	shalt  }
0x80: {  	_ =	shalt  }
0x81: {  	_ =	shalt  }
0x82: {  	_ =	shalt  }
0x83: {  	_ =	shalt  }
0x84: {  	_ =	shalt  }
0x85: {  	_ =	shalt  }
0x86: {  	_ =	shalt  }
0x87: {  	_ =	shalt  }
.Lfunc_end0:
.L_simem_size_0:
called_computation_lowered:
.L_overlay_start_0:
0x88: {  	s2 =	sld [smem:$0x3FD9]  }
0x89: {  	s3 =	sld [smem:$0x3FFE];
	_ =	sdelay $0x1  }
0x8a: {  	s1 =	srdreg.scid  }
0x8b: {  	s0 =	sand.u32 $0x1, s1  }
0x8c: {  	s17 =	sshll.u32 s0, $0xA;
	s2 =	sadd.s32 s3, s2  }
0x8d: {  	s2 =	sadd.s32 s2, s17  }
0x8e: {  	[smem:$0x3FC0] =	sst s2  }
0x8f: {  	_ = 	snop  }
0x90: {  	s2 =	sld [smem:$0x3FD0];
	(tm) =	ssettm $0x1  }
0x91: {  	s18 =	sld [smem:$0x3FFB];
	_ =	sdelay $0x3  }
0x92: {  	_ =	strace s18  }
0x93: {  	s3 =	sld [smem:$0x3FFC];
	_ =	sdelay $0x3  }
0x94: {  	_ =	strace s3  }
0x95: {  	s3 =	sld [smem:$0x3FFD];
	_ =	sdelay $0x3  }
0x96: {  	_ =	strace s3  }
0x97: {  	_ =	strace $0x8FFFFFFF  }
0x98: {  	s19 =	sld [smem:$0x3FDB];
	_ =	sdelay $0x1  }
0x99: {  	s4 =	simm.s32 $_scs_section_size  }
0x9a: {  	s5 =	simm.s32 $_size__tile_overlayer_lowered;
	s6 =	simm.s32 $_tile_overlayer_lowered  }
0x9b: {  	s22 =	simm.s32 $0x1BFF;
	s21 =	sshll.u32 s6, $0x1;
	s3 =	sadd.s32 s4, s19  }
0x9c: {  	s7 =	simm.s32 $0x0;
	s20 =	sshll.u32 s5, $0x1;
	s5 =	sadd.s32 s21, s3  }
0x9d: {  	[timem:s7], [sflag:s22] =	dma.local [hbm:s5], s20  }
0x9e: {  	_ =	swait.ge [sflag:s22], s20  }
0x9f: {  	s4 =	ssub.s32 $0x0, s20;
	[sflag:s22] =	ssyncset.done $0x0  }
0xa0: {  	[sflag:s22] =	ssyncadd.s32 s4;
	_ =	sdelay $0x1  }
0xa1: {  	s23 =	simm.s32 $0x1B8B  }
0xa2: {  	_ =	swait.ge [sflag:s23], $0x1  }
0xa3: {  	[sflag:s23] =	ssyncset.done $0x0  }
0xa4: {  	s25 =	simm.s32 $0x1B8E;
	s24 =	sld [smem:$0x3FFE];
	[sflag:s23] =	ssyncadd.s32 $0xFFFFFFFF  }
0xa5: {  	s26 =	simm.s32 $execute0_lowered;
	[smem:$0x3FD2] =	sst s25  }
0xa6: {  	s5 =	sshll.u32 s26, $0x1;
	_ =	strace $0x80000046;
	[dreg:$0x1] =	wrdreg $0xFFFFFFFF  }
0xa7: {  	s28 =	simm.s32 $_size_execute0_lowered;
	s3 =	sadd.s32 s3, s5;
	[dreg:$0x0] =	wrdreg $0x0  }
0xa8: {  	s5 =	sshll.u32 s28, $0x1;
	[dreg:$0x2] =	wrdreg s3  }
0xa9: {  	[dreg:$0x3] =	wrdreg s5  }
0xaa: {  	[dreg:$0x4] =	wrdreg $0xC0  }
0xab: {  	_ =	task [dreg:s7], $0x5FFFF  }
0xac: {  	[dreg:$0x1] =	wrdreg $0xFFFFFFFF  }
0xad: {  	[dreg:$0x0] =	wrdreg $0x60  }
0xae: {  	[dreg:$0x2] =	wrdreg s24  }
0xaf: {  	[dreg:$0x3] =	wrdreg s2  }
0xb0: {  	[dreg:$0x4] =	wrdreg $0x9  }
0xb1: {  	_ =	task.clear_ibuf [dreg:s7], $0x5FFFF;
	_ =	strace $0x90000046  }
0xb2: {  	s29 =	simm.s32 $0x9;
	_ =	strace $0x80000048  }
0xb3: {  	_ =	swait.ge [sflag:s29], $0x1  }
0xb4: {  	[sflag:s29] =	ssyncadd.s32 $0xFFFFFFFF  }
0xb5: {  	_ =	strace $0x90000048  }
0xb6: {  	_ =	sfence  }
0xb7: {  	s30 =	sld [smem:$0x0];
	_ =	sdelay $0x2  }
0xb8: {  	s31 =	sshll.u32 s1, $0xD;
	s1 =	sshrl.u32 s1, $0x2  }
0xb9: {  	s3 =	sand.u32 $0x4000, s31;
	s1 =	sadd.s32 s1, s30  }
0xba: {  	s0 =	sor.u32 s3, s0;
	s1 =	sshll.u32 s1, $0x11  }
0xbb: {  	s0 =	sor.u32 s1, s0  }
0xbc: {  	s0 =	sadd.s32 $0x8F2B, s0  }
0xbd: {  	[sflag:s0] =	ssyncadd.remote.s32 $0x1  }
0xbe: {  	_ =	sfence.sel $0xFFFF  }
0xbf: {  	[dreg:$0x0] =	wrdreg $0xFFFFFFFF;
	(pc) =	sbr.abs _section_cstart, $3  }
0xc0: {  	[dreg:$0x1] =	wrdreg $0xFFFFFFFF  }
0xc1: {  	_ =	task.clear_ibuf [dreg:s7], $0x2FFFF;
	_ =	strace $0x9FFFFFFF  }
0xc2: {  	(tm) =	ssettm $0x7FFFFFFF  }
0xc3: {  	_ =	shalt  }
tec
execute0_lowered:
.L_overlay_start_1:
0x0: {  	(tag) =	ssettag $0x1  }
0x1: {  	s0 =	rddreg [dreg:$0x0]  }
0x2: {  	s1 =	rddreg [dreg:$0x1]  }
0x3: {  	s3 =	srdreg.scid;
	s2 =	simm.s32 $0x0;
	s12 =	stileid.u32  }
0x4: {  	s30 =	simm.s32 $0x7;
	s31 =	simm.s32 $0x6;
	s5 =	sand.u32 $0x1, s3  }
0x5: {  	[smem:$0x7FF] =	sst s2;
	s4 =	sadd.s32 $0x2A00, s0;
	s11 =	sshll.u32 s12, $0x7  }
0x6: {  	s3 =	sshll.u32 s5, $0x4;
	s19 =	ssub.s32 $0x2, s5;
	s5 =	smul.u32 $0x500, s5  }
0x7: {  	_ =	strace $0x80000047;
	s3 =	sor.u32 s12, s3;
	s12 =	smul.u32 $0x50, s12  }
0x8: {  	s11 =	sand.u32 $0x380, s11;
	s7 =	sshrl.u32 s19, $0x1;
	s6 =	smul.u32 $0x50, s3  }
0x9: {  	s8 =	smul.u32 $0xA, s3;
	s9 =	sshrl.u32 s3, $0x3;
	s0 =	ssub.s32 s19, s7  }
0xa: {  	s10 =	smul.u32 $0x14000, s9;
	s5 =	sadd.s32 s12, s5;
	s6 =	sshrl.u32 s6, $0x3  }
0xb: {  	s20 =	sadd.s32 s4, s8;
	s23 =	sadd.s32 $0x3200, s5;
	s12 =	sadd.s32 $0x6400, s5  }
0xc: {  	s25 =	sadd.s32 $0x5A00, s5;
	s26 =	sor.u32 $0x5000, s5;
	s5 =	sadd.s32 $0x4600, s5  }
0xd: {  	[dreg:$0x3] =	wrdreg s20;
	s21 =	sadd.s32 s4, s6;
	s10 =	sor.u32 s11, s10  }
0xe: {  	s24 =	sshrl.u32 s23, $0x3;
	s12 =	sshrl.u32 s12, $0x3;
	s11 =	smax.u32 s0, $0x1  }
0xf: {  	s0 =	sshrl.u32 s25, $0x3;
	s5 =	sshrl.u32 s5, $0x3;
	s20 =	simm.s32 $0x14180  }
0x10: {  	s23 =	simm.s32 $0x2;
	s25 =	simm.s32 $0x4;
	s6 =	sadd.s32 $0x140, s21  }
0x11: {  	s22 =	sadd.s32 $0x280, s21;
	s8 =	sadd.s32 $0x3C0, s21;
	s9 =	sadd.s32 $0x500, s21  }
0x12: {  	s10 =	sshrl.u32 s10, $0x3;
	s29 =	sadd.s32 s24, s4;
	s28 =	sadd.s32 s12, s4  }
0x13: {  	s19 =	sadd.s32 s0, s4;
	s17 =	sadd.s32 s5, s4;
	s21 =	simm.s32 $0x14200  }
0x14: {  	v1 =	vlaneseq.u32;
	s24 =	simm.s32 $0x3;
	s0 =	simm.s32 $0x0;
	[dreg:$0x4] =	wrdreg s6  }
0x15: {  	v0 =	vimm.f32 $0.0e+00;
	v1 =	vand.u32 $0x7, v1;
	[dreg:$0x5] =	wrdreg s22;
	s10 =	sadd.s32 s1, s10;
	s1 =	sshrl.u32 s26, $0x3  }
0x16: {  	v2 =	vimm.f32 $1.000000000e+00;
	vm0 =	vcmask $0x3F20;
	v1 =	vmul.u32 $0x2800, v1;
	s22 =	simm.s32 $0x1;
	s26 =	simm.s32 $0x5;
	s18 =	sadd.s32 s1, s4  }
.LBB2_1:
0x17: {  	s1 =	simm.s32 $0x40;
	s5 =	simm.s32 $0x0  }
.LBB2_2:
0x18: {  	p0 =	sne.s32 s1, $0x4FFC0;
	[tilespmem:s5+$0x0] =	vst v0;
	s5 =	smov.u32 s1;
	s1 =	sadd.s32 $0x40, s1  }
.Ltmp0:
0x19: {  	(pc) =	sbr.rel @p0 .LBB2_2-.Ltmp0, $2  }
0x1a: {  	_ =	sdelay $0x2  }
0x1b: {  	s5 =	sshra.s32 s5, $0x2  }
0x1c: {  	[tilespmem:s5+$0x0] =	vst v0;
	s1 =	rddreg [dreg:$0x3];
	s12 =	simm.s32 $0x14000  }
0x1d: {  	[tilespmem:s12], [sflag:$0x1] =	stream.linear.gather [hbm4b:s1+s2], $0x50, $0x38;
	[tilespmem:$0x14400] =	vst v63  }
0x1e: {  	s13 =	rddreg [dreg:$0x4];
	s14 =	simm.s32 $0x14080  }
0x1f: {  	[tilespmem:s14], [sflag:$0x2] =	stream.linear.gather [hbm4b:s13+s2], $0x50, $0x38;
	[tilespmem:$0x14400] =	vst v63  }
0x20: {  	s15 =	rddreg [dreg:$0x5];
	s16 =	simm.s32 $0x14100  }
0x21: {  	[tilespmem:s16], [sflag:$0x3] =	stream.linear.gather [hbm4b:s15+s2], $0x50, $0x38;
	[tilespmem:$0x14400] =	vst v63  }
0x22: {  	s1 =	simm.s32 $0x20;
	s12 =	smov.u32 s29;
	s14 =	smov.u32 s19  }
0x23: {  	[tilespmem:s20], [sflag:$0x4] =	stream.linear.gather [hbm4b:s8+s2], $0x50, $0x38;
	[tilespmem:$0x14400] =	vst v63  }
0x24: {  	s13 =	smov.u32 s28;
	s16 =	smov.u32 s17;
	s15 =	smov.u32 s18  }
0x25: {  	[tilespmem:s21], [sflag:$0x5] =	stream.linear.gather [hbm4b:s9+s2], $0x50, $0x38;
	[tilespmem:$0x14400] =	vst v63  }
.LBB2_4:
0x26: {  	_ =	swait.ge [sflag:s22], $0x50  }
0x27: {  	[sflag:s22] =	ssyncset.done $0x0  }
0x28: {  	[sflag:s22] =	ssyncadd.s32 $0xFFFFFFB0  }
0x29: {  	v3 =	vld [tilespmem:$0x14000];
	_ =	sdelay $0x4  }
0x2a: {  	v3 =	vadd.s32 v1, v3;
	_ =	sdelay $0x4  }
0x2b: {  	[tilespmem:v3+s2+$0x0] =	vst.idx.add.f32.msk $0xff, v2  }
0x2c: {  	[tilespmem:v3+s2+$0x0] =	vst.idx.add.f32.msk vm0, v2  }
0x2d: {  	v3 =	vld [tilespmem:$0x14010];
	_ =	sdelay $0x4  }
0x2e: {  	v3 =	vadd.s32 v1, v3;
	_ =	sdelay $0x4  }
0x2f: {  	[tilespmem:v3+s2+$0x0] =	vst.idx.add.f32.msk $0xff, v2  }
0x30: {  	[tilespmem:v3+s2+$0x0] =	vst.idx.add.f32.msk vm0, v2  }
0x31: {  	v3 =	vld [tilespmem:$0x14020];
	_ =	sdelay $0x4  }
0x32: {  	v3 =	vadd.s32 v1, v3;
	_ =	sdelay $0x4  }
0x33: {  	[tilespmem:v3+s2+$0x0] =	vst.idx.add.f32.msk $0xff, v2  }
0x34: {  	[tilespmem:v3+s2+$0x0] =	vst.idx.add.f32.msk vm0, v2  }
0x35: {  	v3 =	vld [tilespmem:$0x14030];
	_ =	sdelay $0x4  }
0x36: {  	v3 =	vadd.s32 v1, v3;
	_ =	sdelay $0x4  }
0x37: {  	[tilespmem:v3+s2+$0x0] =	vst.idx.add.f32.msk $0xff, v2  }
0x38: {  	[tilespmem:v3+s2+$0x0] =	vst.idx.add.f32.msk vm0, v2  }
0x39: {  	v3 =	vld [tilespmem:$0x14040];
	_ =	sdelay $0x4  }
0x3a: {  	v3 =	vadd.s32 v1, v3;
	_ =	sdelay $0x4  }
0x3b: {  	p0 =	seq.s32 s1, $0xF20;
	[tilespmem:v3+s2+$0x0] =	vst.idx.add.f32.msk $0xff, v2  }
0x3c: {  	s5 =	simm.s32 @!p0 $0x0;
	s6 =	simm.s32 @!p0 $0x14280;
	[tilespmem:v3+s2+$0x0] =	vst.idx.add.f32.msk vm0, v2  }
0x3d: {  	[tilespmem:s6], [sflag:$0x6] =	stream.linear.gather @!p0 [hbm4b:s12+s5], $0x50, $0x38;
	[tilespmem:$0x14400] =	vst v63  }
0x3e: {  	_ =	swait.ge [sflag:s23], $0x50  }
0x3f: {  	[sflag:s23] =	ssyncset.done $0x0  }
0x40: {  	[sflag:s23] =	ssyncadd.s32 $0xFFFFFFB0  }
0x41: {  	v3 =	vld [tilespmem:$0x14080];
	_ =	sdelay $0x4  }
0x42: {  	v3 =	vadd.s32 v1, v3;
	_ =	sdelay $0x4  }
0x43: {  	[tilespmem:v3+s2+$0x0] =	vst.idx.add.f32.msk $0xff, v2  }
0x44: {  	[tilespmem:v3+s2+$0x0] =	vst.idx.add.f32.msk vm0, v2  }
0x45: {  	v3 =	vld [tilespmem:$0x14090];
	_ =	sdelay $0x4  }
0x46: {  	v3 =	vadd.s32 v1, v3;
	_ =	sdelay $0x4  }
0x47: {  	[tilespmem:v3+s2+$0x0] =	vst.idx.add.f32.msk $0xff, v2  }
0x48: {  	[tilespmem:v3+s2+$0x0] =	vst.idx.add.f32.msk vm0, v2  }
0x49: {  	v3 =	vld [tilespmem:$0x140A0];
	_ =	sdelay $0x4  }
0x4a: {  	v3 =	vadd.s32 v1, v3;
	_ =	sdelay $0x4  }
0x4b: {  	[tilespmem:v3+s2+$0x0] =	vst.idx.add.f32.msk $0xff, v2  }
0x4c: {  	[tilespmem:v3+s2+$0x0] =	vst.idx.add.f32.msk vm0, v2  }
0x4d: {  	v3 =	vld [tilespmem:$0x140B0];
	_ =	sdelay $0x4  }
0x4e: {  	v3 =	vadd.s32 v1, v3;
	_ =	sdelay $0x4  }
0x4f: {  	[tilespmem:v3+s2+$0x0] =	vst.idx.add.f32.msk $0xff, v2  }
0x50: {  	[tilespmem:v3+s2+$0x0] =	vst.idx.add.f32.msk vm0, v2  }
0x51: {  	v3 =	vld [tilespmem:$0x140C0];
	_ =	sdelay $0x3  }
0x52: {  	s6 =	smov.u32 s1  }
0x53: {  	s6 =	simm.s32 @p0 $0xF20;
	v3 =	vadd.s32 v1, v3  }
0x54: {  	s6 =	sadd.s32 @!p0 s3, s6  }
0x55: {  	s6 =	smul.u32 @!p0 $0x50, s6;
	_ =	sdelay $0x1  }
0x56: {  	s6 =	sshrl.u32 @!p0 s6, $0x3  }
0x57: {  	s6 =	sadd.s32 @!p0 s4, s6;
	[tilespmem:v3+s2+$0x0] =	vst.idx.add.f32.msk $0xff, v2  }
0x58: {  	s7 =	simm.s32 @!p0 $0x14000;
	s6 =	sadd.s32 @!p0 $0x640, s6;
	[tilespmem:v3+s2+$0x0] =	vst.idx.add.f32.msk vm0, v2  }
0x59: {  	[tilespmem:s7], [sflag:$0x1] =	stream.linear.gather @!p0 [hbm4b:s6+s5], $0x50, $0x38;
	[tilespmem:$0x14400] =	vst v63  }
0x5a: {  	_ =	swait.ge [sflag:s24], $0x50  }
0x5b: {  	[sflag:s24] =	ssyncset.done $0x0  }
0x5c: {  	[sflag:s24] =	ssyncadd.s32 $0xFFFFFFB0  }
0x5d: {  	v3 =	vld [tilespmem:$0x14100];
	_ =	sdelay $0x4  }
0x5e: {  	v3 =	vadd.s32 v1, v3;
	_ =	sdelay $0x4  }
0x5f: {  	[tilespmem:v3+s2+$0x0] =	vst.idx.add.f32.msk $0xff, v2  }
0x60: {  	[tilespmem:v3+s2+$0x0] =	vst.idx.add.f32.msk vm0, v2  }
0x61: {  	v3 =	vld [tilespmem:$0x14110];
	_ =	sdelay $0x4  }
0x62: {  	v3 =	vadd.s32 v1, v3;
	_ =	sdelay $0x4  }
0x63: {  	[tilespmem:v3+s2+$0x0] =	vst.idx.add.f32.msk $0xff, v2  }
0x64: {  	[tilespmem:v3+s2+$0x0] =	vst.idx.add.f32.msk vm0, v2  }
0x65: {  	v3 =	vld [tilespmem:$0x14120];
	_ =	sdelay $0x4  }
0x66: {  	v3 =	vadd.s32 v1, v3;
	_ =	sdelay $0x4  }
0x67: {  	[tilespmem:v3+s2+$0x0] =	vst.idx.add.f32.msk $0xff, v2  }
0x68: {  	[tilespmem:v3+s2+$0x0] =	vst.idx.add.f32.msk vm0, v2  }
0x69: {  	v3 =	vld [tilespmem:$0x14130];
	_ =	sdelay $0x4  }
0x6a: {  	v3 =	vadd.s32 v1, v3;
	_ =	sdelay $0x4  }
0x6b: {  	[tilespmem:v3+s2+$0x0] =	vst.idx.add.f32.msk $0xff, v2  }
0x6c: {  	[tilespmem:v3+s2+$0x0] =	vst.idx.add.f32.msk vm0, v2  }
0x6d: {  	v3 =	vld [tilespmem:$0x14140];
	_ =	sdelay $0x4  }
0x6e: {  	v3 =	vadd.s32 v1, v3;
	_ =	sdelay $0x4  }
0x6f: {  	[tilespmem:v3+s2+$0x0] =	vst.idx.add.f32.msk $0xff, v2  }
0x70: {  	s6 =	simm.s32 @!p0 $0x14080;
	[tilespmem:v3+s2+$0x0] =	vst.idx.add.f32.msk vm0, v2  }
0x71: {  	[tilespmem:s6], [sflag:$0x2] =	stream.linear.gather @!p0 [hbm4b:s16+s5], $0x50, $0x38;
	[tilespmem:$0x14400] =	vst v63  }
0x72: {  	_ =	swait.ge [sflag:s25], $0x50  }
0x73: {  	[sflag:s25] =	ssyncset.done $0x0  }
0x74: {  	[sflag:s25] =	ssyncadd.s32 $0xFFFFFFB0  }
0x75: {  	v3 =	vld [tilespmem:$0x14180];
	_ =	sdelay $0x4  }
0x76: {  	v3 =	vadd.s32 v1, v3;
	_ =	sdelay $0x4  }
0x77: {  	[tilespmem:v3+s2+$0x0] =	vst.idx.add.f32.msk $0xff, v2  }
0x78: {  	[tilespmem:v3+s2+$0x0] =	vst.idx.add.f32.msk vm0, v2  }
0x79: {  	v3 =	vld [tilespmem:$0x14190];
	_ =	sdelay $0x4  }
0x7a: {  	v3 =	vadd.s32 v1, v3;
	_ =	sdelay $0x4  }
0x7b: {  	[tilespmem:v3+s2+$0x0] =	vst.idx.add.f32.msk $0xff, v2  }
0x7c: {  	[tilespmem:v3+s2+$0x0] =	vst.idx.add.f32.msk vm0, v2  }
0x7d: {  	v3 =	vld [tilespmem:$0x141A0];
	_ =	sdelay $0x4  }
0x7e: {  	v3 =	vadd.s32 v1, v3;
	_ =	sdelay $0x4  }
0x7f: {  	[tilespmem:v3+s2+$0x0] =	vst.idx.add.f32.msk $0xff, v2  }
0x80: {  	[tilespmem:v3+s2+$0x0] =	vst.idx.add.f32.msk vm0, v2  }
0x81: {  	v3 =	vld [tilespmem:$0x141B0];
	_ =	sdelay $0x4  }
0x82: {  	v3 =	vadd.s32 v1, v3;
	_ =	sdelay $0x4  }
0x83: {  	[tilespmem:v3+s2+$0x0] =	vst.idx.add.f32.msk $0xff, v2  }
0x84: {  	[tilespmem:v3+s2+$0x0] =	vst.idx.add.f32.msk vm0, v2  }
0x85: {  	v3 =	vld [tilespmem:$0x141C0];
	_ =	sdelay $0x4  }
0x86: {  	v3 =	vadd.s32 v1, v3;
	_ =	sdelay $0x4  }
0x87: {  	[tilespmem:v3+s2+$0x0] =	vst.idx.add.f32.msk $0xff, v2  }
0x88: {  	s6 =	simm.s32 @!p0 $0x14100;
	[tilespmem:v3+s2+$0x0] =	vst.idx.add.f32.msk vm0, v2  }
0x89: {  	[tilespmem:s6], [sflag:$0x3] =	stream.linear.gather @!p0 [hbm4b:s15+s5], $0x50, $0x38;
	[tilespmem:$0x14400] =	vst v63  }
0x8a: {  	_ =	swait.ge [sflag:s26], $0x50  }
0x8b: {  	[sflag:s26] =	ssyncset.done $0x0  }
0x8c: {  	[sflag:s26] =	ssyncadd.s32 $0xFFFFFFB0  }
0x8d: {  	v3 =	vld [tilespmem:$0x14200];
	_ =	sdelay $0x4  }
0x8e: {  	v3 =	vadd.s32 v1, v3;
	_ =	sdelay $0x3  }
0x8f: {  	s5 =	simm.s32 $0x0  }
0x90: {  	[tilespmem:v3+s5+$0x0] =	vst.idx.add.f32.msk $0xff, v2  }
0x91: {  	[tilespmem:v3+s5+$0x0] =	vst.idx.add.f32.msk vm0, v2  }
0x92: {  	v3 =	vld [tilespmem:$0x14210];
	_ =	sdelay $0x4  }
0x93: {  	v3 =	vadd.s32 v1, v3;
	_ =	sdelay $0x4  }
0x94: {  	[tilespmem:v3+s5+$0x0] =	vst.idx.add.f32.msk $0xff, v2  }
0x95: {  	[tilespmem:v3+s5+$0x0] =	vst.idx.add.f32.msk vm0, v2  }
0x96: {  	v3 =	vld [tilespmem:$0x14220];
	_ =	sdelay $0x4  }
0x97: {  	v3 =	vadd.s32 v1, v3;
	_ =	sdelay $0x4  }
0x98: {  	[tilespmem:v3+s5+$0x0] =	vst.idx.add.f32.msk $0xff, v2  }
0x99: {  	[tilespmem:v3+s5+$0x0] =	vst.idx.add.f32.msk vm0, v2  }
0x9a: {  	v3 =	vld [tilespmem:$0x14230];
	_ =	sdelay $0x4  }
0x9b: {  	v3 =	vadd.s32 v1, v3;
	_ =	sdelay $0x4  }
0x9c: {  	[tilespmem:v3+s5+$0x0] =	vst.idx.add.f32.msk $0xff, v2  }
0x9d: {  	[tilespmem:v3+s5+$0x0] =	vst.idx.add.f32.msk vm0, v2  }
0x9e: {  	v3 =	vld [tilespmem:$0x14240];
	_ =	sdelay $0x4  }
0x9f: {  	v3 =	vadd.s32 v1, v3;
	_ =	sdelay $0x1  }
.Ltmp1:
0xa0: {  	_ = 	snop;
	(pc) =	sbr.rel @p0 .LBB2_6-.Ltmp1, $3  }
0xa1: {  	_ =	sdelay $0x1  }
0xa2: {  	[tilespmem:v3+s5+$0x0] =	vst.idx.add.f32.msk $0xff, v2  }
0xa3: {  	[tilespmem:v3+s5+$0x0] =	vst.idx.add.f32.msk vm0, v2  }
0xa4: {  	[tilespmem:s20], [sflag:$0x4] =	stream.linear.gather [hbm4b:s14+s2], $0x50, $0x38;
	[tilespmem:$0x14400] =	vst v63  }
0xa5: {  	_ =	swait.ge [sflag:s31], $0x50  }
0xa6: {  	[sflag:s31] =	ssyncset.done $0x0  }
0xa7: {  	[sflag:s31] =	ssyncadd.s32 $0xFFFFFFB0  }
0xa8: {  	v3 =	vld [tilespmem:$0x14280];
	_ =	sdelay $0x4  }
0xa9: {  	v3 =	vadd.s32 v1, v3;
	_ =	sdelay $0x4  }
0xaa: {  	[tilespmem:v3+s2+$0x0] =	vst.idx.add.f32.msk $0xff, v2  }
0xab: {  	[tilespmem:v3+s2+$0x0] =	vst.idx.add.f32.msk vm0, v2  }
0xac: {  	v3 =	vld [tilespmem:$0x14290];
	_ =	sdelay $0x4  }
0xad: {  	v3 =	vadd.s32 v1, v3;
	_ =	sdelay $0x4  }
0xae: {  	[tilespmem:v3+s2+$0x0] =	vst.idx.add.f32.msk $0xff, v2  }
0xaf: {  	[tilespmem:v3+s2+$0x0] =	vst.idx.add.f32.msk vm0, v2  }
0xb0: {  	v3 =	vld [tilespmem:$0x142A0];
	_ =	sdelay $0x4  }
0xb1: {  	v3 =	vadd.s32 v1, v3;
	_ =	sdelay $0x4  }
0xb2: {  	[tilespmem:v3+s2+$0x0] =	vst.idx.add.f32.msk $0xff, v2  }
0xb3: {  	[tilespmem:v3+s2+$0x0] =	vst.idx.add.f32.msk vm0, v2  }
0xb4: {  	v3 =	vld [tilespmem:$0x142B0];
	_ =	sdelay $0x4  }
0xb5: {  	v3 =	vadd.s32 v1, v3;
	_ =	sdelay $0x4  }
0xb6: {  	[tilespmem:v3+s2+$0x0] =	vst.idx.add.f32.msk $0xff, v2  }
0xb7: {  	[tilespmem:v3+s2+$0x0] =	vst.idx.add.f32.msk vm0, v2  }
0xb8: {  	v3 =	vld [tilespmem:$0x142C0];
	_ =	sdelay $0x4  }
0xb9: {  	v3 =	vadd.s32 v1, v3;
	_ =	sdelay $0x3  }
.Ltmp2:
0xba: {  	_ = 	snop;
	(pc) =	sbr.rel .LBB2_4-.Ltmp2, $4  }
0xbb: {  	[tilespmem:v3+s2+$0x0] =	vst.idx.add.f32.msk $0xff, v2  }
0xbc: {  	s12 =	sadd.s32 $0x780, s12;
	s14 =	sadd.s32 $0x780, s14;
	s15 =	sadd.s32 $0x780, s15;
	[tilespmem:v3+s2+$0x0] =	vst.idx.add.f32.msk vm0, v2  }
0xbd: {  	[tilespmem:s21], [sflag:$0x5] =	stream.linear.gather [hbm4b:s13+s2], $0x50, $0x38;
	[tilespmem:$0x14400] =	vst v63  }
0xbe: {  	s16 =	sadd.s32 $0x780, s16;
	s1 =	sadd.s32 $0xC0, s1;
	s13 =	sadd.s32 $0x780, s13  }
.LBB2_6:
0xbf: {  	s1 =	sand.u32 $0x3FF0, s5  }
0xc0: {  	s12 =	sadd.s32 $0x10, s5;
	v3 =	vld [tilespmem:s1+$0x2800]  }
.LBB2_7:
0xc1: {  	p0 =	sne.s32 s12, $0x27F0;
	v4 =	vld [tilespmem:s5+$0x0];
	_ =	sdelay $0x1  }
0xc2: {  	v5 =	vld [tilespmem:s1+$0x5000];
	_ =	sdelay $0x1  }
0xc3: {  	v6 =	vld [tilespmem:s1+$0x7800]  }
0xc4: {  	v3 =	vadd.f32 v3, v4  }
0xc5: {  	v4 =	vld [tilespmem:s1+$0xA000]  }
0xc6: {  	v3 =	vadd.f32 v5, v3  }
0xc7: {  	v5 =	vld [tilespmem:s1+$0xC800]  }
0xc8: {  	v3 =	vadd.f32 v6, v3  }
0xc9: {  	v6 =	vld [tilespmem:s1+$0xF000]  }
0xca: {  	v3 =	vadd.f32 v4, v3  }
0xcb: {  	v4 =	vld [tilespmem:s1+$0x11800]  }
0xcc: {  	v3 =	vadd.f32 v5, v3;
	_ =	sdelay $0x1  }
0xcd: {  	v3 =	vadd.f32 v6, v3  }
.Ltmp3:
0xce: {  	(pc) =	sbr.rel @p0 .LBB2_7-.Ltmp3, $3  }
0xcf: {  	v3 =	vadd.f32 v4, v3;
	_ =	sdelay $0x1  }
0xd0: {  	s1 =	sand.u32 $0x3FF0, s12;
	[tilespmem:s5+$0x0] =	vst v3  }
0xd1: {  	s12 =	sadd.s32 $0x10, s12;
	s5 =	sadd.s32 $0x10, s5;
	v3 =	vld [tilespmem:s1+$0x2800]  }
0xd2: {  	v4 =	vld [tilespmem:s5+$0x0];
	_ =	sdelay $0x1  }
0xd3: {  	v5 =	vld [tilespmem:s1+$0x5000];
	_ =	sdelay $0x1  }
0xd4: {  	v6 =	vld [tilespmem:s1+$0x7800]  }
0xd5: {  	v3 =	vadd.f32 v3, v4  }
0xd6: {  	v60 =	vld [tilespmem:s1+$0xA000]  }
0xd7: {  	v3 =	vadd.f32 v5, v3  }
0xd8: {  	v61 =	vld [tilespmem:s1+$0xC800]  }
0xd9: {  	v3 =	vadd.f32 v6, v3  }
0xda: {  	v62 =	vld [tilespmem:s1+$0xF000]  }
0xdb: {  	v3 =	vadd.f32 v60, v3  }
0xdc: {  	v63 =	vld [tilespmem:s1+$0x11800]  }
0xdd: {  	v3 =	vadd.f32 v61, v3;
	_ =	sdelay $0x1  }
0xde: {  	v3 =	vadd.f32 v62, v3;
	_ =	sdelay $0x1  }
0xdf: {  	s0 =	sadd.s32 $0x1, s0;
	v3 =	vadd.f32 v63, v3  }
0xe0: {  	p0 =	sne.s32 s0, s11  }
.Ltmp4:
0xe1: {  	s15 =	simm.s32 $0x80;
	s16 =	simm.s32 $0x400;
	[tilespmem:s5+$0x0] =	vst v3;
	(pc) =	sbr.rel @p0 .LBB2_1-.Ltmp4, $4  }
0xe2: {  	[hbm4b:s10+s15] =	stream.strided.scatter [tilespmem:s2], [sflag:$0x7], $0x2800, s16, s15, $0x38;
	[tilespmem:$0x14400] =	vst v63  }
0xe3: {  	_ =	swait.ge [sflag:s30], $0x2800  }
0xe4: {  	[sflag:s30] =	ssyncset.done $0x0  }
0xe5: {  	[sflag:s30] =	ssyncadd.s32 $0xFFFFD800  }
0xe6: {  	_ =	sfence.sel $0x180000  }
0xe7: {  	[bflag:$0x0] =	sbarrier.arrive $0xFFFF  }
0xe8: {  	_ =	strace $0x90000047  }
0xe9: {  	s0 =	stileid.u32;
	[bflag:$0x2] =	sbarrier.arrive $0xFFFF  }
0xea: {  	p0 =	sne.s32 s0, $0x0;
	s0 =	rddreg [dreg:$0x2]  }
0xeb: {  	s0 =	sadd.s32 @!p0 $0x100000, s0  }
0xec: {  	[sflag:s0] =	ssyncadd.tile.s32 @!p0 $0x1;
	_ =	shalt  }
.Lfunc_end2:
_tile_overlayer_lowered:
.L_overlay_start_2:
0xed: {  	(tag) =	ssettag $0x2  }
0xee: {  	s0 =	rddreg [dreg:$0x0];
	s2 =	stileid.u32  }
0xef: {  	s1 =	rddreg [dreg:$0x1];
	p0 =	sne.s32 s2, $0x0  }
0xf0: {  	s3 =	rddreg [dreg:$0x2];
	[bflag:$0x3] =	sbarrier.arrive $0xFFFF;
	s2 =	simm.s32 @!p0 $0x1C07  }
0xf1: {  	[timem:s3], [sflag:s2] =	dma.local @!p0 [hbm:s0], s1  }
0xf2: {  	s0 =	simm.s32 @!p0 $0x7  }
0xf3: {  	_ =	swait.ge @!p0 [sflag:s0], s1  }
0xf4: {  	s1 =	ssub.s32 @!p0 $0x0, s1;
	[sflag:s0] =	ssyncset.done @!p0 $0x0  }
0xf5: {  	[sflag:s0] =	ssyncadd.s32 @!p0 s1  }
0xf6: {  	[bflag:$0x3] =	sbarrier.arrive $0xFFFF  }
0xf7: {  	_ =	shalt  }

</sc_bundles>
